<compile_context>
chip_gen: v7x
topology: tpu7x:2x2x1
jax: 0.10.2.dev20260603
libtpu: 0.0.44.dev20260713+nightly
codegen_flags: <defaults>
</compile_context>

<pallas_src>
import functools

import jax
import jax.numpy as jnp
from jax import lax
from jax.experimental import pallas as pl
from jax.experimental.pallas import tpu as pltpu
from jax.experimental.pallas import tpu_sc as plsc

_N = 1000000
_CLS = 20
_NC = 2
_NS = 16
_NW = _NC * _NS
_ROWS_W = _N // _NW
_ROWS_W_PAD = ((_ROWS_W + 15) // 16) * 16
_P1_CHUNK = 2048
_L = 16
_GB = 128
_TCB = 32768

_SC_PARAMS = pltpu.CompilerParams(
    needs_layout_passes=False, use_tc_tiling_on_sc=False)


@functools.cache
def _mesh():
    return plsc.VectorSubcoreMesh(
        core_axis_name="c", subcore_axis_name="s",
        num_cores=_NC, num_subcores=_NS,
    )


def _wid():
    return lax.axis_index("c") * _NS + lax.axis_index("s")


def _any_lane(m):
    return plsc.all_reduce_population_count(m)[0] > 0


def _prep_body(p_ref, cls_ref, upd_ref):
    x = p_ref[...]
    ci = lax.broadcasted_iota(jnp.int32, x.shape, 0).astype(jnp.float32)
    cls_ref[...] = jnp.sum(x * ci, axis=0)
    upd_ref[...] = jnp.full(upd_ref.shape, -1.0, jnp.float32)


def _tc_prep(primT):
    nblk = (_N + _TCB - 1) // _TCB
    return pl.pallas_call(
        _prep_body,
        grid=(nblk,),
        in_specs=[pl.BlockSpec((_CLS, _TCB), lambda i: (0, i))],
        out_specs=[
            pl.BlockSpec((_TCB,), lambda i: (i,)),
            pl.BlockSpec((_TCB,), lambda i: (i,)),
        ],
        out_shape=[
            jax.ShapeDtypeStruct((_N,), jnp.float32),
            jax.ShapeDtypeStruct((_N,), jnp.float32),
        ],
    )(primT)


def _apply_body(p_ref, u_ref, out_ref):
    x = p_ref[...]
    u = u_ref[...]
    ub = jnp.broadcast_to(u[None, :], x.shape)
    ci = lax.broadcasted_iota(jnp.int32, x.shape, 0).astype(jnp.float32)
    out_ref[...] = jnp.where(ub < 0.0, x, (ci == ub).astype(jnp.float32))


def _tc_apply(primT, upd):
    nblk = (_N + _TCB - 1) // _TCB
    return pl.pallas_call(
        _apply_body,
        grid=(nblk,),
        in_specs=[
            pl.BlockSpec((_CLS, _TCB), lambda i: (0, i)),
            pl.BlockSpec((_TCB,), lambda i: (i,)),
        ],
        out_specs=pl.BlockSpec((_CLS, _TCB), lambda i: (0, i)),
        out_shape=jax.ShapeDtypeStruct((_CLS, _N), jnp.float32),
    )(primT, upd)


def _p1_body(pos_hbm, val_hbm, bits_hbm, bits_v, pos_v, val_v, sem_a, sem_b):
    npairs = pos_hbm.shape[0]
    nchunk = npairs // _P1_CHUNK
    ngrp = _P1_CHUNK // _L
    wid = _wid()
    base = wid * _ROWS_W

    def _zero(i, _):
        bits_v[pl.ds(i * _L, _L)] = jnp.zeros((_L,), jnp.int32)
        return 0

    lax.fori_loop(0, _ROWS_W_PAD // _L, _zero, 0)

    def _dmas(k, sem):
        par = (k % 2) * _P1_CHUNK
        sl = pl.ds(k * _P1_CHUNK, _P1_CHUNK)
        dsl = pl.ds(par, _P1_CHUNK)
        return (pltpu.make_async_copy(pos_hbm.at[sl], pos_v.at[dsl], sem),
                pltpu.make_async_copy(val_hbm.at[sl], val_v.at[dsl], sem))

    def _start(k):
        @pl.when(k % 2 == 0)
        def _():
            for d in _dmas(k, sem_a):
                d.start()

        @pl.when(k % 2 == 1)
        def _():
            for d in _dmas(k, sem_b):
                d.start()

    def _wait(k):
        @pl.when(k % 2 == 0)
        def _():
            for d in _dmas(k, sem_a):
                d.wait()

        @pl.when(k % 2 == 1)
        def _():
            for d in _dmas(k, sem_b):
                d.wait()

    _start(0)

    def _decode(par, g):
        off = par + g * _L
        pos = pos_v[pl.ds(off, _L)]
        val = val_v[pl.ds(off, _L)]
        rel = pos - base
        m = (rel >= 0) & (rel < _ROWS_W)
        srel = jnp.clip(rel, 0, _ROWS_W - 1)
        bitv = jnp.int32(1) << val
        return m, srel, bitv

    def _chunk(k, _):
        @pl.when(k + 1 < nchunk)
        def _():
            _start(k + 1)

        _wait(k)
        par = (k % 2) * _P1_CHUNK

        def _g1(g, _):
            m, srel, bitv = _decode(par, g)
            old = plsc.load_gather(bits_v, [srel], mask=m)
            plsc.store_scatter(bits_v, [srel], old | bitv, mask=m)
            return 0

        lax.fori_loop(0, ngrp, _g1, 0)
        pl.delay(64)

        def _g2(g, failv):
            m, srel, bitv = _decode(par, g)
            cur = plsc.load_gather(bits_v, [srel], mask=m)
            return failv | (m & ((cur & bitv) != bitv))

        failv = lax.fori_loop(0, ngrp, _g2, jnp.zeros((_L,), jnp.bool_))

        @pl.when(_any_lane(failv))
        def _():
            def _g3(g, _):
                m, srel, bitv = _decode(par, g)

                def _cond(pending):
                    return _any_lane(pending)

                def _rmw(pending):
                    old = plsc.load_gather(bits_v, [srel], mask=pending)
                    plsc.store_scatter(bits_v, [srel], old | bitv, mask=pending)
                    cur = plsc.load_gather(bits_v, [srel], mask=pending)
                    return pending & ((cur & bitv) != bitv)

                lax.while_loop(_cond, _rmw, m)
                return 0

            lax.fori_loop(0, ngrp, _g3, 0)

        return 0

    lax.fori_loop(0, nchunk, _chunk, 0)
    pltpu.async_copy(bits_v.at[pl.ds(0, _ROWS_W)], bits_hbm.at[wid], sem_a).wait()


def _sc_phase1(pos1, val1):
    return pl.kernel(
        _p1_body,
        out_type=jax.ShapeDtypeStruct((_NW, _ROWS_W), jnp.int32),
        mesh=_mesh(),
        compiler_params=_SC_PARAMS,
        scratch_types=[
            pltpu.VMEM((_ROWS_W_PAD,), jnp.int32),
            pltpu.VMEM((2 * _P1_CHUNK,), jnp.int32),
            pltpu.VMEM((2 * _P1_CHUNK,), jnp.int32),
            pltpu.SemaphoreType.DMA,
            pltpu.SemaphoreType.DMA,
        ],
    )(pos1, val1)


def _p2_body(upd_ref, bits_hbm, clsp_hbm, pos2_hbm, w_hbm, b_hbm,
             p2_v, bits_b, cls_b, av, vv, w_v, b_v, wb_v, t_v,
             sem1, sem2, sem3):
    nrow = p2_v.shape[0]
    wid = _wid()
    pltpu.async_copy(pos2_hbm.at[wid], p2_v, sem1).wait()
    pltpu.async_copy(w_hbm, w_v, sem1).wait()
    pltpu.async_copy(b_hbm, b_v, sem1).wait()

    lanes = lax.iota(jnp.int32, _L)

    def _wb(g, _):
        bidx = (g % 2) * _L + lanes
        wb_v[pl.ds(g * _L, _L)] = (
            w_v[pl.ds(g * _L, _L)] + plsc.load_gather(b_v, [bidx]))
        return 0

    lax.fori_loop(0, 64, _wb, 0)

    for chunk in range(2):
        cvec = chunk * _L + lanes

        def _scan(j, carry):
            best, bi = carry
            lg = plsc.load_gather(wb_v, [cvec * 32 + j])
            take = lg > best
            return jnp.where(take, lg, best), jnp.where(take, j, bi)

        best0 = plsc.load_gather(wb_v, [cvec * 32])
        _, bi = lax.fori_loop(1, _CLS, _scan, (best0, jnp.zeros((_L,), jnp.int32)))
        t_v[pl.ds(chunk * _L, _L)] = bi

    gathers = []
    for j in range(nrow):
        gathers.append(pltpu.async_copy(bits_hbm.at[p2_v.at[j]], bits_b.at[j], sem1))
        gathers.append(pltpu.async_copy(clsp_hbm.at[p2_v.at[j]], cls_b.at[j], sem2))
    for g in gathers:
        g.wait()

    def _row(j, _):
        for l in range(_GB // _L):
            sl = pl.ds(l * _L, _L)
            pos = p2_v[j, sl]
            bits = bits_b[j, sl]
            c_old = cls_b[j, sl].astype(jnp.int32)
            is0 = bits == 0
            one_hot = (bits & (bits - 1)) == 0
            f = bits.astype(jnp.float32)
            expo = (plsc.bitcast(f, jnp.int32) >> 23) - 127
            c_one = jnp.clip(jnp.where(is0, c_old, expo), 0, _CLS - 1)
            cls = plsc.load_gather(t_v, [c_one])

            multi = ~one_hot
            any_multi = _any_lane(multi)

            def _hard():
                def _outer(j2, carry):
                    best, bi = carry

                    def _inner(v, acc):
                        on = ((bits >> v) & 1) == 1
                        wv = plsc.load_gather(
                            w_v, [jnp.broadcast_to(v * 32 + j2, (_L,))])
                        return acc + jnp.where(on, wv, 0.0)

                    lg = lax.fori_loop(0, _CLS, _inner, jnp.zeros((_L,), jnp.float32))
                    lg = lg + plsc.load_gather(b_v, [jnp.broadcast_to(j2, (_L,))])
                    take = lg > best
                    return jnp.where(take, lg, best), jnp.where(take, j2, bi)

                init = (jnp.full((_L,), -jnp.inf, jnp.float32),
                        jnp.zeros((_L,), jnp.int32))
                _, bi = lax.fori_loop(0, _CLS, _outer, init)
                return jnp.where(multi, bi, cls)

            cls = lax.cond(any_multi, _hard, lambda: cls)

            av[j, sl] = pos
            vv[j, sl] = cls.astype(jnp.float32)
        return 0

    lax.fori_loop(0, nrow, _row, 0)

    scatters = []
    for j in range(nrow):
        scatters.append(pltpu.async_copy(vv.at[j], upd_ref.at[av.at[j]], sem3))
    for s in scatters:
        s.wait()


def _sc_phase2(upd_flat_ref, bits, clsp, pos2, w, b_pad, nrow):
    pl.kernel(
        _p2_body,
        out_type=(),
        mesh=_mesh(),
        compiler_params=_SC_PARAMS,
        scratch_types=[
            pltpu.VMEM((nrow, _GB), jnp.int32),
            pltpu.VMEM((nrow, _GB), jnp.int32),
            pltpu.VMEM((nrow, _GB), jnp.float32),
            pltpu.VMEM((nrow, _GB), jnp.int32),
            pltpu.VMEM((nrow, _GB), jnp.float32),
            pltpu.VMEM((1024,), jnp.float32),
            pltpu.VMEM((32,), jnp.float32),
            pltpu.VMEM((1024,), jnp.float32),
            pltpu.VMEM((32,), jnp.int32),
            pltpu.SemaphoreType.DMA,
            pltpu.SemaphoreType.DMA,
            pltpu.SemaphoreType.DMA,
        ],
    )(upd_flat_ref, bits, clsp, pos2, w, b_pad)


def kernel(primary, W, b, positions1, values1, positions2):
    p1 = positions1.shape[0]
    p2 = positions2.shape[0]

    pad1 = (-p1) % _P1_CHUNK
    if pad1:
        positions1 = jnp.concatenate(
            [positions1, jnp.full((pad1,), -1, positions1.dtype)])
        values1 = jnp.concatenate([values1, jnp.zeros((pad1,), values1.dtype)])

    pad2 = (-p2) % (_NW * _GB)
    if pad2:
        reps = -(-pad2 // p2)
        extra = jnp.tile(positions2, reps)[:pad2]
        positions2 = jnp.concatenate([positions2, extra])
    nrow = positions2.shape[0] // (_NW * _GB)
    pos2 = positions2.reshape(_NW, nrow, _GB).astype(jnp.int32)

    b_pad = jnp.concatenate([b, jnp.zeros((32 - _CLS,), b.dtype)])
    w_pad = jnp.zeros((32, 32), W.dtype).at[:_CLS, :_CLS].set(W).reshape(1024)

    primT = primary.T
    clsp, upd0 = _tc_prep(primT)
    bits = _sc_phase1(positions1.astype(jnp.int32),
                      values1.astype(jnp.int32)).reshape(_N)

    uref = jax.new_ref(upd0)
    _sc_phase2(uref, bits, clsp, pos2, w_pad, b_pad, nrow)
    outT = _tc_apply(primT, uref[...])
    return outT.T

# --- scband reference (transcript-rebuilt; emitter-appended) ---
"""Pipeline reference for scband-wrapper-17910013624451 (READ-ONLY COPY).

The authoritative reference and input builder live on the scoring server;
editing this copy changes nothing except your own understanding.
"""

import jax, jax.numpy as jnp
import numpy as np

N = 1000000
C = 20


def hard_one_hot(logits):
    return jax.nn.one_hot(jnp.argmax(logits, axis=-1), logits.shape[-1], dtype=logits.dtype)


def setup_inputs(seed: int = 0) -> dict:
    key = jax.random.key(seed)
    k1, k2, k3, k4, k5, k6 = jax.random.split(key, 6)
    # primary.tensor: one-hot-ish protein sequence [N, 20]
    primary = jax.nn.one_hot(jax.random.randint(k1, (N,), 0, C), C, dtype=jnp.float32)
    # randomness from the module's internal torch.randint calls, materialized as inputs
    positions1 = jax.random.randint(k2, (N // 20,), 0, N)
    values1 = jax.random.randint(k3, (N // 20,), 0, C)
    positions2 = jax.random.randint(k4, (N // 10,), 0, N)
    # sampler modeled as a learned linear head producing per-residue logits [N, 20]
    W = (jax.random.normal(k5, (C, C), dtype=jnp.float32) * 0.1)
    b = (jax.random.normal(k6, (C,), dtype=jnp.float32) * 0.1)
    return {"primary": primary, "W": W, "b": b,
            "positions1": positions1, "values1": values1, "positions2": positions2}


def reference(primary, W, b, positions1, values1, positions2):
    # inputs = primary.clone(); inputs.tensor[positions] = 0
    inputs = primary.at[positions1].set(0.0)
    # inputs.tensor[positions, values] = 1
    inputs = inputs.at[positions1, values1].set(1.0)
    # logits = self.sampler(inputs, ...)
    logits = inputs @ W + b
    # sample = hard_one_hot(logits)
    sample = hard_one_hot(logits)
    # primary.tensor[positions2] = sample[positions2]
    out = primary.at[positions2].set(sample[positions2])
    return out

if __name__ == "__main__":
    import jax
    _d = setup_inputs()
    print(jax.jit(kernel)(*tuple(_d.values())))

</pallas_src>

<mosaic_0001>
#map = affine_map<(d0, d1) -> (0)>
#map1 = affine_map<(d0, d1) -> (0, 0, 0)>
module attributes {stable_mosaic.version = 14 : i64} {
  func.func @new_body(%arg0: i32, %arg1: i32, %arg2: memref<1000000xf32, #tpu.memory_space<hbm>>, %arg3: memref<1000000xi32, #tpu.memory_space<hbm>>, %arg4: memref<1000000xf32, #tpu.memory_space<hbm>>, %arg5: memref<32x25x128xi32, #tpu.memory_space<hbm>>, %arg6: memref<1024xf32, #tpu.memory_space<hbm>>, %arg7: memref<32xf32, #tpu.memory_space<hbm>>, %arg8: memref<1000000xf32, #tpu.memory_space<hbm>>, %arg9: memref<25x128xi32, #tpu.memory_space<vmem>>, %arg10: memref<25x128xi32, #tpu.memory_space<vmem>>, %arg11: memref<25x128xf32, #tpu.memory_space<vmem>>, %arg12: memref<25x128xi32, #tpu.memory_space<vmem>>, %arg13: memref<25x128xf32, #tpu.memory_space<vmem>>, %arg14: memref<1024xf32, #tpu.memory_space<vmem>>, %arg15: memref<32xf32, #tpu.memory_space<vmem>>, %arg16: memref<1024xf32, #tpu.memory_space<vmem>>, %arg17: memref<32xi32, #tpu.memory_space<vmem>>, %arg18: memref<!tpu.dma_semaphore, #tpu.memory_space<semaphore_mem>>, %arg19: memref<!tpu.dma_semaphore, #tpu.memory_space<semaphore_mem>>, %arg20: memref<!tpu.dma_semaphore, #tpu.memory_space<semaphore_mem>>) attributes {dimension_semantics = [#tpu.dimension_semantics<core_parallel>, #tpu.dimension_semantics<subcore_parallel>], iteration_bounds = array<i64: 2, 16>, scalar_prefetch = 0 : i64, scratch_operands = 12 : i64, tpu.core_type = #tpu.core_type<sc_vector_subcore>, window_params = [{transform_indices = #map}, {transform_indices = #map}, {transform_indices = #map}, {transform_indices = #map1}, {transform_indices = #map}, {transform_indices = #map}, {transform_indices = #map}]} {
    %mul3A = arith.constant 16 : i32
    %mul3A_0 = arith.muli %arg0, %mul3A : i32
    %add3A = arith.addi %mul3A_0, %arg1 : i32
    %dma_start3A = arith.constant 0 : i32
    %dma_start3A_1 = arith.constant 0 : i32
    %dma_start3A_2 = tpu.memref_slice %arg5[%add3A, %dma_start3A, %dma_start3A_1] : memref<32x25x128xi32, #tpu.memory_space<hbm>> -> memref<1x25x128xi32, #tpu.memory_space<hbm>>
    %dma_start3A_3 = tpu.memref_squeeze %dma_start3A_2 : memref<1x25x128xi32, #tpu.memory_space<hbm>> -> memref<25x128xi32, #tpu.memory_space<hbm>>
    %dma_start3A_4 = arith.constant 0 : i32
    %dma_start3A_5 = arith.constant 0 : i32
    %dma_start3A_6 = tpu.memref_slice %arg5[%add3A, %dma_start3A_4, %dma_start3A_5] : memref<32x25x128xi32, #tpu.memory_space<hbm>> -> memref<1x25x128xi32, #tpu.memory_space<hbm>>
    %dma_start3A_7 = tpu.memref_squeeze %dma_start3A_6 : memref<1x25x128xi32, #tpu.memory_space<hbm>> -> memref<25x128xi32, #tpu.memory_space<hbm>>
    tpu.enqueue_dma source(%dma_start3A_7 : memref<25x128xi32, #tpu.memory_space<hbm>>) target(%arg9 : memref<25x128xi32, #tpu.memory_space<vmem>>) target_semaphore(%arg18 : memref<!tpu.dma_semaphore, #tpu.memory_space<semaphore_mem>>)
    %dma_wait3A = arith.constant 0 : i32
    %dma_wait3A_8 = arith.constant 0 : i32
    %dma_wait3A_9 = tpu.memref_slice %arg5[%add3A, %dma_wait3A, %dma_wait3A_8] : memref<32x25x128xi32, #tpu.memory_space<hbm>> -> memref<1x25x128xi32, #tpu.memory_space<hbm>>
    %dma_wait3A_10 = tpu.memref_squeeze %dma_wait3A_9 : memref<1x25x128xi32, #tpu.memory_space<hbm>> -> memref<25x128xi32, #tpu.memory_space<hbm>>
    %dma_wait3A_11 = arith.constant 0 : i32
    %dma_wait3A_12 = arith.constant 0 : i32
    %dma_wait3A_13 = tpu.memref_slice %arg5[%add3A, %dma_wait3A_11, %dma_wait3A_12] : memref<32x25x128xi32, #tpu.memory_space<hbm>> -> memref<1x25x128xi32, #tpu.memory_space<hbm>>
    %dma_wait3A_14 = tpu.memref_squeeze %dma_wait3A_13 : memref<1x25x128xi32, #tpu.memory_space<hbm>> -> memref<25x128xi32, #tpu.memory_space<hbm>>
    tpu.wait_dma2 semaphore(%arg18 : memref<!tpu.dma_semaphore, #tpu.memory_space<semaphore_mem>>) src(%dma_wait3A_14 : memref<25x128xi32, #tpu.memory_space<hbm>>) dst(%arg9 : memref<25x128xi32, #tpu.memory_space<vmem>>)
    tpu.enqueue_dma source(%arg6 : memref<1024xf32, #tpu.memory_space<hbm>>) target(%arg14 : memref<1024xf32, #tpu.memory_space<vmem>>) target_semaphore(%arg18 : memref<!tpu.dma_semaphore, #tpu.memory_space<semaphore_mem>>)
    tpu.wait_dma2 semaphore(%arg18 : memref<!tpu.dma_semaphore, #tpu.memory_space<semaphore_mem>>) src(%arg6 : memref<1024xf32, #tpu.memory_space<hbm>>) dst(%arg14 : memref<1024xf32, #tpu.memory_space<vmem>>)
    tpu.enqueue_dma source(%arg7 : memref<32xf32, #tpu.memory_space<hbm>>) target(%arg15 : memref<32xf32, #tpu.memory_space<vmem>>) target_semaphore(%arg18 : memref<!tpu.dma_semaphore, #tpu.memory_space<semaphore_mem>>)
    tpu.wait_dma2 semaphore(%arg18 : memref<!tpu.dma_semaphore, #tpu.memory_space<semaphore_mem>>) src(%arg7 : memref<32xf32, #tpu.memory_space<hbm>>) dst(%arg15 : memref<32xf32, #tpu.memory_space<vmem>>)
    %iota3A = tpu.iota {dimensions = array<i32: 0>} : vector<16xi32>
    %scan3A = arith.constant 0 : i32
    %scan3A_15 = arith.constant 0 : i32
    %scan3A_16 = arith.constant 64 : i32
    %scan3A_17 = arith.addi %scan3A_15, %scan3A_16 : i32
    %scan3A_18 = arith.constant 1 : i32
    %scan3A_19 = scf.for %scan3A_1559 = %scan3A_15 to %scan3A_17 step %scan3A_18 iter_args(%scan3A_1560 = %scan3A) -> (i32)  : i32 {
      %jit3A = arith.constant 2 : i32
      %eq3A = arith.constant 0 : i32
      %eq3A_1561 = arith.cmpi eq, %jit3A, %eq3A : i32
      %jit3A_1562 = arith.constant 1 : i32
      %select_n3A = arith.select %eq3A_1561, %jit3A_1562, %jit3A : i32
      %rem3A = arith.remsi %scan3A_1559, %select_n3A : i32
      %ne3A = arith.constant 0 : i32
      %ne3A_1563 = arith.cmpi ne, %rem3A, %ne3A : i32
      %lt3A = arith.constant 0 : i32
      %lt3A_1564 = arith.cmpi slt, %rem3A, %lt3A : i32
      %lt3A_1565 = arith.constant 0 : i32
      %lt3A_1566 = arith.cmpi slt, %select_n3A, %lt3A_1565 : i32
      %ne3A_1567 = arith.xori %lt3A_1564, %lt3A_1566 : i1
      %and3A = arith.andi %ne3A_1567, %ne3A_1563 : i1
      %add3A_1568 = arith.addi %rem3A, %select_n3A : i32
      %select_n3A_1569 = arith.select %and3A, %add3A_1568, %rem3A : i32
      %mul3A_1570 = arith.constant 16 : i32
      %mul3A_1571 = arith.muli %select_n3A_1569, %mul3A_1570 : i32
      %add3A_1572 = vector.broadcast %mul3A_1571 : i32 to vector<16xi32>
      %add3A_1573 = arith.addi %add3A_1572, %iota3A : vector<16xi32>
      %mul3A_1574 = arith.constant 16 : i32
      %mul3A_1575 = arith.muli %scan3A_1559, %mul3A_1574 : i32
      %get3A = arith.index_cast %mul3A_1575 : i32 to index
      %get3A_1576 = tpu.vector_load %arg14[%get3A] {strides = array<i32>} : memref<1024xf32, #tpu.memory_space<vmem>>, vector<16xf32>,
      %gather3A_1577 = tpu.vector_load_idx %arg15[%add3A_1573] : memref<32xf32, #tpu.memory_space<vmem>>[vector<16xi32>], vector<16xf32>,
      %add3A_1578 = arith.addf %get3A_1576, %gather3A_1577 : vector<16xf32>
      %mul3A_1579 = arith.constant 16 : i32
      %mul3A_1580 = arith.muli %scan3A_1559, %mul3A_1579 : i32
      %swap3A_1581 = arith.index_cast %mul3A_1580 : i32 to index
      %swap3A_1582 = tpu.vector_load %arg16[%swap3A_1581] {strides = array<i32>} : memref<1024xf32, #tpu.memory_space<vmem>>, vector<16xf32>,
      tpu.vector_store %arg16[%swap3A_1581], %add3A_1578 {strides = array<i32>} : memref<1024xf32, #tpu.memory_space<vmem>>, vector<16xf32>,
      %scan3A_1583 = arith.constant 0 : i32
      scf.yield %scan3A_1583 : i32
    }
    %scan3A_20 = arith.constant 64 : i32
    %add3A_21 = arith.constant 0 : i32
    %add3A_22 = vector.broadcast %add3A_21 : i32 to vector<16xi32>
    %add3A_23 = arith.addi %add3A_22, %iota3A : vector<16xi32>
    %mul3A_24 = arith.constant 32 : i32
    %mul3A_25 = vector.broadcast %mul3A_24 : i32 to vector<16xi32>
    %mul3A_26 = arith.muli %add3A_23, %mul3A_25 : vector<16xi32>
    %gather3A = tpu.vector_load_idx %arg16[%mul3A_26] : memref<1024xf32, #tpu.memory_space<vmem>>[vector<16xi32>], vector<16xf32>,
    %broadcast_in_dim3A = arith.constant 0 : i32
    %broadcast_in_dim3A_27 = vector.broadcast %broadcast_in_dim3A : i32 to vector<16xi32>
    %scan3A_28 = arith.constant 1 : i32
    %scan3A_29 = arith.constant 19 : i32
    %scan3A_30 = arith.addi %scan3A_28, %scan3A_29 : i32
    %scan3A_31 = arith.constant 1 : i32
    %scan3A_32:2 = scf.for %scan3A_1559 = %scan3A_28 to %scan3A_30 step %scan3A_31 iter_args(%scan3A_1560 = %gather3A, %scan3A_1561 = %broadcast_in_dim3A_27) -> (vector<16xf32>, vector<16xi32>)  : i32 {
      %mul3A_1562 = arith.constant 32 : i32
      %mul3A_1563 = vector.broadcast %mul3A_1562 : i32 to vector<16xi32>
      %mul3A_1564 = arith.muli %add3A_23, %mul3A_1563 : vector<16xi32>
      %add3A_1565 = vector.broadcast %scan3A_1559 : i32 to vector<16xi32>
      %add3A_1566 = arith.addi %mul3A_1564, %add3A_1565 : vector<16xi32>
      %gather3A_1567 = tpu.vector_load_idx %arg16[%add3A_1566] : memref<1024xf32, #tpu.memory_space<vmem>>[vector<16xi32>], vector<16xf32>,
      %gt3A = arith.cmpf ogt, %gather3A_1567, %scan3A_1560 : vector<16xf32>
      %select_n3A = arith.select %gt3A, %gather3A_1567, %scan3A_1560 : vector<16xi1>, vector<16xf32>
      %broadcast_in_dim3A_1568 = vector.broadcast %scan3A_1559 : i32 to vector<16xi32>
      %select_n3A_1569 = arith.select %gt3A, %broadcast_in_dim3A_1568, %scan3A_1561 : vector<16xi1>, vector<16xi32>
      scf.yield %select_n3A, %select_n3A_1569 : vector<16xf32>, vector<16xi32>
    }
    %scan3A_33 = arith.constant 19 : i32
    %swap3A = arith.constant 0 : index
    %swap3A_34 = tpu.vector_load %arg17[%swap3A] {strides = array<i32>} : memref<32xi32, #tpu.memory_space<vmem>>, vector<16xi32>,
    tpu.vector_store %arg17[%swap3A], %scan3A_32#1 {strides = array<i32>} : memref<32xi32, #tpu.memory_space<vmem>>, vector<16xi32>,
    %add3A_35 = arith.constant 16 : i32
    %add3A_36 = vector.broadcast %add3A_35 : i32 to vector<16xi32>
    %add3A_37 = arith.addi %add3A_36, %iota3A : vector<16xi32>
    %mul3A_38 = arith.constant 32 : i32
    %mul3A_39 = vector.broadcast %mul3A_38 : i32 to vector<16xi32>
    %mul3A_40 = arith.muli %add3A_37, %mul3A_39 : vector<16xi32>
    %gather3A_41 = tpu.vector_load_idx %arg16[%mul3A_40] : memref<1024xf32, #tpu.memory_space<vmem>>[vector<16xi32>], vector<16xf32>,
    %broadcast_in_dim3A_42 = arith.constant 0 : i32
    %broadcast_in_dim3A_43 = vector.broadcast %broadcast_in_dim3A_42 : i32 to vector<16xi32>
    %scan3A_44 = arith.constant 1 : i32
    %scan3A_45 = arith.constant 19 : i32
    %scan3A_46 = arith.addi %scan3A_44, %scan3A_45 : i32
    %scan3A_47 = arith.constant 1 : i32
    %scan3A_48:2 = scf.for %scan3A_1559 = %scan3A_44 to %scan3A_46 step %scan3A_47 iter_args(%scan3A_1560 = %gather3A_41, %scan3A_1561 = %broadcast_in_dim3A_43) -> (vector<16xf32>, vector<16xi32>)  : i32 {
      %mul3A_1562 = arith.constant 32 : i32
      %mul3A_1563 = vector.broadcast %mul3A_1562 : i32 to vector<16xi32>
      %mul3A_1564 = arith.muli %add3A_37, %mul3A_1563 : vector<16xi32>
      %add3A_1565 = vector.broadcast %scan3A_1559 : i32 to vector<16xi32>
      %add3A_1566 = arith.addi %mul3A_1564, %add3A_1565 : vector<16xi32>
      %gather3A_1567 = tpu.vector_load_idx %arg16[%add3A_1566] : memref<1024xf32, #tpu.memory_space<vmem>>[vector<16xi32>], vector<16xf32>,
      %gt3A = arith.cmpf ogt, %gather3A_1567, %scan3A_1560 : vector<16xf32>
      %select_n3A = arith.select %gt3A, %gather3A_1567, %scan3A_1560 : vector<16xi1>, vector<16xf32>
      %broadcast_in_dim3A_1568 = vector.broadcast %scan3A_1559 : i32 to vector<16xi32>
      %select_n3A_1569 = arith.select %gt3A, %broadcast_in_dim3A_1568, %scan3A_1561 : vector<16xi1>, vector<16xi32>
      scf.yield %select_n3A, %select_n3A_1569 : vector<16xf32>, vector<16xi32>
    }
    %scan3A_49 = arith.constant 19 : i32
    %swap3A_50 = arith.constant 16 : index
    %swap3A_51 = tpu.vector_load %arg17[%swap3A_50] {strides = array<i32>} : memref<32xi32, #tpu.memory_space<vmem>>, vector<16xi32>,
    tpu.vector_store %arg17[%swap3A_50], %scan3A_48#1 {strides = array<i32>} : memref<32xi32, #tpu.memory_space<vmem>>, vector<16xi32>,
    %dma_start3A_52 = arith.constant 0 : i32
    %dma_start3A_53 = arith.constant 0 : i32
    %dma_start3A_54 = arith.constant 0 : i32
    %dma_start3A_55 = tpu.memref_slice %arg10[%dma_start3A_53, %dma_start3A_54] : memref<25x128xi32, #tpu.memory_space<vmem>> -> memref<1x128xi32, #tpu.memory_space<vmem>>
    %dma_start3A_56 = tpu.memref_squeeze %dma_start3A_55 : memref<1x128xi32, #tpu.memory_space<vmem>> -> memref<128xi32, #tpu.memory_space<vmem>>
    %dma_start3A_57 = arith.constant 0 : i32
    %dma_start3A_58 = tpu.memref_slice %arg9[%dma_start3A_52, %dma_start3A_57] : memref<25x128xi32, #tpu.memory_space<vmem>> -> memref<1x128xi32, #tpu.memory_space<vmem>>
    %dma_start3A_59 = tpu.memref_squeeze %dma_start3A_58 : memref<1x128xi32, #tpu.memory_space<vmem>> -> memref<128xi32, #tpu.memory_space<vmem>>
    %dma_start3A_60 = arith.constant 0 : i32
    %dma_start3A_61 = tpu.memref_slice %arg3[%dma_start3A_60] : memref<1000000xi32, #tpu.memory_space<hbm>> -> memref<1000000xi32, #tpu.memory_space<hbm>>
    tpu.enqueue_indirect_dma source(%dma_start3A_61 : memref<1000000xi32, #tpu.memory_space<hbm>>) target(%dma_start3A_56 : memref<128xi32, #tpu.memory_space<vmem>>) offsets(%dma_start3A_59 : memref<128xi32, #tpu.memory_space<vmem>>) semaphore(%arg18 : memref<!tpu.dma_semaphore, #tpu.memory_space<semaphore_mem>>)
    %dma_start3A_62 = arith.constant 0 : i32
    %dma_start3A_63 = arith.constant 0 : i32
    %dma_start3A_64 = arith.constant 0 : i32
    %dma_start3A_65 = tpu.memref_slice %arg11[%dma_start3A_63, %dma_start3A_64] : memref<25x128xf32, #tpu.memory_space<vmem>> -> memref<1x128xf32, #tpu.memory_space<vmem>>
    %dma_start3A_66 = tpu.memref_squeeze %dma_start3A_65 : memref<1x128xf32, #tpu.memory_space<vmem>> -> memref<128xf32, #tpu.memory_space<vmem>>
    %dma_start3A_67 = arith.constant 0 : i32
    %dma_start3A_68 = tpu.memref_slice %arg9[%dma_start3A_62, %dma_start3A_67] : memref<25x128xi32, #tpu.memory_space<vmem>> -> memref<1x128xi32, #tpu.memory_space<vmem>>
    %dma_start3A_69 = tpu.memref_squeeze %dma_start3A_68 : memref<1x128xi32, #tpu.memory_space<vmem>> -> memref<128xi32, #tpu.memory_space<vmem>>
    %dma_start3A_70 = arith.constant 0 : i32
    %dma_start3A_71 = tpu.memref_slice %arg4[%dma_start3A_70] : memref<1000000xf32, #tpu.memory_space<hbm>> -> memref<1000000xf32, #tpu.memory_space<hbm>>
    tpu.enqueue_indirect_dma source(%dma_start3A_71 : memref<1000000xf32, #tpu.memory_space<hbm>>) target(%dma_start3A_66 : memref<128xf32, #tpu.memory_space<vmem>>) offsets(%dma_start3A_69 : memref<128xi32, #tpu.memory_space<vmem>>) semaphore(%arg19 : memref<!tpu.dma_semaphore, #tpu.memory_space<semaphore_mem>>)
    %dma_start3A_72 = arith.constant 1 : i32
    %dma_start3A_73 = arith.constant 1 : i32
    %dma_start3A_74 = arith.constant 0 : i32
    %dma_start3A_75 = tpu.memref_slice %arg10[%dma_start3A_73, %dma_start3A_74] : memref<25x128xi32, #tpu.memory_space<vmem>> -> memref<1x128xi32, #tpu.memory_space<vmem>>
    %dma_start3A_76 = tpu.memref_squeeze %dma_start3A_75 : memref<1x128xi32, #tpu.memory_space<vmem>> -> memref<128xi32, #tpu.memory_space<vmem>>
    %dma_start3A_77 = arith.constant 0 : i32
    %dma_start3A_78 = tpu.memref_slice %arg9[%dma_start3A_72, %dma_start3A_77] : memref<25x128xi32, #tpu.memory_space<vmem>> -> memref<1x128xi32, #tpu.memory_space<vmem>>
    %dma_start3A_79 = tpu.memref_squeeze %dma_start3A_78 : memref<1x128xi32, #tpu.memory_space<vmem>> -> memref<128xi32, #tpu.memory_space<vmem>>
    %dma_start3A_80 = arith.constant 0 : i32
    %dma_start3A_81 = tpu.memref_slice %arg3[%dma_start3A_80] : memref<1000000xi32, #tpu.memory_space<hbm>> -> memref<1000000xi32, #tpu.memory_space<hbm>>
    tpu.enqueue_indirect_dma source(%dma_start3A_81 : memref<1000000xi32, #tpu.memory_space<hbm>>) target(%dma_start3A_76 : memref<128xi32, #tpu.memory_space<vmem>>) offsets(%dma_start3A_79 : memref<128xi32, #tpu.memory_space<vmem>>) semaphore(%arg18 : memref<!tpu.dma_semaphore, #tpu.memory_space<semaphore_mem>>)
    %dma_start3A_82 = arith.constant 1 : i32
    %dma_start3A_83 = arith.constant 1 : i32
    %dma_start3A_84 = arith.constant 0 : i32
    %dma_start3A_85 = tpu.memref_slice %arg11[%dma_start3A_83, %dma_start3A_84] : memref<25x128xf32, #tpu.memory_space<vmem>> -> memref<1x128xf32, #tpu.memory_space<vmem>>
    %dma_start3A_86 = tpu.memref_squeeze %dma_start3A_85 : memref<1x128xf32, #tpu.memory_space<vmem>> -> memref<128xf32, #tpu.memory_space<vmem>>
    %dma_start3A_87 = arith.constant 0 : i32
    %dma_start3A_88 = tpu.memref_slice %arg9[%dma_start3A_82, %dma_start3A_87] : memref<25x128xi32, #tpu.memory_space<vmem>> -> memref<1x128xi32, #tpu.memory_space<vmem>>
    %dma_start3A_89 = tpu.memref_squeeze %dma_start3A_88 : memref<1x128xi32, #tpu.memory_space<vmem>> -> memref<128xi32, #tpu.memory_space<vmem>>
    %dma_start3A_90 = arith.constant 0 : i32
    %dma_start3A_91 = tpu.memref_slice %arg4[%dma_start3A_90] : memref<1000000xf32, #tpu.memory_space<hbm>> -> memref<1000000xf32, #tpu.memory_space<hbm>>
    tpu.enqueue_indirect_dma source(%dma_start3A_91 : memref<1000000xf32, #tpu.memory_space<hbm>>) target(%dma_start3A_86 : memref<128xf32, #tpu.memory_space<vmem>>) offsets(%dma_start3A_89 : memref<128xi32, #tpu.memory_space<vmem>>) semaphore(%arg19 : memref<!tpu.dma_semaphore, #tpu.memory_space<semaphore_mem>>)
    %dma_start3A_92 = arith.constant 2 : i32
    %dma_start3A_93 = arith.constant 2 : i32
    %dma_start3A_94 = arith.constant 0 : i32
    %dma_start3A_95 = tpu.memref_slice %arg10[%dma_start3A_93, %dma_start3A_94] : memref<25x128xi32, #tpu.memory_space<vmem>> -> memref<1x128xi32, #tpu.memory_space<vmem>>
    %dma_start3A_96 = tpu.memref_squeeze %dma_start3A_95 : memref<1x128xi32, #tpu.memory_space<vmem>> -> memref<128xi32, #tpu.memory_space<vmem>>
    %dma_start3A_97 = arith.constant 0 : i32
    %dma_start3A_98 = tpu.memref_slice %arg9[%dma_start3A_92, %dma_start3A_97] : memref<25x128xi32, #tpu.memory_space<vmem>> -> memref<1x128xi32, #tpu.memory_space<vmem>>
    %dma_start3A_99 = tpu.memref_squeeze %dma_start3A_98 : memref<1x128xi32, #tpu.memory_space<vmem>> -> memref<128xi32, #tpu.memory_space<vmem>>
    %dma_start3A_100 = arith.constant 0 : i32
    %dma_start3A_101 = tpu.memref_slice %arg3[%dma_start3A_100] : memref<1000000xi32, #tpu.memory_space<hbm>> -> memref<1000000xi32, #tpu.memory_space<hbm>>
    tpu.enqueue_indirect_dma source(%dma_start3A_101 : memref<1000000xi32, #tpu.memory_space<hbm>>) target(%dma_start3A_96 : memref<128xi32, #tpu.memory_space<vmem>>) offsets(%dma_start3A_99 : memref<128xi32, #tpu.memory_space<vmem>>) semaphore(%arg18 : memref<!tpu.dma_semaphore, #tpu.memory_space<semaphore_mem>>)
    %dma_start3A_102 = arith.constant 2 : i32
    %dma_start3A_103 = arith.constant 2 : i32
    %dma_start3A_104 = arith.constant 0 : i32
    %dma_start3A_105 = tpu.memref_slice %arg11[%dma_start3A_103, %dma_start3A_104] : memref<25x128xf32, #tpu.memory_space<vmem>> -> memref<1x128xf32, #tpu.memory_space<vmem>>
    %dma_start3A_106 = tpu.memref_squeeze %dma_start3A_105 : memref<1x128xf32, #tpu.memory_space<vmem>> -> memref<128xf32, #tpu.memory_space<vmem>>
    %dma_start3A_107 = arith.constant 0 : i32
    %dma_start3A_108 = tpu.memref_slice %arg9[%dma_start3A_102, %dma_start3A_107] : memref<25x128xi32, #tpu.memory_space<vmem>> -> memref<1x128xi32, #tpu.memory_space<vmem>>
    %dma_start3A_109 = tpu.memref_squeeze %dma_start3A_108 : memref<1x128xi32, #tpu.memory_space<vmem>> -> memref<128xi32, #tpu.memory_space<vmem>>
    %dma_start3A_110 = arith.constant 0 : i32
    %dma_start3A_111 = tpu.memref_slice %arg4[%dma_start3A_110] : memref<1000000xf32, #tpu.memory_space<hbm>> -> memref<1000000xf32, #tpu.memory_space<hbm>>
    tpu.enqueue_indirect_dma source(%dma_start3A_111 : memref<1000000xf32, #tpu.memory_space<hbm>>) target(%dma_start3A_106 : memref<128xf32, #tpu.memory_space<vmem>>) offsets(%dma_start3A_109 : memref<128xi32, #tpu.memory_space<vmem>>) semaphore(%arg19 : memref<!tpu.dma_semaphore, #tpu.memory_space<semaphore_mem>>)
    %dma_start3A_112 = arith.constant 3 : i32
    %dma_start3A_113 = arith.constant 3 : i32
    %dma_start3A_114 = arith.constant 0 : i32
    %dma_start3A_115 = tpu.memref_slice %arg10[%dma_start3A_113, %dma_start3A_114] : memref<25x128xi32, #tpu.memory_space<vmem>> -> memref<1x128xi32, #tpu.memory_space<vmem>>
    %dma_start3A_116 = tpu.memref_squeeze %dma_start3A_115 : memref<1x128xi32, #tpu.memory_space<vmem>> -> memref<128xi32, #tpu.memory_space<vmem>>
    %dma_start3A_117 = arith.constant 0 : i32
    %dma_start3A_118 = tpu.memref_slice %arg9[%dma_start3A_112, %dma_start3A_117] : memref<25x128xi32, #tpu.memory_space<vmem>> -> memref<1x128xi32, #tpu.memory_space<vmem>>
    %dma_start3A_119 = tpu.memref_squeeze %dma_start3A_118 : memref<1x128xi32, #tpu.memory_space<vmem>> -> memref<128xi32, #tpu.memory_space<vmem>>
    %dma_start3A_120 = arith.constant 0 : i32
    %dma_start3A_121 = tpu.memref_slice %arg3[%dma_start3A_120] : memref<1000000xi32, #tpu.memory_space<hbm>> -> memref<1000000xi32, #tpu.memory_space<hbm>>
    tpu.enqueue_indirect_dma source(%dma_start3A_121 : memref<1000000xi32, #tpu.memory_space<hbm>>) target(%dma_start3A_116 : memref<128xi32, #tpu.memory_space<vmem>>) offsets(%dma_start3A_119 : memref<128xi32, #tpu.memory_space<vmem>>) semaphore(%arg18 : memref<!tpu.dma_semaphore, #tpu.memory_space<semaphore_mem>>)
    %dma_start3A_122 = arith.constant 3 : i32
    %dma_start3A_123 = arith.constant 3 : i32
    %dma_start3A_124 = arith.constant 0 : i32
    %dma_start3A_125 = tpu.memref_slice %arg11[%dma_start3A_123, %dma_start3A_124] : memref<25x128xf32, #tpu.memory_space<vmem>> -> memref<1x128xf32, #tpu.memory_space<vmem>>
    %dma_start3A_126 = tpu.memref_squeeze %dma_start3A_125 : memref<1x128xf32, #tpu.memory_space<vmem>> -> memref<128xf32, #tpu.memory_space<vmem>>
    %dma_start3A_127 = arith.constant 0 : i32
    %dma_start3A_128 = tpu.memref_slice %arg9[%dma_start3A_122, %dma_start3A_127] : memref<25x128xi32, #tpu.memory_space<vmem>> -> memref<1x128xi32, #tpu.memory_space<vmem>>
    %dma_start3A_129 = tpu.memref_squeeze %dma_start3A_128 : memref<1x128xi32, #tpu.memory_space<vmem>> -> memref<128xi32, #tpu.memory_space<vmem>>
    %dma_start3A_130 = arith.constant 0 : i32
    %dma_start3A_131 = tpu.memref_slice %arg4[%dma_start3A_130] : memref<1000000xf32, #tpu.memory_space<hbm>> -> memref<1000000xf32, #tpu.memory_space<hbm>>
    tpu.enqueue_indirect_dma source(%dma_start3A_131 : memref<1000000xf32, #tpu.memory_space<hbm>>) target(%dma_start3A_126 : memref<128xf32, #tpu.memory_space<vmem>>) offsets(%dma_start3A_129 : memref<128xi32, #tpu.memory_space<vmem>>) semaphore(%arg19 : memref<!tpu.dma_semaphore, #tpu.memory_space<semaphore_mem>>)
    %dma_start3A_132 = arith.constant 4 : i32
    %dma_start3A_133 = arith.constant 4 : i32
    %dma_start3A_134 = arith.constant 0 : i32
    %dma_start3A_135 = tpu.memref_slice %arg10[%dma_start3A_133, %dma_start3A_134] : memref<25x128xi32, #tpu.memory_space<vmem>> -> memref<1x128xi32, #tpu.memory_space<vmem>>
    %dma_start3A_136 = tpu.memref_squeeze %dma_start3A_135 : memref<1x128xi32, #tpu.memory_space<vmem>> -> memref<128xi32, #tpu.memory_space<vmem>>
    %dma_start3A_137 = arith.constant 0 : i32
    %dma_start3A_138 = tpu.memref_slice %arg9[%dma_start3A_132, %dma_start3A_137] : memref<25x128xi32, #tpu.memory_space<vmem>> -> memref<1x128xi32, #tpu.memory_space<vmem>>
    %dma_start3A_139 = tpu.memref_squeeze %dma_start3A_138 : memref<1x128xi32, #tpu.memory_space<vmem>> -> memref<128xi32, #tpu.memory_space<vmem>>
    %dma_start3A_140 = arith.constant 0 : i32
    %dma_start3A_141 = tpu.memref_slice %arg3[%dma_start3A_140] : memref<1000000xi32, #tpu.memory_space<hbm>> -> memref<1000000xi32, #tpu.memory_space<hbm>>
    tpu.enqueue_indirect_dma source(%dma_start3A_141 : memref<1000000xi32, #tpu.memory_space<hbm>>) target(%dma_start3A_136 : memref<128xi32, #tpu.memory_space<vmem>>) offsets(%dma_start3A_139 : memref<128xi32, #tpu.memory_space<vmem>>) semaphore(%arg18 : memref<!tpu.dma_semaphore, #tpu.memory_space<semaphore_mem>>)
    %dma_start3A_142 = arith.constant 4 : i32
    %dma_start3A_143 = arith.constant 4 : i32
    %dma_start3A_144 = arith.constant 0 : i32
    %dma_start3A_145 = tpu.memref_slice %arg11[%dma_start3A_143, %dma_start3A_144] : memref<25x128xf32, #tpu.memory_space<vmem>> -> memref<1x128xf32, #tpu.memory_space<vmem>>
    %dma_start3A_146 = tpu.memref_squeeze %dma_start3A_145 : memref<1x128xf32, #tpu.memory_space<vmem>> -> memref<128xf32, #tpu.memory_space<vmem>>
    %dma_start3A_147 = arith.constant 0 : i32
    %dma_start3A_148 = tpu.memref_slice %arg9[%dma_start3A_142, %dma_start3A_147] : memref<25x128xi32, #tpu.memory_space<vmem>> -> memref<1x128xi32, #tpu.memory_space<vmem>>
    %dma_start3A_149 = tpu.memref_squeeze %dma_start3A_148 : memref<1x128xi32, #tpu.memory_space<vmem>> -> memref<128xi32, #tpu.memory_space<vmem>>
    %dma_start3A_150 = arith.constant 0 : i32
    %dma_start3A_151 = tpu.memref_slice %arg4[%dma_start3A_150] : memref<1000000xf32, #tpu.memory_space<hbm>> -> memref<1000000xf32, #tpu.memory_space<hbm>>
    tpu.enqueue_indirect_dma source(%dma_start3A_151 : memref<1000000xf32, #tpu.memory_space<hbm>>) target(%dma_start3A_146 : memref<128xf32, #tpu.memory_space<vmem>>) offsets(%dma_start3A_149 : memref<128xi32, #tpu.memory_space<vmem>>) semaphore(%arg19 : memref<!tpu.dma_semaphore, #tpu.memory_space<semaphore_mem>>)
    %dma_start3A_152 = arith.constant 5 : i32
    %dma_start3A_153 = arith.constant 5 : i32
    %dma_start3A_154 = arith.constant 0 : i32
    %dma_start3A_155 = tpu.memref_slice %arg10[%dma_start3A_153, %dma_start3A_154] : memref<25x128xi32, #tpu.memory_space<vmem>> -> memref<1x128xi32, #tpu.memory_space<vmem>>
    %dma_start3A_156 = tpu.memref_squeeze %dma_start3A_155 : memref<1x128xi32, #tpu.memory_space<vmem>> -> memref<128xi32, #tpu.memory_space<vmem>>
    %dma_start3A_157 = arith.constant 0 : i32
    %dma_start3A_158 = tpu.memref_slice %arg9[%dma_start3A_152, %dma_start3A_157] : memref<25x128xi32, #tpu.memory_space<vmem>> -> memref<1x128xi32, #tpu.memory_space<vmem>>
    %dma_start3A_159 = tpu.memref_squeeze %dma_start3A_158 : memref<1x128xi32, #tpu.memory_space<vmem>> -> memref<128xi32, #tpu.memory_space<vmem>>
    %dma_start3A_160 = arith.constant 0 : i32
    %dma_start3A_161 = tpu.memref_slice %arg3[%dma_start3A_160] : memref<1000000xi32, #tpu.memory_space<hbm>> -> memref<1000000xi32, #tpu.memory_space<hbm>>
    tpu.enqueue_indirect_dma source(%dma_start3A_161 : memref<1000000xi32, #tpu.memory_space<hbm>>) target(%dma_start3A_156 : memref<128xi32, #tpu.memory_space<vmem>>) offsets(%dma_start3A_159 : memref<128xi32, #tpu.memory_space<vmem>>) semaphore(%arg18 : memref<!tpu.dma_semaphore, #tpu.memory_space<semaphore_mem>>)
    %dma_start3A_162 = arith.constant 5 : i32
    %dma_start3A_163 = arith.constant 5 : i32
    %dma_start3A_164 = arith.constant 0 : i32
    %dma_start3A_165 = tpu.memref_slice %arg11[%dma_start3A_163, %dma_start3A_164] : memref<25x128xf32, #tpu.memory_space<vmem>> -> memref<1x128xf32, #tpu.memory_space<vmem>>
    %dma_start3A_166 = tpu.memref_squeeze %dma_start3A_165 : memref<1x128xf32, #tpu.memory_space<vmem>> -> memref<128xf32, #tpu.memory_space<vmem>>
    %dma_start3A_167 = arith.constant 0 : i32
    %dma_start3A_168 = tpu.memref_slice %arg9[%dma_start3A_162, %dma_start3A_167] : memref<25x128xi32, #tpu.memory_space<vmem>> -> memref<1x128xi32, #tpu.memory_space<vmem>>
    %dma_start3A_169 = tpu.memref_squeeze %dma_start3A_168 : memref<1x128xi32, #tpu.memory_space<vmem>> -> memref<128xi32, #tpu.memory_space<vmem>>
    %dma_start3A_170 = arith.constant 0 : i32
    %dma_start3A_171 = tpu.memref_slice %arg4[%dma_start3A_170] : memref<1000000xf32, #tpu.memory_space<hbm>> -> memref<1000000xf32, #tpu.memory_space<hbm>>
    tpu.enqueue_indirect_dma source(%dma_start3A_171 : memref<1000000xf32, #tpu.memory_space<hbm>>) target(%dma_start3A_166 : memref<128xf32, #tpu.memory_space<vmem>>) offsets(%dma_start3A_169 : memref<128xi32, #tpu.memory_space<vmem>>) semaphore(%arg19 : memref<!tpu.dma_semaphore, #tpu.memory_space<semaphore_mem>>)
    %dma_start3A_172 = arith.constant 6 : i32
    %dma_start3A_173 = arith.constant 6 : i32
    %dma_start3A_174 = arith.constant 0 : i32
    %dma_start3A_175 = tpu.memref_slice %arg10[%dma_start3A_173, %dma_start3A_174] : memref<25x128xi32, #tpu.memory_space<vmem>> -> memref<1x128xi32, #tpu.memory_space<vmem>>
    %dma_start3A_176 = tpu.memref_squeeze %dma_start3A_175 : memref<1x128xi32, #tpu.memory_space<vmem>> -> memref<128xi32, #tpu.memory_space<vmem>>
    %dma_start3A_177 = arith.constant 0 : i32
    %dma_start3A_178 = tpu.memref_slice %arg9[%dma_start3A_172, %dma_start3A_177] : memref<25x128xi32, #tpu.memory_space<vmem>> -> memref<1x128xi32, #tpu.memory_space<vmem>>
    %dma_start3A_179 = tpu.memref_squeeze %dma_start3A_178 : memref<1x128xi32, #tpu.memory_space<vmem>> -> memref<128xi32, #tpu.memory_space<vmem>>
    %dma_start3A_180 = arith.constant 0 : i32
    %dma_start3A_181 = tpu.memref_slice %arg3[%dma_start3A_180] : memref<1000000xi32, #tpu.memory_space<hbm>> -> memref<1000000xi32, #tpu.memory_space<hbm>>
    tpu.enqueue_indirect_dma source(%dma_start3A_181 : memref<1000000xi32, #tpu.memory_space<hbm>>) target(%dma_start3A_176 : memref<128xi32, #tpu.memory_space<vmem>>) offsets(%dma_start3A_179 : memref<128xi32, #tpu.memory_space<vmem>>) semaphore(%arg18 : memref<!tpu.dma_semaphore, #tpu.memory_space<semaphore_mem>>)
    %dma_start3A_182 = arith.constant 6 : i32
    %dma_start3A_183 = arith.constant 6 : i32
    %dma_start3A_184 = arith.constant 0 : i32
    %dma_start3A_185 = tpu.memref_slice %arg11[%dma_start3A_183, %dma_start3A_184] : memref<25x128xf32, #tpu.memory_space<vmem>> -> memref<1x128xf32, #tpu.memory_space<vmem>>
    %dma_start3A_186 = tpu.memref_squeeze %dma_start3A_185 : memref<1x128xf32, #tpu.memory_space<vmem>> -> memref<128xf32, #tpu.memory_space<vmem>>
    %dma_start3A_187 = arith.constant 0 : i32
    %dma_start3A_188 = tpu.memref_slice %arg9[%dma_start3A_182, %dma_start3A_187] : memref<25x128xi32, #tpu.memory_space<vmem>> -> memref<1x128xi32, #tpu.memory_space<vmem>>
    %dma_start3A_189 = tpu.memref_squeeze %dma_start3A_188 : memref<1x128xi32, #tpu.memory_space<vmem>> -> memref<128xi32, #tpu.memory_space<vmem>>
    %dma_start3A_190 = arith.constant 0 : i32
    %dma_start3A_191 = tpu.memref_slice %arg4[%dma_start3A_190] : memref<1000000xf32, #tpu.memory_space<hbm>> -> memref<1000000xf32, #tpu.memory_space<hbm>>
    tpu.enqueue_indirect_dma source(%dma_start3A_191 : memref<1000000xf32, #tpu.memory_space<hbm>>) target(%dma_start3A_186 : memref<128xf32, #tpu.memory_space<vmem>>) offsets(%dma_start3A_189 : memref<128xi32, #tpu.memory_space<vmem>>) semaphore(%arg19 : memref<!tpu.dma_semaphore, #tpu.memory_space<semaphore_mem>>)
    %dma_start3A_192 = arith.constant 7 : i32
    %dma_start3A_193 = arith.constant 7 : i32
    %dma_start3A_194 = arith.constant 0 : i32
    %dma_start3A_195 = tpu.memref_slice %arg10[%dma_start3A_193, %dma_start3A_194] : memref<25x128xi32, #tpu.memory_space<vmem>> -> memref<1x128xi32, #tpu.memory_space<vmem>>
    %dma_start3A_196 = tpu.memref_squeeze %dma_start3A_195 : memref<1x128xi32, #tpu.memory_space<vmem>> -> memref<128xi32, #tpu.memory_space<vmem>>
    %dma_start3A_197 = arith.constant 0 : i32
    %dma_start3A_198 = tpu.memref_slice %arg9[%dma_start3A_192, %dma_start3A_197] : memref<25x128xi32, #tpu.memory_space<vmem>> -> memref<1x128xi32, #tpu.memory_space<vmem>>
    %dma_start3A_199 = tpu.memref_squeeze %dma_start3A_198 : memref<1x128xi32, #tpu.memory_space<vmem>> -> memref<128xi32, #tpu.memory_space<vmem>>
    %dma_start3A_200 = arith.constant 0 : i32
    %dma_start3A_201 = tpu.memref_slice %arg3[%dma_start3A_200] : memref<1000000xi32, #tpu.memory_space<hbm>> -> memref<1000000xi32, #tpu.memory_space<hbm>>
    tpu.enqueue_indirect_dma source(%dma_start3A_201 : memref<1000000xi32, #tpu.memory_space<hbm>>) target(%dma_start3A_196 : memref<128xi32, #tpu.memory_space<vmem>>) offsets(%dma_start3A_199 : memref<128xi32, #tpu.memory_space<vmem>>) semaphore(%arg18 : memref<!tpu.dma_semaphore, #tpu.memory_space<semaphore_mem>>)
    %dma_start3A_202 = arith.constant 7 : i32
    %dma_start3A_203 = arith.constant 7 : i32
    %dma_start3A_204 = arith.constant 0 : i32
    %dma_start3A_205 = tpu.memref_slice %arg11[%dma_start3A_203, %dma_start3A_204] : memref<25x128xf32, #tpu.memory_space<vmem>> -> memref<1x128xf32, #tpu.memory_space<vmem>>
    %dma_start3A_206 = tpu.memref_squeeze %dma_start3A_205 : memref<1x128xf32, #tpu.memory_space<vmem>> -> memref<128xf32, #tpu.memory_space<vmem>>
    %dma_start3A_207 = arith.constant 0 : i32
    %dma_start3A_208 = tpu.memref_slice %arg9[%dma_start3A_202, %dma_start3A_207] : memref<25x128xi32, #tpu.memory_space<vmem>> -> memref<1x128xi32, #tpu.memory_space<vmem>>
    %dma_start3A_209 = tpu.memref_squeeze %dma_start3A_208 : memref<1x128xi32, #tpu.memory_space<vmem>> -> memref<128xi32, #tpu.memory_space<vmem>>
    %dma_start3A_210 = arith.constant 0 : i32
    %dma_start3A_211 = tpu.memref_slice %arg4[%dma_start3A_210] : memref<1000000xf32, #tpu.memory_space<hbm>> -> memref<1000000xf32, #tpu.memory_space<hbm>>
    tpu.enqueue_indirect_dma source(%dma_start3A_211 : memref<1000000xf32, #tpu.memory_space<hbm>>) target(%dma_start3A_206 : memref<128xf32, #tpu.memory_space<vmem>>) offsets(%dma_start3A_209 : memref<128xi32, #tpu.memory_space<vmem>>) semaphore(%arg19 : memref<!tpu.dma_semaphore, #tpu.memory_space<semaphore_mem>>)
    %dma_start3A_212 = arith.constant 8 : i32
    %dma_start3A_213 = arith.constant 8 : i32
    %dma_start3A_214 = arith.constant 0 : i32
    %dma_start3A_215 = tpu.memref_slice %arg10[%dma_start3A_213, %dma_start3A_214] : memref<25x128xi32, #tpu.memory_space<vmem>> -> memref<1x128xi32, #tpu.memory_space<vmem>>
    %dma_start3A_216 = tpu.memref_squeeze %dma_start3A_215 : memref<1x128xi32, #tpu.memory_space<vmem>> -> memref<128xi32, #tpu.memory_space<vmem>>
    %dma_start3A_217 = arith.constant 0 : i32
    %dma_start3A_218 = tpu.memref_slice %arg9[%dma_start3A_212, %dma_start3A_217] : memref<25x128xi32, #tpu.memory_space<vmem>> -> memref<1x128xi32, #tpu.memory_space<vmem>>
    %dma_start3A_219 = tpu.memref_squeeze %dma_start3A_218 : memref<1x128xi32, #tpu.memory_space<vmem>> -> memref<128xi32, #tpu.memory_space<vmem>>
    %dma_start3A_220 = arith.constant 0 : i32
    %dma_start3A_221 = tpu.memref_slice %arg3[%dma_start3A_220] : memref<1000000xi32, #tpu.memory_space<hbm>> -> memref<1000000xi32, #tpu.memory_space<hbm>>
    tpu.enqueue_indirect_dma source(%dma_start3A_221 : memref<1000000xi32, #tpu.memory_space<hbm>>) target(%dma_start3A_216 : memref<128xi32, #tpu.memory_space<vmem>>) offsets(%dma_start3A_219 : memref<128xi32, #tpu.memory_space<vmem>>) semaphore(%arg18 : memref<!tpu.dma_semaphore, #tpu.memory_space<semaphore_mem>>)
    %dma_start3A_222 = arith.constant 8 : i32
    %dma_start3A_223 = arith.constant 8 : i32
    %dma_start3A_224 = arith.constant 0 : i32
    %dma_start3A_225 = tpu.memref_slice %arg11[%dma_start3A_223, %dma_start3A_224] : memref<25x128xf32, #tpu.memory_space<vmem>> -> memref<1x128xf32, #tpu.memory_space<vmem>>
    %dma_start3A_226 = tpu.memref_squeeze %dma_start3A_225 : memref<1x128xf32, #tpu.memory_space<vmem>> -> memref<128xf32, #tpu.memory_space<vmem>>
    %dma_start3A_227 = arith.constant 0 : i32
    %dma_start3A_228 = tpu.memref_slice %arg9[%dma_start3A_222, %dma_start3A_227] : memref<25x128xi32, #tpu.memory_space<vmem>> -> memref<1x128xi32, #tpu.memory_space<vmem>>
    %dma_start3A_229 = tpu.memref_squeeze %dma_start3A_228 : memref<1x128xi32, #tpu.memory_space<vmem>> -> memref<128xi32, #tpu.memory_space<vmem>>
    %dma_start3A_230 = arith.constant 0 : i32
    %dma_start3A_231 = tpu.memref_slice %arg4[%dma_start3A_230] : memref<1000000xf32, #tpu.memory_space<hbm>> -> memref<1000000xf32, #tpu.memory_space<hbm>>
    tpu.enqueue_indirect_dma source(%dma_start3A_231 : memref<1000000xf32, #tpu.memory_space<hbm>>) target(%dma_start3A_226 : memref<128xf32, #tpu.memory_space<vmem>>) offsets(%dma_start3A_229 : memref<128xi32, #tpu.memory_space<vmem>>) semaphore(%arg19 : memref<!tpu.dma_semaphore, #tpu.memory_space<semaphore_mem>>)
    %dma_start3A_232 = arith.constant 9 : i32
    %dma_start3A_233 = arith.constant 9 : i32
    %dma_start3A_234 = arith.constant 0 : i32
    %dma_start3A_235 = tpu.memref_slice %arg10[%dma_start3A_233, %dma_start3A_234] : memref<25x128xi32, #tpu.memory_space<vmem>> -> memref<1x128xi32, #tpu.memory_space<vmem>>
    %dma_start3A_236 = tpu.memref_squeeze %dma_start3A_235 : memref<1x128xi32, #tpu.memory_space<vmem>> -> memref<128xi32, #tpu.memory_space<vmem>>
    %dma_start3A_237 = arith.constant 0 : i32
    %dma_start3A_238 = tpu.memref_slice %arg9[%dma_start3A_232, %dma_start3A_237] : memref<25x128xi32, #tpu.memory_space<vmem>> -> memref<1x128xi32, #tpu.memory_space<vmem>>
    %dma_start3A_239 = tpu.memref_squeeze %dma_start3A_238 : memref<1x128xi32, #tpu.memory_space<vmem>> -> memref<128xi32, #tpu.memory_space<vmem>>
    %dma_start3A_240 = arith.constant 0 : i32
    %dma_start3A_241 = tpu.memref_slice %arg3[%dma_start3A_240] : memref<1000000xi32, #tpu.memory_space<hbm>> -> memref<1000000xi32, #tpu.memory_space<hbm>>
    tpu.enqueue_indirect_dma source(%dma_start3A_241 : memref<1000000xi32, #tpu.memory_space<hbm>>) target(%dma_start3A_236 : memref<128xi32, #tpu.memory_space<vmem>>) offsets(%dma_start3A_239 : memref<128xi32, #tpu.memory_space<vmem>>) semaphore(%arg18 : memref<!tpu.dma_semaphore, #tpu.memory_space<semaphore_mem>>)
    %dma_start3A_242 = arith.constant 9 : i32
    %dma_start3A_243 = arith.constant 9 : i32
    %dma_start3A_244 = arith.constant 0 : i32
    %dma_start3A_245 = tpu.memref_slice %arg11[%dma_start3A_243, %dma_start3A_244] : memref<25x128xf32, #tpu.memory_space<vmem>> -> memref<1x128xf32, #tpu.memory_space<vmem>>
    %dma_start3A_246 = tpu.memref_squeeze %dma_start3A_245 : memref<1x128xf32, #tpu.memory_space<vmem>> -> memref<128xf32, #tpu.memory_space<vmem>>
    %dma_start3A_247 = arith.constant 0 : i32
    %dma_start3A_248 = tpu.memref_slice %arg9[%dma_start3A_242, %dma_start3A_247] : memref<25x128xi32, #tpu.memory_space<vmem>> -> memref<1x128xi32, #tpu.memory_space<vmem>>
    %dma_start3A_249 = tpu.memref_squeeze %dma_start3A_248 : memref<1x128xi32, #tpu.memory_space<vmem>> -> memref<128xi32, #tpu.memory_space<vmem>>
    %dma_start3A_250 = arith.constant 0 : i32
    %dma_start3A_251 = tpu.memref_slice %arg4[%dma_start3A_250] : memref<1000000xf32, #tpu.memory_space<hbm>> -> memref<1000000xf32, #tpu.memory_space<hbm>>
    tpu.enqueue_indirect_dma source(%dma_start3A_251 : memref<1000000xf32, #tpu.memory_space<hbm>>) target(%dma_start3A_246 : memref<128xf32, #tpu.memory_space<vmem>>) offsets(%dma_start3A_249 : memref<128xi32, #tpu.memory_space<vmem>>) semaphore(%arg19 : memref<!tpu.dma_semaphore, #tpu.memory_space<semaphore_mem>>)
    %dma_start3A_252 = arith.constant 10 : i32
    %dma_start3A_253 = arith.constant 10 : i32
    %dma_start3A_254 = arith.constant 0 : i32
    %dma_start3A_255 = tpu.memref_slice %arg10[%dma_start3A_253, %dma_start3A_254] : memref<25x128xi32, #tpu.memory_space<vmem>> -> memref<1x128xi32, #tpu.memory_space<vmem>>
    %dma_start3A_256 = tpu.memref_squeeze %dma_start3A_255 : memref<1x128xi32, #tpu.memory_space<vmem>> -> memref<128xi32, #tpu.memory_space<vmem>>
    %dma_start3A_257 = arith.constant 0 : i32
    %dma_start3A_258 = tpu.memref_slice %arg9[%dma_start3A_252, %dma_start3A_257] : memref<25x128xi32, #tpu.memory_space<vmem>> -> memref<1x128xi32, #tpu.memory_space<vmem>>
    %dma_start3A_259 = tpu.memref_squeeze %dma_start3A_258 : memref<1x128xi32, #tpu.memory_space<vmem>> -> memref<128xi32, #tpu.memory_space<vmem>>
    %dma_start3A_260 = arith.constant 0 : i32
    %dma_start3A_261 = tpu.memref_slice %arg3[%dma_start3A_260] : memref<1000000xi32, #tpu.memory_space<hbm>> -> memref<1000000xi32, #tpu.memory_space<hbm>>
    tpu.enqueue_indirect_dma source(%dma_start3A_261 : memref<1000000xi32, #tpu.memory_space<hbm>>) target(%dma_start3A_256 : memref<128xi32, #tpu.memory_space<vmem>>) offsets(%dma_start3A_259 : memref<128xi32, #tpu.memory_space<vmem>>) semaphore(%arg18 : memref<!tpu.dma_semaphore, #tpu.memory_space<semaphore_mem>>)
    %dma_start3A_262 = arith.constant 10 : i32
    %dma_start3A_263 = arith.constant 10 : i32
    %dma_start3A_264 = arith.constant 0 : i32
    %dma_start3A_265 = tpu.memref_slice %arg11[%dma_start3A_263, %dma_start3A_264] : memref<25x128xf32, #tpu.memory_space<vmem>> -> memref<1x128xf32, #tpu.memory_space<vmem>>
    %dma_start3A_266 = tpu.memref_squeeze %dma_start3A_265 : memref<1x128xf32, #tpu.memory_space<vmem>> -> memref<128xf32, #tpu.memory_space<vmem>>
    %dma_start3A_267 = arith.constant 0 : i32
    %dma_start3A_268 = tpu.memref_slice %arg9[%dma_start3A_262, %dma_start3A_267] : memref<25x128xi32, #tpu.memory_space<vmem>> -> memref<1x128xi32, #tpu.memory_space<vmem>>
    %dma_start3A_269 = tpu.memref_squeeze %dma_start3A_268 : memref<1x128xi32, #tpu.memory_space<vmem>> -> memref<128xi32, #tpu.memory_space<vmem>>
    %dma_start3A_270 = arith.constant 0 : i32
    %dma_start3A_271 = tpu.memref_slice %arg4[%dma_start3A_270] : memref<1000000xf32, #tpu.memory_space<hbm>> -> memref<1000000xf32, #tpu.memory_space<hbm>>
    tpu.enqueue_indirect_dma source(%dma_start3A_271 : memref<1000000xf32, #tpu.memory_space<hbm>>) target(%dma_start3A_266 : memref<128xf32, #tpu.memory_space<vmem>>) offsets(%dma_start3A_269 : memref<128xi32, #tpu.memory_space<vmem>>) semaphore(%arg19 : memref<!tpu.dma_semaphore, #tpu.memory_space<semaphore_mem>>)
    %dma_start3A_272 = arith.constant 11 : i32
    %dma_start3A_273 = arith.constant 11 : i32
    %dma_start3A_274 = arith.constant 0 : i32
    %dma_start3A_275 = tpu.memref_slice %arg10[%dma_start3A_273, %dma_start3A_274] : memref<25x128xi32, #tpu.memory_space<vmem>> -> memref<1x128xi32, #tpu.memory_space<vmem>>
    %dma_start3A_276 = tpu.memref_squeeze %dma_start3A_275 : memref<1x128xi32, #tpu.memory_space<vmem>> -> memref<128xi32, #tpu.memory_space<vmem>>
    %dma_start3A_277 = arith.constant 0 : i32
    %dma_start3A_278 = tpu.memref_slice %arg9[%dma_start3A_272, %dma_start3A_277] : memref<25x128xi32, #tpu.memory_space<vmem>> -> memref<1x128xi32, #tpu.memory_space<vmem>>
    %dma_start3A_279 = tpu.memref_squeeze %dma_start3A_278 : memref<1x128xi32, #tpu.memory_space<vmem>> -> memref<128xi32, #tpu.memory_space<vmem>>
    %dma_start3A_280 = arith.constant 0 : i32
    %dma_start3A_281 = tpu.memref_slice %arg3[%dma_start3A_280] : memref<1000000xi32, #tpu.memory_space<hbm>> -> memref<1000000xi32, #tpu.memory_space<hbm>>
    tpu.enqueue_indirect_dma source(%dma_start3A_281 : memref<1000000xi32, #tpu.memory_space<hbm>>) target(%dma_start3A_276 : memref<128xi32, #tpu.memory_space<vmem>>) offsets(%dma_start3A_279 : memref<128xi32, #tpu.memory_space<vmem>>) semaphore(%arg18 : memref<!tpu.dma_semaphore, #tpu.memory_space<semaphore_mem>>)
    %dma_start3A_282 = arith.constant 11 : i32
    %dma_start3A_283 = arith.constant 11 : i32
    %dma_start3A_284 = arith.constant 0 : i32
    %dma_start3A_285 = tpu.memref_slice %arg11[%dma_start3A_283, %dma_start3A_284] : memref<25x128xf32, #tpu.memory_space<vmem>> -> memref<1x128xf32, #tpu.memory_space<vmem>>
    %dma_start3A_286 = tpu.memref_squeeze %dma_start3A_285 : memref<1x128xf32, #tpu.memory_space<vmem>> -> memref<128xf32, #tpu.memory_space<vmem>>
    %dma_start3A_287 = arith.constant 0 : i32
    %dma_start3A_288 = tpu.memref_slice %arg9[%dma_start3A_282, %dma_start3A_287] : memref<25x128xi32, #tpu.memory_space<vmem>> -> memref<1x128xi32, #tpu.memory_space<vmem>>
    %dma_start3A_289 = tpu.memref_squeeze %dma_start3A_288 : memref<1x128xi32, #tpu.memory_space<vmem>> -> memref<128xi32, #tpu.memory_space<vmem>>
    %dma_start3A_290 = arith.constant 0 : i32
    %dma_start3A_291 = tpu.memref_slice %arg4[%dma_start3A_290] : memref<1000000xf32, #tpu.memory_space<hbm>> -> memref<1000000xf32, #tpu.memory_space<hbm>>
    tpu.enqueue_indirect_dma source(%dma_start3A_291 : memref<1000000xf32, #tpu.memory_space<hbm>>) target(%dma_start3A_286 : memref<128xf32, #tpu.memory_space<vmem>>) offsets(%dma_start3A_289 : memref<128xi32, #tpu.memory_space<vmem>>) semaphore(%arg19 : memref<!tpu.dma_semaphore, #tpu.memory_space<semaphore_mem>>)
    %dma_start3A_292 = arith.constant 12 : i32
    %dma_start3A_293 = arith.constant 12 : i32
    %dma_start3A_294 = arith.constant 0 : i32
    %dma_start3A_295 = tpu.memref_slice %arg10[%dma_start3A_293, %dma_start3A_294] : memref<25x128xi32, #tpu.memory_space<vmem>> -> memref<1x128xi32, #tpu.memory_space<vmem>>
    %dma_start3A_296 = tpu.memref_squeeze %dma_start3A_295 : memref<1x128xi32, #tpu.memory_space<vmem>> -> memref<128xi32, #tpu.memory_space<vmem>>
    %dma_start3A_297 = arith.constant 0 : i32
    %dma_start3A_298 = tpu.memref_slice %arg9[%dma_start3A_292, %dma_start3A_297] : memref<25x128xi32, #tpu.memory_space<vmem>> -> memref<1x128xi32, #tpu.memory_space<vmem>>
    %dma_start3A_299 = tpu.memref_squeeze %dma_start3A_298 : memref<1x128xi32, #tpu.memory_space<vmem>> -> memref<128xi32, #tpu.memory_space<vmem>>
    %dma_start3A_300 = arith.constant 0 : i32
    %dma_start3A_301 = tpu.memref_slice %arg3[%dma_start3A_300] : memref<1000000xi32, #tpu.memory_space<hbm>> -> memref<1000000xi32, #tpu.memory_space<hbm>>
    tpu.enqueue_indirect_dma source(%dma_start3A_301 : memref<1000000xi32, #tpu.memory_space<hbm>>) target(%dma_start3A_296 : memref<128xi32, #tpu.memory_space<vmem>>) offsets(%dma_start3A_299 : memref<128xi32, #tpu.memory_space<vmem>>) semaphore(%arg18 : memref<!tpu.dma_semaphore, #tpu.memory_space<semaphore_mem>>)
    %dma_start3A_302 = arith.constant 12 : i32
    %dma_start3A_303 = arith.constant 12 : i32
    %dma_start3A_304 = arith.constant 0 : i32
    %dma_start3A_305 = tpu.memref_slice %arg11[%dma_start3A_303, %dma_start3A_304] : memref<25x128xf32, #tpu.memory_space<vmem>> -> memref<1x128xf32, #tpu.memory_space<vmem>>
    %dma_start3A_306 = tpu.memref_squeeze %dma_start3A_305 : memref<1x128xf32, #tpu.memory_space<vmem>> -> memref<128xf32, #tpu.memory_space<vmem>>
    %dma_start3A_307 = arith.constant 0 : i32
    %dma_start3A_308 = tpu.memref_slice %arg9[%dma_start3A_302, %dma_start3A_307] : memref<25x128xi32, #tpu.memory_space<vmem>> -> memref<1x128xi32, #tpu.memory_space<vmem>>
    %dma_start3A_309 = tpu.memref_squeeze %dma_start3A_308 : memref<1x128xi32, #tpu.memory_space<vmem>> -> memref<128xi32, #tpu.memory_space<vmem>>
    %dma_start3A_310 = arith.constant 0 : i32
    %dma_start3A_311 = tpu.memref_slice %arg4[%dma_start3A_310] : memref<1000000xf32, #tpu.memory_space<hbm>> -> memref<1000000xf32, #tpu.memory_space<hbm>>
    tpu.enqueue_indirect_dma source(%dma_start3A_311 : memref<1000000xf32, #tpu.memory_space<hbm>>) target(%dma_start3A_306 : memref<128xf32, #tpu.memory_space<vmem>>) offsets(%dma_start3A_309 : memref<128xi32, #tpu.memory_space<vmem>>) semaphore(%arg19 : memref<!tpu.dma_semaphore, #tpu.memory_space<semaphore_mem>>)
    %dma_start3A_312 = arith.constant 13 : i32
    %dma_start3A_313 = arith.constant 13 : i32
    %dma_start3A_314 = arith.constant 0 : i32
    %dma_start3A_315 = tpu.memref_slice %arg10[%dma_start3A_313, %dma_start3A_314] : memref<25x128xi32, #tpu.memory_space<vmem>> -> memref<1x128xi32, #tpu.memory_space<vmem>>
    %dma_start3A_316 = tpu.memref_squeeze %dma_start3A_315 : memref<1x128xi32, #tpu.memory_space<vmem>> -> memref<128xi32, #tpu.memory_space<vmem>>
    %dma_start3A_317 = arith.constant 0 : i32
    %dma_start3A_318 = tpu.memref_slice %arg9[%dma_start3A_312, %dma_start3A_317] : memref<25x128xi32, #tpu.memory_space<vmem>> -> memref<1x128xi32, #tpu.memory_space<vmem>>
    %dma_start3A_319 = tpu.memref_squeeze %dma_start3A_318 : memref<1x128xi32, #tpu.memory_space<vmem>> -> memref<128xi32, #tpu.memory_space<vmem>>
    %dma_start3A_320 = arith.constant 0 : i32
    %dma_start3A_321 = tpu.memref_slice %arg3[%dma_start3A_320] : memref<1000000xi32, #tpu.memory_space<hbm>> -> memref<1000000xi32, #tpu.memory_space<hbm>>
    tpu.enqueue_indirect_dma source(%dma_start3A_321 : memref<1000000xi32, #tpu.memory_space<hbm>>) target(%dma_start3A_316 : memref<128xi32, #tpu.memory_space<vmem>>) offsets(%dma_start3A_319 : memref<128xi32, #tpu.memory_space<vmem>>) semaphore(%arg18 : memref<!tpu.dma_semaphore, #tpu.memory_space<semaphore_mem>>)
    %dma_start3A_322 = arith.constant 13 : i32
    %dma_start3A_323 = arith.constant 13 : i32
    %dma_start3A_324 = arith.constant 0 : i32
    %dma_start3A_325 = tpu.memref_slice %arg11[%dma_start3A_323, %dma_start3A_324] : memref<25x128xf32, #tpu.memory_space<vmem>> -> memref<1x128xf32, #tpu.memory_space<vmem>>
    %dma_start3A_326 = tpu.memref_squeeze %dma_start3A_325 : memref<1x128xf32, #tpu.memory_space<vmem>> -> memref<128xf32, #tpu.memory_space<vmem>>
    %dma_start3A_327 = arith.constant 0 : i32
    %dma_start3A_328 = tpu.memref_slice %arg9[%dma_start3A_322, %dma_start3A_327] : memref<25x128xi32, #tpu.memory_space<vmem>> -> memref<1x128xi32, #tpu.memory_space<vmem>>
    %dma_start3A_329 = tpu.memref_squeeze %dma_start3A_328 : memref<1x128xi32, #tpu.memory_space<vmem>> -> memref<128xi32, #tpu.memory_space<vmem>>
    %dma_start3A_330 = arith.constant 0 : i32
    %dma_start3A_331 = tpu.memref_slice %arg4[%dma_start3A_330] : memref<1000000xf32, #tpu.memory_space<hbm>> -> memref<1000000xf32, #tpu.memory_space<hbm>>
    tpu.enqueue_indirect_dma source(%dma_start3A_331 : memref<1000000xf32, #tpu.memory_space<hbm>>) target(%dma_start3A_326 : memref<128xf32, #tpu.memory_space<vmem>>) offsets(%dma_start3A_329 : memref<128xi32, #tpu.memory_space<vmem>>) semaphore(%arg19 : memref<!tpu.dma_semaphore, #tpu.memory_space<semaphore_mem>>)
    %dma_start3A_332 = arith.constant 14 : i32
    %dma_start3A_333 = arith.constant 14 : i32
    %dma_start3A_334 = arith.constant 0 : i32
    %dma_start3A_335 = tpu.memref_slice %arg10[%dma_start3A_333, %dma_start3A_334] : memref<25x128xi32, #tpu.memory_space<vmem>> -> memref<1x128xi32, #tpu.memory_space<vmem>>
    %dma_start3A_336 = tpu.memref_squeeze %dma_start3A_335 : memref<1x128xi32, #tpu.memory_space<vmem>> -> memref<128xi32, #tpu.memory_space<vmem>>
    %dma_start3A_337 = arith.constant 0 : i32
    %dma_start3A_338 = tpu.memref_slice %arg9[%dma_start3A_332, %dma_start3A_337] : memref<25x128xi32, #tpu.memory_space<vmem>> -> memref<1x128xi32, #tpu.memory_space<vmem>>
    %dma_start3A_339 = tpu.memref_squeeze %dma_start3A_338 : memref<1x128xi32, #tpu.memory_space<vmem>> -> memref<128xi32, #tpu.memory_space<vmem>>
    %dma_start3A_340 = arith.constant 0 : i32
    %dma_start3A_341 = tpu.memref_slice %arg3[%dma_start3A_340] : memref<1000000xi32, #tpu.memory_space<hbm>> -> memref<1000000xi32, #tpu.memory_space<hbm>>
    tpu.enqueue_indirect_dma source(%dma_start3A_341 : memref<1000000xi32, #tpu.memory_space<hbm>>) target(%dma_start3A_336 : memref<128xi32, #tpu.memory_space<vmem>>) offsets(%dma_start3A_339 : memref<128xi32, #tpu.memory_space<vmem>>) semaphore(%arg18 : memref<!tpu.dma_semaphore, #tpu.memory_space<semaphore_mem>>)
    %dma_start3A_342 = arith.constant 14 : i32
    %dma_start3A_343 = arith.constant 14 : i32
    %dma_start3A_344 = arith.constant 0 : i32
    %dma_start3A_345 = tpu.memref_slice %arg11[%dma_start3A_343, %dma_start3A_344] : memref<25x128xf32, #tpu.memory_space<vmem>> -> memref<1x128xf32, #tpu.memory_space<vmem>>
    %dma_start3A_346 = tpu.memref_squeeze %dma_start3A_345 : memref<1x128xf32, #tpu.memory_space<vmem>> -> memref<128xf32, #tpu.memory_space<vmem>>
    %dma_start3A_347 = arith.constant 0 : i32
    %dma_start3A_348 = tpu.memref_slice %arg9[%dma_start3A_342, %dma_start3A_347] : memref<25x128xi32, #tpu.memory_space<vmem>> -> memref<1x128xi32, #tpu.memory_space<vmem>>
    %dma_start3A_349 = tpu.memref_squeeze %dma_start3A_348 : memref<1x128xi32, #tpu.memory_space<vmem>> -> memref<128xi32, #tpu.memory_space<vmem>>
    %dma_start3A_350 = arith.constant 0 : i32
    %dma_start3A_351 = tpu.memref_slice %arg4[%dma_start3A_350] : memref<1000000xf32, #tpu.memory_space<hbm>> -> memref<1000000xf32, #tpu.memory_space<hbm>>
    tpu.enqueue_indirect_dma source(%dma_start3A_351 : memref<1000000xf32, #tpu.memory_space<hbm>>) target(%dma_start3A_346 : memref<128xf32, #tpu.memory_space<vmem>>) offsets(%dma_start3A_349 : memref<128xi32, #tpu.memory_space<vmem>>) semaphore(%arg19 : memref<!tpu.dma_semaphore, #tpu.memory_space<semaphore_mem>>)
    %dma_start3A_352 = arith.constant 15 : i32
    %dma_start3A_353 = arith.constant 15 : i32
    %dma_start3A_354 = arith.constant 0 : i32
    %dma_start3A_355 = tpu.memref_slice %arg10[%dma_start3A_353, %dma_start3A_354] : memref<25x128xi32, #tpu.memory_space<vmem>> -> memref<1x128xi32, #tpu.memory_space<vmem>>
    %dma_start3A_356 = tpu.memref_squeeze %dma_start3A_355 : memref<1x128xi32, #tpu.memory_space<vmem>> -> memref<128xi32, #tpu.memory_space<vmem>>
    %dma_start3A_357 = arith.constant 0 : i32
    %dma_start3A_358 = tpu.memref_slice %arg9[%dma_start3A_352, %dma_start3A_357] : memref<25x128xi32, #tpu.memory_space<vmem>> -> memref<1x128xi32, #tpu.memory_space<vmem>>
    %dma_start3A_359 = tpu.memref_squeeze %dma_start3A_358 : memref<1x128xi32, #tpu.memory_space<vmem>> -> memref<128xi32, #tpu.memory_space<vmem>>
    %dma_start3A_360 = arith.constant 0 : i32
    %dma_start3A_361 = tpu.memref_slice %arg3[%dma_start3A_360] : memref<1000000xi32, #tpu.memory_space<hbm>> -> memref<1000000xi32, #tpu.memory_space<hbm>>
    tpu.enqueue_indirect_dma source(%dma_start3A_361 : memref<1000000xi32, #tpu.memory_space<hbm>>) target(%dma_start3A_356 : memref<128xi32, #tpu.memory_space<vmem>>) offsets(%dma_start3A_359 : memref<128xi32, #tpu.memory_space<vmem>>) semaphore(%arg18 : memref<!tpu.dma_semaphore, #tpu.memory_space<semaphore_mem>>)
    %dma_start3A_362 = arith.constant 15 : i32
    %dma_start3A_363 = arith.constant 15 : i32
    %dma_start3A_364 = arith.constant 0 : i32
    %dma_start3A_365 = tpu.memref_slice %arg11[%dma_start3A_363, %dma_start3A_364] : memref<25x128xf32, #tpu.memory_space<vmem>> -> memref<1x128xf32, #tpu.memory_space<vmem>>
    %dma_start3A_366 = tpu.memref_squeeze %dma_start3A_365 : memref<1x128xf32, #tpu.memory_space<vmem>> -> memref<128xf32, #tpu.memory_space<vmem>>
    %dma_start3A_367 = arith.constant 0 : i32
    %dma_start3A_368 = tpu.memref_slice %arg9[%dma_start3A_362, %dma_start3A_367] : memref<25x128xi32, #tpu.memory_space<vmem>> -> memref<1x128xi32, #tpu.memory_space<vmem>>
    %dma_start3A_369 = tpu.memref_squeeze %dma_start3A_368 : memref<1x128xi32, #tpu.memory_space<vmem>> -> memref<128xi32, #tpu.memory_space<vmem>>
    %dma_start3A_370 = arith.constant 0 : i32
    %dma_start3A_371 = tpu.memref_slice %arg4[%dma_start3A_370] : memref<1000000xf32, #tpu.memory_space<hbm>> -> memref<1000000xf32, #tpu.memory_space<hbm>>
    tpu.enqueue_indirect_dma source(%dma_start3A_371 : memref<1000000xf32, #tpu.memory_space<hbm>>) target(%dma_start3A_366 : memref<128xf32, #tpu.memory_space<vmem>>) offsets(%dma_start3A_369 : memref<128xi32, #tpu.memory_space<vmem>>) semaphore(%arg19 : memref<!tpu.dma_semaphore, #tpu.memory_space<semaphore_mem>>)
    %dma_start3A_372 = arith.constant 16 : i32
    %dma_start3A_373 = arith.constant 16 : i32
    %dma_start3A_374 = arith.constant 0 : i32
    %dma_start3A_375 = tpu.memref_slice %arg10[%dma_start3A_373, %dma_start3A_374] : memref<25x128xi32, #tpu.memory_space<vmem>> -> memref<1x128xi32, #tpu.memory_space<vmem>>
    %dma_start3A_376 = tpu.memref_squeeze %dma_start3A_375 : memref<1x128xi32, #tpu.memory_space<vmem>> -> memref<128xi32, #tpu.memory_space<vmem>>
    %dma_start3A_377 = arith.constant 0 : i32
    %dma_start3A_378 = tpu.memref_slice %arg9[%dma_start3A_372, %dma_start3A_377] : memref<25x128xi32, #tpu.memory_space<vmem>> -> memref<1x128xi32, #tpu.memory_space<vmem>>
    %dma_start3A_379 = tpu.memref_squeeze %dma_start3A_378 : memref<1x128xi32, #tpu.memory_space<vmem>> -> memref<128xi32, #tpu.memory_space<vmem>>
    %dma_start3A_380 = arith.constant 0 : i32
    %dma_start3A_381 = tpu.memref_slice %arg3[%dma_start3A_380] : memref<1000000xi32, #tpu.memory_space<hbm>> -> memref<1000000xi32, #tpu.memory_space<hbm>>
    tpu.enqueue_indirect_dma source(%dma_start3A_381 : memref<1000000xi32, #tpu.memory_space<hbm>>) target(%dma_start3A_376 : memref<128xi32, #tpu.memory_space<vmem>>) offsets(%dma_start3A_379 : memref<128xi32, #tpu.memory_space<vmem>>) semaphore(%arg18 : memref<!tpu.dma_semaphore, #tpu.memory_space<semaphore_mem>>)
    %dma_start3A_382 = arith.constant 16 : i32
    %dma_start3A_383 = arith.constant 16 : i32
    %dma_start3A_384 = arith.constant 0 : i32
    %dma_start3A_385 = tpu.memref_slice %arg11[%dma_start3A_383, %dma_start3A_384] : memref<25x128xf32, #tpu.memory_space<vmem>> -> memref<1x128xf32, #tpu.memory_space<vmem>>
    %dma_start3A_386 = tpu.memref_squeeze %dma_start3A_385 : memref<1x128xf32, #tpu.memory_space<vmem>> -> memref<128xf32, #tpu.memory_space<vmem>>
    %dma_start3A_387 = arith.constant 0 : i32
    %dma_start3A_388 = tpu.memref_slice %arg9[%dma_start3A_382, %dma_start3A_387] : memref<25x128xi32, #tpu.memory_space<vmem>> -> memref<1x128xi32, #tpu.memory_space<vmem>>
    %dma_start3A_389 = tpu.memref_squeeze %dma_start3A_388 : memref<1x128xi32, #tpu.memory_space<vmem>> -> memref<128xi32, #tpu.memory_space<vmem>>
    %dma_start3A_390 = arith.constant 0 : i32
    %dma_start3A_391 = tpu.memref_slice %arg4[%dma_start3A_390] : memref<1000000xf32, #tpu.memory_space<hbm>> -> memref<1000000xf32, #tpu.memory_space<hbm>>
    tpu.enqueue_indirect_dma source(%dma_start3A_391 : memref<1000000xf32, #tpu.memory_space<hbm>>) target(%dma_start3A_386 : memref<128xf32, #tpu.memory_space<vmem>>) offsets(%dma_start3A_389 : memref<128xi32, #tpu.memory_space<vmem>>) semaphore(%arg19 : memref<!tpu.dma_semaphore, #tpu.memory_space<semaphore_mem>>)
    %dma_start3A_392 = arith.constant 17 : i32
    %dma_start3A_393 = arith.constant 17 : i32
    %dma_start3A_394 = arith.constant 0 : i32
    %dma_start3A_395 = tpu.memref_slice %arg10[%dma_start3A_393, %dma_start3A_394] : memref<25x128xi32, #tpu.memory_space<vmem>> -> memref<1x128xi32, #tpu.memory_space<vmem>>
    %dma_start3A_396 = tpu.memref_squeeze %dma_start3A_395 : memref<1x128xi32, #tpu.memory_space<vmem>> -> memref<128xi32, #tpu.memory_space<vmem>>
    %dma_start3A_397 = arith.constant 0 : i32
    %dma_start3A_398 = tpu.memref_slice %arg9[%dma_start3A_392, %dma_start3A_397] : memref<25x128xi32, #tpu.memory_space<vmem>> -> memref<1x128xi32, #tpu.memory_space<vmem>>
    %dma_start3A_399 = tpu.memref_squeeze %dma_start3A_398 : memref<1x128xi32, #tpu.memory_space<vmem>> -> memref<128xi32, #tpu.memory_space<vmem>>
    %dma_start3A_400 = arith.constant 0 : i32
    %dma_start3A_401 = tpu.memref_slice %arg3[%dma_start3A_400] : memref<1000000xi32, #tpu.memory_space<hbm>> -> memref<1000000xi32, #tpu.memory_space<hbm>>
    tpu.enqueue_indirect_dma source(%dma_start3A_401 : memref<1000000xi32, #tpu.memory_space<hbm>>) target(%dma_start3A_396 : memref<128xi32, #tpu.memory_space<vmem>>) offsets(%dma_start3A_399 : memref<128xi32, #tpu.memory_space<vmem>>) semaphore(%arg18 : memref<!tpu.dma_semaphore, #tpu.memory_space<semaphore_mem>>)
    %dma_start3A_402 = arith.constant 17 : i32
    %dma_start3A_403 = arith.constant 17 : i32
    %dma_start3A_404 = arith.constant 0 : i32
    %dma_start3A_405 = tpu.memref_slice %arg11[%dma_start3A_403, %dma_start3A_404] : memref<25x128xf32, #tpu.memory_space<vmem>> -> memref<1x128xf32, #tpu.memory_space<vmem>>
    %dma_start3A_406 = tpu.memref_squeeze %dma_start3A_405 : memref<1x128xf32, #tpu.memory_space<vmem>> -> memref<128xf32, #tpu.memory_space<vmem>>
    %dma_start3A_407 = arith.constant 0 : i32
    %dma_start3A_408 = tpu.memref_slice %arg9[%dma_start3A_402, %dma_start3A_407] : memref<25x128xi32, #tpu.memory_space<vmem>> -> memref<1x128xi32, #tpu.memory_space<vmem>>
    %dma_start3A_409 = tpu.memref_squeeze %dma_start3A_408 : memref<1x128xi32, #tpu.memory_space<vmem>> -> memref<128xi32, #tpu.memory_space<vmem>>
    %dma_start3A_410 = arith.constant 0 : i32
    %dma_start3A_411 = tpu.memref_slice %arg4[%dma_start3A_410] : memref<1000000xf32, #tpu.memory_space<hbm>> -> memref<1000000xf32, #tpu.memory_space<hbm>>
    tpu.enqueue_indirect_dma source(%dma_start3A_411 : memref<1000000xf32, #tpu.memory_space<hbm>>) target(%dma_start3A_406 : memref<128xf32, #tpu.memory_space<vmem>>) offsets(%dma_start3A_409 : memref<128xi32, #tpu.memory_space<vmem>>) semaphore(%arg19 : memref<!tpu.dma_semaphore, #tpu.memory_space<semaphore_mem>>)
    %dma_start3A_412 = arith.constant 18 : i32
    %dma_start3A_413 = arith.constant 18 : i32
    %dma_start3A_414 = arith.constant 0 : i32
    %dma_start3A_415 = tpu.memref_slice %arg10[%dma_start3A_413, %dma_start3A_414] : memref<25x128xi32, #tpu.memory_space<vmem>> -> memref<1x128xi32, #tpu.memory_space<vmem>>
    %dma_start3A_416 = tpu.memref_squeeze %dma_start3A_415 : memref<1x128xi32, #tpu.memory_space<vmem>> -> memref<128xi32, #tpu.memory_space<vmem>>
    %dma_start3A_417 = arith.constant 0 : i32
    %dma_start3A_418 = tpu.memref_slice %arg9[%dma_start3A_412, %dma_start3A_417] : memref<25x128xi32, #tpu.memory_space<vmem>> -> memref<1x128xi32, #tpu.memory_space<vmem>>
    %dma_start3A_419 = tpu.memref_squeeze %dma_start3A_418 : memref<1x128xi32, #tpu.memory_space<vmem>> -> memref<128xi32, #tpu.memory_space<vmem>>
    %dma_start3A_420 = arith.constant 0 : i32
    %dma_start3A_421 = tpu.memref_slice %arg3[%dma_start3A_420] : memref<1000000xi32, #tpu.memory_space<hbm>> -> memref<1000000xi32, #tpu.memory_space<hbm>>
    tpu.enqueue_indirect_dma source(%dma_start3A_421 : memref<1000000xi32, #tpu.memory_space<hbm>>) target(%dma_start3A_416 : memref<128xi32, #tpu.memory_space<vmem>>) offsets(%dma_start3A_419 : memref<128xi32, #tpu.memory_space<vmem>>) semaphore(%arg18 : memref<!tpu.dma_semaphore, #tpu.memory_space<semaphore_mem>>)
    %dma_start3A_422 = arith.constant 18 : i32
    %dma_start3A_423 = arith.constant 18 : i32
    %dma_start3A_424 = arith.constant 0 : i32
    %dma_start3A_425 = tpu.memref_slice %arg11[%dma_start3A_423, %dma_start3A_424] : memref<25x128xf32, #tpu.memory_space<vmem>> -> memref<1x128xf32, #tpu.memory_space<vmem>>
    %dma_start3A_426 = tpu.memref_squeeze %dma_start3A_425 : memref<1x128xf32, #tpu.memory_space<vmem>> -> memref<128xf32, #tpu.memory_space<vmem>>
    %dma_start3A_427 = arith.constant 0 : i32
    %dma_start3A_428 = tpu.memref_slice %arg9[%dma_start3A_422, %dma_start3A_427] : memref<25x128xi32, #tpu.memory_space<vmem>> -> memref<1x128xi32, #tpu.memory_space<vmem>>
    %dma_start3A_429 = tpu.memref_squeeze %dma_start3A_428 : memref<1x128xi32, #tpu.memory_space<vmem>> -> memref<128xi32, #tpu.memory_space<vmem>>
    %dma_start3A_430 = arith.constant 0 : i32
    %dma_start3A_431 = tpu.memref_slice %arg4[%dma_start3A_430] : memref<1000000xf32, #tpu.memory_space<hbm>> -> memref<1000000xf32, #tpu.memory_space<hbm>>
    tpu.enqueue_indirect_dma source(%dma_start3A_431 : memref<1000000xf32, #tpu.memory_space<hbm>>) target(%dma_start3A_426 : memref<128xf32, #tpu.memory_space<vmem>>) offsets(%dma_start3A_429 : memref<128xi32, #tpu.memory_space<vmem>>) semaphore(%arg19 : memref<!tpu.dma_semaphore, #tpu.memory_space<semaphore_mem>>)
    %dma_start3A_432 = arith.constant 19 : i32
    %dma_start3A_433 = arith.constant 19 : i32
    %dma_start3A_434 = arith.constant 0 : i32
    %dma_start3A_435 = tpu.memref_slice %arg10[%dma_start3A_433, %dma_start3A_434] : memref<25x128xi32, #tpu.memory_space<vmem>> -> memref<1x128xi32, #tpu.memory_space<vmem>>
    %dma_start3A_436 = tpu.memref_squeeze %dma_start3A_435 : memref<1x128xi32, #tpu.memory_space<vmem>> -> memref<128xi32, #tpu.memory_space<vmem>>
    %dma_start3A_437 = arith.constant 0 : i32
    %dma_start3A_438 = tpu.memref_slice %arg9[%dma_start3A_432, %dma_start3A_437] : memref<25x128xi32, #tpu.memory_space<vmem>> -> memref<1x128xi32, #tpu.memory_space<vmem>>
    %dma_start3A_439 = tpu.memref_squeeze %dma_start3A_438 : memref<1x128xi32, #tpu.memory_space<vmem>> -> memref<128xi32, #tpu.memory_space<vmem>>
    %dma_start3A_440 = arith.constant 0 : i32
    %dma_start3A_441 = tpu.memref_slice %arg3[%dma_start3A_440] : memref<1000000xi32, #tpu.memory_space<hbm>> -> memref<1000000xi32, #tpu.memory_space<hbm>>
    tpu.enqueue_indirect_dma source(%dma_start3A_441 : memref<1000000xi32, #tpu.memory_space<hbm>>) target(%dma_start3A_436 : memref<128xi32, #tpu.memory_space<vmem>>) offsets(%dma_start3A_439 : memref<128xi32, #tpu.memory_space<vmem>>) semaphore(%arg18 : memref<!tpu.dma_semaphore, #tpu.memory_space<semaphore_mem>>)
    %dma_start3A_442 = arith.constant 19 : i32
    %dma_start3A_443 = arith.constant 19 : i32
    %dma_start3A_444 = arith.constant 0 : i32
    %dma_start3A_445 = tpu.memref_slice %arg11[%dma_start3A_443, %dma_start3A_444] : memref<25x128xf32, #tpu.memory_space<vmem>> -> memref<1x128xf32, #tpu.memory_space<vmem>>
    %dma_start3A_446 = tpu.memref_squeeze %dma_start3A_445 : memref<1x128xf32, #tpu.memory_space<vmem>> -> memref<128xf32, #tpu.memory_space<vmem>>
    %dma_start3A_447 = arith.constant 0 : i32
    %dma_start3A_448 = tpu.memref_slice %arg9[%dma_start3A_442, %dma_start3A_447] : memref<25x128xi32, #tpu.memory_space<vmem>> -> memref<1x128xi32, #tpu.memory_space<vmem>>
    %dma_start3A_449 = tpu.memref_squeeze %dma_start3A_448 : memref<1x128xi32, #tpu.memory_space<vmem>> -> memref<128xi32, #tpu.memory_space<vmem>>
    %dma_start3A_450 = arith.constant 0 : i32
    %dma_start3A_451 = tpu.memref_slice %arg4[%dma_start3A_450] : memref<1000000xf32, #tpu.memory_space<hbm>> -> memref<1000000xf32, #tpu.memory_space<hbm>>
    tpu.enqueue_indirect_dma source(%dma_start3A_451 : memref<1000000xf32, #tpu.memory_space<hbm>>) target(%dma_start3A_446 : memref<128xf32, #tpu.memory_space<vmem>>) offsets(%dma_start3A_449 : memref<128xi32, #tpu.memory_space<vmem>>) semaphore(%arg19 : memref<!tpu.dma_semaphore, #tpu.memory_space<semaphore_mem>>)
    %dma_start3A_452 = arith.constant 20 : i32
    %dma_start3A_453 = arith.constant 20 : i32
    %dma_start3A_454 = arith.constant 0 : i32
    %dma_start3A_455 = tpu.memref_slice %arg10[%dma_start3A_453, %dma_start3A_454] : memref<25x128xi32, #tpu.memory_space<vmem>> -> memref<1x128xi32, #tpu.memory_space<vmem>>
    %dma_start3A_456 = tpu.memref_squeeze %dma_start3A_455 : memref<1x128xi32, #tpu.memory_space<vmem>> -> memref<128xi32, #tpu.memory_space<vmem>>
    %dma_start3A_457 = arith.constant 0 : i32
    %dma_start3A_458 = tpu.memref_slice %arg9[%dma_start3A_452, %dma_start3A_457] : memref<25x128xi32, #tpu.memory_space<vmem>> -> memref<1x128xi32, #tpu.memory_space<vmem>>
    %dma_start3A_459 = tpu.memref_squeeze %dma_start3A_458 : memref<1x128xi32, #tpu.memory_space<vmem>> -> memref<128xi32, #tpu.memory_space<vmem>>
    %dma_start3A_460 = arith.constant 0 : i32
    %dma_start3A_461 = tpu.memref_slice %arg3[%dma_start3A_460] : memref<1000000xi32, #tpu.memory_space<hbm>> -> memref<1000000xi32, #tpu.memory_space<hbm>>
    tpu.enqueue_indirect_dma source(%dma_start3A_461 : memref<1000000xi32, #tpu.memory_space<hbm>>) target(%dma_start3A_456 : memref<128xi32, #tpu.memory_space<vmem>>) offsets(%dma_start3A_459 : memref<128xi32, #tpu.memory_space<vmem>>) semaphore(%arg18 : memref<!tpu.dma_semaphore, #tpu.memory_space<semaphore_mem>>)
    %dma_start3A_462 = arith.constant 20 : i32
    %dma_start3A_463 = arith.constant 20 : i32
    %dma_start3A_464 = arith.constant 0 : i32
    %dma_start3A_465 = tpu.memref_slice %arg11[%dma_start3A_463, %dma_start3A_464] : memref<25x128xf32, #tpu.memory_space<vmem>> -> memref<1x128xf32, #tpu.memory_space<vmem>>
    %dma_start3A_466 = tpu.memref_squeeze %dma_start3A_465 : memref<1x128xf32, #tpu.memory_space<vmem>> -> memref<128xf32, #tpu.memory_space<vmem>>
    %dma_start3A_467 = arith.constant 0 : i32
    %dma_start3A_468 = tpu.memref_slice %arg9[%dma_start3A_462, %dma_start3A_467] : memref<25x128xi32, #tpu.memory_space<vmem>> -> memref<1x128xi32, #tpu.memory_space<vmem>>
    %dma_start3A_469 = tpu.memref_squeeze %dma_start3A_468 : memref<1x128xi32, #tpu.memory_space<vmem>> -> memref<128xi32, #tpu.memory_space<vmem>>
    %dma_start3A_470 = arith.constant 0 : i32
    %dma_start3A_471 = tpu.memref_slice %arg4[%dma_start3A_470] : memref<1000000xf32, #tpu.memory_space<hbm>> -> memref<1000000xf32, #tpu.memory_space<hbm>>
    tpu.enqueue_indirect_dma source(%dma_start3A_471 : memref<1000000xf32, #tpu.memory_space<hbm>>) target(%dma_start3A_466 : memref<128xf32, #tpu.memory_space<vmem>>) offsets(%dma_start3A_469 : memref<128xi32, #tpu.memory_space<vmem>>) semaphore(%arg19 : memref<!tpu.dma_semaphore, #tpu.memory_space<semaphore_mem>>)
    %dma_start3A_472 = arith.constant 21 : i32
    %dma_start3A_473 = arith.constant 21 : i32
    %dma_start3A_474 = arith.constant 0 : i32
    %dma_start3A_475 = tpu.memref_slice %arg10[%dma_start3A_473, %dma_start3A_474] : memref<25x128xi32, #tpu.memory_space<vmem>> -> memref<1x128xi32, #tpu.memory_space<vmem>>
    %dma_start3A_476 = tpu.memref_squeeze %dma_start3A_475 : memref<1x128xi32, #tpu.memory_space<vmem>> -> memref<128xi32, #tpu.memory_space<vmem>>
    %dma_start3A_477 = arith.constant 0 : i32
    %dma_start3A_478 = tpu.memref_slice %arg9[%dma_start3A_472, %dma_start3A_477] : memref<25x128xi32, #tpu.memory_space<vmem>> -> memref<1x128xi32, #tpu.memory_space<vmem>>
    %dma_start3A_479 = tpu.memref_squeeze %dma_start3A_478 : memref<1x128xi32, #tpu.memory_space<vmem>> -> memref<128xi32, #tpu.memory_space<vmem>>
    %dma_start3A_480 = arith.constant 0 : i32
    %dma_start3A_481 = tpu.memref_slice %arg3[%dma_start3A_480] : memref<1000000xi32, #tpu.memory_space<hbm>> -> memref<1000000xi32, #tpu.memory_space<hbm>>
    tpu.enqueue_indirect_dma source(%dma_start3A_481 : memref<1000000xi32, #tpu.memory_space<hbm>>) target(%dma_start3A_476 : memref<128xi32, #tpu.memory_space<vmem>>) offsets(%dma_start3A_479 : memref<128xi32, #tpu.memory_space<vmem>>) semaphore(%arg18 : memref<!tpu.dma_semaphore, #tpu.memory_space<semaphore_mem>>)
    %dma_start3A_482 = arith.constant 21 : i32
    %dma_start3A_483 = arith.constant 21 : i32
    %dma_start3A_484 = arith.constant 0 : i32
    %dma_start3A_485 = tpu.memref_slice %arg11[%dma_start3A_483, %dma_start3A_484] : memref<25x128xf32, #tpu.memory_space<vmem>> -> memref<1x128xf32, #tpu.memory_space<vmem>>
    %dma_start3A_486 = tpu.memref_squeeze %dma_start3A_485 : memref<1x128xf32, #tpu.memory_space<vmem>> -> memref<128xf32, #tpu.memory_space<vmem>>
    %dma_start3A_487 = arith.constant 0 : i32
    %dma_start3A_488 = tpu.memref_slice %arg9[%dma_start3A_482, %dma_start3A_487] : memref<25x128xi32, #tpu.memory_space<vmem>> -> memref<1x128xi32, #tpu.memory_space<vmem>>
    %dma_start3A_489 = tpu.memref_squeeze %dma_start3A_488 : memref<1x128xi32, #tpu.memory_space<vmem>> -> memref<128xi32, #tpu.memory_space<vmem>>
    %dma_start3A_490 = arith.constant 0 : i32
    %dma_start3A_491 = tpu.memref_slice %arg4[%dma_start3A_490] : memref<1000000xf32, #tpu.memory_space<hbm>> -> memref<1000000xf32, #tpu.memory_space<hbm>>
    tpu.enqueue_indirect_dma source(%dma_start3A_491 : memref<1000000xf32, #tpu.memory_space<hbm>>) target(%dma_start3A_486 : memref<128xf32, #tpu.memory_space<vmem>>) offsets(%dma_start3A_489 : memref<128xi32, #tpu.memory_space<vmem>>) semaphore(%arg19 : memref<!tpu.dma_semaphore, #tpu.memory_space<semaphore_mem>>)
    %dma_start3A_492 = arith.constant 22 : i32
    %dma_start3A_493 = arith.constant 22 : i32
    %dma_start3A_494 = arith.constant 0 : i32
    %dma_start3A_495 = tpu.memref_slice %arg10[%dma_start3A_493, %dma_start3A_494] : memref<25x128xi32, #tpu.memory_space<vmem>> -> memref<1x128xi32, #tpu.memory_space<vmem>>
    %dma_start3A_496 = tpu.memref_squeeze %dma_start3A_495 : memref<1x128xi32, #tpu.memory_space<vmem>> -> memref<128xi32, #tpu.memory_space<vmem>>
    %dma_start3A_497 = arith.constant 0 : i32
    %dma_start3A_498 = tpu.memref_slice %arg9[%dma_start3A_492, %dma_start3A_497] : memref<25x128xi32, #tpu.memory_space<vmem>> -> memref<1x128xi32, #tpu.memory_space<vmem>>
    %dma_start3A_499 = tpu.memref_squeeze %dma_start3A_498 : memref<1x128xi32, #tpu.memory_space<vmem>> -> memref<128xi32, #tpu.memory_space<vmem>>
    %dma_start3A_500 = arith.constant 0 : i32
    %dma_start3A_501 = tpu.memref_slice %arg3[%dma_start3A_500] : memref<1000000xi32, #tpu.memory_space<hbm>> -> memref<1000000xi32, #tpu.memory_space<hbm>>
    tpu.enqueue_indirect_dma source(%dma_start3A_501 : memref<1000000xi32, #tpu.memory_space<hbm>>) target(%dma_start3A_496 : memref<128xi32, #tpu.memory_space<vmem>>) offsets(%dma_start3A_499 : memref<128xi32, #tpu.memory_space<vmem>>) semaphore(%arg18 : memref<!tpu.dma_semaphore, #tpu.memory_space<semaphore_mem>>)
    %dma_start3A_502 = arith.constant 22 : i32
    %dma_start3A_503 = arith.constant 22 : i32
    %dma_start3A_504 = arith.constant 0 : i32
    %dma_start3A_505 = tpu.memref_slice %arg11[%dma_start3A_503, %dma_start3A_504] : memref<25x128xf32, #tpu.memory_space<vmem>> -> memref<1x128xf32, #tpu.memory_space<vmem>>
    %dma_start3A_506 = tpu.memref_squeeze %dma_start3A_505 : memref<1x128xf32, #tpu.memory_space<vmem>> -> memref<128xf32, #tpu.memory_space<vmem>>
    %dma_start3A_507 = arith.constant 0 : i32
    %dma_start3A_508 = tpu.memref_slice %arg9[%dma_start3A_502, %dma_start3A_507] : memref<25x128xi32, #tpu.memory_space<vmem>> -> memref<1x128xi32, #tpu.memory_space<vmem>>
    %dma_start3A_509 = tpu.memref_squeeze %dma_start3A_508 : memref<1x128xi32, #tpu.memory_space<vmem>> -> memref<128xi32, #tpu.memory_space<vmem>>
    %dma_start3A_510 = arith.constant 0 : i32
    %dma_start3A_511 = tpu.memref_slice %arg4[%dma_start3A_510] : memref<1000000xf32, #tpu.memory_space<hbm>> -> memref<1000000xf32, #tpu.memory_space<hbm>>
    tpu.enqueue_indirect_dma source(%dma_start3A_511 : memref<1000000xf32, #tpu.memory_space<hbm>>) target(%dma_start3A_506 : memref<128xf32, #tpu.memory_space<vmem>>) offsets(%dma_start3A_509 : memref<128xi32, #tpu.memory_space<vmem>>) semaphore(%arg19 : memref<!tpu.dma_semaphore, #tpu.memory_space<semaphore_mem>>)
    %dma_start3A_512 = arith.constant 23 : i32
    %dma_start3A_513 = arith.constant 23 : i32
    %dma_start3A_514 = arith.constant 0 : i32
    %dma_start3A_515 = tpu.memref_slice %arg10[%dma_start3A_513, %dma_start3A_514] : memref<25x128xi32, #tpu.memory_space<vmem>> -> memref<1x128xi32, #tpu.memory_space<vmem>>
    %dma_start3A_516 = tpu.memref_squeeze %dma_start3A_515 : memref<1x128xi32, #tpu.memory_space<vmem>> -> memref<128xi32, #tpu.memory_space<vmem>>
    %dma_start3A_517 = arith.constant 0 : i32
    %dma_start3A_518 = tpu.memref_slice %arg9[%dma_start3A_512, %dma_start3A_517] : memref<25x128xi32, #tpu.memory_space<vmem>> -> memref<1x128xi32, #tpu.memory_space<vmem>>
    %dma_start3A_519 = tpu.memref_squeeze %dma_start3A_518 : memref<1x128xi32, #tpu.memory_space<vmem>> -> memref<128xi32, #tpu.memory_space<vmem>>
    %dma_start3A_520 = arith.constant 0 : i32
    %dma_start3A_521 = tpu.memref_slice %arg3[%dma_start3A_520] : memref<1000000xi32, #tpu.memory_space<hbm>> -> memref<1000000xi32, #tpu.memory_space<hbm>>
    tpu.enqueue_indirect_dma source(%dma_start3A_521 : memref<1000000xi32, #tpu.memory_space<hbm>>) target(%dma_start3A_516 : memref<128xi32, #tpu.memory_space<vmem>>) offsets(%dma_start3A_519 : memref<128xi32, #tpu.memory_space<vmem>>) semaphore(%arg18 : memref<!tpu.dma_semaphore, #tpu.memory_space<semaphore_mem>>)
    %dma_start3A_522 = arith.constant 23 : i32
    %dma_start3A_523 = arith.constant 23 : i32
    %dma_start3A_524 = arith.constant 0 : i32
    %dma_start3A_525 = tpu.memref_slice %arg11[%dma_start3A_523, %dma_start3A_524] : memref<25x128xf32, #tpu.memory_space<vmem>> -> memref<1x128xf32, #tpu.memory_space<vmem>>
    %dma_start3A_526 = tpu.memref_squeeze %dma_start3A_525 : memref<1x128xf32, #tpu.memory_space<vmem>> -> memref<128xf32, #tpu.memory_space<vmem>>
    %dma_start3A_527 = arith.constant 0 : i32
    %dma_start3A_528 = tpu.memref_slice %arg9[%dma_start3A_522, %dma_start3A_527] : memref<25x128xi32, #tpu.memory_space<vmem>> -> memref<1x128xi32, #tpu.memory_space<vmem>>
    %dma_start3A_529 = tpu.memref_squeeze %dma_start3A_528 : memref<1x128xi32, #tpu.memory_space<vmem>> -> memref<128xi32, #tpu.memory_space<vmem>>
    %dma_start3A_530 = arith.constant 0 : i32
    %dma_start3A_531 = tpu.memref_slice %arg4[%dma_start3A_530] : memref<1000000xf32, #tpu.memory_space<hbm>> -> memref<1000000xf32, #tpu.memory_space<hbm>>
    tpu.enqueue_indirect_dma source(%dma_start3A_531 : memref<1000000xf32, #tpu.memory_space<hbm>>) target(%dma_start3A_526 : memref<128xf32, #tpu.memory_space<vmem>>) offsets(%dma_start3A_529 : memref<128xi32, #tpu.memory_space<vmem>>) semaphore(%arg19 : memref<!tpu.dma_semaphore, #tpu.memory_space<semaphore_mem>>)
    %dma_start3A_532 = arith.constant 24 : i32
    %dma_start3A_533 = arith.constant 24 : i32
    %dma_start3A_534 = arith.constant 0 : i32
    %dma_start3A_535 = tpu.memref_slice %arg10[%dma_start3A_533, %dma_start3A_534] : memref<25x128xi32, #tpu.memory_space<vmem>> -> memref<1x128xi32, #tpu.memory_space<vmem>>
    %dma_start3A_536 = tpu.memref_squeeze %dma_start3A_535 : memref<1x128xi32, #tpu.memory_space<vmem>> -> memref<128xi32, #tpu.memory_space<vmem>>
    %dma_start3A_537 = arith.constant 0 : i32
    %dma_start3A_538 = tpu.memref_slice %arg9[%dma_start3A_532, %dma_start3A_537] : memref<25x128xi32, #tpu.memory_space<vmem>> -> memref<1x128xi32, #tpu.memory_space<vmem>>
    %dma_start3A_539 = tpu.memref_squeeze %dma_start3A_538 : memref<1x128xi32, #tpu.memory_space<vmem>> -> memref<128xi32, #tpu.memory_space<vmem>>
    %dma_start3A_540 = arith.constant 0 : i32
    %dma_start3A_541 = tpu.memref_slice %arg3[%dma_start3A_540] : memref<1000000xi32, #tpu.memory_space<hbm>> -> memref<1000000xi32, #tpu.memory_space<hbm>>
    tpu.enqueue_indirect_dma source(%dma_start3A_541 : memref<1000000xi32, #tpu.memory_space<hbm>>) target(%dma_start3A_536 : memref<128xi32, #tpu.memory_space<vmem>>) offsets(%dma_start3A_539 : memref<128xi32, #tpu.memory_space<vmem>>) semaphore(%arg18 : memref<!tpu.dma_semaphore, #tpu.memory_space<semaphore_mem>>)
    %dma_start3A_542 = arith.constant 24 : i32
    %dma_start3A_543 = arith.constant 24 : i32
    %dma_start3A_544 = arith.constant 0 : i32
    %dma_start3A_545 = tpu.memref_slice %arg11[%dma_start3A_543, %dma_start3A_544] : memref<25x128xf32, #tpu.memory_space<vmem>> -> memref<1x128xf32, #tpu.memory_space<vmem>>
    %dma_start3A_546 = tpu.memref_squeeze %dma_start3A_545 : memref<1x128xf32, #tpu.memory_space<vmem>> -> memref<128xf32, #tpu.memory_space<vmem>>
    %dma_start3A_547 = arith.constant 0 : i32
    %dma_start3A_548 = tpu.memref_slice %arg9[%dma_start3A_542, %dma_start3A_547] : memref<25x128xi32, #tpu.memory_space<vmem>> -> memref<1x128xi32, #tpu.memory_space<vmem>>
    %dma_start3A_549 = tpu.memref_squeeze %dma_start3A_548 : memref<1x128xi32, #tpu.memory_space<vmem>> -> memref<128xi32, #tpu.memory_space<vmem>>
    %dma_start3A_550 = arith.constant 0 : i32
    %dma_start3A_551 = tpu.memref_slice %arg4[%dma_start3A_550] : memref<1000000xf32, #tpu.memory_space<hbm>> -> memref<1000000xf32, #tpu.memory_space<hbm>>
    tpu.enqueue_indirect_dma source(%dma_start3A_551 : memref<1000000xf32, #tpu.memory_space<hbm>>) target(%dma_start3A_546 : memref<128xf32, #tpu.memory_space<vmem>>) offsets(%dma_start3A_549 : memref<128xi32, #tpu.memory_space<vmem>>) semaphore(%arg19 : memref<!tpu.dma_semaphore, #tpu.memory_space<semaphore_mem>>)
    %dma_wait3A_552 = arith.constant 0 : i32
    %dma_wait3A_553 = arith.constant 0 : i32
    %dma_wait3A_554 = arith.constant 0 : i32
    %dma_wait3A_555 = tpu.memref_slice %arg10[%dma_wait3A_553, %dma_wait3A_554] : memref<25x128xi32, #tpu.memory_space<vmem>> -> memref<1x128xi32, #tpu.memory_space<vmem>>
    %dma_wait3A_556 = tpu.memref_squeeze %dma_wait3A_555 : memref<1x128xi32, #tpu.memory_space<vmem>> -> memref<128xi32, #tpu.memory_space<vmem>>
    %dma_wait3A_557 = arith.constant 0 : i32
    %dma_wait3A_558 = tpu.memref_slice %arg9[%dma_wait3A_552, %dma_wait3A_557] : memref<25x128xi32, #tpu.memory_space<vmem>> -> memref<1x128xi32, #tpu.memory_space<vmem>>
    %dma_wait3A_559 = tpu.memref_squeeze %dma_wait3A_558 : memref<1x128xi32, #tpu.memory_space<vmem>> -> memref<128xi32, #tpu.memory_space<vmem>>
    %dma_wait3A_560 = arith.constant 0 : i32
    %dma_wait3A_561 = tpu.memref_slice %arg3[%dma_wait3A_560] : memref<1000000xi32, #tpu.memory_space<hbm>> -> memref<1000000xi32, #tpu.memory_space<hbm>>
    tpu.wait_indirect_dma semaphore(%arg18 : memref<!tpu.dma_semaphore, #tpu.memory_space<semaphore_mem>>) src(%dma_wait3A_561 : memref<1000000xi32, #tpu.memory_space<hbm>>) dst(%dma_wait3A_556 : memref<128xi32, #tpu.memory_space<vmem>>)
    %dma_wait3A_562 = arith.constant 0 : i32
    %dma_wait3A_563 = arith.constant 0 : i32
    %dma_wait3A_564 = arith.constant 0 : i32
    %dma_wait3A_565 = tpu.memref_slice %arg11[%dma_wait3A_563, %dma_wait3A_564] : memref<25x128xf32, #tpu.memory_space<vmem>> -> memref<1x128xf32, #tpu.memory_space<vmem>>
    %dma_wait3A_566 = tpu.memref_squeeze %dma_wait3A_565 : memref<1x128xf32, #tpu.memory_space<vmem>> -> memref<128xf32, #tpu.memory_space<vmem>>
    %dma_wait3A_567 = arith.constant 0 : i32
    %dma_wait3A_568 = tpu.memref_slice %arg9[%dma_wait3A_562, %dma_wait3A_567] : memref<25x128xi32, #tpu.memory_space<vmem>> -> memref<1x128xi32, #tpu.memory_space<vmem>>
    %dma_wait3A_569 = tpu.memref_squeeze %dma_wait3A_568 : memref<1x128xi32, #tpu.memory_space<vmem>> -> memref<128xi32, #tpu.memory_space<vmem>>
    %dma_wait3A_570 = arith.constant 0 : i32
    %dma_wait3A_571 = tpu.memref_slice %arg4[%dma_wait3A_570] : memref<1000000xf32, #tpu.memory_space<hbm>> -> memref<1000000xf32, #tpu.memory_space<hbm>>
    tpu.wait_indirect_dma semaphore(%arg19 : memref<!tpu.dma_semaphore, #tpu.memory_space<semaphore_mem>>) src(%dma_wait3A_571 : memref<1000000xf32, #tpu.memory_space<hbm>>) dst(%dma_wait3A_566 : memref<128xf32, #tpu.memory_space<vmem>>)
    %dma_wait3A_572 = arith.constant 1 : i32
    %dma_wait3A_573 = arith.constant 1 : i32
    %dma_wait3A_574 = arith.constant 0 : i32
    %dma_wait3A_575 = tpu.memref_slice %arg10[%dma_wait3A_573, %dma_wait3A_574] : memref<25x128xi32, #tpu.memory_space<vmem>> -> memref<1x128xi32, #tpu.memory_space<vmem>>
    %dma_wait3A_576 = tpu.memref_squeeze %dma_wait3A_575 : memref<1x128xi32, #tpu.memory_space<vmem>> -> memref<128xi32, #tpu.memory_space<vmem>>
    %dma_wait3A_577 = arith.constant 0 : i32
    %dma_wait3A_578 = tpu.memref_slice %arg9[%dma_wait3A_572, %dma_wait3A_577] : memref<25x128xi32, #tpu.memory_space<vmem>> -> memref<1x128xi32, #tpu.memory_space<vmem>>
    %dma_wait3A_579 = tpu.memref_squeeze %dma_wait3A_578 : memref<1x128xi32, #tpu.memory_space<vmem>> -> memref<128xi32, #tpu.memory_space<vmem>>
    %dma_wait3A_580 = arith.constant 0 : i32
    %dma_wait3A_581 = tpu.memref_slice %arg3[%dma_wait3A_580] : memref<1000000xi32, #tpu.memory_space<hbm>> -> memref<1000000xi32, #tpu.memory_space<hbm>>
    tpu.wait_indirect_dma semaphore(%arg18 : memref<!tpu.dma_semaphore, #tpu.memory_space<semaphore_mem>>) src(%dma_wait3A_581 : memref<1000000xi32, #tpu.memory_space<hbm>>) dst(%dma_wait3A_576 : memref<128xi32, #tpu.memory_space<vmem>>)
    %dma_wait3A_582 = arith.constant 1 : i32
    %dma_wait3A_583 = arith.constant 1 : i32
    %dma_wait3A_584 = arith.constant 0 : i32
    %dma_wait3A_585 = tpu.memref_slice %arg11[%dma_wait3A_583, %dma_wait3A_584] : memref<25x128xf32, #tpu.memory_space<vmem>> -> memref<1x128xf32, #tpu.memory_space<vmem>>
    %dma_wait3A_586 = tpu.memref_squeeze %dma_wait3A_585 : memref<1x128xf32, #tpu.memory_space<vmem>> -> memref<128xf32, #tpu.memory_space<vmem>>
    %dma_wait3A_587 = arith.constant 0 : i32
    %dma_wait3A_588 = tpu.memref_slice %arg9[%dma_wait3A_582, %dma_wait3A_587] : memref<25x128xi32, #tpu.memory_space<vmem>> -> memref<1x128xi32, #tpu.memory_space<vmem>>
    %dma_wait3A_589 = tpu.memref_squeeze %dma_wait3A_588 : memref<1x128xi32, #tpu.memory_space<vmem>> -> memref<128xi32, #tpu.memory_space<vmem>>
    %dma_wait3A_590 = arith.constant 0 : i32
    %dma_wait3A_591 = tpu.memref_slice %arg4[%dma_wait3A_590] : memref<1000000xf32, #tpu.memory_space<hbm>> -> memref<1000000xf32, #tpu.memory_space<hbm>>
    tpu.wait_indirect_dma semaphore(%arg19 : memref<!tpu.dma_semaphore, #tpu.memory_space<semaphore_mem>>) src(%dma_wait3A_591 : memref<1000000xf32, #tpu.memory_space<hbm>>) dst(%dma_wait3A_586 : memref<128xf32, #tpu.memory_space<vmem>>)
    %dma_wait3A_592 = arith.constant 2 : i32
    %dma_wait3A_593 = arith.constant 2 : i32
    %dma_wait3A_594 = arith.constant 0 : i32
    %dma_wait3A_595 = tpu.memref_slice %arg10[%dma_wait3A_593, %dma_wait3A_594] : memref<25x128xi32, #tpu.memory_space<vmem>> -> memref<1x128xi32, #tpu.memory_space<vmem>>
    %dma_wait3A_596 = tpu.memref_squeeze %dma_wait3A_595 : memref<1x128xi32, #tpu.memory_space<vmem>> -> memref<128xi32, #tpu.memory_space<vmem>>
    %dma_wait3A_597 = arith.constant 0 : i32
    %dma_wait3A_598 = tpu.memref_slice %arg9[%dma_wait3A_592, %dma_wait3A_597] : memref<25x128xi32, #tpu.memory_space<vmem>> -> memref<1x128xi32, #tpu.memory_space<vmem>>
    %dma_wait3A_599 = tpu.memref_squeeze %dma_wait3A_598 : memref<1x128xi32, #tpu.memory_space<vmem>> -> memref<128xi32, #tpu.memory_space<vmem>>
    %dma_wait3A_600 = arith.constant 0 : i32
    %dma_wait3A_601 = tpu.memref_slice %arg3[%dma_wait3A_600] : memref<1000000xi32, #tpu.memory_space<hbm>> -> memref<1000000xi32, #tpu.memory_space<hbm>>
    tpu.wait_indirect_dma semaphore(%arg18 : memref<!tpu.dma_semaphore, #tpu.memory_space<semaphore_mem>>) src(%dma_wait3A_601 : memref<1000000xi32, #tpu.memory_space<hbm>>) dst(%dma_wait3A_596 : memref<128xi32, #tpu.memory_space<vmem>>)
    %dma_wait3A_602 = arith.constant 2 : i32
    %dma_wait3A_603 = arith.constant 2 : i32
    %dma_wait3A_604 = arith.constant 0 : i32
    %dma_wait3A_605 = tpu.memref_slice %arg11[%dma_wait3A_603, %dma_wait3A_604] : memref<25x128xf32, #tpu.memory_space<vmem>> -> memref<1x128xf32, #tpu.memory_space<vmem>>
    %dma_wait3A_606 = tpu.memref_squeeze %dma_wait3A_605 : memref<1x128xf32, #tpu.memory_space<vmem>> -> memref<128xf32, #tpu.memory_space<vmem>>
    %dma_wait3A_607 = arith.constant 0 : i32
    %dma_wait3A_608 = tpu.memref_slice %arg9[%dma_wait3A_602, %dma_wait3A_607] : memref<25x128xi32, #tpu.memory_space<vmem>> -> memref<1x128xi32, #tpu.memory_space<vmem>>
    %dma_wait3A_609 = tpu.memref_squeeze %dma_wait3A_608 : memref<1x128xi32, #tpu.memory_space<vmem>> -> memref<128xi32, #tpu.memory_space<vmem>>
    %dma_wait3A_610 = arith.constant 0 : i32
    %dma_wait3A_611 = tpu.memref_slice %arg4[%dma_wait3A_610] : memref<1000000xf32, #tpu.memory_space<hbm>> -> memref<1000000xf32, #tpu.memory_space<hbm>>
    tpu.wait_indirect_dma semaphore(%arg19 : memref<!tpu.dma_semaphore, #tpu.memory_space<semaphore_mem>>) src(%dma_wait3A_611 : memref<1000000xf32, #tpu.memory_space<hbm>>) dst(%dma_wait3A_606 : memref<128xf32, #tpu.memory_space<vmem>>)
    %dma_wait3A_612 = arith.constant 3 : i32
    %dma_wait3A_613 = arith.constant 3 : i32
    %dma_wait3A_614 = arith.constant 0 : i32
    %dma_wait3A_615 = tpu.memref_slice %arg10[%dma_wait3A_613, %dma_wait3A_614] : memref<25x128xi32, #tpu.memory_space<vmem>> -> memref<1x128xi32, #tpu.memory_space<vmem>>
    %dma_wait3A_616 = tpu.memref_squeeze %dma_wait3A_615 : memref<1x128xi32, #tpu.memory_space<vmem>> -> memref<128xi32, #tpu.memory_space<vmem>>
    %dma_wait3A_617 = arith.constant 0 : i32
    %dma_wait3A_618 = tpu.memref_slice %arg9[%dma_wait3A_612, %dma_wait3A_617] : memref<25x128xi32, #tpu.memory_space<vmem>> -> memref<1x128xi32, #tpu.memory_space<vmem>>
    %dma_wait3A_619 = tpu.memref_squeeze %dma_wait3A_618 : memref<1x128xi32, #tpu.memory_space<vmem>> -> memref<128xi32, #tpu.memory_space<vmem>>
    %dma_wait3A_620 = arith.constant 0 : i32
    %dma_wait3A_621 = tpu.memref_slice %arg3[%dma_wait3A_620] : memref<1000000xi32, #tpu.memory_space<hbm>> -> memref<1000000xi32, #tpu.memory_space<hbm>>
    tpu.wait_indirect_dma semaphore(%arg18 : memref<!tpu.dma_semaphore, #tpu.memory_space<semaphore_mem>>) src(%dma_wait3A_621 : memref<1000000xi32, #tpu.memory_space<hbm>>) dst(%dma_wait3A_616 : memref<128xi32, #tpu.memory_space<vmem>>)
    %dma_wait3A_622 = arith.constant 3 : i32
    %dma_wait3A_623 = arith.constant 3 : i32
    %dma_wait3A_624 = arith.constant 0 : i32
    %dma_wait3A_625 = tpu.memref_slice %arg11[%dma_wait3A_623, %dma_wait3A_624] : memref<25x128xf32, #tpu.memory_space<vmem>> -> memref<1x128xf32, #tpu.memory_space<vmem>>
    %dma_wait3A_626 = tpu.memref_squeeze %dma_wait3A_625 : memref<1x128xf32, #tpu.memory_space<vmem>> -> memref<128xf32, #tpu.memory_space<vmem>>
    %dma_wait3A_627 = arith.constant 0 : i32
    %dma_wait3A_628 = tpu.memref_slice %arg9[%dma_wait3A_622, %dma_wait3A_627] : memref<25x128xi32, #tpu.memory_space<vmem>> -> memref<1x128xi32, #tpu.memory_space<vmem>>
    %dma_wait3A_629 = tpu.memref_squeeze %dma_wait3A_628 : memref<1x128xi32, #tpu.memory_space<vmem>> -> memref<128xi32, #tpu.memory_space<vmem>>
    %dma_wait3A_630 = arith.constant 0 : i32
    %dma_wait3A_631 = tpu.memref_slice %arg4[%dma_wait3A_630] : memref<1000000xf32, #tpu.memory_space<hbm>> -> memref<1000000xf32, #tpu.memory_space<hbm>>
    tpu.wait_indirect_dma semaphore(%arg19 : memref<!tpu.dma_semaphore, #tpu.memory_space<semaphore_mem>>) src(%dma_wait3A_631 : memref<1000000xf32, #tpu.memory_space<hbm>>) dst(%dma_wait3A_626 : memref<128xf32, #tpu.memory_space<vmem>>)
    %dma_wait3A_632 = arith.constant 4 : i32
    %dma_wait3A_633 = arith.constant 4 : i32
    %dma_wait3A_634 = arith.constant 0 : i32
    %dma_wait3A_635 = tpu.memref_slice %arg10[%dma_wait3A_633, %dma_wait3A_634] : memref<25x128xi32, #tpu.memory_space<vmem>> -> memref<1x128xi32, #tpu.memory_space<vmem>>
    %dma_wait3A_636 = tpu.memref_squeeze %dma_wait3A_635 : memref<1x128xi32, #tpu.memory_space<vmem>> -> memref<128xi32, #tpu.memory_space<vmem>>
    %dma_wait3A_637 = arith.constant 0 : i32
    %dma_wait3A_638 = tpu.memref_slice %arg9[%dma_wait3A_632, %dma_wait3A_637] : memref<25x128xi32, #tpu.memory_space<vmem>> -> memref<1x128xi32, #tpu.memory_space<vmem>>
    %dma_wait3A_639 = tpu.memref_squeeze %dma_wait3A_638 : memref<1x128xi32, #tpu.memory_space<vmem>> -> memref<128xi32, #tpu.memory_space<vmem>>
    %dma_wait3A_640 = arith.constant 0 : i32
    %dma_wait3A_641 = tpu.memref_slice %arg3[%dma_wait3A_640] : memref<1000000xi32, #tpu.memory_space<hbm>> -> memref<1000000xi32, #tpu.memory_space<hbm>>
    tpu.wait_indirect_dma semaphore(%arg18 : memref<!tpu.dma_semaphore, #tpu.memory_space<semaphore_mem>>) src(%dma_wait3A_641 : memref<1000000xi32, #tpu.memory_space<hbm>>) dst(%dma_wait3A_636 : memref<128xi32, #tpu.memory_space<vmem>>)
    %dma_wait3A_642 = arith.constant 4 : i32
    %dma_wait3A_643 = arith.constant 4 : i32
    %dma_wait3A_644 = arith.constant 0 : i32
    %dma_wait3A_645 = tpu.memref_slice %arg11[%dma_wait3A_643, %dma_wait3A_644] : memref<25x128xf32, #tpu.memory_space<vmem>> -> memref<1x128xf32, #tpu.memory_space<vmem>>
    %dma_wait3A_646 = tpu.memref_squeeze %dma_wait3A_645 : memref<1x128xf32, #tpu.memory_space<vmem>> -> memref<128xf32, #tpu.memory_space<vmem>>
    %dma_wait3A_647 = arith.constant 0 : i32
    %dma_wait3A_648 = tpu.memref_slice %arg9[%dma_wait3A_642, %dma_wait3A_647] : memref<25x128xi32, #tpu.memory_space<vmem>> -> memref<1x128xi32, #tpu.memory_space<vmem>>
    %dma_wait3A_649 = tpu.memref_squeeze %dma_wait3A_648 : memref<1x128xi32, #tpu.memory_space<vmem>> -> memref<128xi32, #tpu.memory_space<vmem>>
    %dma_wait3A_650 = arith.constant 0 : i32
    %dma_wait3A_651 = tpu.memref_slice %arg4[%dma_wait3A_650] : memref<1000000xf32, #tpu.memory_space<hbm>> -> memref<1000000xf32, #tpu.memory_space<hbm>>
    tpu.wait_indirect_dma semaphore(%arg19 : memref<!tpu.dma_semaphore, #tpu.memory_space<semaphore_mem>>) src(%dma_wait3A_651 : memref<1000000xf32, #tpu.memory_space<hbm>>) dst(%dma_wait3A_646 : memref<128xf32, #tpu.memory_space<vmem>>)
    %dma_wait3A_652 = arith.constant 5 : i32
    %dma_wait3A_653 = arith.constant 5 : i32
    %dma_wait3A_654 = arith.constant 0 : i32
    %dma_wait3A_655 = tpu.memref_slice %arg10[%dma_wait3A_653, %dma_wait3A_654] : memref<25x128xi32, #tpu.memory_space<vmem>> -> memref<1x128xi32, #tpu.memory_space<vmem>>
    %dma_wait3A_656 = tpu.memref_squeeze %dma_wait3A_655 : memref<1x128xi32, #tpu.memory_space<vmem>> -> memref<128xi32, #tpu.memory_space<vmem>>
    %dma_wait3A_657 = arith.constant 0 : i32
    %dma_wait3A_658 = tpu.memref_slice %arg9[%dma_wait3A_652, %dma_wait3A_657] : memref<25x128xi32, #tpu.memory_space<vmem>> -> memref<1x128xi32, #tpu.memory_space<vmem>>
    %dma_wait3A_659 = tpu.memref_squeeze %dma_wait3A_658 : memref<1x128xi32, #tpu.memory_space<vmem>> -> memref<128xi32, #tpu.memory_space<vmem>>
    %dma_wait3A_660 = arith.constant 0 : i32
    %dma_wait3A_661 = tpu.memref_slice %arg3[%dma_wait3A_660] : memref<1000000xi32, #tpu.memory_space<hbm>> -> memref<1000000xi32, #tpu.memory_space<hbm>>
    tpu.wait_indirect_dma semaphore(%arg18 : memref<!tpu.dma_semaphore, #tpu.memory_space<semaphore_mem>>) src(%dma_wait3A_661 : memref<1000000xi32, #tpu.memory_space<hbm>>) dst(%dma_wait3A_656 : memref<128xi32, #tpu.memory_space<vmem>>)
    %dma_wait3A_662 = arith.constant 5 : i32
    %dma_wait3A_663 = arith.constant 5 : i32
    %dma_wait3A_664 = arith.constant 0 : i32
    %dma_wait3A_665 = tpu.memref_slice %arg11[%dma_wait3A_663, %dma_wait3A_664] : memref<25x128xf32, #tpu.memory_space<vmem>> -> memref<1x128xf32, #tpu.memory_space<vmem>>
    %dma_wait3A_666 = tpu.memref_squeeze %dma_wait3A_665 : memref<1x128xf32, #tpu.memory_space<vmem>> -> memref<128xf32, #tpu.memory_space<vmem>>
    %dma_wait3A_667 = arith.constant 0 : i32
    %dma_wait3A_668 = tpu.memref_slice %arg9[%dma_wait3A_662, %dma_wait3A_667] : memref<25x128xi32, #tpu.memory_space<vmem>> -> memref<1x128xi32, #tpu.memory_space<vmem>>
    %dma_wait3A_669 = tpu.memref_squeeze %dma_wait3A_668 : memref<1x128xi32, #tpu.memory_space<vmem>> -> memref<128xi32, #tpu.memory_space<vmem>>
    %dma_wait3A_670 = arith.constant 0 : i32
    %dma_wait3A_671 = tpu.memref_slice %arg4[%dma_wait3A_670] : memref<1000000xf32, #tpu.memory_space<hbm>> -> memref<1000000xf32, #tpu.memory_space<hbm>>
    tpu.wait_indirect_dma semaphore(%arg19 : memref<!tpu.dma_semaphore, #tpu.memory_space<semaphore_mem>>) src(%dma_wait3A_671 : memref<1000000xf32, #tpu.memory_space<hbm>>) dst(%dma_wait3A_666 : memref<128xf32, #tpu.memory_space<vmem>>)
    %dma_wait3A_672 = arith.constant 6 : i32
    %dma_wait3A_673 = arith.constant 6 : i32
    %dma_wait3A_674 = arith.constant 0 : i32
    %dma_wait3A_675 = tpu.memref_slice %arg10[%dma_wait3A_673, %dma_wait3A_674] : memref<25x128xi32, #tpu.memory_space<vmem>> -> memref<1x128xi32, #tpu.memory_space<vmem>>
    %dma_wait3A_676 = tpu.memref_squeeze %dma_wait3A_675 : memref<1x128xi32, #tpu.memory_space<vmem>> -> memref<128xi32, #tpu.memory_space<vmem>>
    %dma_wait3A_677 = arith.constant 0 : i32
    %dma_wait3A_678 = tpu.memref_slice %arg9[%dma_wait3A_672, %dma_wait3A_677] : memref<25x128xi32, #tpu.memory_space<vmem>> -> memref<1x128xi32, #tpu.memory_space<vmem>>
    %dma_wait3A_679 = tpu.memref_squeeze %dma_wait3A_678 : memref<1x128xi32, #tpu.memory_space<vmem>> -> memref<128xi32, #tpu.memory_space<vmem>>
    %dma_wait3A_680 = arith.constant 0 : i32
    %dma_wait3A_681 = tpu.memref_slice %arg3[%dma_wait3A_680] : memref<1000000xi32, #tpu.memory_space<hbm>> -> memref<1000000xi32, #tpu.memory_space<hbm>>
    tpu.wait_indirect_dma semaphore(%arg18 : memref<!tpu.dma_semaphore, #tpu.memory_space<semaphore_mem>>) src(%dma_wait3A_681 : memref<1000000xi32, #tpu.memory_space<hbm>>) dst(%dma_wait3A_676 : memref<128xi32, #tpu.memory_space<vmem>>)
    %dma_wait3A_682 = arith.constant 6 : i32
    %dma_wait3A_683 = arith.constant 6 : i32
    %dma_wait3A_684 = arith.constant 0 : i32
    %dma_wait3A_685 = tpu.memref_slice %arg11[%dma_wait3A_683, %dma_wait3A_684] : memref<25x128xf32, #tpu.memory_space<vmem>> -> memref<1x128xf32, #tpu.memory_space<vmem>>
    %dma_wait3A_686 = tpu.memref_squeeze %dma_wait3A_685 : memref<1x128xf32, #tpu.memory_space<vmem>> -> memref<128xf32, #tpu.memory_space<vmem>>
    %dma_wait3A_687 = arith.constant 0 : i32
    %dma_wait3A_688 = tpu.memref_slice %arg9[%dma_wait3A_682, %dma_wait3A_687] : memref<25x128xi32, #tpu.memory_space<vmem>> -> memref<1x128xi32, #tpu.memory_space<vmem>>
    %dma_wait3A_689 = tpu.memref_squeeze %dma_wait3A_688 : memref<1x128xi32, #tpu.memory_space<vmem>> -> memref<128xi32, #tpu.memory_space<vmem>>
    %dma_wait3A_690 = arith.constant 0 : i32
    %dma_wait3A_691 = tpu.memref_slice %arg4[%dma_wait3A_690] : memref<1000000xf32, #tpu.memory_space<hbm>> -> memref<1000000xf32, #tpu.memory_space<hbm>>
    tpu.wait_indirect_dma semaphore(%arg19 : memref<!tpu.dma_semaphore, #tpu.memory_space<semaphore_mem>>) src(%dma_wait3A_691 : memref<1000000xf32, #tpu.memory_space<hbm>>) dst(%dma_wait3A_686 : memref<128xf32, #tpu.memory_space<vmem>>)
    %dma_wait3A_692 = arith.constant 7 : i32
    %dma_wait3A_693 = arith.constant 7 : i32
    %dma_wait3A_694 = arith.constant 0 : i32
    %dma_wait3A_695 = tpu.memref_slice %arg10[%dma_wait3A_693, %dma_wait3A_694] : memref<25x128xi32, #tpu.memory_space<vmem>> -> memref<1x128xi32, #tpu.memory_space<vmem>>
    %dma_wait3A_696 = tpu.memref_squeeze %dma_wait3A_695 : memref<1x128xi32, #tpu.memory_space<vmem>> -> memref<128xi32, #tpu.memory_space<vmem>>
    %dma_wait3A_697 = arith.constant 0 : i32
    %dma_wait3A_698 = tpu.memref_slice %arg9[%dma_wait3A_692, %dma_wait3A_697] : memref<25x128xi32, #tpu.memory_space<vmem>> -> memref<1x128xi32, #tpu.memory_space<vmem>>
    %dma_wait3A_699 = tpu.memref_squeeze %dma_wait3A_698 : memref<1x128xi32, #tpu.memory_space<vmem>> -> memref<128xi32, #tpu.memory_space<vmem>>
    %dma_wait3A_700 = arith.constant 0 : i32
    %dma_wait3A_701 = tpu.memref_slice %arg3[%dma_wait3A_700] : memref<1000000xi32, #tpu.memory_space<hbm>> -> memref<1000000xi32, #tpu.memory_space<hbm>>
    tpu.wait_indirect_dma semaphore(%arg18 : memref<!tpu.dma_semaphore, #tpu.memory_space<semaphore_mem>>) src(%dma_wait3A_701 : memref<1000000xi32, #tpu.memory_space<hbm>>) dst(%dma_wait3A_696 : memref<128xi32, #tpu.memory_space<vmem>>)
    %dma_wait3A_702 = arith.constant 7 : i32
    %dma_wait3A_703 = arith.constant 7 : i32
    %dma_wait3A_704 = arith.constant 0 : i32
    %dma_wait3A_705 = tpu.memref_slice %arg11[%dma_wait3A_703, %dma_wait3A_704] : memref<25x128xf32, #tpu.memory_space<vmem>> -> memref<1x128xf32, #tpu.memory_space<vmem>>
    %dma_wait3A_706 = tpu.memref_squeeze %dma_wait3A_705 : memref<1x128xf32, #tpu.memory_space<vmem>> -> memref<128xf32, #tpu.memory_space<vmem>>
    %dma_wait3A_707 = arith.constant 0 : i32
    %dma_wait3A_708 = tpu.memref_slice %arg9[%dma_wait3A_702, %dma_wait3A_707] : memref<25x128xi32, #tpu.memory_space<vmem>> -> memref<1x128xi32, #tpu.memory_space<vmem>>
    %dma_wait3A_709 = tpu.memref_squeeze %dma_wait3A_708 : memref<1x128xi32, #tpu.memory_space<vmem>> -> memref<128xi32, #tpu.memory_space<vmem>>
    %dma_wait3A_710 = arith.constant 0 : i32
    %dma_wait3A_711 = tpu.memref_slice %arg4[%dma_wait3A_710] : memref<1000000xf32, #tpu.memory_space<hbm>> -> memref<1000000xf32, #tpu.memory_space<hbm>>
    tpu.wait_indirect_dma semaphore(%arg19 : memref<!tpu.dma_semaphore, #tpu.memory_space<semaphore_mem>>) src(%dma_wait3A_711 : memref<1000000xf32, #tpu.memory_space<hbm>>) dst(%dma_wait3A_706 : memref<128xf32, #tpu.memory_space<vmem>>)
    %dma_wait3A_712 = arith.constant 8 : i32
    %dma_wait3A_713 = arith.constant 8 : i32
    %dma_wait3A_714 = arith.constant 0 : i32
    %dma_wait3A_715 = tpu.memref_slice %arg10[%dma_wait3A_713, %dma_wait3A_714] : memref<25x128xi32, #tpu.memory_space<vmem>> -> memref<1x128xi32, #tpu.memory_space<vmem>>
    %dma_wait3A_716 = tpu.memref_squeeze %dma_wait3A_715 : memref<1x128xi32, #tpu.memory_space<vmem>> -> memref<128xi32, #tpu.memory_space<vmem>>
    %dma_wait3A_717 = arith.constant 0 : i32
    %dma_wait3A_718 = tpu.memref_slice %arg9[%dma_wait3A_712, %dma_wait3A_717] : memref<25x128xi32, #tpu.memory_space<vmem>> -> memref<1x128xi32, #tpu.memory_space<vmem>>
    %dma_wait3A_719 = tpu.memref_squeeze %dma_wait3A_718 : memref<1x128xi32, #tpu.memory_space<vmem>> -> memref<128xi32, #tpu.memory_space<vmem>>
    %dma_wait3A_720 = arith.constant 0 : i32
    %dma_wait3A_721 = tpu.memref_slice %arg3[%dma_wait3A_720] : memref<1000000xi32, #tpu.memory_space<hbm>> -> memref<1000000xi32, #tpu.memory_space<hbm>>
    tpu.wait_indirect_dma semaphore(%arg18 : memref<!tpu.dma_semaphore, #tpu.memory_space<semaphore_mem>>) src(%dma_wait3A_721 : memref<1000000xi32, #tpu.memory_space<hbm>>) dst(%dma_wait3A_716 : memref<128xi32, #tpu.memory_space<vmem>>)
    %dma_wait3A_722 = arith.constant 8 : i32
    %dma_wait3A_723 = arith.constant 8 : i32
    %dma_wait3A_724 = arith.constant 0 : i32
    %dma_wait3A_725 = tpu.memref_slice %arg11[%dma_wait3A_723, %dma_wait3A_724] : memref<25x128xf32, #tpu.memory_space<vmem>> -> memref<1x128xf32, #tpu.memory_space<vmem>>
    %dma_wait3A_726 = tpu.memref_squeeze %dma_wait3A_725 : memref<1x128xf32, #tpu.memory_space<vmem>> -> memref<128xf32, #tpu.memory_space<vmem>>
    %dma_wait3A_727 = arith.constant 0 : i32
    %dma_wait3A_728 = tpu.memref_slice %arg9[%dma_wait3A_722, %dma_wait3A_727] : memref<25x128xi32, #tpu.memory_space<vmem>> -> memref<1x128xi32, #tpu.memory_space<vmem>>
    %dma_wait3A_729 = tpu.memref_squeeze %dma_wait3A_728 : memref<1x128xi32, #tpu.memory_space<vmem>> -> memref<128xi32, #tpu.memory_space<vmem>>
    %dma_wait3A_730 = arith.constant 0 : i32
    %dma_wait3A_731 = tpu.memref_slice %arg4[%dma_wait3A_730] : memref<1000000xf32, #tpu.memory_space<hbm>> -> memref<1000000xf32, #tpu.memory_space<hbm>>
    tpu.wait_indirect_dma semaphore(%arg19 : memref<!tpu.dma_semaphore, #tpu.memory_space<semaphore_mem>>) src(%dma_wait3A_731 : memref<1000000xf32, #tpu.memory_space<hbm>>) dst(%dma_wait3A_726 : memref<128xf32, #tpu.memory_space<vmem>>)
    %dma_wait3A_732 = arith.constant 9 : i32
    %dma_wait3A_733 = arith.constant 9 : i32
    %dma_wait3A_734 = arith.constant 0 : i32
    %dma_wait3A_735 = tpu.memref_slice %arg10[%dma_wait3A_733, %dma_wait3A_734] : memref<25x128xi32, #tpu.memory_space<vmem>> -> memref<1x128xi32, #tpu.memory_space<vmem>>
    %dma_wait3A_736 = tpu.memref_squeeze %dma_wait3A_735 : memref<1x128xi32, #tpu.memory_space<vmem>> -> memref<128xi32, #tpu.memory_space<vmem>>
    %dma_wait3A_737 = arith.constant 0 : i32
    %dma_wait3A_738 = tpu.memref_slice %arg9[%dma_wait3A_732, %dma_wait3A_737] : memref<25x128xi32, #tpu.memory_space<vmem>> -> memref<1x128xi32, #tpu.memory_space<vmem>>
    %dma_wait3A_739 = tpu.memref_squeeze %dma_wait3A_738 : memref<1x128xi32, #tpu.memory_space<vmem>> -> memref<128xi32, #tpu.memory_space<vmem>>
    %dma_wait3A_740 = arith.constant 0 : i32
    %dma_wait3A_741 = tpu.memref_slice %arg3[%dma_wait3A_740] : memref<1000000xi32, #tpu.memory_space<hbm>> -> memref<1000000xi32, #tpu.memory_space<hbm>>
    tpu.wait_indirect_dma semaphore(%arg18 : memref<!tpu.dma_semaphore, #tpu.memory_space<semaphore_mem>>) src(%dma_wait3A_741 : memref<1000000xi32, #tpu.memory_space<hbm>>) dst(%dma_wait3A_736 : memref<128xi32, #tpu.memory_space<vmem>>)
    %dma_wait3A_742 = arith.constant 9 : i32
    %dma_wait3A_743 = arith.constant 9 : i32
    %dma_wait3A_744 = arith.constant 0 : i32
    %dma_wait3A_745 = tpu.memref_slice %arg11[%dma_wait3A_743, %dma_wait3A_744] : memref<25x128xf32, #tpu.memory_space<vmem>> -> memref<1x128xf32, #tpu.memory_space<vmem>>
    %dma_wait3A_746 = tpu.memref_squeeze %dma_wait3A_745 : memref<1x128xf32, #tpu.memory_space<vmem>> -> memref<128xf32, #tpu.memory_space<vmem>>
    %dma_wait3A_747 = arith.constant 0 : i32
    %dma_wait3A_748 = tpu.memref_slice %arg9[%dma_wait3A_742, %dma_wait3A_747] : memref<25x128xi32, #tpu.memory_space<vmem>> -> memref<1x128xi32, #tpu.memory_space<vmem>>
    %dma_wait3A_749 = tpu.memref_squeeze %dma_wait3A_748 : memref<1x128xi32, #tpu.memory_space<vmem>> -> memref<128xi32, #tpu.memory_space<vmem>>
    %dma_wait3A_750 = arith.constant 0 : i32
    %dma_wait3A_751 = tpu.memref_slice %arg4[%dma_wait3A_750] : memref<1000000xf32, #tpu.memory_space<hbm>> -> memref<1000000xf32, #tpu.memory_space<hbm>>
    tpu.wait_indirect_dma semaphore(%arg19 : memref<!tpu.dma_semaphore, #tpu.memory_space<semaphore_mem>>) src(%dma_wait3A_751 : memref<1000000xf32, #tpu.memory_space<hbm>>) dst(%dma_wait3A_746 : memref<128xf32, #tpu.memory_space<vmem>>)
    %dma_wait3A_752 = arith.constant 10 : i32
    %dma_wait3A_753 = arith.constant 10 : i32
    %dma_wait3A_754 = arith.constant 0 : i32
    %dma_wait3A_755 = tpu.memref_slice %arg10[%dma_wait3A_753, %dma_wait3A_754] : memref<25x128xi32, #tpu.memory_space<vmem>> -> memref<1x128xi32, #tpu.memory_space<vmem>>
    %dma_wait3A_756 = tpu.memref_squeeze %dma_wait3A_755 : memref<1x128xi32, #tpu.memory_space<vmem>> -> memref<128xi32, #tpu.memory_space<vmem>>
    %dma_wait3A_757 = arith.constant 0 : i32
    %dma_wait3A_758 = tpu.memref_slice %arg9[%dma_wait3A_752, %dma_wait3A_757] : memref<25x128xi32, #tpu.memory_space<vmem>> -> memref<1x128xi32, #tpu.memory_space<vmem>>
    %dma_wait3A_759 = tpu.memref_squeeze %dma_wait3A_758 : memref<1x128xi32, #tpu.memory_space<vmem>> -> memref<128xi32, #tpu.memory_space<vmem>>
    %dma_wait3A_760 = arith.constant 0 : i32
    %dma_wait3A_761 = tpu.memref_slice %arg3[%dma_wait3A_760] : memref<1000000xi32, #tpu.memory_space<hbm>> -> memref<1000000xi32, #tpu.memory_space<hbm>>
    tpu.wait_indirect_dma semaphore(%arg18 : memref<!tpu.dma_semaphore, #tpu.memory_space<semaphore_mem>>) src(%dma_wait3A_761 : memref<1000000xi32, #tpu.memory_space<hbm>>) dst(%dma_wait3A_756 : memref<128xi32, #tpu.memory_space<vmem>>)
    %dma_wait3A_762 = arith.constant 10 : i32
    %dma_wait3A_763 = arith.constant 10 : i32
    %dma_wait3A_764 = arith.constant 0 : i32
    %dma_wait3A_765 = tpu.memref_slice %arg11[%dma_wait3A_763, %dma_wait3A_764] : memref<25x128xf32, #tpu.memory_space<vmem>> -> memref<1x128xf32, #tpu.memory_space<vmem>>
    %dma_wait3A_766 = tpu.memref_squeeze %dma_wait3A_765 : memref<1x128xf32, #tpu.memory_space<vmem>> -> memref<128xf32, #tpu.memory_space<vmem>>
    %dma_wait3A_767 = arith.constant 0 : i32
    %dma_wait3A_768 = tpu.memref_slice %arg9[%dma_wait3A_762, %dma_wait3A_767] : memref<25x128xi32, #tpu.memory_space<vmem>> -> memref<1x128xi32, #tpu.memory_space<vmem>>
    %dma_wait3A_769 = tpu.memref_squeeze %dma_wait3A_768 : memref<1x128xi32, #tpu.memory_space<vmem>> -> memref<128xi32, #tpu.memory_space<vmem>>
    %dma_wait3A_770 = arith.constant 0 : i32
    %dma_wait3A_771 = tpu.memref_slice %arg4[%dma_wait3A_770] : memref<1000000xf32, #tpu.memory_space<hbm>> -> memref<1000000xf32, #tpu.memory_space<hbm>>
    tpu.wait_indirect_dma semaphore(%arg19 : memref<!tpu.dma_semaphore, #tpu.memory_space<semaphore_mem>>) src(%dma_wait3A_771 : memref<1000000xf32, #tpu.memory_space<hbm>>) dst(%dma_wait3A_766 : memref<128xf32, #tpu.memory_space<vmem>>)
    %dma_wait3A_772 = arith.constant 11 : i32
    %dma_wait3A_773 = arith.constant 11 : i32
    %dma_wait3A_774 = arith.constant 0 : i32
    %dma_wait3A_775 = tpu.memref_slice %arg10[%dma_wait3A_773, %dma_wait3A_774] : memref<25x128xi32, #tpu.memory_space<vmem>> -> memref<1x128xi32, #tpu.memory_space<vmem>>
    %dma_wait3A_776 = tpu.memref_squeeze %dma_wait3A_775 : memref<1x128xi32, #tpu.memory_space<vmem>> -> memref<128xi32, #tpu.memory_space<vmem>>
    %dma_wait3A_777 = arith.constant 0 : i32
    %dma_wait3A_778 = tpu.memref_slice %arg9[%dma_wait3A_772, %dma_wait3A_777] : memref<25x128xi32, #tpu.memory_space<vmem>> -> memref<1x128xi32, #tpu.memory_space<vmem>>
    %dma_wait3A_779 = tpu.memref_squeeze %dma_wait3A_778 : memref<1x128xi32, #tpu.memory_space<vmem>> -> memref<128xi32, #tpu.memory_space<vmem>>
    %dma_wait3A_780 = arith.constant 0 : i32
    %dma_wait3A_781 = tpu.memref_slice %arg3[%dma_wait3A_780] : memref<1000000xi32, #tpu.memory_space<hbm>> -> memref<1000000xi32, #tpu.memory_space<hbm>>
    tpu.wait_indirect_dma semaphore(%arg18 : memref<!tpu.dma_semaphore, #tpu.memory_space<semaphore_mem>>) src(%dma_wait3A_781 : memref<1000000xi32, #tpu.memory_space<hbm>>) dst(%dma_wait3A_776 : memref<128xi32, #tpu.memory_space<vmem>>)
    %dma_wait3A_782 = arith.constant 11 : i32
    %dma_wait3A_783 = arith.constant 11 : i32
    %dma_wait3A_784 = arith.constant 0 : i32
    %dma_wait3A_785 = tpu.memref_slice %arg11[%dma_wait3A_783, %dma_wait3A_784] : memref<25x128xf32, #tpu.memory_space<vmem>> -> memref<1x128xf32, #tpu.memory_space<vmem>>
    %dma_wait3A_786 = tpu.memref_squeeze %dma_wait3A_785 : memref<1x128xf32, #tpu.memory_space<vmem>> -> memref<128xf32, #tpu.memory_space<vmem>>
    %dma_wait3A_787 = arith.constant 0 : i32
    %dma_wait3A_788 = tpu.memref_slice %arg9[%dma_wait3A_782, %dma_wait3A_787] : memref<25x128xi32, #tpu.memory_space<vmem>> -> memref<1x128xi32, #tpu.memory_space<vmem>>
    %dma_wait3A_789 = tpu.memref_squeeze %dma_wait3A_788 : memref<1x128xi32, #tpu.memory_space<vmem>> -> memref<128xi32, #tpu.memory_space<vmem>>
    %dma_wait3A_790 = arith.constant 0 : i32
    %dma_wait3A_791 = tpu.memref_slice %arg4[%dma_wait3A_790] : memref<1000000xf32, #tpu.memory_space<hbm>> -> memref<1000000xf32, #tpu.memory_space<hbm>>
    tpu.wait_indirect_dma semaphore(%arg19 : memref<!tpu.dma_semaphore, #tpu.memory_space<semaphore_mem>>) src(%dma_wait3A_791 : memref<1000000xf32, #tpu.memory_space<hbm>>) dst(%dma_wait3A_786 : memref<128xf32, #tpu.memory_space<vmem>>)
    %dma_wait3A_792 = arith.constant 12 : i32
    %dma_wait3A_793 = arith.constant 12 : i32
    %dma_wait3A_794 = arith.constant 0 : i32
    %dma_wait3A_795 = tpu.memref_slice %arg10[%dma_wait3A_793, %dma_wait3A_794] : memref<25x128xi32, #tpu.memory_space<vmem>> -> memref<1x128xi32, #tpu.memory_space<vmem>>
    %dma_wait3A_796 = tpu.memref_squeeze %dma_wait3A_795 : memref<1x128xi32, #tpu.memory_space<vmem>> -> memref<128xi32, #tpu.memory_space<vmem>>
    %dma_wait3A_797 = arith.constant 0 : i32
    %dma_wait3A_798 = tpu.memref_slice %arg9[%dma_wait3A_792, %dma_wait3A_797] : memref<25x128xi32, #tpu.memory_space<vmem>> -> memref<1x128xi32, #tpu.memory_space<vmem>>
    %dma_wait3A_799 = tpu.memref_squeeze %dma_wait3A_798 : memref<1x128xi32, #tpu.memory_space<vmem>> -> memref<128xi32, #tpu.memory_space<vmem>>
    %dma_wait3A_800 = arith.constant 0 : i32
    %dma_wait3A_801 = tpu.memref_slice %arg3[%dma_wait3A_800] : memref<1000000xi32, #tpu.memory_space<hbm>> -> memref<1000000xi32, #tpu.memory_space<hbm>>
    tpu.wait_indirect_dma semaphore(%arg18 : memref<!tpu.dma_semaphore, #tpu.memory_space<semaphore_mem>>) src(%dma_wait3A_801 : memref<1000000xi32, #tpu.memory_space<hbm>>) dst(%dma_wait3A_796 : memref<128xi32, #tpu.memory_space<vmem>>)
    %dma_wait3A_802 = arith.constant 12 : i32
    %dma_wait3A_803 = arith.constant 12 : i32
    %dma_wait3A_804 = arith.constant 0 : i32
    %dma_wait3A_805 = tpu.memref_slice %arg11[%dma_wait3A_803, %dma_wait3A_804] : memref<25x128xf32, #tpu.memory_space<vmem>> -> memref<1x128xf32, #tpu.memory_space<vmem>>
    %dma_wait3A_806 = tpu.memref_squeeze %dma_wait3A_805 : memref<1x128xf32, #tpu.memory_space<vmem>> -> memref<128xf32, #tpu.memory_space<vmem>>
    %dma_wait3A_807 = arith.constant 0 : i32
    %dma_wait3A_808 = tpu.memref_slice %arg9[%dma_wait3A_802, %dma_wait3A_807] : memref<25x128xi32, #tpu.memory_space<vmem>> -> memref<1x128xi32, #tpu.memory_space<vmem>>
    %dma_wait3A_809 = tpu.memref_squeeze %dma_wait3A_808 : memref<1x128xi32, #tpu.memory_space<vmem>> -> memref<128xi32, #tpu.memory_space<vmem>>
    %dma_wait3A_810 = arith.constant 0 : i32
    %dma_wait3A_811 = tpu.memref_slice %arg4[%dma_wait3A_810] : memref<1000000xf32, #tpu.memory_space<hbm>> -> memref<1000000xf32, #tpu.memory_space<hbm>>
    tpu.wait_indirect_dma semaphore(%arg19 : memref<!tpu.dma_semaphore, #tpu.memory_space<semaphore_mem>>) src(%dma_wait3A_811 : memref<1000000xf32, #tpu.memory_space<hbm>>) dst(%dma_wait3A_806 : memref<128xf32, #tpu.memory_space<vmem>>)
    %dma_wait3A_812 = arith.constant 13 : i32
    %dma_wait3A_813 = arith.constant 13 : i32
    %dma_wait3A_814 = arith.constant 0 : i32
    %dma_wait3A_815 = tpu.memref_slice %arg10[%dma_wait3A_813, %dma_wait3A_814] : memref<25x128xi32, #tpu.memory_space<vmem>> -> memref<1x128xi32, #tpu.memory_space<vmem>>
    %dma_wait3A_816 = tpu.memref_squeeze %dma_wait3A_815 : memref<1x128xi32, #tpu.memory_space<vmem>> -> memref<128xi32, #tpu.memory_space<vmem>>
    %dma_wait3A_817 = arith.constant 0 : i32
    %dma_wait3A_818 = tpu.memref_slice %arg9[%dma_wait3A_812, %dma_wait3A_817] : memref<25x128xi32, #tpu.memory_space<vmem>> -> memref<1x128xi32, #tpu.memory_space<vmem>>
    %dma_wait3A_819 = tpu.memref_squeeze %dma_wait3A_818 : memref<1x128xi32, #tpu.memory_space<vmem>> -> memref<128xi32, #tpu.memory_space<vmem>>
    %dma_wait3A_820 = arith.constant 0 : i32
    %dma_wait3A_821 = tpu.memref_slice %arg3[%dma_wait3A_820] : memref<1000000xi32, #tpu.memory_space<hbm>> -> memref<1000000xi32, #tpu.memory_space<hbm>>
    tpu.wait_indirect_dma semaphore(%arg18 : memref<!tpu.dma_semaphore, #tpu.memory_space<semaphore_mem>>) src(%dma_wait3A_821 : memref<1000000xi32, #tpu.memory_space<hbm>>) dst(%dma_wait3A_816 : memref<128xi32, #tpu.memory_space<vmem>>)
    %dma_wait3A_822 = arith.constant 13 : i32
    %dma_wait3A_823 = arith.constant 13 : i32
    %dma_wait3A_824 = arith.constant 0 : i32
    %dma_wait3A_825 = tpu.memref_slice %arg11[%dma_wait3A_823, %dma_wait3A_824] : memref<25x128xf32, #tpu.memory_space<vmem>> -> memref<1x128xf32, #tpu.memory_space<vmem>>
    %dma_wait3A_826 = tpu.memref_squeeze %dma_wait3A_825 : memref<1x128xf32, #tpu.memory_space<vmem>> -> memref<128xf32, #tpu.memory_space<vmem>>
    %dma_wait3A_827 = arith.constant 0 : i32
    %dma_wait3A_828 = tpu.memref_slice %arg9[%dma_wait3A_822, %dma_wait3A_827] : memref<25x128xi32, #tpu.memory_space<vmem>> -> memref<1x128xi32, #tpu.memory_space<vmem>>
    %dma_wait3A_829 = tpu.memref_squeeze %dma_wait3A_828 : memref<1x128xi32, #tpu.memory_space<vmem>> -> memref<128xi32, #tpu.memory_space<vmem>>
    %dma_wait3A_830 = arith.constant 0 : i32
    %dma_wait3A_831 = tpu.memref_slice %arg4[%dma_wait3A_830] : memref<1000000xf32, #tpu.memory_space<hbm>> -> memref<1000000xf32, #tpu.memory_space<hbm>>
    tpu.wait_indirect_dma semaphore(%arg19 : memref<!tpu.dma_semaphore, #tpu.memory_space<semaphore_mem>>) src(%dma_wait3A_831 : memref<1000000xf32, #tpu.memory_space<hbm>>) dst(%dma_wait3A_826 : memref<128xf32, #tpu.memory_space<vmem>>)
    %dma_wait3A_832 = arith.constant 14 : i32
    %dma_wait3A_833 = arith.constant 14 : i32
    %dma_wait3A_834 = arith.constant 0 : i32
    %dma_wait3A_835 = tpu.memref_slice %arg10[%dma_wait3A_833, %dma_wait3A_834] : memref<25x128xi32, #tpu.memory_space<vmem>> -> memref<1x128xi32, #tpu.memory_space<vmem>>
    %dma_wait3A_836 = tpu.memref_squeeze %dma_wait3A_835 : memref<1x128xi32, #tpu.memory_space<vmem>> -> memref<128xi32, #tpu.memory_space<vmem>>
    %dma_wait3A_837 = arith.constant 0 : i32
    %dma_wait3A_838 = tpu.memref_slice %arg9[%dma_wait3A_832, %dma_wait3A_837] : memref<25x128xi32, #tpu.memory_space<vmem>> -> memref<1x128xi32, #tpu.memory_space<vmem>>
    %dma_wait3A_839 = tpu.memref_squeeze %dma_wait3A_838 : memref<1x128xi32, #tpu.memory_space<vmem>> -> memref<128xi32, #tpu.memory_space<vmem>>
    %dma_wait3A_840 = arith.constant 0 : i32
    %dma_wait3A_841 = tpu.memref_slice %arg3[%dma_wait3A_840] : memref<1000000xi32, #tpu.memory_space<hbm>> -> memref<1000000xi32, #tpu.memory_space<hbm>>
    tpu.wait_indirect_dma semaphore(%arg18 : memref<!tpu.dma_semaphore, #tpu.memory_space<semaphore_mem>>) src(%dma_wait3A_841 : memref<1000000xi32, #tpu.memory_space<hbm>>) dst(%dma_wait3A_836 : memref<128xi32, #tpu.memory_space<vmem>>)
    %dma_wait3A_842 = arith.constant 14 : i32
    %dma_wait3A_843 = arith.constant 14 : i32
    %dma_wait3A_844 = arith.constant 0 : i32
    %dma_wait3A_845 = tpu.memref_slice %arg11[%dma_wait3A_843, %dma_wait3A_844] : memref<25x128xf32, #tpu.memory_space<vmem>> -> memref<1x128xf32, #tpu.memory_space<vmem>>
    %dma_wait3A_846 = tpu.memref_squeeze %dma_wait3A_845 : memref<1x128xf32, #tpu.memory_space<vmem>> -> memref<128xf32, #tpu.memory_space<vmem>>
    %dma_wait3A_847 = arith.constant 0 : i32
    %dma_wait3A_848 = tpu.memref_slice %arg9[%dma_wait3A_842, %dma_wait3A_847] : memref<25x128xi32, #tpu.memory_space<vmem>> -> memref<1x128xi32, #tpu.memory_space<vmem>>
    %dma_wait3A_849 = tpu.memref_squeeze %dma_wait3A_848 : memref<1x128xi32, #tpu.memory_space<vmem>> -> memref<128xi32, #tpu.memory_space<vmem>>
    %dma_wait3A_850 = arith.constant 0 : i32
    %dma_wait3A_851 = tpu.memref_slice %arg4[%dma_wait3A_850] : memref<1000000xf32, #tpu.memory_space<hbm>> -> memref<1000000xf32, #tpu.memory_space<hbm>>
    tpu.wait_indirect_dma semaphore(%arg19 : memref<!tpu.dma_semaphore, #tpu.memory_space<semaphore_mem>>) src(%dma_wait3A_851 : memref<1000000xf32, #tpu.memory_space<hbm>>) dst(%dma_wait3A_846 : memref<128xf32, #tpu.memory_space<vmem>>)
    %dma_wait3A_852 = arith.constant 15 : i32
    %dma_wait3A_853 = arith.constant 15 : i32
    %dma_wait3A_854 = arith.constant 0 : i32
    %dma_wait3A_855 = tpu.memref_slice %arg10[%dma_wait3A_853, %dma_wait3A_854] : memref<25x128xi32, #tpu.memory_space<vmem>> -> memref<1x128xi32, #tpu.memory_space<vmem>>
    %dma_wait3A_856 = tpu.memref_squeeze %dma_wait3A_855 : memref<1x128xi32, #tpu.memory_space<vmem>> -> memref<128xi32, #tpu.memory_space<vmem>>
    %dma_wait3A_857 = arith.constant 0 : i32
    %dma_wait3A_858 = tpu.memref_slice %arg9[%dma_wait3A_852, %dma_wait3A_857] : memref<25x128xi32, #tpu.memory_space<vmem>> -> memref<1x128xi32, #tpu.memory_space<vmem>>
    %dma_wait3A_859 = tpu.memref_squeeze %dma_wait3A_858 : memref<1x128xi32, #tpu.memory_space<vmem>> -> memref<128xi32, #tpu.memory_space<vmem>>
    %dma_wait3A_860 = arith.constant 0 : i32
    %dma_wait3A_861 = tpu.memref_slice %arg3[%dma_wait3A_860] : memref<1000000xi32, #tpu.memory_space<hbm>> -> memref<1000000xi32, #tpu.memory_space<hbm>>
    tpu.wait_indirect_dma semaphore(%arg18 : memref<!tpu.dma_semaphore, #tpu.memory_space<semaphore_mem>>) src(%dma_wait3A_861 : memref<1000000xi32, #tpu.memory_space<hbm>>) dst(%dma_wait3A_856 : memref<128xi32, #tpu.memory_space<vmem>>)
    %dma_wait3A_862 = arith.constant 15 : i32
    %dma_wait3A_863 = arith.constant 15 : i32
    %dma_wait3A_864 = arith.constant 0 : i32
    %dma_wait3A_865 = tpu.memref_slice %arg11[%dma_wait3A_863, %dma_wait3A_864] : memref<25x128xf32, #tpu.memory_space<vmem>> -> memref<1x128xf32, #tpu.memory_space<vmem>>
    %dma_wait3A_866 = tpu.memref_squeeze %dma_wait3A_865 : memref<1x128xf32, #tpu.memory_space<vmem>> -> memref<128xf32, #tpu.memory_space<vmem>>
    %dma_wait3A_867 = arith.constant 0 : i32
    %dma_wait3A_868 = tpu.memref_slice %arg9[%dma_wait3A_862, %dma_wait3A_867] : memref<25x128xi32, #tpu.memory_space<vmem>> -> memref<1x128xi32, #tpu.memory_space<vmem>>
    %dma_wait3A_869 = tpu.memref_squeeze %dma_wait3A_868 : memref<1x128xi32, #tpu.memory_space<vmem>> -> memref<128xi32, #tpu.memory_space<vmem>>
    %dma_wait3A_870 = arith.constant 0 : i32
    %dma_wait3A_871 = tpu.memref_slice %arg4[%dma_wait3A_870] : memref<1000000xf32, #tpu.memory_space<hbm>> -> memref<1000000xf32, #tpu.memory_space<hbm>>
    tpu.wait_indirect_dma semaphore(%arg19 : memref<!tpu.dma_semaphore, #tpu.memory_space<semaphore_mem>>) src(%dma_wait3A_871 : memref<1000000xf32, #tpu.memory_space<hbm>>) dst(%dma_wait3A_866 : memref<128xf32, #tpu.memory_space<vmem>>)
    %dma_wait3A_872 = arith.constant 16 : i32
    %dma_wait3A_873 = arith.constant 16 : i32
    %dma_wait3A_874 = arith.constant 0 : i32
    %dma_wait3A_875 = tpu.memref_slice %arg10[%dma_wait3A_873, %dma_wait3A_874] : memref<25x128xi32, #tpu.memory_space<vmem>> -> memref<1x128xi32, #tpu.memory_space<vmem>>
    %dma_wait3A_876 = tpu.memref_squeeze %dma_wait3A_875 : memref<1x128xi32, #tpu.memory_space<vmem>> -> memref<128xi32, #tpu.memory_space<vmem>>
    %dma_wait3A_877 = arith.constant 0 : i32
    %dma_wait3A_878 = tpu.memref_slice %arg9[%dma_wait3A_872, %dma_wait3A_877] : memref<25x128xi32, #tpu.memory_space<vmem>> -> memref<1x128xi32, #tpu.memory_space<vmem>>
    %dma_wait3A_879 = tpu.memref_squeeze %dma_wait3A_878 : memref<1x128xi32, #tpu.memory_space<vmem>> -> memref<128xi32, #tpu.memory_space<vmem>>
    %dma_wait3A_880 = arith.constant 0 : i32
    %dma_wait3A_881 = tpu.memref_slice %arg3[%dma_wait3A_880] : memref<1000000xi32, #tpu.memory_space<hbm>> -> memref<1000000xi32, #tpu.memory_space<hbm>>
    tpu.wait_indirect_dma semaphore(%arg18 : memref<!tpu.dma_semaphore, #tpu.memory_space<semaphore_mem>>) src(%dma_wait3A_881 : memref<1000000xi32, #tpu.memory_space<hbm>>) dst(%dma_wait3A_876 : memref<128xi32, #tpu.memory_space<vmem>>)
    %dma_wait3A_882 = arith.constant 16 : i32
    %dma_wait3A_883 = arith.constant 16 : i32
    %dma_wait3A_884 = arith.constant 0 : i32
    %dma_wait3A_885 = tpu.memref_slice %arg11[%dma_wait3A_883, %dma_wait3A_884] : memref<25x128xf32, #tpu.memory_space<vmem>> -> memref<1x128xf32, #tpu.memory_space<vmem>>
    %dma_wait3A_886 = tpu.memref_squeeze %dma_wait3A_885 : memref<1x128xf32, #tpu.memory_space<vmem>> -> memref<128xf32, #tpu.memory_space<vmem>>
    %dma_wait3A_887 = arith.constant 0 : i32
    %dma_wait3A_888 = tpu.memref_slice %arg9[%dma_wait3A_882, %dma_wait3A_887] : memref<25x128xi32, #tpu.memory_space<vmem>> -> memref<1x128xi32, #tpu.memory_space<vmem>>
    %dma_wait3A_889 = tpu.memref_squeeze %dma_wait3A_888 : memref<1x128xi32, #tpu.memory_space<vmem>> -> memref<128xi32, #tpu.memory_space<vmem>>
    %dma_wait3A_890 = arith.constant 0 : i32
    %dma_wait3A_891 = tpu.memref_slice %arg4[%dma_wait3A_890] : memref<1000000xf32, #tpu.memory_space<hbm>> -> memref<1000000xf32, #tpu.memory_space<hbm>>
    tpu.wait_indirect_dma semaphore(%arg19 : memref<!tpu.dma_semaphore, #tpu.memory_space<semaphore_mem>>) src(%dma_wait3A_891 : memref<1000000xf32, #tpu.memory_space<hbm>>) dst(%dma_wait3A_886 : memref<128xf32, #tpu.memory_space<vmem>>)
    %dma_wait3A_892 = arith.constant 17 : i32
    %dma_wait3A_893 = arith.constant 17 : i32
    %dma_wait3A_894 = arith.constant 0 : i32
    %dma_wait3A_895 = tpu.memref_slice %arg10[%dma_wait3A_893, %dma_wait3A_894] : memref<25x128xi32, #tpu.memory_space<vmem>> -> memref<1x128xi32, #tpu.memory_space<vmem>>
    %dma_wait3A_896 = tpu.memref_squeeze %dma_wait3A_895 : memref<1x128xi32, #tpu.memory_space<vmem>> -> memref<128xi32, #tpu.memory_space<vmem>>
    %dma_wait3A_897 = arith.constant 0 : i32
    %dma_wait3A_898 = tpu.memref_slice %arg9[%dma_wait3A_892, %dma_wait3A_897] : memref<25x128xi32, #tpu.memory_space<vmem>> -> memref<1x128xi32, #tpu.memory_space<vmem>>
    %dma_wait3A_899 = tpu.memref_squeeze %dma_wait3A_898 : memref<1x128xi32, #tpu.memory_space<vmem>> -> memref<128xi32, #tpu.memory_space<vmem>>
    %dma_wait3A_900 = arith.constant 0 : i32
    %dma_wait3A_901 = tpu.memref_slice %arg3[%dma_wait3A_900] : memref<1000000xi32, #tpu.memory_space<hbm>> -> memref<1000000xi32, #tpu.memory_space<hbm>>
    tpu.wait_indirect_dma semaphore(%arg18 : memref<!tpu.dma_semaphore, #tpu.memory_space<semaphore_mem>>) src(%dma_wait3A_901 : memref<1000000xi32, #tpu.memory_space<hbm>>) dst(%dma_wait3A_896 : memref<128xi32, #tpu.memory_space<vmem>>)
    %dma_wait3A_902 = arith.constant 17 : i32
    %dma_wait3A_903 = arith.constant 17 : i32
    %dma_wait3A_904 = arith.constant 0 : i32
    %dma_wait3A_905 = tpu.memref_slice %arg11[%dma_wait3A_903, %dma_wait3A_904] : memref<25x128xf32, #tpu.memory_space<vmem>> -> memref<1x128xf32, #tpu.memory_space<vmem>>
    %dma_wait3A_906 = tpu.memref_squeeze %dma_wait3A_905 : memref<1x128xf32, #tpu.memory_space<vmem>> -> memref<128xf32, #tpu.memory_space<vmem>>
    %dma_wait3A_907 = arith.constant 0 : i32
    %dma_wait3A_908 = tpu.memref_slice %arg9[%dma_wait3A_902, %dma_wait3A_907] : memref<25x128xi32, #tpu.memory_space<vmem>> -> memref<1x128xi32, #tpu.memory_space<vmem>>
    %dma_wait3A_909 = tpu.memref_squeeze %dma_wait3A_908 : memref<1x128xi32, #tpu.memory_space<vmem>> -> memref<128xi32, #tpu.memory_space<vmem>>
    %dma_wait3A_910 = arith.constant 0 : i32
    %dma_wait3A_911 = tpu.memref_slice %arg4[%dma_wait3A_910] : memref<1000000xf32, #tpu.memory_space<hbm>> -> memref<1000000xf32, #tpu.memory_space<hbm>>
    tpu.wait_indirect_dma semaphore(%arg19 : memref<!tpu.dma_semaphore, #tpu.memory_space<semaphore_mem>>) src(%dma_wait3A_911 : memref<1000000xf32, #tpu.memory_space<hbm>>) dst(%dma_wait3A_906 : memref<128xf32, #tpu.memory_space<vmem>>)
    %dma_wait3A_912 = arith.constant 18 : i32
    %dma_wait3A_913 = arith.constant 18 : i32
    %dma_wait3A_914 = arith.constant 0 : i32
    %dma_wait3A_915 = tpu.memref_slice %arg10[%dma_wait3A_913, %dma_wait3A_914] : memref<25x128xi32, #tpu.memory_space<vmem>> -> memref<1x128xi32, #tpu.memory_space<vmem>>
    %dma_wait3A_916 = tpu.memref_squeeze %dma_wait3A_915 : memref<1x128xi32, #tpu.memory_space<vmem>> -> memref<128xi32, #tpu.memory_space<vmem>>
    %dma_wait3A_917 = arith.constant 0 : i32
    %dma_wait3A_918 = tpu.memref_slice %arg9[%dma_wait3A_912, %dma_wait3A_917] : memref<25x128xi32, #tpu.memory_space<vmem>> -> memref<1x128xi32, #tpu.memory_space<vmem>>
    %dma_wait3A_919 = tpu.memref_squeeze %dma_wait3A_918 : memref<1x128xi32, #tpu.memory_space<vmem>> -> memref<128xi32, #tpu.memory_space<vmem>>
    %dma_wait3A_920 = arith.constant 0 : i32
    %dma_wait3A_921 = tpu.memref_slice %arg3[%dma_wait3A_920] : memref<1000000xi32, #tpu.memory_space<hbm>> -> memref<1000000xi32, #tpu.memory_space<hbm>>
    tpu.wait_indirect_dma semaphore(%arg18 : memref<!tpu.dma_semaphore, #tpu.memory_space<semaphore_mem>>) src(%dma_wait3A_921 : memref<1000000xi32, #tpu.memory_space<hbm>>) dst(%dma_wait3A_916 : memref<128xi32, #tpu.memory_space<vmem>>)
    %dma_wait3A_922 = arith.constant 18 : i32
    %dma_wait3A_923 = arith.constant 18 : i32
    %dma_wait3A_924 = arith.constant 0 : i32
    %dma_wait3A_925 = tpu.memref_slice %arg11[%dma_wait3A_923, %dma_wait3A_924] : memref<25x128xf32, #tpu.memory_space<vmem>> -> memref<1x128xf32, #tpu.memory_space<vmem>>
    %dma_wait3A_926 = tpu.memref_squeeze %dma_wait3A_925 : memref<1x128xf32, #tpu.memory_space<vmem>> -> memref<128xf32, #tpu.memory_space<vmem>>
    %dma_wait3A_927 = arith.constant 0 : i32
    %dma_wait3A_928 = tpu.memref_slice %arg9[%dma_wait3A_922, %dma_wait3A_927] : memref<25x128xi32, #tpu.memory_space<vmem>> -> memref<1x128xi32, #tpu.memory_space<vmem>>
    %dma_wait3A_929 = tpu.memref_squeeze %dma_wait3A_928 : memref<1x128xi32, #tpu.memory_space<vmem>> -> memref<128xi32, #tpu.memory_space<vmem>>
    %dma_wait3A_930 = arith.constant 0 : i32
    %dma_wait3A_931 = tpu.memref_slice %arg4[%dma_wait3A_930] : memref<1000000xf32, #tpu.memory_space<hbm>> -> memref<1000000xf32, #tpu.memory_space<hbm>>
    tpu.wait_indirect_dma semaphore(%arg19 : memref<!tpu.dma_semaphore, #tpu.memory_space<semaphore_mem>>) src(%dma_wait3A_931 : memref<1000000xf32, #tpu.memory_space<hbm>>) dst(%dma_wait3A_926 : memref<128xf32, #tpu.memory_space<vmem>>)
    %dma_wait3A_932 = arith.constant 19 : i32
    %dma_wait3A_933 = arith.constant 19 : i32
    %dma_wait3A_934 = arith.constant 0 : i32
    %dma_wait3A_935 = tpu.memref_slice %arg10[%dma_wait3A_933, %dma_wait3A_934] : memref<25x128xi32, #tpu.memory_space<vmem>> -> memref<1x128xi32, #tpu.memory_space<vmem>>
    %dma_wait3A_936 = tpu.memref_squeeze %dma_wait3A_935 : memref<1x128xi32, #tpu.memory_space<vmem>> -> memref<128xi32, #tpu.memory_space<vmem>>
    %dma_wait3A_937 = arith.constant 0 : i32
    %dma_wait3A_938 = tpu.memref_slice %arg9[%dma_wait3A_932, %dma_wait3A_937] : memref<25x128xi32, #tpu.memory_space<vmem>> -> memref<1x128xi32, #tpu.memory_space<vmem>>
    %dma_wait3A_939 = tpu.memref_squeeze %dma_wait3A_938 : memref<1x128xi32, #tpu.memory_space<vmem>> -> memref<128xi32, #tpu.memory_space<vmem>>
    %dma_wait3A_940 = arith.constant 0 : i32
    %dma_wait3A_941 = tpu.memref_slice %arg3[%dma_wait3A_940] : memref<1000000xi32, #tpu.memory_space<hbm>> -> memref<1000000xi32, #tpu.memory_space<hbm>>
    tpu.wait_indirect_dma semaphore(%arg18 : memref<!tpu.dma_semaphore, #tpu.memory_space<semaphore_mem>>) src(%dma_wait3A_941 : memref<1000000xi32, #tpu.memory_space<hbm>>) dst(%dma_wait3A_936 : memref<128xi32, #tpu.memory_space<vmem>>)
    %dma_wait3A_942 = arith.constant 19 : i32
    %dma_wait3A_943 = arith.constant 19 : i32
    %dma_wait3A_944 = arith.constant 0 : i32
    %dma_wait3A_945 = tpu.memref_slice %arg11[%dma_wait3A_943, %dma_wait3A_944] : memref<25x128xf32, #tpu.memory_space<vmem>> -> memref<1x128xf32, #tpu.memory_space<vmem>>
    %dma_wait3A_946 = tpu.memref_squeeze %dma_wait3A_945 : memref<1x128xf32, #tpu.memory_space<vmem>> -> memref<128xf32, #tpu.memory_space<vmem>>
    %dma_wait3A_947 = arith.constant 0 : i32
    %dma_wait3A_948 = tpu.memref_slice %arg9[%dma_wait3A_942, %dma_wait3A_947] : memref<25x128xi32, #tpu.memory_space<vmem>> -> memref<1x128xi32, #tpu.memory_space<vmem>>
    %dma_wait3A_949 = tpu.memref_squeeze %dma_wait3A_948 : memref<1x128xi32, #tpu.memory_space<vmem>> -> memref<128xi32, #tpu.memory_space<vmem>>
    %dma_wait3A_950 = arith.constant 0 : i32
    %dma_wait3A_951 = tpu.memref_slice %arg4[%dma_wait3A_950] : memref<1000000xf32, #tpu.memory_space<hbm>> -> memref<1000000xf32, #tpu.memory_space<hbm>>
    tpu.wait_indirect_dma semaphore(%arg19 : memref<!tpu.dma_semaphore, #tpu.memory_space<semaphore_mem>>) src(%dma_wait3A_951 : memref<1000000xf32, #tpu.memory_space<hbm>>) dst(%dma_wait3A_946 : memref<128xf32, #tpu.memory_space<vmem>>)
    %dma_wait3A_952 = arith.constant 20 : i32
    %dma_wait3A_953 = arith.constant 20 : i32
    %dma_wait3A_954 = arith.constant 0 : i32
    %dma_wait3A_955 = tpu.memref_slice %arg10[%dma_wait3A_953, %dma_wait3A_954] : memref<25x128xi32, #tpu.memory_space<vmem>> -> memref<1x128xi32, #tpu.memory_space<vmem>>
    %dma_wait3A_956 = tpu.memref_squeeze %dma_wait3A_955 : memref<1x128xi32, #tpu.memory_space<vmem>> -> memref<128xi32, #tpu.memory_space<vmem>>
    %dma_wait3A_957 = arith.constant 0 : i32
    %dma_wait3A_958 = tpu.memref_slice %arg9[%dma_wait3A_952, %dma_wait3A_957] : memref<25x128xi32, #tpu.memory_space<vmem>> -> memref<1x128xi32, #tpu.memory_space<vmem>>
    %dma_wait3A_959 = tpu.memref_squeeze %dma_wait3A_958 : memref<1x128xi32, #tpu.memory_space<vmem>> -> memref<128xi32, #tpu.memory_space<vmem>>
    %dma_wait3A_960 = arith.constant 0 : i32
    %dma_wait3A_961 = tpu.memref_slice %arg3[%dma_wait3A_960] : memref<1000000xi32, #tpu.memory_space<hbm>> -> memref<1000000xi32, #tpu.memory_space<hbm>>
    tpu.wait_indirect_dma semaphore(%arg18 : memref<!tpu.dma_semaphore, #tpu.memory_space<semaphore_mem>>) src(%dma_wait3A_961 : memref<1000000xi32, #tpu.memory_space<hbm>>) dst(%dma_wait3A_956 : memref<128xi32, #tpu.memory_space<vmem>>)
    %dma_wait3A_962 = arith.constant 20 : i32
    %dma_wait3A_963 = arith.constant 20 : i32
    %dma_wait3A_964 = arith.constant 0 : i32
    %dma_wait3A_965 = tpu.memref_slice %arg11[%dma_wait3A_963, %dma_wait3A_964] : memref<25x128xf32, #tpu.memory_space<vmem>> -> memref<1x128xf32, #tpu.memory_space<vmem>>
    %dma_wait3A_966 = tpu.memref_squeeze %dma_wait3A_965 : memref<1x128xf32, #tpu.memory_space<vmem>> -> memref<128xf32, #tpu.memory_space<vmem>>
    %dma_wait3A_967 = arith.constant 0 : i32
    %dma_wait3A_968 = tpu.memref_slice %arg9[%dma_wait3A_962, %dma_wait3A_967] : memref<25x128xi32, #tpu.memory_space<vmem>> -> memref<1x128xi32, #tpu.memory_space<vmem>>
    %dma_wait3A_969 = tpu.memref_squeeze %dma_wait3A_968 : memref<1x128xi32, #tpu.memory_space<vmem>> -> memref<128xi32, #tpu.memory_space<vmem>>
    %dma_wait3A_970 = arith.constant 0 : i32
    %dma_wait3A_971 = tpu.memref_slice %arg4[%dma_wait3A_970] : memref<1000000xf32, #tpu.memory_space<hbm>> -> memref<1000000xf32, #tpu.memory_space<hbm>>
    tpu.wait_indirect_dma semaphore(%arg19 : memref<!tpu.dma_semaphore, #tpu.memory_space<semaphore_mem>>) src(%dma_wait3A_971 : memref<1000000xf32, #tpu.memory_space<hbm>>) dst(%dma_wait3A_966 : memref<128xf32, #tpu.memory_space<vmem>>)
    %dma_wait3A_972 = arith.constant 21 : i32
    %dma_wait3A_973 = arith.constant 21 : i32
    %dma_wait3A_974 = arith.constant 0 : i32
    %dma_wait3A_975 = tpu.memref_slice %arg10[%dma_wait3A_973, %dma_wait3A_974] : memref<25x128xi32, #tpu.memory_space<vmem>> -> memref<1x128xi32, #tpu.memory_space<vmem>>
    %dma_wait3A_976 = tpu.memref_squeeze %dma_wait3A_975 : memref<1x128xi32, #tpu.memory_space<vmem>> -> memref<128xi32, #tpu.memory_space<vmem>>
    %dma_wait3A_977 = arith.constant 0 : i32
    %dma_wait3A_978 = tpu.memref_slice %arg9[%dma_wait3A_972, %dma_wait3A_977] : memref<25x128xi32, #tpu.memory_space<vmem>> -> memref<1x128xi32, #tpu.memory_space<vmem>>
    %dma_wait3A_979 = tpu.memref_squeeze %dma_wait3A_978 : memref<1x128xi32, #tpu.memory_space<vmem>> -> memref<128xi32, #tpu.memory_space<vmem>>
    %dma_wait3A_980 = arith.constant 0 : i32
    %dma_wait3A_981 = tpu.memref_slice %arg3[%dma_wait3A_980] : memref<1000000xi32, #tpu.memory_space<hbm>> -> memref<1000000xi32, #tpu.memory_space<hbm>>
    tpu.wait_indirect_dma semaphore(%arg18 : memref<!tpu.dma_semaphore, #tpu.memory_space<semaphore_mem>>) src(%dma_wait3A_981 : memref<1000000xi32, #tpu.memory_space<hbm>>) dst(%dma_wait3A_976 : memref<128xi32, #tpu.memory_space<vmem>>)
    %dma_wait3A_982 = arith.constant 21 : i32
    %dma_wait3A_983 = arith.constant 21 : i32
    %dma_wait3A_984 = arith.constant 0 : i32
    %dma_wait3A_985 = tpu.memref_slice %arg11[%dma_wait3A_983, %dma_wait3A_984] : memref<25x128xf32, #tpu.memory_space<vmem>> -> memref<1x128xf32, #tpu.memory_space<vmem>>
    %dma_wait3A_986 = tpu.memref_squeeze %dma_wait3A_985 : memref<1x128xf32, #tpu.memory_space<vmem>> -> memref<128xf32, #tpu.memory_space<vmem>>
    %dma_wait3A_987 = arith.constant 0 : i32
    %dma_wait3A_988 = tpu.memref_slice %arg9[%dma_wait3A_982, %dma_wait3A_987] : memref<25x128xi32, #tpu.memory_space<vmem>> -> memref<1x128xi32, #tpu.memory_space<vmem>>
    %dma_wait3A_989 = tpu.memref_squeeze %dma_wait3A_988 : memref<1x128xi32, #tpu.memory_space<vmem>> -> memref<128xi32, #tpu.memory_space<vmem>>
    %dma_wait3A_990 = arith.constant 0 : i32
    %dma_wait3A_991 = tpu.memref_slice %arg4[%dma_wait3A_990] : memref<1000000xf32, #tpu.memory_space<hbm>> -> memref<1000000xf32, #tpu.memory_space<hbm>>
    tpu.wait_indirect_dma semaphore(%arg19 : memref<!tpu.dma_semaphore, #tpu.memory_space<semaphore_mem>>) src(%dma_wait3A_991 : memref<1000000xf32, #tpu.memory_space<hbm>>) dst(%dma_wait3A_986 : memref<128xf32, #tpu.memory_space<vmem>>)
    %dma_wait3A_992 = arith.constant 22 : i32
    %dma_wait3A_993 = arith.constant 22 : i32
    %dma_wait3A_994 = arith.constant 0 : i32
    %dma_wait3A_995 = tpu.memref_slice %arg10[%dma_wait3A_993, %dma_wait3A_994] : memref<25x128xi32, #tpu.memory_space<vmem>> -> memref<1x128xi32, #tpu.memory_space<vmem>>
    %dma_wait3A_996 = tpu.memref_squeeze %dma_wait3A_995 : memref<1x128xi32, #tpu.memory_space<vmem>> -> memref<128xi32, #tpu.memory_space<vmem>>
    %dma_wait3A_997 = arith.constant 0 : i32
    %dma_wait3A_998 = tpu.memref_slice %arg9[%dma_wait3A_992, %dma_wait3A_997] : memref<25x128xi32, #tpu.memory_space<vmem>> -> memref<1x128xi32, #tpu.memory_space<vmem>>
    %dma_wait3A_999 = tpu.memref_squeeze %dma_wait3A_998 : memref<1x128xi32, #tpu.memory_space<vmem>> -> memref<128xi32, #tpu.memory_space<vmem>>
    %dma_wait3A_1000 = arith.constant 0 : i32
    %dma_wait3A_1001 = tpu.memref_slice %arg3[%dma_wait3A_1000] : memref<1000000xi32, #tpu.memory_space<hbm>> -> memref<1000000xi32, #tpu.memory_space<hbm>>
    tpu.wait_indirect_dma semaphore(%arg18 : memref<!tpu.dma_semaphore, #tpu.memory_space<semaphore_mem>>) src(%dma_wait3A_1001 : memref<1000000xi32, #tpu.memory_space<hbm>>) dst(%dma_wait3A_996 : memref<128xi32, #tpu.memory_space<vmem>>)
    %dma_wait3A_1002 = arith.constant 22 : i32
    %dma_wait3A_1003 = arith.constant 22 : i32
    %dma_wait3A_1004 = arith.constant 0 : i32
    %dma_wait3A_1005 = tpu.memref_slice %arg11[%dma_wait3A_1003, %dma_wait3A_1004] : memref<25x128xf32, #tpu.memory_space<vmem>> -> memref<1x128xf32, #tpu.memory_space<vmem>>
    %dma_wait3A_1006 = tpu.memref_squeeze %dma_wait3A_1005 : memref<1x128xf32, #tpu.memory_space<vmem>> -> memref<128xf32, #tpu.memory_space<vmem>>
    %dma_wait3A_1007 = arith.constant 0 : i32
    %dma_wait3A_1008 = tpu.memref_slice %arg9[%dma_wait3A_1002, %dma_wait3A_1007] : memref<25x128xi32, #tpu.memory_space<vmem>> -> memref<1x128xi32, #tpu.memory_space<vmem>>
    %dma_wait3A_1009 = tpu.memref_squeeze %dma_wait3A_1008 : memref<1x128xi32, #tpu.memory_space<vmem>> -> memref<128xi32, #tpu.memory_space<vmem>>
    %dma_wait3A_1010 = arith.constant 0 : i32
    %dma_wait3A_1011 = tpu.memref_slice %arg4[%dma_wait3A_1010] : memref<1000000xf32, #tpu.memory_space<hbm>> -> memref<1000000xf32, #tpu.memory_space<hbm>>
    tpu.wait_indirect_dma semaphore(%arg19 : memref<!tpu.dma_semaphore, #tpu.memory_space<semaphore_mem>>) src(%dma_wait3A_1011 : memref<1000000xf32, #tpu.memory_space<hbm>>) dst(%dma_wait3A_1006 : memref<128xf32, #tpu.memory_space<vmem>>)
    %dma_wait3A_1012 = arith.constant 23 : i32
    %dma_wait3A_1013 = arith.constant 23 : i32
    %dma_wait3A_1014 = arith.constant 0 : i32
    %dma_wait3A_1015 = tpu.memref_slice %arg10[%dma_wait3A_1013, %dma_wait3A_1014] : memref<25x128xi32, #tpu.memory_space<vmem>> -> memref<1x128xi32, #tpu.memory_space<vmem>>
    %dma_wait3A_1016 = tpu.memref_squeeze %dma_wait3A_1015 : memref<1x128xi32, #tpu.memory_space<vmem>> -> memref<128xi32, #tpu.memory_space<vmem>>
    %dma_wait3A_1017 = arith.constant 0 : i32
    %dma_wait3A_1018 = tpu.memref_slice %arg9[%dma_wait3A_1012, %dma_wait3A_1017] : memref<25x128xi32, #tpu.memory_space<vmem>> -> memref<1x128xi32, #tpu.memory_space<vmem>>
    %dma_wait3A_1019 = tpu.memref_squeeze %dma_wait3A_1018 : memref<1x128xi32, #tpu.memory_space<vmem>> -> memref<128xi32, #tpu.memory_space<vmem>>
    %dma_wait3A_1020 = arith.constant 0 : i32
    %dma_wait3A_1021 = tpu.memref_slice %arg3[%dma_wait3A_1020] : memref<1000000xi32, #tpu.memory_space<hbm>> -> memref<1000000xi32, #tpu.memory_space<hbm>>
    tpu.wait_indirect_dma semaphore(%arg18 : memref<!tpu.dma_semaphore, #tpu.memory_space<semaphore_mem>>) src(%dma_wait3A_1021 : memref<1000000xi32, #tpu.memory_space<hbm>>) dst(%dma_wait3A_1016 : memref<128xi32, #tpu.memory_space<vmem>>)
    %dma_wait3A_1022 = arith.constant 23 : i32
    %dma_wait3A_1023 = arith.constant 23 : i32
    %dma_wait3A_1024 = arith.constant 0 : i32
    %dma_wait3A_1025 = tpu.memref_slice %arg11[%dma_wait3A_1023, %dma_wait3A_1024] : memref<25x128xf32, #tpu.memory_space<vmem>> -> memref<1x128xf32, #tpu.memory_space<vmem>>
    %dma_wait3A_1026 = tpu.memref_squeeze %dma_wait3A_1025 : memref<1x128xf32, #tpu.memory_space<vmem>> -> memref<128xf32, #tpu.memory_space<vmem>>
    %dma_wait3A_1027 = arith.constant 0 : i32
    %dma_wait3A_1028 = tpu.memref_slice %arg9[%dma_wait3A_1022, %dma_wait3A_1027] : memref<25x128xi32, #tpu.memory_space<vmem>> -> memref<1x128xi32, #tpu.memory_space<vmem>>
    %dma_wait3A_1029 = tpu.memref_squeeze %dma_wait3A_1028 : memref<1x128xi32, #tpu.memory_space<vmem>> -> memref<128xi32, #tpu.memory_space<vmem>>
    %dma_wait3A_1030 = arith.constant 0 : i32
    %dma_wait3A_1031 = tpu.memref_slice %arg4[%dma_wait3A_1030] : memref<1000000xf32, #tpu.memory_space<hbm>> -> memref<1000000xf32, #tpu.memory_space<hbm>>
    tpu.wait_indirect_dma semaphore(%arg19 : memref<!tpu.dma_semaphore, #tpu.memory_space<semaphore_mem>>) src(%dma_wait3A_1031 : memref<1000000xf32, #tpu.memory_space<hbm>>) dst(%dma_wait3A_1026 : memref<128xf32, #tpu.memory_space<vmem>>)
    %dma_wait3A_1032 = arith.constant 24 : i32
    %dma_wait3A_1033 = arith.constant 24 : i32
    %dma_wait3A_1034 = arith.constant 0 : i32
    %dma_wait3A_1035 = tpu.memref_slice %arg10[%dma_wait3A_1033, %dma_wait3A_1034] : memref<25x128xi32, #tpu.memory_space<vmem>> -> memref<1x128xi32, #tpu.memory_space<vmem>>
    %dma_wait3A_1036 = tpu.memref_squeeze %dma_wait3A_1035 : memref<1x128xi32, #tpu.memory_space<vmem>> -> memref<128xi32, #tpu.memory_space<vmem>>
    %dma_wait3A_1037 = arith.constant 0 : i32
    %dma_wait3A_1038 = tpu.memref_slice %arg9[%dma_wait3A_1032, %dma_wait3A_1037] : memref<25x128xi32, #tpu.memory_space<vmem>> -> memref<1x128xi32, #tpu.memory_space<vmem>>
    %dma_wait3A_1039 = tpu.memref_squeeze %dma_wait3A_1038 : memref<1x128xi32, #tpu.memory_space<vmem>> -> memref<128xi32, #tpu.memory_space<vmem>>
    %dma_wait3A_1040 = arith.constant 0 : i32
    %dma_wait3A_1041 = tpu.memref_slice %arg3[%dma_wait3A_1040] : memref<1000000xi32, #tpu.memory_space<hbm>> -> memref<1000000xi32, #tpu.memory_space<hbm>>
    tpu.wait_indirect_dma semaphore(%arg18 : memref<!tpu.dma_semaphore, #tpu.memory_space<semaphore_mem>>) src(%dma_wait3A_1041 : memref<1000000xi32, #tpu.memory_space<hbm>>) dst(%dma_wait3A_1036 : memref<128xi32, #tpu.memory_space<vmem>>)
    %dma_wait3A_1042 = arith.constant 24 : i32
    %dma_wait3A_1043 = arith.constant 24 : i32
    %dma_wait3A_1044 = arith.constant 0 : i32
    %dma_wait3A_1045 = tpu.memref_slice %arg11[%dma_wait3A_1043, %dma_wait3A_1044] : memref<25x128xf32, #tpu.memory_space<vmem>> -> memref<1x128xf32, #tpu.memory_space<vmem>>
    %dma_wait3A_1046 = tpu.memref_squeeze %dma_wait3A_1045 : memref<1x128xf32, #tpu.memory_space<vmem>> -> memref<128xf32, #tpu.memory_space<vmem>>
    %dma_wait3A_1047 = arith.constant 0 : i32
    %dma_wait3A_1048 = tpu.memref_slice %arg9[%dma_wait3A_1042, %dma_wait3A_1047] : memref<25x128xi32, #tpu.memory_space<vmem>> -> memref<1x128xi32, #tpu.memory_space<vmem>>
    %dma_wait3A_1049 = tpu.memref_squeeze %dma_wait3A_1048 : memref<1x128xi32, #tpu.memory_space<vmem>> -> memref<128xi32, #tpu.memory_space<vmem>>
    %dma_wait3A_1050 = arith.constant 0 : i32
    %dma_wait3A_1051 = tpu.memref_slice %arg4[%dma_wait3A_1050] : memref<1000000xf32, #tpu.memory_space<hbm>> -> memref<1000000xf32, #tpu.memory_space<hbm>>
    tpu.wait_indirect_dma semaphore(%arg19 : memref<!tpu.dma_semaphore, #tpu.memory_space<semaphore_mem>>) src(%dma_wait3A_1051 : memref<1000000xf32, #tpu.memory_space<hbm>>) dst(%dma_wait3A_1046 : memref<128xf32, #tpu.memory_space<vmem>>)
    %scan3A_1052 = arith.constant 0 : i32
    %scan3A_1053 = arith.constant 0 : i32
    %scan3A_1054 = arith.constant 25 : i32
    %scan3A_1055 = arith.addi %scan3A_1053, %scan3A_1054 : i32
    %scan3A_1056 = arith.constant 1 : i32
    %scan3A_1057 = scf.for %scan3A_1559 = %scan3A_1053 to %scan3A_1055 step %scan3A_1056 iter_args(%scan3A_1560 = %scan3A_1052) -> (i32)  : i32 {
      %get3A = arith.index_cast %scan3A_1559 : i32 to index
      %get3A_1561 = arith.constant 0 : index
      %get3A_1562 = tpu.vector_load %arg9[%get3A, %get3A_1561] {strides = array<i32>} : memref<25x128xi32, #tpu.memory_space<vmem>>, vector<16xi32>,
      %get3A_1563 = arith.index_cast %scan3A_1559 : i32 to index
      %get3A_1564 = arith.constant 0 : index
      %get3A_1565 = tpu.vector_load %arg10[%get3A_1563, %get3A_1564] {strides = array<i32>} : memref<25x128xi32, #tpu.memory_space<vmem>>, vector<16xi32>,
      %get3A_1566 = arith.index_cast %scan3A_1559 : i32 to index
      %get3A_1567 = arith.constant 0 : index
      %get3A_1568 = tpu.vector_load %arg11[%get3A_1566, %get3A_1567] {strides = array<i32>} : memref<25x128xf32, #tpu.memory_space<vmem>>, vector<16xf32>,
      %convert_element_type3A = arith.fptosi %get3A_1568 : vector<16xf32> to vector<16xi32>
      %eq3A = arith.constant 0 : i32
      %eq3A_1569 = vector.broadcast %eq3A : i32 to vector<16xi32>
      %eq3A_1570 = arith.cmpi eq, %get3A_1565, %eq3A_1569 : vector<16xi32>
      %sub3A = arith.constant 1 : i32
      %sub3A_1571 = vector.broadcast %sub3A : i32 to vector<16xi32>
      %sub3A_1572 = arith.subi %get3A_1565, %sub3A_1571 : vector<16xi32>
      %and3A = arith.andi %get3A_1565, %sub3A_1572 : vector<16xi32>
      %eq3A_1573 = arith.constant 0 : i32
      %eq3A_1574 = vector.broadcast %eq3A_1573 : i32 to vector<16xi32>
      %eq3A_1575 = arith.cmpi eq, %and3A, %eq3A_1574 : vector<16xi32>
      %convert_element_type3A_1576 = arith.sitofp %get3A_1565 : vector<16xi32> to vector<16xf32>
      %bitcast3A = vector.bitcast %convert_element_type3A_1576 : vector<16xf32> to vector<16xi32>
      %shift_right_arithmetic3A = arith.constant 23 : i32
      %shift_right_arithmetic3A_1577 = vector.broadcast %shift_right_arithmetic3A : i32 to vector<16xi32>
      %shift_right_arithmetic3A_1578 = arith.shrsi %bitcast3A, %shift_right_arithmetic3A_1577 : vector<16xi32>
      %sub3A_1579 = arith.constant 127 : i32
      %sub3A_1580 = vector.broadcast %sub3A_1579 : i32 to vector<16xi32>
      %sub3A_1581 = arith.subi %shift_right_arithmetic3A_1578, %sub3A_1580 : vector<16xi32>
      %select_n3A = arith.select %eq3A_1570, %convert_element_type3A, %sub3A_1581 : vector<16xi1>, vector<16xi32>
      %jit3A = arith.constant 0 : i32
      %jit3A_1582 = arith.constant 19 : i32
      %max3A = vector.broadcast %jit3A : i32 to vector<16xi32>
      %max3A_1583 = arith.maxsi %max3A, %select_n3A : vector<16xi32>
      %min3A = vector.broadcast %jit3A_1582 : i32 to vector<16xi32>
      %min3A_1584 = arith.minsi %min3A, %max3A_1583 : vector<16xi32>
      %gather3A_1585 = tpu.vector_load_idx %arg17[%min3A_1584] : memref<32xi32, #tpu.memory_space<vmem>>[vector<16xi32>], vector<16xi32>,
      %not3A = arith.constant dense<true> : vector<16xi1>
      %not3A_1586 = arith.xori %eq3A_1575, %not3A : vector<16xi1>
      %all_reduce_population_count3A = tpu.all_reduce %not3A_1586 {dim = 0 : i64, kind = #tpu.reduction_kind<sum>} : vector<16xi1> -> vector<16xi32>
      %slice3A = vector.extract_strided_slice %all_reduce_population_count3A {offsets = [0], sizes = [1], strides = [1]} : vector<16xi32> to vector<1xi32>
      %squeeze3A = vector.extract %slice3A[0] : i32 from vector<1xi32>
      %gt3A = arith.constant 0 : i32
      %gt3A_1587 = arith.cmpi sgt, %squeeze3A, %gt3A : i32
      %convert_element_type3A_1588 = arith.extui %gt3A_1587 : i1 to i32
      %cond3A = arith.constant 0 : i32
      %cond3A_1589 = arith.cmpi ne, %convert_element_type3A_1588, %cond3A : i32
      %cond3A_1590 = scf.if %cond3A_1589 -> (vector<16xi32>) {
        %broadcast_in_dim3A_1977 = arith.constant 0xFF800000 : f32
        %broadcast_in_dim3A_1978 = vector.broadcast %broadcast_in_dim3A_1977 : f32 to vector<16xf32>
        %broadcast_in_dim3A_1979 = arith.constant 0 : i32
        %broadcast_in_dim3A_1980 = vector.broadcast %broadcast_in_dim3A_1979 : i32 to vector<16xi32>
        %scan3A_1981 = arith.constant 0 : i32
        %scan3A_1982 = arith.constant 20 : i32
        %scan3A_1983 = arith.addi %scan3A_1981, %scan3A_1982 : i32
        %scan3A_1984 = arith.constant 1 : i32
        %scan3A_1985:2 = scf.for %scan3A_1988 = %scan3A_1981 to %scan3A_1983 step %scan3A_1984 iter_args(%scan3A_1989 = %broadcast_in_dim3A_1978, %scan3A_1990 = %broadcast_in_dim3A_1980) -> (vector<16xf32>, vector<16xi32>)  : i32 {
          %broadcast_in_dim3A_1991 = arith.constant 0.000000e+00 : f32
          %broadcast_in_dim3A_1992 = vector.broadcast %broadcast_in_dim3A_1991 : f32 to vector<16xf32>
          %scan3A_1993 = arith.constant 0 : i32
          %scan3A_1994 = arith.constant 20 : i32
          %scan3A_1995 = arith.addi %scan3A_1993, %scan3A_1994 : i32
          %scan3A_1996 = arith.constant 1 : i32
          %scan3A_1997 = scf.for %scan3A_2006 = %scan3A_1993 to %scan3A_1995 step %scan3A_1996 iter_args(%scan3A_2007 = %broadcast_in_dim3A_1992) -> (vector<16xf32>)  : i32 {
            %shift_right_arithmetic3A_2008 = vector.broadcast %scan3A_2006 : i32 to vector<16xi32>
            %shift_right_arithmetic3A_2009 = arith.shrsi %get3A_1565, %shift_right_arithmetic3A_2008 : vector<16xi32>
            %and3A_2010 = arith.constant 1 : i32
            %and3A_2011 = vector.broadcast %and3A_2010 : i32 to vector<16xi32>
            %and3A_2012 = arith.andi %shift_right_arithmetic3A_2009, %and3A_2011 : vector<16xi32>
            %eq3A_2013 = arith.constant 1 : i32
            %eq3A_2014 = vector.broadcast %eq3A_2013 : i32 to vector<16xi32>
            %eq3A_2015 = arith.cmpi eq, %and3A_2012, %eq3A_2014 : vector<16xi32>
            %mul3A_2016 = arith.constant 32 : i32
            %mul3A_2017 = arith.muli %scan3A_2006, %mul3A_2016 : i32
            %add3A_2018 = arith.addi %mul3A_2017, %scan3A_1988 : i32
            %broadcast_in_dim3A_2019 = vector.broadcast %add3A_2018 : i32 to vector<16xi32>
            %gather3A_2020 = tpu.vector_load_idx %arg14[%broadcast_in_dim3A_2019] : memref<1024xf32, #tpu.memory_space<vmem>>[vector<16xi32>], vector<16xf32>,
            %jit3A_2021 = arith.constant 0.000000e+00 : f32
            %broadcast_in_dim3A_2022 = vector.broadcast %jit3A_2021 : f32 to vector<16xf32>
            %select_n3A_2023 = arith.select %eq3A_2015, %gather3A_2020, %broadcast_in_dim3A_2022 : vector<16xi1>, vector<16xf32>
            %add3A_2024 = arith.addf %scan3A_2007, %select_n3A_2023 : vector<16xf32>
            scf.yield %add3A_2024 : vector<16xf32>
          }
          %scan3A_1998 = arith.constant 20 : i32
          %broadcast_in_dim3A_1999 = vector.broadcast %scan3A_1988 : i32 to vector<16xi32>
          %gather3A_2000 = tpu.vector_load_idx %arg15[%broadcast_in_dim3A_1999] : memref<32xf32, #tpu.memory_space<vmem>>[vector<16xi32>], vector<16xf32>,
          %add3A_2001 = arith.addf %scan3A_1997, %gather3A_2000 : vector<16xf32>
          %gt3A_2002 = arith.cmpf ogt, %add3A_2001, %scan3A_1989 : vector<16xf32>
          %select_n3A_2003 = arith.select %gt3A_2002, %add3A_2001, %scan3A_1989 : vector<16xi1>, vector<16xf32>
          %broadcast_in_dim3A_2004 = vector.broadcast %scan3A_1988 : i32 to vector<16xi32>
          %select_n3A_2005 = arith.select %gt3A_2002, %broadcast_in_dim3A_2004, %scan3A_1990 : vector<16xi1>, vector<16xi32>
          scf.yield %select_n3A_2003, %select_n3A_2005 : vector<16xf32>, vector<16xi32>
        }
        %scan3A_1986 = arith.constant 20 : i32
        %select_n3A_1987 = arith.select %not3A_1586, %scan3A_1985#1, %gather3A_1585 : vector<16xi1>, vector<16xi32>
        scf.yield %select_n3A_1987 : vector<16xi32>
      } else {
        scf.yield %gather3A_1585 : vector<16xi32>
      }
      %swap3A_1591 = arith.index_cast %scan3A_1559 : i32 to index
      %swap3A_1592 = arith.constant 0 : index
      %swap3A_1593 = tpu.vector_load %arg12[%swap3A_1591, %swap3A_1592] {strides = array<i32>} : memref<25x128xi32, #tpu.memory_space<vmem>>, vector<16xi32>,
      tpu.vector_store %arg12[%swap3A_1591, %swap3A_1592], %get3A_1562 {strides = array<i32>} : memref<25x128xi32, #tpu.memory_space<vmem>>, vector<16xi32>,
      %convert_element_type3A_1594 = arith.sitofp %cond3A_1590 : vector<16xi32> to vector<16xf32>
      %swap3A_1595 = arith.index_cast %scan3A_1559 : i32 to index
      %swap3A_1596 = arith.constant 0 : index
      %swap3A_1597 = tpu.vector_load %arg13[%swap3A_1595, %swap3A_1596] {strides = array<i32>} : memref<25x128xf32, #tpu.memory_space<vmem>>, vector<16xf32>,
      tpu.vector_store %arg13[%swap3A_1595, %swap3A_1596], %convert_element_type3A_1594 {strides = array<i32>} : memref<25x128xf32, #tpu.memory_space<vmem>>, vector<16xf32>,
      %get3A_1598 = arith.index_cast %scan3A_1559 : i32 to index
      %get3A_1599 = arith.constant 16 : index
      %get3A_1600 = tpu.vector_load %arg9[%get3A_1598, %get3A_1599] {strides = array<i32>} : memref<25x128xi32, #tpu.memory_space<vmem>>, vector<16xi32>,
      %get3A_1601 = arith.index_cast %scan3A_1559 : i32 to index
      %get3A_1602 = arith.constant 16 : index
      %get3A_1603 = tpu.vector_load %arg10[%get3A_1601, %get3A_1602] {strides = array<i32>} : memref<25x128xi32, #tpu.memory_space<vmem>>, vector<16xi32>,
      %get3A_1604 = arith.index_cast %scan3A_1559 : i32 to index
      %get3A_1605 = arith.constant 16 : index
      %get3A_1606 = tpu.vector_load %arg11[%get3A_1604, %get3A_1605] {strides = array<i32>} : memref<25x128xf32, #tpu.memory_space<vmem>>, vector<16xf32>,
      %convert_element_type3A_1607 = arith.fptosi %get3A_1606 : vector<16xf32> to vector<16xi32>
      %eq3A_1608 = arith.constant 0 : i32
      %eq3A_1609 = vector.broadcast %eq3A_1608 : i32 to vector<16xi32>
      %eq3A_1610 = arith.cmpi eq, %get3A_1603, %eq3A_1609 : vector<16xi32>
      %sub3A_1611 = arith.constant 1 : i32
      %sub3A_1612 = vector.broadcast %sub3A_1611 : i32 to vector<16xi32>
      %sub3A_1613 = arith.subi %get3A_1603, %sub3A_1612 : vector<16xi32>
      %and3A_1614 = arith.andi %get3A_1603, %sub3A_1613 : vector<16xi32>
      %eq3A_1615 = arith.constant 0 : i32
      %eq3A_1616 = vector.broadcast %eq3A_1615 : i32 to vector<16xi32>
      %eq3A_1617 = arith.cmpi eq, %and3A_1614, %eq3A_1616 : vector<16xi32>
      %convert_element_type3A_1618 = arith.sitofp %get3A_1603 : vector<16xi32> to vector<16xf32>
      %bitcast3A_1619 = vector.bitcast %convert_element_type3A_1618 : vector<16xf32> to vector<16xi32>
      %shift_right_arithmetic3A_1620 = arith.constant 23 : i32
      %shift_right_arithmetic3A_1621 = vector.broadcast %shift_right_arithmetic3A_1620 : i32 to vector<16xi32>
      %shift_right_arithmetic3A_1622 = arith.shrsi %bitcast3A_1619, %shift_right_arithmetic3A_1621 : vector<16xi32>
      %sub3A_1623 = arith.constant 127 : i32
      %sub3A_1624 = vector.broadcast %sub3A_1623 : i32 to vector<16xi32>
      %sub3A_1625 = arith.subi %shift_right_arithmetic3A_1622, %sub3A_1624 : vector<16xi32>
      %select_n3A_1626 = arith.select %eq3A_1610, %convert_element_type3A_1607, %sub3A_1625 : vector<16xi1>, vector<16xi32>
      %jit3A_1627 = arith.constant 0 : i32
      %jit3A_1628 = arith.constant 19 : i32
      %max3A_1629 = vector.broadcast %jit3A_1627 : i32 to vector<16xi32>
      %max3A_1630 = arith.maxsi %max3A_1629, %select_n3A_1626 : vector<16xi32>
      %min3A_1631 = vector.broadcast %jit3A_1628 : i32 to vector<16xi32>
      %min3A_1632 = arith.minsi %min3A_1631, %max3A_1630 : vector<16xi32>
      %gather3A_1633 = tpu.vector_load_idx %arg17[%min3A_1632] : memref<32xi32, #tpu.memory_space<vmem>>[vector<16xi32>], vector<16xi32>,
      %not3A_1634 = arith.constant dense<true> : vector<16xi1>
      %not3A_1635 = arith.xori %eq3A_1617, %not3A_1634 : vector<16xi1>
      %all_reduce_population_count3A_1636 = tpu.all_reduce %not3A_1635 {dim = 0 : i64, kind = #tpu.reduction_kind<sum>} : vector<16xi1> -> vector<16xi32>
      %slice3A_1637 = vector.extract_strided_slice %all_reduce_population_count3A_1636 {offsets = [0], sizes = [1], strides = [1]} : vector<16xi32> to vector<1xi32>
      %squeeze3A_1638 = vector.extract %slice3A_1637[0] : i32 from vector<1xi32>
      %gt3A_1639 = arith.constant 0 : i32
      %gt3A_1640 = arith.cmpi sgt, %squeeze3A_1638, %gt3A_1639 : i32
      %convert_element_type3A_1641 = arith.extui %gt3A_1640 : i1 to i32
      %cond3A_1642 = arith.constant 0 : i32
      %cond3A_1643 = arith.cmpi ne, %convert_element_type3A_1641, %cond3A_1642 : i32
      %cond3A_1644 = scf.if %cond3A_1643 -> (vector<16xi32>) {
        %broadcast_in_dim3A_1977 = arith.constant 0xFF800000 : f32
        %broadcast_in_dim3A_1978 = vector.broadcast %broadcast_in_dim3A_1977 : f32 to vector<16xf32>
        %broadcast_in_dim3A_1979 = arith.constant 0 : i32
        %broadcast_in_dim3A_1980 = vector.broadcast %broadcast_in_dim3A_1979 : i32 to vector<16xi32>
        %scan3A_1981 = arith.constant 0 : i32
        %scan3A_1982 = arith.constant 20 : i32
        %scan3A_1983 = arith.addi %scan3A_1981, %scan3A_1982 : i32
        %scan3A_1984 = arith.constant 1 : i32
        %scan3A_1985:2 = scf.for %scan3A_1988 = %scan3A_1981 to %scan3A_1983 step %scan3A_1984 iter_args(%scan3A_1989 = %broadcast_in_dim3A_1978, %scan3A_1990 = %broadcast_in_dim3A_1980) -> (vector<16xf32>, vector<16xi32>)  : i32 {
          %broadcast_in_dim3A_1991 = arith.constant 0.000000e+00 : f32
          %broadcast_in_dim3A_1992 = vector.broadcast %broadcast_in_dim3A_1991 : f32 to vector<16xf32>
          %scan3A_1993 = arith.constant 0 : i32
          %scan3A_1994 = arith.constant 20 : i32
          %scan3A_1995 = arith.addi %scan3A_1993, %scan3A_1994 : i32
          %scan3A_1996 = arith.constant 1 : i32
          %scan3A_1997 = scf.for %scan3A_2006 = %scan3A_1993 to %scan3A_1995 step %scan3A_1996 iter_args(%scan3A_2007 = %broadcast_in_dim3A_1992) -> (vector<16xf32>)  : i32 {
            %shift_right_arithmetic3A_2008 = vector.broadcast %scan3A_2006 : i32 to vector<16xi32>
            %shift_right_arithmetic3A_2009 = arith.shrsi %get3A_1603, %shift_right_arithmetic3A_2008 : vector<16xi32>
            %and3A_2010 = arith.constant 1 : i32
            %and3A_2011 = vector.broadcast %and3A_2010 : i32 to vector<16xi32>
            %and3A_2012 = arith.andi %shift_right_arithmetic3A_2009, %and3A_2011 : vector<16xi32>
            %eq3A_2013 = arith.constant 1 : i32
            %eq3A_2014 = vector.broadcast %eq3A_2013 : i32 to vector<16xi32>
            %eq3A_2015 = arith.cmpi eq, %and3A_2012, %eq3A_2014 : vector<16xi32>
            %mul3A_2016 = arith.constant 32 : i32
            %mul3A_2017 = arith.muli %scan3A_2006, %mul3A_2016 : i32
            %add3A_2018 = arith.addi %mul3A_2017, %scan3A_1988 : i32
            %broadcast_in_dim3A_2019 = vector.broadcast %add3A_2018 : i32 to vector<16xi32>
            %gather3A_2020 = tpu.vector_load_idx %arg14[%broadcast_in_dim3A_2019] : memref<1024xf32, #tpu.memory_space<vmem>>[vector<16xi32>], vector<16xf32>,
            %jit3A_2021 = arith.constant 0.000000e+00 : f32
            %broadcast_in_dim3A_2022 = vector.broadcast %jit3A_2021 : f32 to vector<16xf32>
            %select_n3A_2023 = arith.select %eq3A_2015, %gather3A_2020, %broadcast_in_dim3A_2022 : vector<16xi1>, vector<16xf32>
            %add3A_2024 = arith.addf %scan3A_2007, %select_n3A_2023 : vector<16xf32>
            scf.yield %add3A_2024 : vector<16xf32>
          }
          %scan3A_1998 = arith.constant 20 : i32
          %broadcast_in_dim3A_1999 = vector.broadcast %scan3A_1988 : i32 to vector<16xi32>
          %gather3A_2000 = tpu.vector_load_idx %arg15[%broadcast_in_dim3A_1999] : memref<32xf32, #tpu.memory_space<vmem>>[vector<16xi32>], vector<16xf32>,
          %add3A_2001 = arith.addf %scan3A_1997, %gather3A_2000 : vector<16xf32>
          %gt3A_2002 = arith.cmpf ogt, %add3A_2001, %scan3A_1989 : vector<16xf32>
          %select_n3A_2003 = arith.select %gt3A_2002, %add3A_2001, %scan3A_1989 : vector<16xi1>, vector<16xf32>
          %broadcast_in_dim3A_2004 = vector.broadcast %scan3A_1988 : i32 to vector<16xi32>
          %select_n3A_2005 = arith.select %gt3A_2002, %broadcast_in_dim3A_2004, %scan3A_1990 : vector<16xi1>, vector<16xi32>
          scf.yield %select_n3A_2003, %select_n3A_2005 : vector<16xf32>, vector<16xi32>
        }
        %scan3A_1986 = arith.constant 20 : i32
        %select_n3A_1987 = arith.select %not3A_1635, %scan3A_1985#1, %gather3A_1633 : vector<16xi1>, vector<16xi32>
        scf.yield %select_n3A_1987 : vector<16xi32>
      } else {
        scf.yield %gather3A_1633 : vector<16xi32>
      }
      %swap3A_1645 = arith.index_cast %scan3A_1559 : i32 to index
      %swap3A_1646 = arith.constant 16 : index
      %swap3A_1647 = tpu.vector_load %arg12[%swap3A_1645, %swap3A_1646] {strides = array<i32>} : memref<25x128xi32, #tpu.memory_space<vmem>>, vector<16xi32>,
      tpu.vector_store %arg12[%swap3A_1645, %swap3A_1646], %get3A_1600 {strides = array<i32>} : memref<25x128xi32, #tpu.memory_space<vmem>>, vector<16xi32>,
      %convert_element_type3A_1648 = arith.sitofp %cond3A_1644 : vector<16xi32> to vector<16xf32>
      %swap3A_1649 = arith.index_cast %scan3A_1559 : i32 to index
      %swap3A_1650 = arith.constant 16 : index
      %swap3A_1651 = tpu.vector_load %arg13[%swap3A_1649, %swap3A_1650] {strides = array<i32>} : memref<25x128xf32, #tpu.memory_space<vmem>>, vector<16xf32>,
      tpu.vector_store %arg13[%swap3A_1649, %swap3A_1650], %convert_element_type3A_1648 {strides = array<i32>} : memref<25x128xf32, #tpu.memory_space<vmem>>, vector<16xf32>,
      %get3A_1652 = arith.index_cast %scan3A_1559 : i32 to index
      %get3A_1653 = arith.constant 32 : index
      %get3A_1654 = tpu.vector_load %arg9[%get3A_1652, %get3A_1653] {strides = array<i32>} : memref<25x128xi32, #tpu.memory_space<vmem>>, vector<16xi32>,
      %get3A_1655 = arith.index_cast %scan3A_1559 : i32 to index
      %get3A_1656 = arith.constant 32 : index
      %get3A_1657 = tpu.vector_load %arg10[%get3A_1655, %get3A_1656] {strides = array<i32>} : memref<25x128xi32, #tpu.memory_space<vmem>>, vector<16xi32>,
      %get3A_1658 = arith.index_cast %scan3A_1559 : i32 to index
      %get3A_1659 = arith.constant 32 : index
      %get3A_1660 = tpu.vector_load %arg11[%get3A_1658, %get3A_1659] {strides = array<i32>} : memref<25x128xf32, #tpu.memory_space<vmem>>, vector<16xf32>,
      %convert_element_type3A_1661 = arith.fptosi %get3A_1660 : vector<16xf32> to vector<16xi32>
      %eq3A_1662 = arith.constant 0 : i32
      %eq3A_1663 = vector.broadcast %eq3A_1662 : i32 to vector<16xi32>
      %eq3A_1664 = arith.cmpi eq, %get3A_1657, %eq3A_1663 : vector<16xi32>
      %sub3A_1665 = arith.constant 1 : i32
      %sub3A_1666 = vector.broadcast %sub3A_1665 : i32 to vector<16xi32>
      %sub3A_1667 = arith.subi %get3A_1657, %sub3A_1666 : vector<16xi32>
      %and3A_1668 = arith.andi %get3A_1657, %sub3A_1667 : vector<16xi32>
      %eq3A_1669 = arith.constant 0 : i32
      %eq3A_1670 = vector.broadcast %eq3A_1669 : i32 to vector<16xi32>
      %eq3A_1671 = arith.cmpi eq, %and3A_1668, %eq3A_1670 : vector<16xi32>
      %convert_element_type3A_1672 = arith.sitofp %get3A_1657 : vector<16xi32> to vector<16xf32>
      %bitcast3A_1673 = vector.bitcast %convert_element_type3A_1672 : vector<16xf32> to vector<16xi32>
      %shift_right_arithmetic3A_1674 = arith.constant 23 : i32
      %shift_right_arithmetic3A_1675 = vector.broadcast %shift_right_arithmetic3A_1674 : i32 to vector<16xi32>
      %shift_right_arithmetic3A_1676 = arith.shrsi %bitcast3A_1673, %shift_right_arithmetic3A_1675 : vector<16xi32>
      %sub3A_1677 = arith.constant 127 : i32
      %sub3A_1678 = vector.broadcast %sub3A_1677 : i32 to vector<16xi32>
      %sub3A_1679 = arith.subi %shift_right_arithmetic3A_1676, %sub3A_1678 : vector<16xi32>
      %select_n3A_1680 = arith.select %eq3A_1664, %convert_element_type3A_1661, %sub3A_1679 : vector<16xi1>, vector<16xi32>
      %jit3A_1681 = arith.constant 0 : i32
      %jit3A_1682 = arith.constant 19 : i32
      %max3A_1683 = vector.broadcast %jit3A_1681 : i32 to vector<16xi32>
      %max3A_1684 = arith.maxsi %max3A_1683, %select_n3A_1680 : vector<16xi32>
      %min3A_1685 = vector.broadcast %jit3A_1682 : i32 to vector<16xi32>
      %min3A_1686 = arith.minsi %min3A_1685, %max3A_1684 : vector<16xi32>
      %gather3A_1687 = tpu.vector_load_idx %arg17[%min3A_1686] : memref<32xi32, #tpu.memory_space<vmem>>[vector<16xi32>], vector<16xi32>,
      %not3A_1688 = arith.constant dense<true> : vector<16xi1>
      %not3A_1689 = arith.xori %eq3A_1671, %not3A_1688 : vector<16xi1>
      %all_reduce_population_count3A_1690 = tpu.all_reduce %not3A_1689 {dim = 0 : i64, kind = #tpu.reduction_kind<sum>} : vector<16xi1> -> vector<16xi32>
      %slice3A_1691 = vector.extract_strided_slice %all_reduce_population_count3A_1690 {offsets = [0], sizes = [1], strides = [1]} : vector<16xi32> to vector<1xi32>
      %squeeze3A_1692 = vector.extract %slice3A_1691[0] : i32 from vector<1xi32>
      %gt3A_1693 = arith.constant 0 : i32
      %gt3A_1694 = arith.cmpi sgt, %squeeze3A_1692, %gt3A_1693 : i32
      %convert_element_type3A_1695 = arith.extui %gt3A_1694 : i1 to i32
      %cond3A_1696 = arith.constant 0 : i32
      %cond3A_1697 = arith.cmpi ne, %convert_element_type3A_1695, %cond3A_1696 : i32
      %cond3A_1698 = scf.if %cond3A_1697 -> (vector<16xi32>) {
        %broadcast_in_dim3A_1977 = arith.constant 0xFF800000 : f32
        %broadcast_in_dim3A_1978 = vector.broadcast %broadcast_in_dim3A_1977 : f32 to vector<16xf32>
        %broadcast_in_dim3A_1979 = arith.constant 0 : i32
        %broadcast_in_dim3A_1980 = vector.broadcast %broadcast_in_dim3A_1979 : i32 to vector<16xi32>
        %scan3A_1981 = arith.constant 0 : i32
        %scan3A_1982 = arith.constant 20 : i32
        %scan3A_1983 = arith.addi %scan3A_1981, %scan3A_1982 : i32
        %scan3A_1984 = arith.constant 1 : i32
        %scan3A_1985:2 = scf.for %scan3A_1988 = %scan3A_1981 to %scan3A_1983 step %scan3A_1984 iter_args(%scan3A_1989 = %broadcast_in_dim3A_1978, %scan3A_1990 = %broadcast_in_dim3A_1980) -> (vector<16xf32>, vector<16xi32>)  : i32 {
          %broadcast_in_dim3A_1991 = arith.constant 0.000000e+00 : f32
          %broadcast_in_dim3A_1992 = vector.broadcast %broadcast_in_dim3A_1991 : f32 to vector<16xf32>
          %scan3A_1993 = arith.constant 0 : i32
          %scan3A_1994 = arith.constant 20 : i32
          %scan3A_1995 = arith.addi %scan3A_1993, %scan3A_1994 : i32
          %scan3A_1996 = arith.constant 1 : i32
          %scan3A_1997 = scf.for %scan3A_2006 = %scan3A_1993 to %scan3A_1995 step %scan3A_1996 iter_args(%scan3A_2007 = %broadcast_in_dim3A_1992) -> (vector<16xf32>)  : i32 {
            %shift_right_arithmetic3A_2008 = vector.broadcast %scan3A_2006 : i32 to vector<16xi32>
            %shift_right_arithmetic3A_2009 = arith.shrsi %get3A_1657, %shift_right_arithmetic3A_2008 : vector<16xi32>
            %and3A_2010 = arith.constant 1 : i32
            %and3A_2011 = vector.broadcast %and3A_2010 : i32 to vector<16xi32>
            %and3A_2012 = arith.andi %shift_right_arithmetic3A_2009, %and3A_2011 : vector<16xi32>
            %eq3A_2013 = arith.constant 1 : i32
            %eq3A_2014 = vector.broadcast %eq3A_2013 : i32 to vector<16xi32>
            %eq3A_2015 = arith.cmpi eq, %and3A_2012, %eq3A_2014 : vector<16xi32>
            %mul3A_2016 = arith.constant 32 : i32
            %mul3A_2017 = arith.muli %scan3A_2006, %mul3A_2016 : i32
            %add3A_2018 = arith.addi %mul3A_2017, %scan3A_1988 : i32
            %broadcast_in_dim3A_2019 = vector.broadcast %add3A_2018 : i32 to vector<16xi32>
            %gather3A_2020 = tpu.vector_load_idx %arg14[%broadcast_in_dim3A_2019] : memref<1024xf32, #tpu.memory_space<vmem>>[vector<16xi32>], vector<16xf32>,
            %jit3A_2021 = arith.constant 0.000000e+00 : f32
            %broadcast_in_dim3A_2022 = vector.broadcast %jit3A_2021 : f32 to vector<16xf32>
            %select_n3A_2023 = arith.select %eq3A_2015, %gather3A_2020, %broadcast_in_dim3A_2022 : vector<16xi1>, vector<16xf32>
            %add3A_2024 = arith.addf %scan3A_2007, %select_n3A_2023 : vector<16xf32>
            scf.yield %add3A_2024 : vector<16xf32>
          }
          %scan3A_1998 = arith.constant 20 : i32
          %broadcast_in_dim3A_1999 = vector.broadcast %scan3A_1988 : i32 to vector<16xi32>
          %gather3A_2000 = tpu.vector_load_idx %arg15[%broadcast_in_dim3A_1999] : memref<32xf32, #tpu.memory_space<vmem>>[vector<16xi32>], vector<16xf32>,
          %add3A_2001 = arith.addf %scan3A_1997, %gather3A_2000 : vector<16xf32>
          %gt3A_2002 = arith.cmpf ogt, %add3A_2001, %scan3A_1989 : vector<16xf32>
          %select_n3A_2003 = arith.select %gt3A_2002, %add3A_2001, %scan3A_1989 : vector<16xi1>, vector<16xf32>
          %broadcast_in_dim3A_2004 = vector.broadcast %scan3A_1988 : i32 to vector<16xi32>
          %select_n3A_2005 = arith.select %gt3A_2002, %broadcast_in_dim3A_2004, %scan3A_1990 : vector<16xi1>, vector<16xi32>
          scf.yield %select_n3A_2003, %select_n3A_2005 : vector<16xf32>, vector<16xi32>
        }
        %scan3A_1986 = arith.constant 20 : i32
        %select_n3A_1987 = arith.select %not3A_1689, %scan3A_1985#1, %gather3A_1687 : vector<16xi1>, vector<16xi32>
        scf.yield %select_n3A_1987 : vector<16xi32>
      } else {
        scf.yield %gather3A_1687 : vector<16xi32>
      }
      %swap3A_1699 = arith.index_cast %scan3A_1559 : i32 to index
      %swap3A_1700 = arith.constant 32 : index
      %swap3A_1701 = tpu.vector_load %arg12[%swap3A_1699, %swap3A_1700] {strides = array<i32>} : memref<25x128xi32, #tpu.memory_space<vmem>>, vector<16xi32>,
      tpu.vector_store %arg12[%swap3A_1699, %swap3A_1700], %get3A_1654 {strides = array<i32>} : memref<25x128xi32, #tpu.memory_space<vmem>>, vector<16xi32>,
      %convert_element_type3A_1702 = arith.sitofp %cond3A_1698 : vector<16xi32> to vector<16xf32>
      %swap3A_1703 = arith.index_cast %scan3A_1559 : i32 to index
      %swap3A_1704 = arith.constant 32 : index
      %swap3A_1705 = tpu.vector_load %arg13[%swap3A_1703, %swap3A_1704] {strides = array<i32>} : memref<25x128xf32, #tpu.memory_space<vmem>>, vector<16xf32>,
      tpu.vector_store %arg13[%swap3A_1703, %swap3A_1704], %convert_element_type3A_1702 {strides = array<i32>} : memref<25x128xf32, #tpu.memory_space<vmem>>, vector<16xf32>,
      %get3A_1706 = arith.index_cast %scan3A_1559 : i32 to index
      %get3A_1707 = arith.constant 48 : index
      %get3A_1708 = tpu.vector_load %arg9[%get3A_1706, %get3A_1707] {strides = array<i32>} : memref<25x128xi32, #tpu.memory_space<vmem>>, vector<16xi32>,
      %get3A_1709 = arith.index_cast %scan3A_1559 : i32 to index
      %get3A_1710 = arith.constant 48 : index
      %get3A_1711 = tpu.vector_load %arg10[%get3A_1709, %get3A_1710] {strides = array<i32>} : memref<25x128xi32, #tpu.memory_space<vmem>>, vector<16xi32>,
      %get3A_1712 = arith.index_cast %scan3A_1559 : i32 to index
      %get3A_1713 = arith.constant 48 : index
      %get3A_1714 = tpu.vector_load %arg11[%get3A_1712, %get3A_1713] {strides = array<i32>} : memref<25x128xf32, #tpu.memory_space<vmem>>, vector<16xf32>,
      %convert_element_type3A_1715 = arith.fptosi %get3A_1714 : vector<16xf32> to vector<16xi32>
      %eq3A_1716 = arith.constant 0 : i32
      %eq3A_1717 = vector.broadcast %eq3A_1716 : i32 to vector<16xi32>
      %eq3A_1718 = arith.cmpi eq, %get3A_1711, %eq3A_1717 : vector<16xi32>
      %sub3A_1719 = arith.constant 1 : i32
      %sub3A_1720 = vector.broadcast %sub3A_1719 : i32 to vector<16xi32>
      %sub3A_1721 = arith.subi %get3A_1711, %sub3A_1720 : vector<16xi32>
      %and3A_1722 = arith.andi %get3A_1711, %sub3A_1721 : vector<16xi32>
      %eq3A_1723 = arith.constant 0 : i32
      %eq3A_1724 = vector.broadcast %eq3A_1723 : i32 to vector<16xi32>
      %eq3A_1725 = arith.cmpi eq, %and3A_1722, %eq3A_1724 : vector<16xi32>
      %convert_element_type3A_1726 = arith.sitofp %get3A_1711 : vector<16xi32> to vector<16xf32>
      %bitcast3A_1727 = vector.bitcast %convert_element_type3A_1726 : vector<16xf32> to vector<16xi32>
      %shift_right_arithmetic3A_1728 = arith.constant 23 : i32
      %shift_right_arithmetic3A_1729 = vector.broadcast %shift_right_arithmetic3A_1728 : i32 to vector<16xi32>
      %shift_right_arithmetic3A_1730 = arith.shrsi %bitcast3A_1727, %shift_right_arithmetic3A_1729 : vector<16xi32>
      %sub3A_1731 = arith.constant 127 : i32
      %sub3A_1732 = vector.broadcast %sub3A_1731 : i32 to vector<16xi32>
      %sub3A_1733 = arith.subi %shift_right_arithmetic3A_1730, %sub3A_1732 : vector<16xi32>
      %select_n3A_1734 = arith.select %eq3A_1718, %convert_element_type3A_1715, %sub3A_1733 : vector<16xi1>, vector<16xi32>
      %jit3A_1735 = arith.constant 0 : i32
      %jit3A_1736 = arith.constant 19 : i32
      %max3A_1737 = vector.broadcast %jit3A_1735 : i32 to vector<16xi32>
      %max3A_1738 = arith.maxsi %max3A_1737, %select_n3A_1734 : vector<16xi32>
      %min3A_1739 = vector.broadcast %jit3A_1736 : i32 to vector<16xi32>
      %min3A_1740 = arith.minsi %min3A_1739, %max3A_1738 : vector<16xi32>
      %gather3A_1741 = tpu.vector_load_idx %arg17[%min3A_1740] : memref<32xi32, #tpu.memory_space<vmem>>[vector<16xi32>], vector<16xi32>,
      %not3A_1742 = arith.constant dense<true> : vector<16xi1>
      %not3A_1743 = arith.xori %eq3A_1725, %not3A_1742 : vector<16xi1>
      %all_reduce_population_count3A_1744 = tpu.all_reduce %not3A_1743 {dim = 0 : i64, kind = #tpu.reduction_kind<sum>} : vector<16xi1> -> vector<16xi32>
      %slice3A_1745 = vector.extract_strided_slice %all_reduce_population_count3A_1744 {offsets = [0], sizes = [1], strides = [1]} : vector<16xi32> to vector<1xi32>
      %squeeze3A_1746 = vector.extract %slice3A_1745[0] : i32 from vector<1xi32>
      %gt3A_1747 = arith.constant 0 : i32
      %gt3A_1748 = arith.cmpi sgt, %squeeze3A_1746, %gt3A_1747 : i32
      %convert_element_type3A_1749 = arith.extui %gt3A_1748 : i1 to i32
      %cond3A_1750 = arith.constant 0 : i32
      %cond3A_1751 = arith.cmpi ne, %convert_element_type3A_1749, %cond3A_1750 : i32
      %cond3A_1752 = scf.if %cond3A_1751 -> (vector<16xi32>) {
        %broadcast_in_dim3A_1977 = arith.constant 0xFF800000 : f32
        %broadcast_in_dim3A_1978 = vector.broadcast %broadcast_in_dim3A_1977 : f32 to vector<16xf32>
        %broadcast_in_dim3A_1979 = arith.constant 0 : i32
        %broadcast_in_dim3A_1980 = vector.broadcast %broadcast_in_dim3A_1979 : i32 to vector<16xi32>
        %scan3A_1981 = arith.constant 0 : i32
        %scan3A_1982 = arith.constant 20 : i32
        %scan3A_1983 = arith.addi %scan3A_1981, %scan3A_1982 : i32
        %scan3A_1984 = arith.constant 1 : i32
        %scan3A_1985:2 = scf.for %scan3A_1988 = %scan3A_1981 to %scan3A_1983 step %scan3A_1984 iter_args(%scan3A_1989 = %broadcast_in_dim3A_1978, %scan3A_1990 = %broadcast_in_dim3A_1980) -> (vector<16xf32>, vector<16xi32>)  : i32 {
          %broadcast_in_dim3A_1991 = arith.constant 0.000000e+00 : f32
          %broadcast_in_dim3A_1992 = vector.broadcast %broadcast_in_dim3A_1991 : f32 to vector<16xf32>
          %scan3A_1993 = arith.constant 0 : i32
          %scan3A_1994 = arith.constant 20 : i32
          %scan3A_1995 = arith.addi %scan3A_1993, %scan3A_1994 : i32
          %scan3A_1996 = arith.constant 1 : i32
          %scan3A_1997 = scf.for %scan3A_2006 = %scan3A_1993 to %scan3A_1995 step %scan3A_1996 iter_args(%scan3A_2007 = %broadcast_in_dim3A_1992) -> (vector<16xf32>)  : i32 {
            %shift_right_arithmetic3A_2008 = vector.broadcast %scan3A_2006 : i32 to vector<16xi32>
            %shift_right_arithmetic3A_2009 = arith.shrsi %get3A_1711, %shift_right_arithmetic3A_2008 : vector<16xi32>
            %and3A_2010 = arith.constant 1 : i32
            %and3A_2011 = vector.broadcast %and3A_2010 : i32 to vector<16xi32>
            %and3A_2012 = arith.andi %shift_right_arithmetic3A_2009, %and3A_2011 : vector<16xi32>
            %eq3A_2013 = arith.constant 1 : i32
            %eq3A_2014 = vector.broadcast %eq3A_2013 : i32 to vector<16xi32>
            %eq3A_2015 = arith.cmpi eq, %and3A_2012, %eq3A_2014 : vector<16xi32>
            %mul3A_2016 = arith.constant 32 : i32
            %mul3A_2017 = arith.muli %scan3A_2006, %mul3A_2016 : i32
            %add3A_2018 = arith.addi %mul3A_2017, %scan3A_1988 : i32
            %broadcast_in_dim3A_2019 = vector.broadcast %add3A_2018 : i32 to vector<16xi32>
            %gather3A_2020 = tpu.vector_load_idx %arg14[%broadcast_in_dim3A_2019] : memref<1024xf32, #tpu.memory_space<vmem>>[vector<16xi32>], vector<16xf32>,
            %jit3A_2021 = arith.constant 0.000000e+00 : f32
            %broadcast_in_dim3A_2022 = vector.broadcast %jit3A_2021 : f32 to vector<16xf32>
            %select_n3A_2023 = arith.select %eq3A_2015, %gather3A_2020, %broadcast_in_dim3A_2022 : vector<16xi1>, vector<16xf32>
            %add3A_2024 = arith.addf %scan3A_2007, %select_n3A_2023 : vector<16xf32>
            scf.yield %add3A_2024 : vector<16xf32>
          }
          %scan3A_1998 = arith.constant 20 : i32
          %broadcast_in_dim3A_1999 = vector.broadcast %scan3A_1988 : i32 to vector<16xi32>
          %gather3A_2000 = tpu.vector_load_idx %arg15[%broadcast_in_dim3A_1999] : memref<32xf32, #tpu.memory_space<vmem>>[vector<16xi32>], vector<16xf32>,
          %add3A_2001 = arith.addf %scan3A_1997, %gather3A_2000 : vector<16xf32>
          %gt3A_2002 = arith.cmpf ogt, %add3A_2001, %scan3A_1989 : vector<16xf32>
          %select_n3A_2003 = arith.select %gt3A_2002, %add3A_2001, %scan3A_1989 : vector<16xi1>, vector<16xf32>
          %broadcast_in_dim3A_2004 = vector.broadcast %scan3A_1988 : i32 to vector<16xi32>
          %select_n3A_2005 = arith.select %gt3A_2002, %broadcast_in_dim3A_2004, %scan3A_1990 : vector<16xi1>, vector<16xi32>
          scf.yield %select_n3A_2003, %select_n3A_2005 : vector<16xf32>, vector<16xi32>
        }
        %scan3A_1986 = arith.constant 20 : i32
        %select_n3A_1987 = arith.select %not3A_1743, %scan3A_1985#1, %gather3A_1741 : vector<16xi1>, vector<16xi32>
        scf.yield %select_n3A_1987 : vector<16xi32>
      } else {
        scf.yield %gather3A_1741 : vector<16xi32>
      }
      %swap3A_1753 = arith.index_cast %scan3A_1559 : i32 to index
      %swap3A_1754 = arith.constant 48 : index
      %swap3A_1755 = tpu.vector_load %arg12[%swap3A_1753, %swap3A_1754] {strides = array<i32>} : memref<25x128xi32, #tpu.memory_space<vmem>>, vector<16xi32>,
      tpu.vector_store %arg12[%swap3A_1753, %swap3A_1754], %get3A_1708 {strides = array<i32>} : memref<25x128xi32, #tpu.memory_space<vmem>>, vector<16xi32>,
      %convert_element_type3A_1756 = arith.sitofp %cond3A_1752 : vector<16xi32> to vector<16xf32>
      %swap3A_1757 = arith.index_cast %scan3A_1559 : i32 to index
      %swap3A_1758 = arith.constant 48 : index
      %swap3A_1759 = tpu.vector_load %arg13[%swap3A_1757, %swap3A_1758] {strides = array<i32>} : memref<25x128xf32, #tpu.memory_space<vmem>>, vector<16xf32>,
      tpu.vector_store %arg13[%swap3A_1757, %swap3A_1758], %convert_element_type3A_1756 {strides = array<i32>} : memref<25x128xf32, #tpu.memory_space<vmem>>, vector<16xf32>,
      %get3A_1760 = arith.index_cast %scan3A_1559 : i32 to index
      %get3A_1761 = arith.constant 64 : index
      %get3A_1762 = tpu.vector_load %arg9[%get3A_1760, %get3A_1761] {strides = array<i32>} : memref<25x128xi32, #tpu.memory_space<vmem>>, vector<16xi32>,
      %get3A_1763 = arith.index_cast %scan3A_1559 : i32 to index
      %get3A_1764 = arith.constant 64 : index
      %get3A_1765 = tpu.vector_load %arg10[%get3A_1763, %get3A_1764] {strides = array<i32>} : memref<25x128xi32, #tpu.memory_space<vmem>>, vector<16xi32>,
      %get3A_1766 = arith.index_cast %scan3A_1559 : i32 to index
      %get3A_1767 = arith.constant 64 : index
      %get3A_1768 = tpu.vector_load %arg11[%get3A_1766, %get3A_1767] {strides = array<i32>} : memref<25x128xf32, #tpu.memory_space<vmem>>, vector<16xf32>,
      %convert_element_type3A_1769 = arith.fptosi %get3A_1768 : vector<16xf32> to vector<16xi32>
      %eq3A_1770 = arith.constant 0 : i32
      %eq3A_1771 = vector.broadcast %eq3A_1770 : i32 to vector<16xi32>
      %eq3A_1772 = arith.cmpi eq, %get3A_1765, %eq3A_1771 : vector<16xi32>
      %sub3A_1773 = arith.constant 1 : i32
      %sub3A_1774 = vector.broadcast %sub3A_1773 : i32 to vector<16xi32>
      %sub3A_1775 = arith.subi %get3A_1765, %sub3A_1774 : vector<16xi32>
      %and3A_1776 = arith.andi %get3A_1765, %sub3A_1775 : vector<16xi32>
      %eq3A_1777 = arith.constant 0 : i32
      %eq3A_1778 = vector.broadcast %eq3A_1777 : i32 to vector<16xi32>
      %eq3A_1779 = arith.cmpi eq, %and3A_1776, %eq3A_1778 : vector<16xi32>
      %convert_element_type3A_1780 = arith.sitofp %get3A_1765 : vector<16xi32> to vector<16xf32>
      %bitcast3A_1781 = vector.bitcast %convert_element_type3A_1780 : vector<16xf32> to vector<16xi32>
      %shift_right_arithmetic3A_1782 = arith.constant 23 : i32
      %shift_right_arithmetic3A_1783 = vector.broadcast %shift_right_arithmetic3A_1782 : i32 to vector<16xi32>
      %shift_right_arithmetic3A_1784 = arith.shrsi %bitcast3A_1781, %shift_right_arithmetic3A_1783 : vector<16xi32>
      %sub3A_1785 = arith.constant 127 : i32
      %sub3A_1786 = vector.broadcast %sub3A_1785 : i32 to vector<16xi32>
      %sub3A_1787 = arith.subi %shift_right_arithmetic3A_1784, %sub3A_1786 : vector<16xi32>
      %select_n3A_1788 = arith.select %eq3A_1772, %convert_element_type3A_1769, %sub3A_1787 : vector<16xi1>, vector<16xi32>
      %jit3A_1789 = arith.constant 0 : i32
      %jit3A_1790 = arith.constant 19 : i32
      %max3A_1791 = vector.broadcast %jit3A_1789 : i32 to vector<16xi32>
      %max3A_1792 = arith.maxsi %max3A_1791, %select_n3A_1788 : vector<16xi32>
      %min3A_1793 = vector.broadcast %jit3A_1790 : i32 to vector<16xi32>
      %min3A_1794 = arith.minsi %min3A_1793, %max3A_1792 : vector<16xi32>
      %gather3A_1795 = tpu.vector_load_idx %arg17[%min3A_1794] : memref<32xi32, #tpu.memory_space<vmem>>[vector<16xi32>], vector<16xi32>,
      %not3A_1796 = arith.constant dense<true> : vector<16xi1>
      %not3A_1797 = arith.xori %eq3A_1779, %not3A_1796 : vector<16xi1>
      %all_reduce_population_count3A_1798 = tpu.all_reduce %not3A_1797 {dim = 0 : i64, kind = #tpu.reduction_kind<sum>} : vector<16xi1> -> vector<16xi32>
      %slice3A_1799 = vector.extract_strided_slice %all_reduce_population_count3A_1798 {offsets = [0], sizes = [1], strides = [1]} : vector<16xi32> to vector<1xi32>
      %squeeze3A_1800 = vector.extract %slice3A_1799[0] : i32 from vector<1xi32>
      %gt3A_1801 = arith.constant 0 : i32
      %gt3A_1802 = arith.cmpi sgt, %squeeze3A_1800, %gt3A_1801 : i32
      %convert_element_type3A_1803 = arith.extui %gt3A_1802 : i1 to i32
      %cond3A_1804 = arith.constant 0 : i32
      %cond3A_1805 = arith.cmpi ne, %convert_element_type3A_1803, %cond3A_1804 : i32
      %cond3A_1806 = scf.if %cond3A_1805 -> (vector<16xi32>) {
        %broadcast_in_dim3A_1977 = arith.constant 0xFF800000 : f32
        %broadcast_in_dim3A_1978 = vector.broadcast %broadcast_in_dim3A_1977 : f32 to vector<16xf32>
        %broadcast_in_dim3A_1979 = arith.constant 0 : i32
        %broadcast_in_dim3A_1980 = vector.broadcast %broadcast_in_dim3A_1979 : i32 to vector<16xi32>
        %scan3A_1981 = arith.constant 0 : i32
        %scan3A_1982 = arith.constant 20 : i32
        %scan3A_1983 = arith.addi %scan3A_1981, %scan3A_1982 : i32
        %scan3A_1984 = arith.constant 1 : i32
        %scan3A_1985:2 = scf.for %scan3A_1988 = %scan3A_1981 to %scan3A_1983 step %scan3A_1984 iter_args(%scan3A_1989 = %broadcast_in_dim3A_1978, %scan3A_1990 = %broadcast_in_dim3A_1980) -> (vector<16xf32>, vector<16xi32>)  : i32 {
          %broadcast_in_dim3A_1991 = arith.constant 0.000000e+00 : f32
          %broadcast_in_dim3A_1992 = vector.broadcast %broadcast_in_dim3A_1991 : f32 to vector<16xf32>
          %scan3A_1993 = arith.constant 0 : i32
          %scan3A_1994 = arith.constant 20 : i32
          %scan3A_1995 = arith.addi %scan3A_1993, %scan3A_1994 : i32
          %scan3A_1996 = arith.constant 1 : i32
          %scan3A_1997 = scf.for %scan3A_2006 = %scan3A_1993 to %scan3A_1995 step %scan3A_1996 iter_args(%scan3A_2007 = %broadcast_in_dim3A_1992) -> (vector<16xf32>)  : i32 {
            %shift_right_arithmetic3A_2008 = vector.broadcast %scan3A_2006 : i32 to vector<16xi32>
            %shift_right_arithmetic3A_2009 = arith.shrsi %get3A_1765, %shift_right_arithmetic3A_2008 : vector<16xi32>
            %and3A_2010 = arith.constant 1 : i32
            %and3A_2011 = vector.broadcast %and3A_2010 : i32 to vector<16xi32>
            %and3A_2012 = arith.andi %shift_right_arithmetic3A_2009, %and3A_2011 : vector<16xi32>
            %eq3A_2013 = arith.constant 1 : i32
            %eq3A_2014 = vector.broadcast %eq3A_2013 : i32 to vector<16xi32>
            %eq3A_2015 = arith.cmpi eq, %and3A_2012, %eq3A_2014 : vector<16xi32>
            %mul3A_2016 = arith.constant 32 : i32
            %mul3A_2017 = arith.muli %scan3A_2006, %mul3A_2016 : i32
            %add3A_2018 = arith.addi %mul3A_2017, %scan3A_1988 : i32
            %broadcast_in_dim3A_2019 = vector.broadcast %add3A_2018 : i32 to vector<16xi32>
            %gather3A_2020 = tpu.vector_load_idx %arg14[%broadcast_in_dim3A_2019] : memref<1024xf32, #tpu.memory_space<vmem>>[vector<16xi32>], vector<16xf32>,
            %jit3A_2021 = arith.constant 0.000000e+00 : f32
            %broadcast_in_dim3A_2022 = vector.broadcast %jit3A_2021 : f32 to vector<16xf32>
            %select_n3A_2023 = arith.select %eq3A_2015, %gather3A_2020, %broadcast_in_dim3A_2022 : vector<16xi1>, vector<16xf32>
            %add3A_2024 = arith.addf %scan3A_2007, %select_n3A_2023 : vector<16xf32>
            scf.yield %add3A_2024 : vector<16xf32>
          }
          %scan3A_1998 = arith.constant 20 : i32
          %broadcast_in_dim3A_1999 = vector.broadcast %scan3A_1988 : i32 to vector<16xi32>
          %gather3A_2000 = tpu.vector_load_idx %arg15[%broadcast_in_dim3A_1999] : memref<32xf32, #tpu.memory_space<vmem>>[vector<16xi32>], vector<16xf32>,
          %add3A_2001 = arith.addf %scan3A_1997, %gather3A_2000 : vector<16xf32>
          %gt3A_2002 = arith.cmpf ogt, %add3A_2001, %scan3A_1989 : vector<16xf32>
          %select_n3A_2003 = arith.select %gt3A_2002, %add3A_2001, %scan3A_1989 : vector<16xi1>, vector<16xf32>
          %broadcast_in_dim3A_2004 = vector.broadcast %scan3A_1988 : i32 to vector<16xi32>
          %select_n3A_2005 = arith.select %gt3A_2002, %broadcast_in_dim3A_2004, %scan3A_1990 : vector<16xi1>, vector<16xi32>
          scf.yield %select_n3A_2003, %select_n3A_2005 : vector<16xf32>, vector<16xi32>
        }
        %scan3A_1986 = arith.constant 20 : i32
        %select_n3A_1987 = arith.select %not3A_1797, %scan3A_1985#1, %gather3A_1795 : vector<16xi1>, vector<16xi32>
        scf.yield %select_n3A_1987 : vector<16xi32>
      } else {
        scf.yield %gather3A_1795 : vector<16xi32>
      }
      %swap3A_1807 = arith.index_cast %scan3A_1559 : i32 to index
      %swap3A_1808 = arith.constant 64 : index
      %swap3A_1809 = tpu.vector_load %arg12[%swap3A_1807, %swap3A_1808] {strides = array<i32>} : memref<25x128xi32, #tpu.memory_space<vmem>>, vector<16xi32>,
      tpu.vector_store %arg12[%swap3A_1807, %swap3A_1808], %get3A_1762 {strides = array<i32>} : memref<25x128xi32, #tpu.memory_space<vmem>>, vector<16xi32>,
      %convert_element_type3A_1810 = arith.sitofp %cond3A_1806 : vector<16xi32> to vector<16xf32>
      %swap3A_1811 = arith.index_cast %scan3A_1559 : i32 to index
      %swap3A_1812 = arith.constant 64 : index
      %swap3A_1813 = tpu.vector_load %arg13[%swap3A_1811, %swap3A_1812] {strides = array<i32>} : memref<25x128xf32, #tpu.memory_space<vmem>>, vector<16xf32>,
      tpu.vector_store %arg13[%swap3A_1811, %swap3A_1812], %convert_element_type3A_1810 {strides = array<i32>} : memref<25x128xf32, #tpu.memory_space<vmem>>, vector<16xf32>,
      %get3A_1814 = arith.index_cast %scan3A_1559 : i32 to index
      %get3A_1815 = arith.constant 80 : index
      %get3A_1816 = tpu.vector_load %arg9[%get3A_1814, %get3A_1815] {strides = array<i32>} : memref<25x128xi32, #tpu.memory_space<vmem>>, vector<16xi32>,
      %get3A_1817 = arith.index_cast %scan3A_1559 : i32 to index
      %get3A_1818 = arith.constant 80 : index
      %get3A_1819 = tpu.vector_load %arg10[%get3A_1817, %get3A_1818] {strides = array<i32>} : memref<25x128xi32, #tpu.memory_space<vmem>>, vector<16xi32>,
      %get3A_1820 = arith.index_cast %scan3A_1559 : i32 to index
      %get3A_1821 = arith.constant 80 : index
      %get3A_1822 = tpu.vector_load %arg11[%get3A_1820, %get3A_1821] {strides = array<i32>} : memref<25x128xf32, #tpu.memory_space<vmem>>, vector<16xf32>,
      %convert_element_type3A_1823 = arith.fptosi %get3A_1822 : vector<16xf32> to vector<16xi32>
      %eq3A_1824 = arith.constant 0 : i32
      %eq3A_1825 = vector.broadcast %eq3A_1824 : i32 to vector<16xi32>
      %eq3A_1826 = arith.cmpi eq, %get3A_1819, %eq3A_1825 : vector<16xi32>
      %sub3A_1827 = arith.constant 1 : i32
      %sub3A_1828 = vector.broadcast %sub3A_1827 : i32 to vector<16xi32>
      %sub3A_1829 = arith.subi %get3A_1819, %sub3A_1828 : vector<16xi32>
      %and3A_1830 = arith.andi %get3A_1819, %sub3A_1829 : vector<16xi32>
      %eq3A_1831 = arith.constant 0 : i32
      %eq3A_1832 = vector.broadcast %eq3A_1831 : i32 to vector<16xi32>
      %eq3A_1833 = arith.cmpi eq, %and3A_1830, %eq3A_1832 : vector<16xi32>
      %convert_element_type3A_1834 = arith.sitofp %get3A_1819 : vector<16xi32> to vector<16xf32>
      %bitcast3A_1835 = vector.bitcast %convert_element_type3A_1834 : vector<16xf32> to vector<16xi32>
      %shift_right_arithmetic3A_1836 = arith.constant 23 : i32
      %shift_right_arithmetic3A_1837 = vector.broadcast %shift_right_arithmetic3A_1836 : i32 to vector<16xi32>
      %shift_right_arithmetic3A_1838 = arith.shrsi %bitcast3A_1835, %shift_right_arithmetic3A_1837 : vector<16xi32>
      %sub3A_1839 = arith.constant 127 : i32
      %sub3A_1840 = vector.broadcast %sub3A_1839 : i32 to vector<16xi32>
      %sub3A_1841 = arith.subi %shift_right_arithmetic3A_1838, %sub3A_1840 : vector<16xi32>
      %select_n3A_1842 = arith.select %eq3A_1826, %convert_element_type3A_1823, %sub3A_1841 : vector<16xi1>, vector<16xi32>
      %jit3A_1843 = arith.constant 0 : i32
      %jit3A_1844 = arith.constant 19 : i32
      %max3A_1845 = vector.broadcast %jit3A_1843 : i32 to vector<16xi32>
      %max3A_1846 = arith.maxsi %max3A_1845, %select_n3A_1842 : vector<16xi32>
      %min3A_1847 = vector.broadcast %jit3A_1844 : i32 to vector<16xi32>
      %min3A_1848 = arith.minsi %min3A_1847, %max3A_1846 : vector<16xi32>
      %gather3A_1849 = tpu.vector_load_idx %arg17[%min3A_1848] : memref<32xi32, #tpu.memory_space<vmem>>[vector<16xi32>], vector<16xi32>,
      %not3A_1850 = arith.constant dense<true> : vector<16xi1>
      %not3A_1851 = arith.xori %eq3A_1833, %not3A_1850 : vector<16xi1>
      %all_reduce_population_count3A_1852 = tpu.all_reduce %not3A_1851 {dim = 0 : i64, kind = #tpu.reduction_kind<sum>} : vector<16xi1> -> vector<16xi32>
      %slice3A_1853 = vector.extract_strided_slice %all_reduce_population_count3A_1852 {offsets = [0], sizes = [1], strides = [1]} : vector<16xi32> to vector<1xi32>
      %squeeze3A_1854 = vector.extract %slice3A_1853[0] : i32 from vector<1xi32>
      %gt3A_1855 = arith.constant 0 : i32
      %gt3A_1856 = arith.cmpi sgt, %squeeze3A_1854, %gt3A_1855 : i32
      %convert_element_type3A_1857 = arith.extui %gt3A_1856 : i1 to i32
      %cond3A_1858 = arith.constant 0 : i32
      %cond3A_1859 = arith.cmpi ne, %convert_element_type3A_1857, %cond3A_1858 : i32
      %cond3A_1860 = scf.if %cond3A_1859 -> (vector<16xi32>) {
        %broadcast_in_dim3A_1977 = arith.constant 0xFF800000 : f32
        %broadcast_in_dim3A_1978 = vector.broadcast %broadcast_in_dim3A_1977 : f32 to vector<16xf32>
        %broadcast_in_dim3A_1979 = arith.constant 0 : i32
        %broadcast_in_dim3A_1980 = vector.broadcast %broadcast_in_dim3A_1979 : i32 to vector<16xi32>
        %scan3A_1981 = arith.constant 0 : i32
        %scan3A_1982 = arith.constant 20 : i32
        %scan3A_1983 = arith.addi %scan3A_1981, %scan3A_1982 : i32
        %scan3A_1984 = arith.constant 1 : i32
        %scan3A_1985:2 = scf.for %scan3A_1988 = %scan3A_1981 to %scan3A_1983 step %scan3A_1984 iter_args(%scan3A_1989 = %broadcast_in_dim3A_1978, %scan3A_1990 = %broadcast_in_dim3A_1980) -> (vector<16xf32>, vector<16xi32>)  : i32 {
          %broadcast_in_dim3A_1991 = arith.constant 0.000000e+00 : f32
          %broadcast_in_dim3A_1992 = vector.broadcast %broadcast_in_dim3A_1991 : f32 to vector<16xf32>
          %scan3A_1993 = arith.constant 0 : i32
          %scan3A_1994 = arith.constant 20 : i32
          %scan3A_1995 = arith.addi %scan3A_1993, %scan3A_1994 : i32
          %scan3A_1996 = arith.constant 1 : i32
          %scan3A_1997 = scf.for %scan3A_2006 = %scan3A_1993 to %scan3A_1995 step %scan3A_1996 iter_args(%scan3A_2007 = %broadcast_in_dim3A_1992) -> (vector<16xf32>)  : i32 {
            %shift_right_arithmetic3A_2008 = vector.broadcast %scan3A_2006 : i32 to vector<16xi32>
            %shift_right_arithmetic3A_2009 = arith.shrsi %get3A_1819, %shift_right_arithmetic3A_2008 : vector<16xi32>
            %and3A_2010 = arith.constant 1 : i32
            %and3A_2011 = vector.broadcast %and3A_2010 : i32 to vector<16xi32>
            %and3A_2012 = arith.andi %shift_right_arithmetic3A_2009, %and3A_2011 : vector<16xi32>
            %eq3A_2013 = arith.constant 1 : i32
            %eq3A_2014 = vector.broadcast %eq3A_2013 : i32 to vector<16xi32>
            %eq3A_2015 = arith.cmpi eq, %and3A_2012, %eq3A_2014 : vector<16xi32>
            %mul3A_2016 = arith.constant 32 : i32
            %mul3A_2017 = arith.muli %scan3A_2006, %mul3A_2016 : i32
            %add3A_2018 = arith.addi %mul3A_2017, %scan3A_1988 : i32
            %broadcast_in_dim3A_2019 = vector.broadcast %add3A_2018 : i32 to vector<16xi32>
            %gather3A_2020 = tpu.vector_load_idx %arg14[%broadcast_in_dim3A_2019] : memref<1024xf32, #tpu.memory_space<vmem>>[vector<16xi32>], vector<16xf32>,
            %jit3A_2021 = arith.constant 0.000000e+00 : f32
            %broadcast_in_dim3A_2022 = vector.broadcast %jit3A_2021 : f32 to vector<16xf32>
            %select_n3A_2023 = arith.select %eq3A_2015, %gather3A_2020, %broadcast_in_dim3A_2022 : vector<16xi1>, vector<16xf32>
            %add3A_2024 = arith.addf %scan3A_2007, %select_n3A_2023 : vector<16xf32>
            scf.yield %add3A_2024 : vector<16xf32>
          }
          %scan3A_1998 = arith.constant 20 : i32
          %broadcast_in_dim3A_1999 = vector.broadcast %scan3A_1988 : i32 to vector<16xi32>
          %gather3A_2000 = tpu.vector_load_idx %arg15[%broadcast_in_dim3A_1999] : memref<32xf32, #tpu.memory_space<vmem>>[vector<16xi32>], vector<16xf32>,
          %add3A_2001 = arith.addf %scan3A_1997, %gather3A_2000 : vector<16xf32>
          %gt3A_2002 = arith.cmpf ogt, %add3A_2001, %scan3A_1989 : vector<16xf32>
          %select_n3A_2003 = arith.select %gt3A_2002, %add3A_2001, %scan3A_1989 : vector<16xi1>, vector<16xf32>
          %broadcast_in_dim3A_2004 = vector.broadcast %scan3A_1988 : i32 to vector<16xi32>
          %select_n3A_2005 = arith.select %gt3A_2002, %broadcast_in_dim3A_2004, %scan3A_1990 : vector<16xi1>, vector<16xi32>
          scf.yield %select_n3A_2003, %select_n3A_2005 : vector<16xf32>, vector<16xi32>
        }
        %scan3A_1986 = arith.constant 20 : i32
        %select_n3A_1987 = arith.select %not3A_1851, %scan3A_1985#1, %gather3A_1849 : vector<16xi1>, vector<16xi32>
        scf.yield %select_n3A_1987 : vector<16xi32>
      } else {
        scf.yield %gather3A_1849 : vector<16xi32>
      }
      %swap3A_1861 = arith.index_cast %scan3A_1559 : i32 to index
      %swap3A_1862 = arith.constant 80 : index
      %swap3A_1863 = tpu.vector_load %arg12[%swap3A_1861, %swap3A_1862] {strides = array<i32>} : memref<25x128xi32, #tpu.memory_space<vmem>>, vector<16xi32>,
      tpu.vector_store %arg12[%swap3A_1861, %swap3A_1862], %get3A_1816 {strides = array<i32>} : memref<25x128xi32, #tpu.memory_space<vmem>>, vector<16xi32>,
      %convert_element_type3A_1864 = arith.sitofp %cond3A_1860 : vector<16xi32> to vector<16xf32>
      %swap3A_1865 = arith.index_cast %scan3A_1559 : i32 to index
      %swap3A_1866 = arith.constant 80 : index
      %swap3A_1867 = tpu.vector_load %arg13[%swap3A_1865, %swap3A_1866] {strides = array<i32>} : memref<25x128xf32, #tpu.memory_space<vmem>>, vector<16xf32>,
      tpu.vector_store %arg13[%swap3A_1865, %swap3A_1866], %convert_element_type3A_1864 {strides = array<i32>} : memref<25x128xf32, #tpu.memory_space<vmem>>, vector<16xf32>,
      %get3A_1868 = arith.index_cast %scan3A_1559 : i32 to index
      %get3A_1869 = arith.constant 96 : index
      %get3A_1870 = tpu.vector_load %arg9[%get3A_1868, %get3A_1869] {strides = array<i32>} : memref<25x128xi32, #tpu.memory_space<vmem>>, vector<16xi32>,
      %get3A_1871 = arith.index_cast %scan3A_1559 : i32 to index
      %get3A_1872 = arith.constant 96 : index
      %get3A_1873 = tpu.vector_load %arg10[%get3A_1871, %get3A_1872] {strides = array<i32>} : memref<25x128xi32, #tpu.memory_space<vmem>>, vector<16xi32>,
      %get3A_1874 = arith.index_cast %scan3A_1559 : i32 to index
      %get3A_1875 = arith.constant 96 : index
      %get3A_1876 = tpu.vector_load %arg11[%get3A_1874, %get3A_1875] {strides = array<i32>} : memref<25x128xf32, #tpu.memory_space<vmem>>, vector<16xf32>,
      %convert_element_type3A_1877 = arith.fptosi %get3A_1876 : vector<16xf32> to vector<16xi32>
      %eq3A_1878 = arith.constant 0 : i32
      %eq3A_1879 = vector.broadcast %eq3A_1878 : i32 to vector<16xi32>
      %eq3A_1880 = arith.cmpi eq, %get3A_1873, %eq3A_1879 : vector<16xi32>
      %sub3A_1881 = arith.constant 1 : i32
      %sub3A_1882 = vector.broadcast %sub3A_1881 : i32 to vector<16xi32>
      %sub3A_1883 = arith.subi %get3A_1873, %sub3A_1882 : vector<16xi32>
      %and3A_1884 = arith.andi %get3A_1873, %sub3A_1883 : vector<16xi32>
      %eq3A_1885 = arith.constant 0 : i32
      %eq3A_1886 = vector.broadcast %eq3A_1885 : i32 to vector<16xi32>
      %eq3A_1887 = arith.cmpi eq, %and3A_1884, %eq3A_1886 : vector<16xi32>
      %convert_element_type3A_1888 = arith.sitofp %get3A_1873 : vector<16xi32> to vector<16xf32>
      %bitcast3A_1889 = vector.bitcast %convert_element_type3A_1888 : vector<16xf32> to vector<16xi32>
      %shift_right_arithmetic3A_1890 = arith.constant 23 : i32
      %shift_right_arithmetic3A_1891 = vector.broadcast %shift_right_arithmetic3A_1890 : i32 to vector<16xi32>
      %shift_right_arithmetic3A_1892 = arith.shrsi %bitcast3A_1889, %shift_right_arithmetic3A_1891 : vector<16xi32>
      %sub3A_1893 = arith.constant 127 : i32
      %sub3A_1894 = vector.broadcast %sub3A_1893 : i32 to vector<16xi32>
      %sub3A_1895 = arith.subi %shift_right_arithmetic3A_1892, %sub3A_1894 : vector<16xi32>
      %select_n3A_1896 = arith.select %eq3A_1880, %convert_element_type3A_1877, %sub3A_1895 : vector<16xi1>, vector<16xi32>
      %jit3A_1897 = arith.constant 0 : i32
      %jit3A_1898 = arith.constant 19 : i32
      %max3A_1899 = vector.broadcast %jit3A_1897 : i32 to vector<16xi32>
      %max3A_1900 = arith.maxsi %max3A_1899, %select_n3A_1896 : vector<16xi32>
      %min3A_1901 = vector.broadcast %jit3A_1898 : i32 to vector<16xi32>
      %min3A_1902 = arith.minsi %min3A_1901, %max3A_1900 : vector<16xi32>
      %gather3A_1903 = tpu.vector_load_idx %arg17[%min3A_1902] : memref<32xi32, #tpu.memory_space<vmem>>[vector<16xi32>], vector<16xi32>,
      %not3A_1904 = arith.constant dense<true> : vector<16xi1>
      %not3A_1905 = arith.xori %eq3A_1887, %not3A_1904 : vector<16xi1>
      %all_reduce_population_count3A_1906 = tpu.all_reduce %not3A_1905 {dim = 0 : i64, kind = #tpu.reduction_kind<sum>} : vector<16xi1> -> vector<16xi32>
      %slice3A_1907 = vector.extract_strided_slice %all_reduce_population_count3A_1906 {offsets = [0], sizes = [1], strides = [1]} : vector<16xi32> to vector<1xi32>
      %squeeze3A_1908 = vector.extract %slice3A_1907[0] : i32 from vector<1xi32>
      %gt3A_1909 = arith.constant 0 : i32
      %gt3A_1910 = arith.cmpi sgt, %squeeze3A_1908, %gt3A_1909 : i32
      %convert_element_type3A_1911 = arith.extui %gt3A_1910 : i1 to i32
      %cond3A_1912 = arith.constant 0 : i32
      %cond3A_1913 = arith.cmpi ne, %convert_element_type3A_1911, %cond3A_1912 : i32
      %cond3A_1914 = scf.if %cond3A_1913 -> (vector<16xi32>) {
        %broadcast_in_dim3A_1977 = arith.constant 0xFF800000 : f32
        %broadcast_in_dim3A_1978 = vector.broadcast %broadcast_in_dim3A_1977 : f32 to vector<16xf32>
        %broadcast_in_dim3A_1979 = arith.constant 0 : i32
        %broadcast_in_dim3A_1980 = vector.broadcast %broadcast_in_dim3A_1979 : i32 to vector<16xi32>
        %scan3A_1981 = arith.constant 0 : i32
        %scan3A_1982 = arith.constant 20 : i32
        %scan3A_1983 = arith.addi %scan3A_1981, %scan3A_1982 : i32
        %scan3A_1984 = arith.constant 1 : i32
        %scan3A_1985:2 = scf.for %scan3A_1988 = %scan3A_1981 to %scan3A_1983 step %scan3A_1984 iter_args(%scan3A_1989 = %broadcast_in_dim3A_1978, %scan3A_1990 = %broadcast_in_dim3A_1980) -> (vector<16xf32>, vector<16xi32>)  : i32 {
          %broadcast_in_dim3A_1991 = arith.constant 0.000000e+00 : f32
          %broadcast_in_dim3A_1992 = vector.broadcast %broadcast_in_dim3A_1991 : f32 to vector<16xf32>
          %scan3A_1993 = arith.constant 0 : i32
          %scan3A_1994 = arith.constant 20 : i32
          %scan3A_1995 = arith.addi %scan3A_1993, %scan3A_1994 : i32
          %scan3A_1996 = arith.constant 1 : i32
          %scan3A_1997 = scf.for %scan3A_2006 = %scan3A_1993 to %scan3A_1995 step %scan3A_1996 iter_args(%scan3A_2007 = %broadcast_in_dim3A_1992) -> (vector<16xf32>)  : i32 {
            %shift_right_arithmetic3A_2008 = vector.broadcast %scan3A_2006 : i32 to vector<16xi32>
            %shift_right_arithmetic3A_2009 = arith.shrsi %get3A_1873, %shift_right_arithmetic3A_2008 : vector<16xi32>
            %and3A_2010 = arith.constant 1 : i32
            %and3A_2011 = vector.broadcast %and3A_2010 : i32 to vector<16xi32>
            %and3A_2012 = arith.andi %shift_right_arithmetic3A_2009, %and3A_2011 : vector<16xi32>
            %eq3A_2013 = arith.constant 1 : i32
            %eq3A_2014 = vector.broadcast %eq3A_2013 : i32 to vector<16xi32>
            %eq3A_2015 = arith.cmpi eq, %and3A_2012, %eq3A_2014 : vector<16xi32>
            %mul3A_2016 = arith.constant 32 : i32
            %mul3A_2017 = arith.muli %scan3A_2006, %mul3A_2016 : i32
            %add3A_2018 = arith.addi %mul3A_2017, %scan3A_1988 : i32
            %broadcast_in_dim3A_2019 = vector.broadcast %add3A_2018 : i32 to vector<16xi32>
            %gather3A_2020 = tpu.vector_load_idx %arg14[%broadcast_in_dim3A_2019] : memref<1024xf32, #tpu.memory_space<vmem>>[vector<16xi32>], vector<16xf32>,
            %jit3A_2021 = arith.constant 0.000000e+00 : f32
            %broadcast_in_dim3A_2022 = vector.broadcast %jit3A_2021 : f32 to vector<16xf32>
            %select_n3A_2023 = arith.select %eq3A_2015, %gather3A_2020, %broadcast_in_dim3A_2022 : vector<16xi1>, vector<16xf32>
            %add3A_2024 = arith.addf %scan3A_2007, %select_n3A_2023 : vector<16xf32>
            scf.yield %add3A_2024 : vector<16xf32>
          }
          %scan3A_1998 = arith.constant 20 : i32
          %broadcast_in_dim3A_1999 = vector.broadcast %scan3A_1988 : i32 to vector<16xi32>
          %gather3A_2000 = tpu.vector_load_idx %arg15[%broadcast_in_dim3A_1999] : memref<32xf32, #tpu.memory_space<vmem>>[vector<16xi32>], vector<16xf32>,
          %add3A_2001 = arith.addf %scan3A_1997, %gather3A_2000 : vector<16xf32>
          %gt3A_2002 = arith.cmpf ogt, %add3A_2001, %scan3A_1989 : vector<16xf32>
          %select_n3A_2003 = arith.select %gt3A_2002, %add3A_2001, %scan3A_1989 : vector<16xi1>, vector<16xf32>
          %broadcast_in_dim3A_2004 = vector.broadcast %scan3A_1988 : i32 to vector<16xi32>
          %select_n3A_2005 = arith.select %gt3A_2002, %broadcast_in_dim3A_2004, %scan3A_1990 : vector<16xi1>, vector<16xi32>
          scf.yield %select_n3A_2003, %select_n3A_2005 : vector<16xf32>, vector<16xi32>
        }
        %scan3A_1986 = arith.constant 20 : i32
        %select_n3A_1987 = arith.select %not3A_1905, %scan3A_1985#1, %gather3A_1903 : vector<16xi1>, vector<16xi32>
        scf.yield %select_n3A_1987 : vector<16xi32>
      } else {
        scf.yield %gather3A_1903 : vector<16xi32>
      }
      %swap3A_1915 = arith.index_cast %scan3A_1559 : i32 to index
      %swap3A_1916 = arith.constant 96 : index
      %swap3A_1917 = tpu.vector_load %arg12[%swap3A_1915, %swap3A_1916] {strides = array<i32>} : memref<25x128xi32, #tpu.memory_space<vmem>>, vector<16xi32>,
      tpu.vector_store %arg12[%swap3A_1915, %swap3A_1916], %get3A_1870 {strides = array<i32>} : memref<25x128xi32, #tpu.memory_space<vmem>>, vector<16xi32>,
      %convert_element_type3A_1918 = arith.sitofp %cond3A_1914 : vector<16xi32> to vector<16xf32>
      %swap3A_1919 = arith.index_cast %scan3A_1559 : i32 to index
      %swap3A_1920 = arith.constant 96 : index
      %swap3A_1921 = tpu.vector_load %arg13[%swap3A_1919, %swap3A_1920] {strides = array<i32>} : memref<25x128xf32, #tpu.memory_space<vmem>>, vector<16xf32>,
      tpu.vector_store %arg13[%swap3A_1919, %swap3A_1920], %convert_element_type3A_1918 {strides = array<i32>} : memref<25x128xf32, #tpu.memory_space<vmem>>, vector<16xf32>,
      %get3A_1922 = arith.index_cast %scan3A_1559 : i32 to index
      %get3A_1923 = arith.constant 112 : index
      %get3A_1924 = tpu.vector_load %arg9[%get3A_1922, %get3A_1923] {strides = array<i32>} : memref<25x128xi32, #tpu.memory_space<vmem>>, vector<16xi32>,
      %get3A_1925 = arith.index_cast %scan3A_1559 : i32 to index
      %get3A_1926 = arith.constant 112 : index
      %get3A_1927 = tpu.vector_load %arg10[%get3A_1925, %get3A_1926] {strides = array<i32>} : memref<25x128xi32, #tpu.memory_space<vmem>>, vector<16xi32>,
      %get3A_1928 = arith.index_cast %scan3A_1559 : i32 to index
      %get3A_1929 = arith.constant 112 : index
      %get3A_1930 = tpu.vector_load %arg11[%get3A_1928, %get3A_1929] {strides = array<i32>} : memref<25x128xf32, #tpu.memory_space<vmem>>, vector<16xf32>,
      %convert_element_type3A_1931 = arith.fptosi %get3A_1930 : vector<16xf32> to vector<16xi32>
      %eq3A_1932 = arith.constant 0 : i32
      %eq3A_1933 = vector.broadcast %eq3A_1932 : i32 to vector<16xi32>
      %eq3A_1934 = arith.cmpi eq, %get3A_1927, %eq3A_1933 : vector<16xi32>
      %sub3A_1935 = arith.constant 1 : i32
      %sub3A_1936 = vector.broadcast %sub3A_1935 : i32 to vector<16xi32>
      %sub3A_1937 = arith.subi %get3A_1927, %sub3A_1936 : vector<16xi32>
      %and3A_1938 = arith.andi %get3A_1927, %sub3A_1937 : vector<16xi32>
      %eq3A_1939 = arith.constant 0 : i32
      %eq3A_1940 = vector.broadcast %eq3A_1939 : i32 to vector<16xi32>
      %eq3A_1941 = arith.cmpi eq, %and3A_1938, %eq3A_1940 : vector<16xi32>
      %convert_element_type3A_1942 = arith.sitofp %get3A_1927 : vector<16xi32> to vector<16xf32>
      %bitcast3A_1943 = vector.bitcast %convert_element_type3A_1942 : vector<16xf32> to vector<16xi32>
      %shift_right_arithmetic3A_1944 = arith.constant 23 : i32
      %shift_right_arithmetic3A_1945 = vector.broadcast %shift_right_arithmetic3A_1944 : i32 to vector<16xi32>
      %shift_right_arithmetic3A_1946 = arith.shrsi %bitcast3A_1943, %shift_right_arithmetic3A_1945 : vector<16xi32>
      %sub3A_1947 = arith.constant 127 : i32
      %sub3A_1948 = vector.broadcast %sub3A_1947 : i32 to vector<16xi32>
      %sub3A_1949 = arith.subi %shift_right_arithmetic3A_1946, %sub3A_1948 : vector<16xi32>
      %select_n3A_1950 = arith.select %eq3A_1934, %convert_element_type3A_1931, %sub3A_1949 : vector<16xi1>, vector<16xi32>
      %jit3A_1951 = arith.constant 0 : i32
      %jit3A_1952 = arith.constant 19 : i32
      %max3A_1953 = vector.broadcast %jit3A_1951 : i32 to vector<16xi32>
      %max3A_1954 = arith.maxsi %max3A_1953, %select_n3A_1950 : vector<16xi32>
      %min3A_1955 = vector.broadcast %jit3A_1952 : i32 to vector<16xi32>
      %min3A_1956 = arith.minsi %min3A_1955, %max3A_1954 : vector<16xi32>
      %gather3A_1957 = tpu.vector_load_idx %arg17[%min3A_1956] : memref<32xi32, #tpu.memory_space<vmem>>[vector<16xi32>], vector<16xi32>,
      %not3A_1958 = arith.constant dense<true> : vector<16xi1>
      %not3A_1959 = arith.xori %eq3A_1941, %not3A_1958 : vector<16xi1>
      %all_reduce_population_count3A_1960 = tpu.all_reduce %not3A_1959 {dim = 0 : i64, kind = #tpu.reduction_kind<sum>} : vector<16xi1> -> vector<16xi32>
      %slice3A_1961 = vector.extract_strided_slice %all_reduce_population_count3A_1960 {offsets = [0], sizes = [1], strides = [1]} : vector<16xi32> to vector<1xi32>
      %squeeze3A_1962 = vector.extract %slice3A_1961[0] : i32 from vector<1xi32>
      %gt3A_1963 = arith.constant 0 : i32
      %gt3A_1964 = arith.cmpi sgt, %squeeze3A_1962, %gt3A_1963 : i32
      %convert_element_type3A_1965 = arith.extui %gt3A_1964 : i1 to i32
      %cond3A_1966 = arith.constant 0 : i32
      %cond3A_1967 = arith.cmpi ne, %convert_element_type3A_1965, %cond3A_1966 : i32
      %cond3A_1968 = scf.if %cond3A_1967 -> (vector<16xi32>) {
        %broadcast_in_dim3A_1977 = arith.constant 0xFF800000 : f32
        %broadcast_in_dim3A_1978 = vector.broadcast %broadcast_in_dim3A_1977 : f32 to vector<16xf32>
        %broadcast_in_dim3A_1979 = arith.constant 0 : i32
        %broadcast_in_dim3A_1980 = vector.broadcast %broadcast_in_dim3A_1979 : i32 to vector<16xi32>
        %scan3A_1981 = arith.constant 0 : i32
        %scan3A_1982 = arith.constant 20 : i32
        %scan3A_1983 = arith.addi %scan3A_1981, %scan3A_1982 : i32
        %scan3A_1984 = arith.constant 1 : i32
        %scan3A_1985:2 = scf.for %scan3A_1988 = %scan3A_1981 to %scan3A_1983 step %scan3A_1984 iter_args(%scan3A_1989 = %broadcast_in_dim3A_1978, %scan3A_1990 = %broadcast_in_dim3A_1980) -> (vector<16xf32>, vector<16xi32>)  : i32 {
          %broadcast_in_dim3A_1991 = arith.constant 0.000000e+00 : f32
          %broadcast_in_dim3A_1992 = vector.broadcast %broadcast_in_dim3A_1991 : f32 to vector<16xf32>
          %scan3A_1993 = arith.constant 0 : i32
          %scan3A_1994 = arith.constant 20 : i32
          %scan3A_1995 = arith.addi %scan3A_1993, %scan3A_1994 : i32
          %scan3A_1996 = arith.constant 1 : i32
          %scan3A_1997 = scf.for %scan3A_2006 = %scan3A_1993 to %scan3A_1995 step %scan3A_1996 iter_args(%scan3A_2007 = %broadcast_in_dim3A_1992) -> (vector<16xf32>)  : i32 {
            %shift_right_arithmetic3A_2008 = vector.broadcast %scan3A_2006 : i32 to vector<16xi32>
            %shift_right_arithmetic3A_2009 = arith.shrsi %get3A_1927, %shift_right_arithmetic3A_2008 : vector<16xi32>
            %and3A_2010 = arith.constant 1 : i32
            %and3A_2011 = vector.broadcast %and3A_2010 : i32 to vector<16xi32>
            %and3A_2012 = arith.andi %shift_right_arithmetic3A_2009, %and3A_2011 : vector<16xi32>
            %eq3A_2013 = arith.constant 1 : i32
            %eq3A_2014 = vector.broadcast %eq3A_2013 : i32 to vector<16xi32>
            %eq3A_2015 = arith.cmpi eq, %and3A_2012, %eq3A_2014 : vector<16xi32>
            %mul3A_2016 = arith.constant 32 : i32
            %mul3A_2017 = arith.muli %scan3A_2006, %mul3A_2016 : i32
            %add3A_2018 = arith.addi %mul3A_2017, %scan3A_1988 : i32
            %broadcast_in_dim3A_2019 = vector.broadcast %add3A_2018 : i32 to vector<16xi32>
            %gather3A_2020 = tpu.vector_load_idx %arg14[%broadcast_in_dim3A_2019] : memref<1024xf32, #tpu.memory_space<vmem>>[vector<16xi32>], vector<16xf32>,
            %jit3A_2021 = arith.constant 0.000000e+00 : f32
            %broadcast_in_dim3A_2022 = vector.broadcast %jit3A_2021 : f32 to vector<16xf32>
            %select_n3A_2023 = arith.select %eq3A_2015, %gather3A_2020, %broadcast_in_dim3A_2022 : vector<16xi1>, vector<16xf32>
            %add3A_2024 = arith.addf %scan3A_2007, %select_n3A_2023 : vector<16xf32>
            scf.yield %add3A_2024 : vector<16xf32>
          }
          %scan3A_1998 = arith.constant 20 : i32
          %broadcast_in_dim3A_1999 = vector.broadcast %scan3A_1988 : i32 to vector<16xi32>
          %gather3A_2000 = tpu.vector_load_idx %arg15[%broadcast_in_dim3A_1999] : memref<32xf32, #tpu.memory_space<vmem>>[vector<16xi32>], vector<16xf32>,
          %add3A_2001 = arith.addf %scan3A_1997, %gather3A_2000 : vector<16xf32>
          %gt3A_2002 = arith.cmpf ogt, %add3A_2001, %scan3A_1989 : vector<16xf32>
          %select_n3A_2003 = arith.select %gt3A_2002, %add3A_2001, %scan3A_1989 : vector<16xi1>, vector<16xf32>
          %broadcast_in_dim3A_2004 = vector.broadcast %scan3A_1988 : i32 to vector<16xi32>
          %select_n3A_2005 = arith.select %gt3A_2002, %broadcast_in_dim3A_2004, %scan3A_1990 : vector<16xi1>, vector<16xi32>
          scf.yield %select_n3A_2003, %select_n3A_2005 : vector<16xf32>, vector<16xi32>
        }
        %scan3A_1986 = arith.constant 20 : i32
        %select_n3A_1987 = arith.select %not3A_1959, %scan3A_1985#1, %gather3A_1957 : vector<16xi1>, vector<16xi32>
        scf.yield %select_n3A_1987 : vector<16xi32>
      } else {
        scf.yield %gather3A_1957 : vector<16xi32>
      }
      %swap3A_1969 = arith.index_cast %scan3A_1559 : i32 to index
      %swap3A_1970 = arith.constant 112 : index
      %swap3A_1971 = tpu.vector_load %arg12[%swap3A_1969, %swap3A_1970] {strides = array<i32>} : memref<25x128xi32, #tpu.memory_space<vmem>>, vector<16xi32>,
      tpu.vector_store %arg12[%swap3A_1969, %swap3A_1970], %get3A_1924 {strides = array<i32>} : memref<25x128xi32, #tpu.memory_space<vmem>>, vector<16xi32>,
      %convert_element_type3A_1972 = arith.sitofp %cond3A_1968 : vector<16xi32> to vector<16xf32>
      %swap3A_1973 = arith.index_cast %scan3A_1559 : i32 to index
      %swap3A_1974 = arith.constant 112 : index
      %swap3A_1975 = tpu.vector_load %arg13[%swap3A_1973, %swap3A_1974] {strides = array<i32>} : memref<25x128xf32, #tpu.memory_space<vmem>>, vector<16xf32>,
      tpu.vector_store %arg13[%swap3A_1973, %swap3A_1974], %convert_element_type3A_1972 {strides = array<i32>} : memref<25x128xf32, #tpu.memory_space<vmem>>, vector<16xf32>,
      %scan3A_1976 = arith.constant 0 : i32
      scf.yield %scan3A_1976 : i32
    }
    %scan3A_1058 = arith.constant 25 : i32
    %dma_start3A_1059 = arith.constant 0 : i32
    %dma_start3A_1060 = arith.constant 0 : i32
    %dma_start3A_1061 = arith.constant 0 : i32
    %dma_start3A_1062 = tpu.memref_slice %arg13[%dma_start3A_1059, %dma_start3A_1061] : memref<25x128xf32, #tpu.memory_space<vmem>> -> memref<1x128xf32, #tpu.memory_space<vmem>>
    %dma_start3A_1063 = tpu.memref_squeeze %dma_start3A_1062 : memref<1x128xf32, #tpu.memory_space<vmem>> -> memref<128xf32, #tpu.memory_space<vmem>>
    %dma_start3A_1064 = arith.constant 0 : i32
    %dma_start3A_1065 = tpu.memref_slice %arg12[%dma_start3A_1060, %dma_start3A_1064] : memref<25x128xi32, #tpu.memory_space<vmem>> -> memref<1x128xi32, #tpu.memory_space<vmem>>
    %dma_start3A_1066 = tpu.memref_squeeze %dma_start3A_1065 : memref<1x128xi32, #tpu.memory_space<vmem>> -> memref<128xi32, #tpu.memory_space<vmem>>
    %dma_start3A_1067 = arith.constant 0 : i32
    %dma_start3A_1068 = tpu.memref_slice %arg2[%dma_start3A_1067] : memref<1000000xf32, #tpu.memory_space<hbm>> -> memref<1000000xf32, #tpu.memory_space<hbm>>
    tpu.enqueue_indirect_dma source(%dma_start3A_1063 : memref<128xf32, #tpu.memory_space<vmem>>) target(%dma_start3A_1068 : memref<1000000xf32, #tpu.memory_space<hbm>>) offsets(%dma_start3A_1066 : memref<128xi32, #tpu.memory_space<vmem>>) semaphore(%arg20 : memref<!tpu.dma_semaphore, #tpu.memory_space<semaphore_mem>>)
    %dma_start3A_1069 = arith.constant 1 : i32
    %dma_start3A_1070 = arith.constant 1 : i32
    %dma_start3A_1071 = arith.constant 0 : i32
    %dma_start3A_1072 = tpu.memref_slice %arg13[%dma_start3A_1069, %dma_start3A_1071] : memref<25x128xf32, #tpu.memory_space<vmem>> -> memref<1x128xf32, #tpu.memory_space<vmem>>
    %dma_start3A_1073 = tpu.memref_squeeze %dma_start3A_1072 : memref<1x128xf32, #tpu.memory_space<vmem>> -> memref<128xf32, #tpu.memory_space<vmem>>
    %dma_start3A_1074 = arith.constant 0 : i32
    %dma_start3A_1075 = tpu.memref_slice %arg12[%dma_start3A_1070, %dma_start3A_1074] : memref<25x128xi32, #tpu.memory_space<vmem>> -> memref<1x128xi32, #tpu.memory_space<vmem>>
    %dma_start3A_1076 = tpu.memref_squeeze %dma_start3A_1075 : memref<1x128xi32, #tpu.memory_space<vmem>> -> memref<128xi32, #tpu.memory_space<vmem>>
    %dma_start3A_1077 = arith.constant 0 : i32
    %dma_start3A_1078 = tpu.memref_slice %arg2[%dma_start3A_1077] : memref<1000000xf32, #tpu.memory_space<hbm>> -> memref<1000000xf32, #tpu.memory_space<hbm>>
    tpu.enqueue_indirect_dma source(%dma_start3A_1073 : memref<128xf32, #tpu.memory_space<vmem>>) target(%dma_start3A_1078 : memref<1000000xf32, #tpu.memory_space<hbm>>) offsets(%dma_start3A_1076 : memref<128xi32, #tpu.memory_space<vmem>>) semaphore(%arg20 : memref<!tpu.dma_semaphore, #tpu.memory_space<semaphore_mem>>)
    %dma_start3A_1079 = arith.constant 2 : i32
    %dma_start3A_1080 = arith.constant 2 : i32
    %dma_start3A_1081 = arith.constant 0 : i32
    %dma_start3A_1082 = tpu.memref_slice %arg13[%dma_start3A_1079, %dma_start3A_1081] : memref<25x128xf32, #tpu.memory_space<vmem>> -> memref<1x128xf32, #tpu.memory_space<vmem>>
    %dma_start3A_1083 = tpu.memref_squeeze %dma_start3A_1082 : memref<1x128xf32, #tpu.memory_space<vmem>> -> memref<128xf32, #tpu.memory_space<vmem>>
    %dma_start3A_1084 = arith.constant 0 : i32
    %dma_start3A_1085 = tpu.memref_slice %arg12[%dma_start3A_1080, %dma_start3A_1084] : memref<25x128xi32, #tpu.memory_space<vmem>> -> memref<1x128xi32, #tpu.memory_space<vmem>>
    %dma_start3A_1086 = tpu.memref_squeeze %dma_start3A_1085 : memref<1x128xi32, #tpu.memory_space<vmem>> -> memref<128xi32, #tpu.memory_space<vmem>>
    %dma_start3A_1087 = arith.constant 0 : i32
    %dma_start3A_1088 = tpu.memref_slice %arg2[%dma_start3A_1087] : memref<1000000xf32, #tpu.memory_space<hbm>> -> memref<1000000xf32, #tpu.memory_space<hbm>>
    tpu.enqueue_indirect_dma source(%dma_start3A_1083 : memref<128xf32, #tpu.memory_space<vmem>>) target(%dma_start3A_1088 : memref<1000000xf32, #tpu.memory_space<hbm>>) offsets(%dma_start3A_1086 : memref<128xi32, #tpu.memory_space<vmem>>) semaphore(%arg20 : memref<!tpu.dma_semaphore, #tpu.memory_space<semaphore_mem>>)
    %dma_start3A_1089 = arith.constant 3 : i32
    %dma_start3A_1090 = arith.constant 3 : i32
    %dma_start3A_1091 = arith.constant 0 : i32
    %dma_start3A_1092 = tpu.memref_slice %arg13[%dma_start3A_1089, %dma_start3A_1091] : memref<25x128xf32, #tpu.memory_space<vmem>> -> memref<1x128xf32, #tpu.memory_space<vmem>>
    %dma_start3A_1093 = tpu.memref_squeeze %dma_start3A_1092 : memref<1x128xf32, #tpu.memory_space<vmem>> -> memref<128xf32, #tpu.memory_space<vmem>>
    %dma_start3A_1094 = arith.constant 0 : i32
    %dma_start3A_1095 = tpu.memref_slice %arg12[%dma_start3A_1090, %dma_start3A_1094] : memref<25x128xi32, #tpu.memory_space<vmem>> -> memref<1x128xi32, #tpu.memory_space<vmem>>
    %dma_start3A_1096 = tpu.memref_squeeze %dma_start3A_1095 : memref<1x128xi32, #tpu.memory_space<vmem>> -> memref<128xi32, #tpu.memory_space<vmem>>
    %dma_start3A_1097 = arith.constant 0 : i32
    %dma_start3A_1098 = tpu.memref_slice %arg2[%dma_start3A_1097] : memref<1000000xf32, #tpu.memory_space<hbm>> -> memref<1000000xf32, #tpu.memory_space<hbm>>
    tpu.enqueue_indirect_dma source(%dma_start3A_1093 : memref<128xf32, #tpu.memory_space<vmem>>) target(%dma_start3A_1098 : memref<1000000xf32, #tpu.memory_space<hbm>>) offsets(%dma_start3A_1096 : memref<128xi32, #tpu.memory_space<vmem>>) semaphore(%arg20 : memref<!tpu.dma_semaphore, #tpu.memory_space<semaphore_mem>>)
    %dma_start3A_1099 = arith.constant 4 : i32
    %dma_start3A_1100 = arith.constant 4 : i32
    %dma_start3A_1101 = arith.constant 0 : i32
    %dma_start3A_1102 = tpu.memref_slice %arg13[%dma_start3A_1099, %dma_start3A_1101] : memref<25x128xf32, #tpu.memory_space<vmem>> -> memref<1x128xf32, #tpu.memory_space<vmem>>
    %dma_start3A_1103 = tpu.memref_squeeze %dma_start3A_1102 : memref<1x128xf32, #tpu.memory_space<vmem>> -> memref<128xf32, #tpu.memory_space<vmem>>
    %dma_start3A_1104 = arith.constant 0 : i32
    %dma_start3A_1105 = tpu.memref_slice %arg12[%dma_start3A_1100, %dma_start3A_1104] : memref<25x128xi32, #tpu.memory_space<vmem>> -> memref<1x128xi32, #tpu.memory_space<vmem>>
    %dma_start3A_1106 = tpu.memref_squeeze %dma_start3A_1105 : memref<1x128xi32, #tpu.memory_space<vmem>> -> memref<128xi32, #tpu.memory_space<vmem>>
    %dma_start3A_1107 = arith.constant 0 : i32
    %dma_start3A_1108 = tpu.memref_slice %arg2[%dma_start3A_1107] : memref<1000000xf32, #tpu.memory_space<hbm>> -> memref<1000000xf32, #tpu.memory_space<hbm>>
    tpu.enqueue_indirect_dma source(%dma_start3A_1103 : memref<128xf32, #tpu.memory_space<vmem>>) target(%dma_start3A_1108 : memref<1000000xf32, #tpu.memory_space<hbm>>) offsets(%dma_start3A_1106 : memref<128xi32, #tpu.memory_space<vmem>>) semaphore(%arg20 : memref<!tpu.dma_semaphore, #tpu.memory_space<semaphore_mem>>)
    %dma_start3A_1109 = arith.constant 5 : i32
    %dma_start3A_1110 = arith.constant 5 : i32
    %dma_start3A_1111 = arith.constant 0 : i32
    %dma_start3A_1112 = tpu.memref_slice %arg13[%dma_start3A_1109, %dma_start3A_1111] : memref<25x128xf32, #tpu.memory_space<vmem>> -> memref<1x128xf32, #tpu.memory_space<vmem>>
    %dma_start3A_1113 = tpu.memref_squeeze %dma_start3A_1112 : memref<1x128xf32, #tpu.memory_space<vmem>> -> memref<128xf32, #tpu.memory_space<vmem>>
    %dma_start3A_1114 = arith.constant 0 : i32
    %dma_start3A_1115 = tpu.memref_slice %arg12[%dma_start3A_1110, %dma_start3A_1114] : memref<25x128xi32, #tpu.memory_space<vmem>> -> memref<1x128xi32, #tpu.memory_space<vmem>>
    %dma_start3A_1116 = tpu.memref_squeeze %dma_start3A_1115 : memref<1x128xi32, #tpu.memory_space<vmem>> -> memref<128xi32, #tpu.memory_space<vmem>>
    %dma_start3A_1117 = arith.constant 0 : i32
    %dma_start3A_1118 = tpu.memref_slice %arg2[%dma_start3A_1117] : memref<1000000xf32, #tpu.memory_space<hbm>> -> memref<1000000xf32, #tpu.memory_space<hbm>>
    tpu.enqueue_indirect_dma source(%dma_start3A_1113 : memref<128xf32, #tpu.memory_space<vmem>>) target(%dma_start3A_1118 : memref<1000000xf32, #tpu.memory_space<hbm>>) offsets(%dma_start3A_1116 : memref<128xi32, #tpu.memory_space<vmem>>) semaphore(%arg20 : memref<!tpu.dma_semaphore, #tpu.memory_space<semaphore_mem>>)
    %dma_start3A_1119 = arith.constant 6 : i32
    %dma_start3A_1120 = arith.constant 6 : i32
    %dma_start3A_1121 = arith.constant 0 : i32
    %dma_start3A_1122 = tpu.memref_slice %arg13[%dma_start3A_1119, %dma_start3A_1121] : memref<25x128xf32, #tpu.memory_space<vmem>> -> memref<1x128xf32, #tpu.memory_space<vmem>>
    %dma_start3A_1123 = tpu.memref_squeeze %dma_start3A_1122 : memref<1x128xf32, #tpu.memory_space<vmem>> -> memref<128xf32, #tpu.memory_space<vmem>>
    %dma_start3A_1124 = arith.constant 0 : i32
    %dma_start3A_1125 = tpu.memref_slice %arg12[%dma_start3A_1120, %dma_start3A_1124] : memref<25x128xi32, #tpu.memory_space<vmem>> -> memref<1x128xi32, #tpu.memory_space<vmem>>
    %dma_start3A_1126 = tpu.memref_squeeze %dma_start3A_1125 : memref<1x128xi32, #tpu.memory_space<vmem>> -> memref<128xi32, #tpu.memory_space<vmem>>
    %dma_start3A_1127 = arith.constant 0 : i32
    %dma_start3A_1128 = tpu.memref_slice %arg2[%dma_start3A_1127] : memref<1000000xf32, #tpu.memory_space<hbm>> -> memref<1000000xf32, #tpu.memory_space<hbm>>
    tpu.enqueue_indirect_dma source(%dma_start3A_1123 : memref<128xf32, #tpu.memory_space<vmem>>) target(%dma_start3A_1128 : memref<1000000xf32, #tpu.memory_space<hbm>>) offsets(%dma_start3A_1126 : memref<128xi32, #tpu.memory_space<vmem>>) semaphore(%arg20 : memref<!tpu.dma_semaphore, #tpu.memory_space<semaphore_mem>>)
    %dma_start3A_1129 = arith.constant 7 : i32
    %dma_start3A_1130 = arith.constant 7 : i32
    %dma_start3A_1131 = arith.constant 0 : i32
    %dma_start3A_1132 = tpu.memref_slice %arg13[%dma_start3A_1129, %dma_start3A_1131] : memref<25x128xf32, #tpu.memory_space<vmem>> -> memref<1x128xf32, #tpu.memory_space<vmem>>
    %dma_start3A_1133 = tpu.memref_squeeze %dma_start3A_1132 : memref<1x128xf32, #tpu.memory_space<vmem>> -> memref<128xf32, #tpu.memory_space<vmem>>
    %dma_start3A_1134 = arith.constant 0 : i32
    %dma_start3A_1135 = tpu.memref_slice %arg12[%dma_start3A_1130, %dma_start3A_1134] : memref<25x128xi32, #tpu.memory_space<vmem>> -> memref<1x128xi32, #tpu.memory_space<vmem>>
    %dma_start3A_1136 = tpu.memref_squeeze %dma_start3A_1135 : memref<1x128xi32, #tpu.memory_space<vmem>> -> memref<128xi32, #tpu.memory_space<vmem>>
    %dma_start3A_1137 = arith.constant 0 : i32
    %dma_start3A_1138 = tpu.memref_slice %arg2[%dma_start3A_1137] : memref<1000000xf32, #tpu.memory_space<hbm>> -> memref<1000000xf32, #tpu.memory_space<hbm>>
    tpu.enqueue_indirect_dma source(%dma_start3A_1133 : memref<128xf32, #tpu.memory_space<vmem>>) target(%dma_start3A_1138 : memref<1000000xf32, #tpu.memory_space<hbm>>) offsets(%dma_start3A_1136 : memref<128xi32, #tpu.memory_space<vmem>>) semaphore(%arg20 : memref<!tpu.dma_semaphore, #tpu.memory_space<semaphore_mem>>)
    %dma_start3A_1139 = arith.constant 8 : i32
    %dma_start3A_1140 = arith.constant 8 : i32
    %dma_start3A_1141 = arith.constant 0 : i32
    %dma_start3A_1142 = tpu.memref_slice %arg13[%dma_start3A_1139, %dma_start3A_1141] : memref<25x128xf32, #tpu.memory_space<vmem>> -> memref<1x128xf32, #tpu.memory_space<vmem>>
    %dma_start3A_1143 = tpu.memref_squeeze %dma_start3A_1142 : memref<1x128xf32, #tpu.memory_space<vmem>> -> memref<128xf32, #tpu.memory_space<vmem>>
    %dma_start3A_1144 = arith.constant 0 : i32
    %dma_start3A_1145 = tpu.memref_slice %arg12[%dma_start3A_1140, %dma_start3A_1144] : memref<25x128xi32, #tpu.memory_space<vmem>> -> memref<1x128xi32, #tpu.memory_space<vmem>>
    %dma_start3A_1146 = tpu.memref_squeeze %dma_start3A_1145 : memref<1x128xi32, #tpu.memory_space<vmem>> -> memref<128xi32, #tpu.memory_space<vmem>>
    %dma_start3A_1147 = arith.constant 0 : i32
    %dma_start3A_1148 = tpu.memref_slice %arg2[%dma_start3A_1147] : memref<1000000xf32, #tpu.memory_space<hbm>> -> memref<1000000xf32, #tpu.memory_space<hbm>>
    tpu.enqueue_indirect_dma source(%dma_start3A_1143 : memref<128xf32, #tpu.memory_space<vmem>>) target(%dma_start3A_1148 : memref<1000000xf32, #tpu.memory_space<hbm>>) offsets(%dma_start3A_1146 : memref<128xi32, #tpu.memory_space<vmem>>) semaphore(%arg20 : memref<!tpu.dma_semaphore, #tpu.memory_space<semaphore_mem>>)
    %dma_start3A_1149 = arith.constant 9 : i32
    %dma_start3A_1150 = arith.constant 9 : i32
    %dma_start3A_1151 = arith.constant 0 : i32
    %dma_start3A_1152 = tpu.memref_slice %arg13[%dma_start3A_1149, %dma_start3A_1151] : memref<25x128xf32, #tpu.memory_space<vmem>> -> memref<1x128xf32, #tpu.memory_space<vmem>>
    %dma_start3A_1153 = tpu.memref_squeeze %dma_start3A_1152 : memref<1x128xf32, #tpu.memory_space<vmem>> -> memref<128xf32, #tpu.memory_space<vmem>>
    %dma_start3A_1154 = arith.constant 0 : i32
    %dma_start3A_1155 = tpu.memref_slice %arg12[%dma_start3A_1150, %dma_start3A_1154] : memref<25x128xi32, #tpu.memory_space<vmem>> -> memref<1x128xi32, #tpu.memory_space<vmem>>
    %dma_start3A_1156 = tpu.memref_squeeze %dma_start3A_1155 : memref<1x128xi32, #tpu.memory_space<vmem>> -> memref<128xi32, #tpu.memory_space<vmem>>
    %dma_start3A_1157 = arith.constant 0 : i32
    %dma_start3A_1158 = tpu.memref_slice %arg2[%dma_start3A_1157] : memref<1000000xf32, #tpu.memory_space<hbm>> -> memref<1000000xf32, #tpu.memory_space<hbm>>
    tpu.enqueue_indirect_dma source(%dma_start3A_1153 : memref<128xf32, #tpu.memory_space<vmem>>) target(%dma_start3A_1158 : memref<1000000xf32, #tpu.memory_space<hbm>>) offsets(%dma_start3A_1156 : memref<128xi32, #tpu.memory_space<vmem>>) semaphore(%arg20 : memref<!tpu.dma_semaphore, #tpu.memory_space<semaphore_mem>>)
    %dma_start3A_1159 = arith.constant 10 : i32
    %dma_start3A_1160 = arith.constant 10 : i32
    %dma_start3A_1161 = arith.constant 0 : i32
    %dma_start3A_1162 = tpu.memref_slice %arg13[%dma_start3A_1159, %dma_start3A_1161] : memref<25x128xf32, #tpu.memory_space<vmem>> -> memref<1x128xf32, #tpu.memory_space<vmem>>
    %dma_start3A_1163 = tpu.memref_squeeze %dma_start3A_1162 : memref<1x128xf32, #tpu.memory_space<vmem>> -> memref<128xf32, #tpu.memory_space<vmem>>
    %dma_start3A_1164 = arith.constant 0 : i32
    %dma_start3A_1165 = tpu.memref_slice %arg12[%dma_start3A_1160, %dma_start3A_1164] : memref<25x128xi32, #tpu.memory_space<vmem>> -> memref<1x128xi32, #tpu.memory_space<vmem>>
    %dma_start3A_1166 = tpu.memref_squeeze %dma_start3A_1165 : memref<1x128xi32, #tpu.memory_space<vmem>> -> memref<128xi32, #tpu.memory_space<vmem>>
    %dma_start3A_1167 = arith.constant 0 : i32
    %dma_start3A_1168 = tpu.memref_slice %arg2[%dma_start3A_1167] : memref<1000000xf32, #tpu.memory_space<hbm>> -> memref<1000000xf32, #tpu.memory_space<hbm>>
    tpu.enqueue_indirect_dma source(%dma_start3A_1163 : memref<128xf32, #tpu.memory_space<vmem>>) target(%dma_start3A_1168 : memref<1000000xf32, #tpu.memory_space<hbm>>) offsets(%dma_start3A_1166 : memref<128xi32, #tpu.memory_space<vmem>>) semaphore(%arg20 : memref<!tpu.dma_semaphore, #tpu.memory_space<semaphore_mem>>)
    %dma_start3A_1169 = arith.constant 11 : i32
    %dma_start3A_1170 = arith.constant 11 : i32
    %dma_start3A_1171 = arith.constant 0 : i32
    %dma_start3A_1172 = tpu.memref_slice %arg13[%dma_start3A_1169, %dma_start3A_1171] : memref<25x128xf32, #tpu.memory_space<vmem>> -> memref<1x128xf32, #tpu.memory_space<vmem>>
    %dma_start3A_1173 = tpu.memref_squeeze %dma_start3A_1172 : memref<1x128xf32, #tpu.memory_space<vmem>> -> memref<128xf32, #tpu.memory_space<vmem>>
    %dma_start3A_1174 = arith.constant 0 : i32
    %dma_start3A_1175 = tpu.memref_slice %arg12[%dma_start3A_1170, %dma_start3A_1174] : memref<25x128xi32, #tpu.memory_space<vmem>> -> memref<1x128xi32, #tpu.memory_space<vmem>>
    %dma_start3A_1176 = tpu.memref_squeeze %dma_start3A_1175 : memref<1x128xi32, #tpu.memory_space<vmem>> -> memref<128xi32, #tpu.memory_space<vmem>>
    %dma_start3A_1177 = arith.constant 0 : i32
    %dma_start3A_1178 = tpu.memref_slice %arg2[%dma_start3A_1177] : memref<1000000xf32, #tpu.memory_space<hbm>> -> memref<1000000xf32, #tpu.memory_space<hbm>>
    tpu.enqueue_indirect_dma source(%dma_start3A_1173 : memref<128xf32, #tpu.memory_space<vmem>>) target(%dma_start3A_1178 : memref<1000000xf32, #tpu.memory_space<hbm>>) offsets(%dma_start3A_1176 : memref<128xi32, #tpu.memory_space<vmem>>) semaphore(%arg20 : memref<!tpu.dma_semaphore, #tpu.memory_space<semaphore_mem>>)
    %dma_start3A_1179 = arith.constant 12 : i32
    %dma_start3A_1180 = arith.constant 12 : i32
    %dma_start3A_1181 = arith.constant 0 : i32
    %dma_start3A_1182 = tpu.memref_slice %arg13[%dma_start3A_1179, %dma_start3A_1181] : memref<25x128xf32, #tpu.memory_space<vmem>> -> memref<1x128xf32, #tpu.memory_space<vmem>>
    %dma_start3A_1183 = tpu.memref_squeeze %dma_start3A_1182 : memref<1x128xf32, #tpu.memory_space<vmem>> -> memref<128xf32, #tpu.memory_space<vmem>>
    %dma_start3A_1184 = arith.constant 0 : i32
    %dma_start3A_1185 = tpu.memref_slice %arg12[%dma_start3A_1180, %dma_start3A_1184] : memref<25x128xi32, #tpu.memory_space<vmem>> -> memref<1x128xi32, #tpu.memory_space<vmem>>
    %dma_start3A_1186 = tpu.memref_squeeze %dma_start3A_1185 : memref<1x128xi32, #tpu.memory_space<vmem>> -> memref<128xi32, #tpu.memory_space<vmem>>
    %dma_start3A_1187 = arith.constant 0 : i32
    %dma_start3A_1188 = tpu.memref_slice %arg2[%dma_start3A_1187] : memref<1000000xf32, #tpu.memory_space<hbm>> -> memref<1000000xf32, #tpu.memory_space<hbm>>
    tpu.enqueue_indirect_dma source(%dma_start3A_1183 : memref<128xf32, #tpu.memory_space<vmem>>) target(%dma_start3A_1188 : memref<1000000xf32, #tpu.memory_space<hbm>>) offsets(%dma_start3A_1186 : memref<128xi32, #tpu.memory_space<vmem>>) semaphore(%arg20 : memref<!tpu.dma_semaphore, #tpu.memory_space<semaphore_mem>>)
    %dma_start3A_1189 = arith.constant 13 : i32
    %dma_start3A_1190 = arith.constant 13 : i32
    %dma_start3A_1191 = arith.constant 0 : i32
    %dma_start3A_1192 = tpu.memref_slice %arg13[%dma_start3A_1189, %dma_start3A_1191] : memref<25x128xf32, #tpu.memory_space<vmem>> -> memref<1x128xf32, #tpu.memory_space<vmem>>
    %dma_start3A_1193 = tpu.memref_squeeze %dma_start3A_1192 : memref<1x128xf32, #tpu.memory_space<vmem>> -> memref<128xf32, #tpu.memory_space<vmem>>
    %dma_start3A_1194 = arith.constant 0 : i32
    %dma_start3A_1195 = tpu.memref_slice %arg12[%dma_start3A_1190, %dma_start3A_1194] : memref<25x128xi32, #tpu.memory_space<vmem>> -> memref<1x128xi32, #tpu.memory_space<vmem>>
    %dma_start3A_1196 = tpu.memref_squeeze %dma_start3A_1195 : memref<1x128xi32, #tpu.memory_space<vmem>> -> memref<128xi32, #tpu.memory_space<vmem>>
    %dma_start3A_1197 = arith.constant 0 : i32
    %dma_start3A_1198 = tpu.memref_slice %arg2[%dma_start3A_1197] : memref<1000000xf32, #tpu.memory_space<hbm>> -> memref<1000000xf32, #tpu.memory_space<hbm>>
    tpu.enqueue_indirect_dma source(%dma_start3A_1193 : memref<128xf32, #tpu.memory_space<vmem>>) target(%dma_start3A_1198 : memref<1000000xf32, #tpu.memory_space<hbm>>) offsets(%dma_start3A_1196 : memref<128xi32, #tpu.memory_space<vmem>>) semaphore(%arg20 : memref<!tpu.dma_semaphore, #tpu.memory_space<semaphore_mem>>)
    %dma_start3A_1199 = arith.constant 14 : i32
    %dma_start3A_1200 = arith.constant 14 : i32
    %dma_start3A_1201 = arith.constant 0 : i32
    %dma_start3A_1202 = tpu.memref_slice %arg13[%dma_start3A_1199, %dma_start3A_1201] : memref<25x128xf32, #tpu.memory_space<vmem>> -> memref<1x128xf32, #tpu.memory_space<vmem>>
    %dma_start3A_1203 = tpu.memref_squeeze %dma_start3A_1202 : memref<1x128xf32, #tpu.memory_space<vmem>> -> memref<128xf32, #tpu.memory_space<vmem>>
    %dma_start3A_1204 = arith.constant 0 : i32
    %dma_start3A_1205 = tpu.memref_slice %arg12[%dma_start3A_1200, %dma_start3A_1204] : memref<25x128xi32, #tpu.memory_space<vmem>> -> memref<1x128xi32, #tpu.memory_space<vmem>>
    %dma_start3A_1206 = tpu.memref_squeeze %dma_start3A_1205 : memref<1x128xi32, #tpu.memory_space<vmem>> -> memref<128xi32, #tpu.memory_space<vmem>>
    %dma_start3A_1207 = arith.constant 0 : i32
    %dma_start3A_1208 = tpu.memref_slice %arg2[%dma_start3A_1207] : memref<1000000xf32, #tpu.memory_space<hbm>> -> memref<1000000xf32, #tpu.memory_space<hbm>>
    tpu.enqueue_indirect_dma source(%dma_start3A_1203 : memref<128xf32, #tpu.memory_space<vmem>>) target(%dma_start3A_1208 : memref<1000000xf32, #tpu.memory_space<hbm>>) offsets(%dma_start3A_1206 : memref<128xi32, #tpu.memory_space<vmem>>) semaphore(%arg20 : memref<!tpu.dma_semaphore, #tpu.memory_space<semaphore_mem>>)
    %dma_start3A_1209 = arith.constant 15 : i32
    %dma_start3A_1210 = arith.constant 15 : i32
    %dma_start3A_1211 = arith.constant 0 : i32
    %dma_start3A_1212 = tpu.memref_slice %arg13[%dma_start3A_1209, %dma_start3A_1211] : memref<25x128xf32, #tpu.memory_space<vmem>> -> memref<1x128xf32, #tpu.memory_space<vmem>>
    %dma_start3A_1213 = tpu.memref_squeeze %dma_start3A_1212 : memref<1x128xf32, #tpu.memory_space<vmem>> -> memref<128xf32, #tpu.memory_space<vmem>>
    %dma_start3A_1214 = arith.constant 0 : i32
    %dma_start3A_1215 = tpu.memref_slice %arg12[%dma_start3A_1210, %dma_start3A_1214] : memref<25x128xi32, #tpu.memory_space<vmem>> -> memref<1x128xi32, #tpu.memory_space<vmem>>
    %dma_start3A_1216 = tpu.memref_squeeze %dma_start3A_1215 : memref<1x128xi32, #tpu.memory_space<vmem>> -> memref<128xi32, #tpu.memory_space<vmem>>
    %dma_start3A_1217 = arith.constant 0 : i32
    %dma_start3A_1218 = tpu.memref_slice %arg2[%dma_start3A_1217] : memref<1000000xf32, #tpu.memory_space<hbm>> -> memref<1000000xf32, #tpu.memory_space<hbm>>
    tpu.enqueue_indirect_dma source(%dma_start3A_1213 : memref<128xf32, #tpu.memory_space<vmem>>) target(%dma_start3A_1218 : memref<1000000xf32, #tpu.memory_space<hbm>>) offsets(%dma_start3A_1216 : memref<128xi32, #tpu.memory_space<vmem>>) semaphore(%arg20 : memref<!tpu.dma_semaphore, #tpu.memory_space<semaphore_mem>>)
    %dma_start3A_1219 = arith.constant 16 : i32
    %dma_start3A_1220 = arith.constant 16 : i32
    %dma_start3A_1221 = arith.constant 0 : i32
    %dma_start3A_1222 = tpu.memref_slice %arg13[%dma_start3A_1219, %dma_start3A_1221] : memref<25x128xf32, #tpu.memory_space<vmem>> -> memref<1x128xf32, #tpu.memory_space<vmem>>
    %dma_start3A_1223 = tpu.memref_squeeze %dma_start3A_1222 : memref<1x128xf32, #tpu.memory_space<vmem>> -> memref<128xf32, #tpu.memory_space<vmem>>
    %dma_start3A_1224 = arith.constant 0 : i32
    %dma_start3A_1225 = tpu.memref_slice %arg12[%dma_start3A_1220, %dma_start3A_1224] : memref<25x128xi32, #tpu.memory_space<vmem>> -> memref<1x128xi32, #tpu.memory_space<vmem>>
    %dma_start3A_1226 = tpu.memref_squeeze %dma_start3A_1225 : memref<1x128xi32, #tpu.memory_space<vmem>> -> memref<128xi32, #tpu.memory_space<vmem>>
    %dma_start3A_1227 = arith.constant 0 : i32
    %dma_start3A_1228 = tpu.memref_slice %arg2[%dma_start3A_1227] : memref<1000000xf32, #tpu.memory_space<hbm>> -> memref<1000000xf32, #tpu.memory_space<hbm>>
    tpu.enqueue_indirect_dma source(%dma_start3A_1223 : memref<128xf32, #tpu.memory_space<vmem>>) target(%dma_start3A_1228 : memref<1000000xf32, #tpu.memory_space<hbm>>) offsets(%dma_start3A_1226 : memref<128xi32, #tpu.memory_space<vmem>>) semaphore(%arg20 : memref<!tpu.dma_semaphore, #tpu.memory_space<semaphore_mem>>)
    %dma_start3A_1229 = arith.constant 17 : i32
    %dma_start3A_1230 = arith.constant 17 : i32
    %dma_start3A_1231 = arith.constant 0 : i32
    %dma_start3A_1232 = tpu.memref_slice %arg13[%dma_start3A_1229, %dma_start3A_1231] : memref<25x128xf32, #tpu.memory_space<vmem>> -> memref<1x128xf32, #tpu.memory_space<vmem>>
    %dma_start3A_1233 = tpu.memref_squeeze %dma_start3A_1232 : memref<1x128xf32, #tpu.memory_space<vmem>> -> memref<128xf32, #tpu.memory_space<vmem>>
    %dma_start3A_1234 = arith.constant 0 : i32
    %dma_start3A_1235 = tpu.memref_slice %arg12[%dma_start3A_1230, %dma_start3A_1234] : memref<25x128xi32, #tpu.memory_space<vmem>> -> memref<1x128xi32, #tpu.memory_space<vmem>>
    %dma_start3A_1236 = tpu.memref_squeeze %dma_start3A_1235 : memref<1x128xi32, #tpu.memory_space<vmem>> -> memref<128xi32, #tpu.memory_space<vmem>>
    %dma_start3A_1237 = arith.constant 0 : i32
    %dma_start3A_1238 = tpu.memref_slice %arg2[%dma_start3A_1237] : memref<1000000xf32, #tpu.memory_space<hbm>> -> memref<1000000xf32, #tpu.memory_space<hbm>>
    tpu.enqueue_indirect_dma source(%dma_start3A_1233 : memref<128xf32, #tpu.memory_space<vmem>>) target(%dma_start3A_1238 : memref<1000000xf32, #tpu.memory_space<hbm>>) offsets(%dma_start3A_1236 : memref<128xi32, #tpu.memory_space<vmem>>) semaphore(%arg20 : memref<!tpu.dma_semaphore, #tpu.memory_space<semaphore_mem>>)
    %dma_start3A_1239 = arith.constant 18 : i32
    %dma_start3A_1240 = arith.constant 18 : i32
    %dma_start3A_1241 = arith.constant 0 : i32
    %dma_start3A_1242 = tpu.memref_slice %arg13[%dma_start3A_1239, %dma_start3A_1241] : memref<25x128xf32, #tpu.memory_space<vmem>> -> memref<1x128xf32, #tpu.memory_space<vmem>>
    %dma_start3A_1243 = tpu.memref_squeeze %dma_start3A_1242 : memref<1x128xf32, #tpu.memory_space<vmem>> -> memref<128xf32, #tpu.memory_space<vmem>>
    %dma_start3A_1244 = arith.constant 0 : i32
    %dma_start3A_1245 = tpu.memref_slice %arg12[%dma_start3A_1240, %dma_start3A_1244] : memref<25x128xi32, #tpu.memory_space<vmem>> -> memref<1x128xi32, #tpu.memory_space<vmem>>
    %dma_start3A_1246 = tpu.memref_squeeze %dma_start3A_1245 : memref<1x128xi32, #tpu.memory_space<vmem>> -> memref<128xi32, #tpu.memory_space<vmem>>
    %dma_start3A_1247 = arith.constant 0 : i32
    %dma_start3A_1248 = tpu.memref_slice %arg2[%dma_start3A_1247] : memref<1000000xf32, #tpu.memory_space<hbm>> -> memref<1000000xf32, #tpu.memory_space<hbm>>
    tpu.enqueue_indirect_dma source(%dma_start3A_1243 : memref<128xf32, #tpu.memory_space<vmem>>) target(%dma_start3A_1248 : memref<1000000xf32, #tpu.memory_space<hbm>>) offsets(%dma_start3A_1246 : memref<128xi32, #tpu.memory_space<vmem>>) semaphore(%arg20 : memref<!tpu.dma_semaphore, #tpu.memory_space<semaphore_mem>>)
    %dma_start3A_1249 = arith.constant 19 : i32
    %dma_start3A_1250 = arith.constant 19 : i32
    %dma_start3A_1251 = arith.constant 0 : i32
    %dma_start3A_1252 = tpu.memref_slice %arg13[%dma_start3A_1249, %dma_start3A_1251] : memref<25x128xf32, #tpu.memory_space<vmem>> -> memref<1x128xf32, #tpu.memory_space<vmem>>
    %dma_start3A_1253 = tpu.memref_squeeze %dma_start3A_1252 : memref<1x128xf32, #tpu.memory_space<vmem>> -> memref<128xf32, #tpu.memory_space<vmem>>
    %dma_start3A_1254 = arith.constant 0 : i32
    %dma_start3A_1255 = tpu.memref_slice %arg12[%dma_start3A_1250, %dma_start3A_1254] : memref<25x128xi32, #tpu.memory_space<vmem>> -> memref<1x128xi32, #tpu.memory_space<vmem>>
    %dma_start3A_1256 = tpu.memref_squeeze %dma_start3A_1255 : memref<1x128xi32, #tpu.memory_space<vmem>> -> memref<128xi32, #tpu.memory_space<vmem>>
    %dma_start3A_1257 = arith.constant 0 : i32
    %dma_start3A_1258 = tpu.memref_slice %arg2[%dma_start3A_1257] : memref<1000000xf32, #tpu.memory_space<hbm>> -> memref<1000000xf32, #tpu.memory_space<hbm>>
    tpu.enqueue_indirect_dma source(%dma_start3A_1253 : memref<128xf32, #tpu.memory_space<vmem>>) target(%dma_start3A_1258 : memref<1000000xf32, #tpu.memory_space<hbm>>) offsets(%dma_start3A_1256 : memref<128xi32, #tpu.memory_space<vmem>>) semaphore(%arg20 : memref<!tpu.dma_semaphore, #tpu.memory_space<semaphore_mem>>)
    %dma_start3A_1259 = arith.constant 20 : i32
    %dma_start3A_1260 = arith.constant 20 : i32
    %dma_start3A_1261 = arith.constant 0 : i32
    %dma_start3A_1262 = tpu.memref_slice %arg13[%dma_start3A_1259, %dma_start3A_1261] : memref<25x128xf32, #tpu.memory_space<vmem>> -> memref<1x128xf32, #tpu.memory_space<vmem>>
    %dma_start3A_1263 = tpu.memref_squeeze %dma_start3A_1262 : memref<1x128xf32, #tpu.memory_space<vmem>> -> memref<128xf32, #tpu.memory_space<vmem>>
    %dma_start3A_1264 = arith.constant 0 : i32
    %dma_start3A_1265 = tpu.memref_slice %arg12[%dma_start3A_1260, %dma_start3A_1264] : memref<25x128xi32, #tpu.memory_space<vmem>> -> memref<1x128xi32, #tpu.memory_space<vmem>>
    %dma_start3A_1266 = tpu.memref_squeeze %dma_start3A_1265 : memref<1x128xi32, #tpu.memory_space<vmem>> -> memref<128xi32, #tpu.memory_space<vmem>>
    %dma_start3A_1267 = arith.constant 0 : i32
    %dma_start3A_1268 = tpu.memref_slice %arg2[%dma_start3A_1267] : memref<1000000xf32, #tpu.memory_space<hbm>> -> memref<1000000xf32, #tpu.memory_space<hbm>>
    tpu.enqueue_indirect_dma source(%dma_start3A_1263 : memref<128xf32, #tpu.memory_space<vmem>>) target(%dma_start3A_1268 : memref<1000000xf32, #tpu.memory_space<hbm>>) offsets(%dma_start3A_1266 : memref<128xi32, #tpu.memory_space<vmem>>) semaphore(%arg20 : memref<!tpu.dma_semaphore, #tpu.memory_space<semaphore_mem>>)
    %dma_start3A_1269 = arith.constant 21 : i32
    %dma_start3A_1270 = arith.constant 21 : i32
    %dma_start3A_1271 = arith.constant 0 : i32
    %dma_start3A_1272 = tpu.memref_slice %arg13[%dma_start3A_1269, %dma_start3A_1271] : memref<25x128xf32, #tpu.memory_space<vmem>> -> memref<1x128xf32, #tpu.memory_space<vmem>>
    %dma_start3A_1273 = tpu.memref_squeeze %dma_start3A_1272 : memref<1x128xf32, #tpu.memory_space<vmem>> -> memref<128xf32, #tpu.memory_space<vmem>>
    %dma_start3A_1274 = arith.constant 0 : i32
    %dma_start3A_1275 = tpu.memref_slice %arg12[%dma_start3A_1270, %dma_start3A_1274] : memref<25x128xi32, #tpu.memory_space<vmem>> -> memref<1x128xi32, #tpu.memory_space<vmem>>
    %dma_start3A_1276 = tpu.memref_squeeze %dma_start3A_1275 : memref<1x128xi32, #tpu.memory_space<vmem>> -> memref<128xi32, #tpu.memory_space<vmem>>
    %dma_start3A_1277 = arith.constant 0 : i32
    %dma_start3A_1278 = tpu.memref_slice %arg2[%dma_start3A_1277] : memref<1000000xf32, #tpu.memory_space<hbm>> -> memref<1000000xf32, #tpu.memory_space<hbm>>
    tpu.enqueue_indirect_dma source(%dma_start3A_1273 : memref<128xf32, #tpu.memory_space<vmem>>) target(%dma_start3A_1278 : memref<1000000xf32, #tpu.memory_space<hbm>>) offsets(%dma_start3A_1276 : memref<128xi32, #tpu.memory_space<vmem>>) semaphore(%arg20 : memref<!tpu.dma_semaphore, #tpu.memory_space<semaphore_mem>>)
    %dma_start3A_1279 = arith.constant 22 : i32
    %dma_start3A_1280 = arith.constant 22 : i32
    %dma_start3A_1281 = arith.constant 0 : i32
    %dma_start3A_1282 = tpu.memref_slice %arg13[%dma_start3A_1279, %dma_start3A_1281] : memref<25x128xf32, #tpu.memory_space<vmem>> -> memref<1x128xf32, #tpu.memory_space<vmem>>
    %dma_start3A_1283 = tpu.memref_squeeze %dma_start3A_1282 : memref<1x128xf32, #tpu.memory_space<vmem>> -> memref<128xf32, #tpu.memory_space<vmem>>
    %dma_start3A_1284 = arith.constant 0 : i32
    %dma_start3A_1285 = tpu.memref_slice %arg12[%dma_start3A_1280, %dma_start3A_1284] : memref<25x128xi32, #tpu.memory_space<vmem>> -> memref<1x128xi32, #tpu.memory_space<vmem>>
    %dma_start3A_1286 = tpu.memref_squeeze %dma_start3A_1285 : memref<1x128xi32, #tpu.memory_space<vmem>> -> memref<128xi32, #tpu.memory_space<vmem>>
    %dma_start3A_1287 = arith.constant 0 : i32
    %dma_start3A_1288 = tpu.memref_slice %arg2[%dma_start3A_1287] : memref<1000000xf32, #tpu.memory_space<hbm>> -> memref<1000000xf32, #tpu.memory_space<hbm>>
    tpu.enqueue_indirect_dma source(%dma_start3A_1283 : memref<128xf32, #tpu.memory_space<vmem>>) target(%dma_start3A_1288 : memref<1000000xf32, #tpu.memory_space<hbm>>) offsets(%dma_start3A_1286 : memref<128xi32, #tpu.memory_space<vmem>>) semaphore(%arg20 : memref<!tpu.dma_semaphore, #tpu.memory_space<semaphore_mem>>)
    %dma_start3A_1289 = arith.constant 23 : i32
    %dma_start3A_1290 = arith.constant 23 : i32
    %dma_start3A_1291 = arith.constant 0 : i32
    %dma_start3A_1292 = tpu.memref_slice %arg13[%dma_start3A_1289, %dma_start3A_1291] : memref<25x128xf32, #tpu.memory_space<vmem>> -> memref<1x128xf32, #tpu.memory_space<vmem>>
    %dma_start3A_1293 = tpu.memref_squeeze %dma_start3A_1292 : memref<1x128xf32, #tpu.memory_space<vmem>> -> memref<128xf32, #tpu.memory_space<vmem>>
    %dma_start3A_1294 = arith.constant 0 : i32
    %dma_start3A_1295 = tpu.memref_slice %arg12[%dma_start3A_1290, %dma_start3A_1294] : memref<25x128xi32, #tpu.memory_space<vmem>> -> memref<1x128xi32, #tpu.memory_space<vmem>>
    %dma_start3A_1296 = tpu.memref_squeeze %dma_start3A_1295 : memref<1x128xi32, #tpu.memory_space<vmem>> -> memref<128xi32, #tpu.memory_space<vmem>>
    %dma_start3A_1297 = arith.constant 0 : i32
    %dma_start3A_1298 = tpu.memref_slice %arg2[%dma_start3A_1297] : memref<1000000xf32, #tpu.memory_space<hbm>> -> memref<1000000xf32, #tpu.memory_space<hbm>>
    tpu.enqueue_indirect_dma source(%dma_start3A_1293 : memref<128xf32, #tpu.memory_space<vmem>>) target(%dma_start3A_1298 : memref<1000000xf32, #tpu.memory_space<hbm>>) offsets(%dma_start3A_1296 : memref<128xi32, #tpu.memory_space<vmem>>) semaphore(%arg20 : memref<!tpu.dma_semaphore, #tpu.memory_space<semaphore_mem>>)
    %dma_start3A_1299 = arith.constant 24 : i32
    %dma_start3A_1300 = arith.constant 24 : i32
    %dma_start3A_1301 = arith.constant 0 : i32
    %dma_start3A_1302 = tpu.memref_slice %arg13[%dma_start3A_1299, %dma_start3A_1301] : memref<25x128xf32, #tpu.memory_space<vmem>> -> memref<1x128xf32, #tpu.memory_space<vmem>>
    %dma_start3A_1303 = tpu.memref_squeeze %dma_start3A_1302 : memref<1x128xf32, #tpu.memory_space<vmem>> -> memref<128xf32, #tpu.memory_space<vmem>>
    %dma_start3A_1304 = arith.constant 0 : i32
    %dma_start3A_1305 = tpu.memref_slice %arg12[%dma_start3A_1300, %dma_start3A_1304] : memref<25x128xi32, #tpu.memory_space<vmem>> -> memref<1x128xi32, #tpu.memory_space<vmem>>
    %dma_start3A_1306 = tpu.memref_squeeze %dma_start3A_1305 : memref<1x128xi32, #tpu.memory_space<vmem>> -> memref<128xi32, #tpu.memory_space<vmem>>
    %dma_start3A_1307 = arith.constant 0 : i32
    %dma_start3A_1308 = tpu.memref_slice %arg2[%dma_start3A_1307] : memref<1000000xf32, #tpu.memory_space<hbm>> -> memref<1000000xf32, #tpu.memory_space<hbm>>
    tpu.enqueue_indirect_dma source(%dma_start3A_1303 : memref<128xf32, #tpu.memory_space<vmem>>) target(%dma_start3A_1308 : memref<1000000xf32, #tpu.memory_space<hbm>>) offsets(%dma_start3A_1306 : memref<128xi32, #tpu.memory_space<vmem>>) semaphore(%arg20 : memref<!tpu.dma_semaphore, #tpu.memory_space<semaphore_mem>>)
    %dma_wait3A_1309 = arith.constant 0 : i32
    %dma_wait3A_1310 = arith.constant 0 : i32
    %dma_wait3A_1311 = arith.constant 0 : i32
    %dma_wait3A_1312 = tpu.memref_slice %arg13[%dma_wait3A_1309, %dma_wait3A_1311] : memref<25x128xf32, #tpu.memory_space<vmem>> -> memref<1x128xf32, #tpu.memory_space<vmem>>
    %dma_wait3A_1313 = tpu.memref_squeeze %dma_wait3A_1312 : memref<1x128xf32, #tpu.memory_space<vmem>> -> memref<128xf32, #tpu.memory_space<vmem>>
    %dma_wait3A_1314 = arith.constant 0 : i32
    %dma_wait3A_1315 = tpu.memref_slice %arg12[%dma_wait3A_1310, %dma_wait3A_1314] : memref<25x128xi32, #tpu.memory_space<vmem>> -> memref<1x128xi32, #tpu.memory_space<vmem>>
    %dma_wait3A_1316 = tpu.memref_squeeze %dma_wait3A_1315 : memref<1x128xi32, #tpu.memory_space<vmem>> -> memref<128xi32, #tpu.memory_space<vmem>>
    %dma_wait3A_1317 = arith.constant 0 : i32
    %dma_wait3A_1318 = tpu.memref_slice %arg2[%dma_wait3A_1317] : memref<1000000xf32, #tpu.memory_space<hbm>> -> memref<1000000xf32, #tpu.memory_space<hbm>>
    tpu.wait_indirect_dma semaphore(%arg20 : memref<!tpu.dma_semaphore, #tpu.memory_space<semaphore_mem>>) src(%dma_wait3A_1313 : memref<128xf32, #tpu.memory_space<vmem>>) dst(%dma_wait3A_1318 : memref<1000000xf32, #tpu.memory_space<hbm>>)
    %dma_wait3A_1319 = arith.constant 1 : i32
    %dma_wait3A_1320 = arith.constant 1 : i32
    %dma_wait3A_1321 = arith.constant 0 : i32
    %dma_wait3A_1322 = tpu.memref_slice %arg13[%dma_wait3A_1319, %dma_wait3A_1321] : memref<25x128xf32, #tpu.memory_space<vmem>> -> memref<1x128xf32, #tpu.memory_space<vmem>>
    %dma_wait3A_1323 = tpu.memref_squeeze %dma_wait3A_1322 : memref<1x128xf32, #tpu.memory_space<vmem>> -> memref<128xf32, #tpu.memory_space<vmem>>
    %dma_wait3A_1324 = arith.constant 0 : i32
    %dma_wait3A_1325 = tpu.memref_slice %arg12[%dma_wait3A_1320, %dma_wait3A_1324] : memref<25x128xi32, #tpu.memory_space<vmem>> -> memref<1x128xi32, #tpu.memory_space<vmem>>
    %dma_wait3A_1326 = tpu.memref_squeeze %dma_wait3A_1325 : memref<1x128xi32, #tpu.memory_space<vmem>> -> memref<128xi32, #tpu.memory_space<vmem>>
    %dma_wait3A_1327 = arith.constant 0 : i32
    %dma_wait3A_1328 = tpu.memref_slice %arg2[%dma_wait3A_1327] : memref<1000000xf32, #tpu.memory_space<hbm>> -> memref<1000000xf32, #tpu.memory_space<hbm>>
    tpu.wait_indirect_dma semaphore(%arg20 : memref<!tpu.dma_semaphore, #tpu.memory_space<semaphore_mem>>) src(%dma_wait3A_1323 : memref<128xf32, #tpu.memory_space<vmem>>) dst(%dma_wait3A_1328 : memref<1000000xf32, #tpu.memory_space<hbm>>)
    %dma_wait3A_1329 = arith.constant 2 : i32
    %dma_wait3A_1330 = arith.constant 2 : i32
    %dma_wait3A_1331 = arith.constant 0 : i32
    %dma_wait3A_1332 = tpu.memref_slice %arg13[%dma_wait3A_1329, %dma_wait3A_1331] : memref<25x128xf32, #tpu.memory_space<vmem>> -> memref<1x128xf32, #tpu.memory_space<vmem>>
    %dma_wait3A_1333 = tpu.memref_squeeze %dma_wait3A_1332 : memref<1x128xf32, #tpu.memory_space<vmem>> -> memref<128xf32, #tpu.memory_space<vmem>>
    %dma_wait3A_1334 = arith.constant 0 : i32
    %dma_wait3A_1335 = tpu.memref_slice %arg12[%dma_wait3A_1330, %dma_wait3A_1334] : memref<25x128xi32, #tpu.memory_space<vmem>> -> memref<1x128xi32, #tpu.memory_space<vmem>>
    %dma_wait3A_1336 = tpu.memref_squeeze %dma_wait3A_1335 : memref<1x128xi32, #tpu.memory_space<vmem>> -> memref<128xi32, #tpu.memory_space<vmem>>
    %dma_wait3A_1337 = arith.constant 0 : i32
    %dma_wait3A_1338 = tpu.memref_slice %arg2[%dma_wait3A_1337] : memref<1000000xf32, #tpu.memory_space<hbm>> -> memref<1000000xf32, #tpu.memory_space<hbm>>
    tpu.wait_indirect_dma semaphore(%arg20 : memref<!tpu.dma_semaphore, #tpu.memory_space<semaphore_mem>>) src(%dma_wait3A_1333 : memref<128xf32, #tpu.memory_space<vmem>>) dst(%dma_wait3A_1338 : memref<1000000xf32, #tpu.memory_space<hbm>>)
    %dma_wait3A_1339 = arith.constant 3 : i32
    %dma_wait3A_1340 = arith.constant 3 : i32
    %dma_wait3A_1341 = arith.constant 0 : i32
    %dma_wait3A_1342 = tpu.memref_slice %arg13[%dma_wait3A_1339, %dma_wait3A_1341] : memref<25x128xf32, #tpu.memory_space<vmem>> -> memref<1x128xf32, #tpu.memory_space<vmem>>
    %dma_wait3A_1343 = tpu.memref_squeeze %dma_wait3A_1342 : memref<1x128xf32, #tpu.memory_space<vmem>> -> memref<128xf32, #tpu.memory_space<vmem>>
    %dma_wait3A_1344 = arith.constant 0 : i32
    %dma_wait3A_1345 = tpu.memref_slice %arg12[%dma_wait3A_1340, %dma_wait3A_1344] : memref<25x128xi32, #tpu.memory_space<vmem>> -> memref<1x128xi32, #tpu.memory_space<vmem>>
    %dma_wait3A_1346 = tpu.memref_squeeze %dma_wait3A_1345 : memref<1x128xi32, #tpu.memory_space<vmem>> -> memref<128xi32, #tpu.memory_space<vmem>>
    %dma_wait3A_1347 = arith.constant 0 : i32
    %dma_wait3A_1348 = tpu.memref_slice %arg2[%dma_wait3A_1347] : memref<1000000xf32, #tpu.memory_space<hbm>> -> memref<1000000xf32, #tpu.memory_space<hbm>>
    tpu.wait_indirect_dma semaphore(%arg20 : memref<!tpu.dma_semaphore, #tpu.memory_space<semaphore_mem>>) src(%dma_wait3A_1343 : memref<128xf32, #tpu.memory_space<vmem>>) dst(%dma_wait3A_1348 : memref<1000000xf32, #tpu.memory_space<hbm>>)
    %dma_wait3A_1349 = arith.constant 4 : i32
    %dma_wait3A_1350 = arith.constant 4 : i32
    %dma_wait3A_1351 = arith.constant 0 : i32
    %dma_wait3A_1352 = tpu.memref_slice %arg13[%dma_wait3A_1349, %dma_wait3A_1351] : memref<25x128xf32, #tpu.memory_space<vmem>> -> memref<1x128xf32, #tpu.memory_space<vmem>>
    %dma_wait3A_1353 = tpu.memref_squeeze %dma_wait3A_1352 : memref<1x128xf32, #tpu.memory_space<vmem>> -> memref<128xf32, #tpu.memory_space<vmem>>
    %dma_wait3A_1354 = arith.constant 0 : i32
    %dma_wait3A_1355 = tpu.memref_slice %arg12[%dma_wait3A_1350, %dma_wait3A_1354] : memref<25x128xi32, #tpu.memory_space<vmem>> -> memref<1x128xi32, #tpu.memory_space<vmem>>
    %dma_wait3A_1356 = tpu.memref_squeeze %dma_wait3A_1355 : memref<1x128xi32, #tpu.memory_space<vmem>> -> memref<128xi32, #tpu.memory_space<vmem>>
    %dma_wait3A_1357 = arith.constant 0 : i32
    %dma_wait3A_1358 = tpu.memref_slice %arg2[%dma_wait3A_1357] : memref<1000000xf32, #tpu.memory_space<hbm>> -> memref<1000000xf32, #tpu.memory_space<hbm>>
    tpu.wait_indirect_dma semaphore(%arg20 : memref<!tpu.dma_semaphore, #tpu.memory_space<semaphore_mem>>) src(%dma_wait3A_1353 : memref<128xf32, #tpu.memory_space<vmem>>) dst(%dma_wait3A_1358 : memref<1000000xf32, #tpu.memory_space<hbm>>)
    %dma_wait3A_1359 = arith.constant 5 : i32
    %dma_wait3A_1360 = arith.constant 5 : i32
    %dma_wait3A_1361 = arith.constant 0 : i32
    %dma_wait3A_1362 = tpu.memref_slice %arg13[%dma_wait3A_1359, %dma_wait3A_1361] : memref<25x128xf32, #tpu.memory_space<vmem>> -> memref<1x128xf32, #tpu.memory_space<vmem>>
    %dma_wait3A_1363 = tpu.memref_squeeze %dma_wait3A_1362 : memref<1x128xf32, #tpu.memory_space<vmem>> -> memref<128xf32, #tpu.memory_space<vmem>>
    %dma_wait3A_1364 = arith.constant 0 : i32
    %dma_wait3A_1365 = tpu.memref_slice %arg12[%dma_wait3A_1360, %dma_wait3A_1364] : memref<25x128xi32, #tpu.memory_space<vmem>> -> memref<1x128xi32, #tpu.memory_space<vmem>>
    %dma_wait3A_1366 = tpu.memref_squeeze %dma_wait3A_1365 : memref<1x128xi32, #tpu.memory_space<vmem>> -> memref<128xi32, #tpu.memory_space<vmem>>
    %dma_wait3A_1367 = arith.constant 0 : i32
    %dma_wait3A_1368 = tpu.memref_slice %arg2[%dma_wait3A_1367] : memref<1000000xf32, #tpu.memory_space<hbm>> -> memref<1000000xf32, #tpu.memory_space<hbm>>
    tpu.wait_indirect_dma semaphore(%arg20 : memref<!tpu.dma_semaphore, #tpu.memory_space<semaphore_mem>>) src(%dma_wait3A_1363 : memref<128xf32, #tpu.memory_space<vmem>>) dst(%dma_wait3A_1368 : memref<1000000xf32, #tpu.memory_space<hbm>>)
    %dma_wait3A_1369 = arith.constant 6 : i32
    %dma_wait3A_1370 = arith.constant 6 : i32
    %dma_wait3A_1371 = arith.constant 0 : i32
    %dma_wait3A_1372 = tpu.memref_slice %arg13[%dma_wait3A_1369, %dma_wait3A_1371] : memref<25x128xf32, #tpu.memory_space<vmem>> -> memref<1x128xf32, #tpu.memory_space<vmem>>
    %dma_wait3A_1373 = tpu.memref_squeeze %dma_wait3A_1372 : memref<1x128xf32, #tpu.memory_space<vmem>> -> memref<128xf32, #tpu.memory_space<vmem>>
    %dma_wait3A_1374 = arith.constant 0 : i32
    %dma_wait3A_1375 = tpu.memref_slice %arg12[%dma_wait3A_1370, %dma_wait3A_1374] : memref<25x128xi32, #tpu.memory_space<vmem>> -> memref<1x128xi32, #tpu.memory_space<vmem>>
    %dma_wait3A_1376 = tpu.memref_squeeze %dma_wait3A_1375 : memref<1x128xi32, #tpu.memory_space<vmem>> -> memref<128xi32, #tpu.memory_space<vmem>>
    %dma_wait3A_1377 = arith.constant 0 : i32
    %dma_wait3A_1378 = tpu.memref_slice %arg2[%dma_wait3A_1377] : memref<1000000xf32, #tpu.memory_space<hbm>> -> memref<1000000xf32, #tpu.memory_space<hbm>>
    tpu.wait_indirect_dma semaphore(%arg20 : memref<!tpu.dma_semaphore, #tpu.memory_space<semaphore_mem>>) src(%dma_wait3A_1373 : memref<128xf32, #tpu.memory_space<vmem>>) dst(%dma_wait3A_1378 : memref<1000000xf32, #tpu.memory_space<hbm>>)
    %dma_wait3A_1379 = arith.constant 7 : i32
    %dma_wait3A_1380 = arith.constant 7 : i32
    %dma_wait3A_1381 = arith.constant 0 : i32
    %dma_wait3A_1382 = tpu.memref_slice %arg13[%dma_wait3A_1379, %dma_wait3A_1381] : memref<25x128xf32, #tpu.memory_space<vmem>> -> memref<1x128xf32, #tpu.memory_space<vmem>>
    %dma_wait3A_1383 = tpu.memref_squeeze %dma_wait3A_1382 : memref<1x128xf32, #tpu.memory_space<vmem>> -> memref<128xf32, #tpu.memory_space<vmem>>
    %dma_wait3A_1384 = arith.constant 0 : i32
    %dma_wait3A_1385 = tpu.memref_slice %arg12[%dma_wait3A_1380, %dma_wait3A_1384] : memref<25x128xi32, #tpu.memory_space<vmem>> -> memref<1x128xi32, #tpu.memory_space<vmem>>
    %dma_wait3A_1386 = tpu.memref_squeeze %dma_wait3A_1385 : memref<1x128xi32, #tpu.memory_space<vmem>> -> memref<128xi32, #tpu.memory_space<vmem>>
    %dma_wait3A_1387 = arith.constant 0 : i32
    %dma_wait3A_1388 = tpu.memref_slice %arg2[%dma_wait3A_1387] : memref<1000000xf32, #tpu.memory_space<hbm>> -> memref<1000000xf32, #tpu.memory_space<hbm>>
    tpu.wait_indirect_dma semaphore(%arg20 : memref<!tpu.dma_semaphore, #tpu.memory_space<semaphore_mem>>) src(%dma_wait3A_1383 : memref<128xf32, #tpu.memory_space<vmem>>) dst(%dma_wait3A_1388 : memref<1000000xf32, #tpu.memory_space<hbm>>)
    %dma_wait3A_1389 = arith.constant 8 : i32
    %dma_wait3A_1390 = arith.constant 8 : i32
    %dma_wait3A_1391 = arith.constant 0 : i32
    %dma_wait3A_1392 = tpu.memref_slice %arg13[%dma_wait3A_1389, %dma_wait3A_1391] : memref<25x128xf32, #tpu.memory_space<vmem>> -> memref<1x128xf32, #tpu.memory_space<vmem>>
    %dma_wait3A_1393 = tpu.memref_squeeze %dma_wait3A_1392 : memref<1x128xf32, #tpu.memory_space<vmem>> -> memref<128xf32, #tpu.memory_space<vmem>>
    %dma_wait3A_1394 = arith.constant 0 : i32
    %dma_wait3A_1395 = tpu.memref_slice %arg12[%dma_wait3A_1390, %dma_wait3A_1394] : memref<25x128xi32, #tpu.memory_space<vmem>> -> memref<1x128xi32, #tpu.memory_space<vmem>>
    %dma_wait3A_1396 = tpu.memref_squeeze %dma_wait3A_1395 : memref<1x128xi32, #tpu.memory_space<vmem>> -> memref<128xi32, #tpu.memory_space<vmem>>
    %dma_wait3A_1397 = arith.constant 0 : i32
    %dma_wait3A_1398 = tpu.memref_slice %arg2[%dma_wait3A_1397] : memref<1000000xf32, #tpu.memory_space<hbm>> -> memref<1000000xf32, #tpu.memory_space<hbm>>
    tpu.wait_indirect_dma semaphore(%arg20 : memref<!tpu.dma_semaphore, #tpu.memory_space<semaphore_mem>>) src(%dma_wait3A_1393 : memref<128xf32, #tpu.memory_space<vmem>>) dst(%dma_wait3A_1398 : memref<1000000xf32, #tpu.memory_space<hbm>>)
    %dma_wait3A_1399 = arith.constant 9 : i32
    %dma_wait3A_1400 = arith.constant 9 : i32
    %dma_wait3A_1401 = arith.constant 0 : i32
    %dma_wait3A_1402 = tpu.memref_slice %arg13[%dma_wait3A_1399, %dma_wait3A_1401] : memref<25x128xf32, #tpu.memory_space<vmem>> -> memref<1x128xf32, #tpu.memory_space<vmem>>
    %dma_wait3A_1403 = tpu.memref_squeeze %dma_wait3A_1402 : memref<1x128xf32, #tpu.memory_space<vmem>> -> memref<128xf32, #tpu.memory_space<vmem>>
    %dma_wait3A_1404 = arith.constant 0 : i32
    %dma_wait3A_1405 = tpu.memref_slice %arg12[%dma_wait3A_1400, %dma_wait3A_1404] : memref<25x128xi32, #tpu.memory_space<vmem>> -> memref<1x128xi32, #tpu.memory_space<vmem>>
    %dma_wait3A_1406 = tpu.memref_squeeze %dma_wait3A_1405 : memref<1x128xi32, #tpu.memory_space<vmem>> -> memref<128xi32, #tpu.memory_space<vmem>>
    %dma_wait3A_1407 = arith.constant 0 : i32
    %dma_wait3A_1408 = tpu.memref_slice %arg2[%dma_wait3A_1407] : memref<1000000xf32, #tpu.memory_space<hbm>> -> memref<1000000xf32, #tpu.memory_space<hbm>>
    tpu.wait_indirect_dma semaphore(%arg20 : memref<!tpu.dma_semaphore, #tpu.memory_space<semaphore_mem>>) src(%dma_wait3A_1403 : memref<128xf32, #tpu.memory_space<vmem>>) dst(%dma_wait3A_1408 : memref<1000000xf32, #tpu.memory_space<hbm>>)
    %dma_wait3A_1409 = arith.constant 10 : i32
    %dma_wait3A_1410 = arith.constant 10 : i32
    %dma_wait3A_1411 = arith.constant 0 : i32
    %dma_wait3A_1412 = tpu.memref_slice %arg13[%dma_wait3A_1409, %dma_wait3A_1411] : memref<25x128xf32, #tpu.memory_space<vmem>> -> memref<1x128xf32, #tpu.memory_space<vmem>>
    %dma_wait3A_1413 = tpu.memref_squeeze %dma_wait3A_1412 : memref<1x128xf32, #tpu.memory_space<vmem>> -> memref<128xf32, #tpu.memory_space<vmem>>
    %dma_wait3A_1414 = arith.constant 0 : i32
    %dma_wait3A_1415 = tpu.memref_slice %arg12[%dma_wait3A_1410, %dma_wait3A_1414] : memref<25x128xi32, #tpu.memory_space<vmem>> -> memref<1x128xi32, #tpu.memory_space<vmem>>
    %dma_wait3A_1416 = tpu.memref_squeeze %dma_wait3A_1415 : memref<1x128xi32, #tpu.memory_space<vmem>> -> memref<128xi32, #tpu.memory_space<vmem>>
    %dma_wait3A_1417 = arith.constant 0 : i32
    %dma_wait3A_1418 = tpu.memref_slice %arg2[%dma_wait3A_1417] : memref<1000000xf32, #tpu.memory_space<hbm>> -> memref<1000000xf32, #tpu.memory_space<hbm>>
    tpu.wait_indirect_dma semaphore(%arg20 : memref<!tpu.dma_semaphore, #tpu.memory_space<semaphore_mem>>) src(%dma_wait3A_1413 : memref<128xf32, #tpu.memory_space<vmem>>) dst(%dma_wait3A_1418 : memref<1000000xf32, #tpu.memory_space<hbm>>)
    %dma_wait3A_1419 = arith.constant 11 : i32
    %dma_wait3A_1420 = arith.constant 11 : i32
    %dma_wait3A_1421 = arith.constant 0 : i32
    %dma_wait3A_1422 = tpu.memref_slice %arg13[%dma_wait3A_1419, %dma_wait3A_1421] : memref<25x128xf32, #tpu.memory_space<vmem>> -> memref<1x128xf32, #tpu.memory_space<vmem>>
    %dma_wait3A_1423 = tpu.memref_squeeze %dma_wait3A_1422 : memref<1x128xf32, #tpu.memory_space<vmem>> -> memref<128xf32, #tpu.memory_space<vmem>>
    %dma_wait3A_1424 = arith.constant 0 : i32
    %dma_wait3A_1425 = tpu.memref_slice %arg12[%dma_wait3A_1420, %dma_wait3A_1424] : memref<25x128xi32, #tpu.memory_space<vmem>> -> memref<1x128xi32, #tpu.memory_space<vmem>>
    %dma_wait3A_1426 = tpu.memref_squeeze %dma_wait3A_1425 : memref<1x128xi32, #tpu.memory_space<vmem>> -> memref<128xi32, #tpu.memory_space<vmem>>
    %dma_wait3A_1427 = arith.constant 0 : i32
    %dma_wait3A_1428 = tpu.memref_slice %arg2[%dma_wait3A_1427] : memref<1000000xf32, #tpu.memory_space<hbm>> -> memref<1000000xf32, #tpu.memory_space<hbm>>
    tpu.wait_indirect_dma semaphore(%arg20 : memref<!tpu.dma_semaphore, #tpu.memory_space<semaphore_mem>>) src(%dma_wait3A_1423 : memref<128xf32, #tpu.memory_space<vmem>>) dst(%dma_wait3A_1428 : memref<1000000xf32, #tpu.memory_space<hbm>>)
    %dma_wait3A_1429 = arith.constant 12 : i32
    %dma_wait3A_1430 = arith.constant 12 : i32
    %dma_wait3A_1431 = arith.constant 0 : i32
    %dma_wait3A_1432 = tpu.memref_slice %arg13[%dma_wait3A_1429, %dma_wait3A_1431] : memref<25x128xf32, #tpu.memory_space<vmem>> -> memref<1x128xf32, #tpu.memory_space<vmem>>
    %dma_wait3A_1433 = tpu.memref_squeeze %dma_wait3A_1432 : memref<1x128xf32, #tpu.memory_space<vmem>> -> memref<128xf32, #tpu.memory_space<vmem>>
    %dma_wait3A_1434 = arith.constant 0 : i32
    %dma_wait3A_1435 = tpu.memref_slice %arg12[%dma_wait3A_1430, %dma_wait3A_1434] : memref<25x128xi32, #tpu.memory_space<vmem>> -> memref<1x128xi32, #tpu.memory_space<vmem>>
    %dma_wait3A_1436 = tpu.memref_squeeze %dma_wait3A_1435 : memref<1x128xi32, #tpu.memory_space<vmem>> -> memref<128xi32, #tpu.memory_space<vmem>>
    %dma_wait3A_1437 = arith.constant 0 : i32
    %dma_wait3A_1438 = tpu.memref_slice %arg2[%dma_wait3A_1437] : memref<1000000xf32, #tpu.memory_space<hbm>> -> memref<1000000xf32, #tpu.memory_space<hbm>>
    tpu.wait_indirect_dma semaphore(%arg20 : memref<!tpu.dma_semaphore, #tpu.memory_space<semaphore_mem>>) src(%dma_wait3A_1433 : memref<128xf32, #tpu.memory_space<vmem>>) dst(%dma_wait3A_1438 : memref<1000000xf32, #tpu.memory_space<hbm>>)
    %dma_wait3A_1439 = arith.constant 13 : i32
    %dma_wait3A_1440 = arith.constant 13 : i32
    %dma_wait3A_1441 = arith.constant 0 : i32
    %dma_wait3A_1442 = tpu.memref_slice %arg13[%dma_wait3A_1439, %dma_wait3A_1441] : memref<25x128xf32, #tpu.memory_space<vmem>> -> memref<1x128xf32, #tpu.memory_space<vmem>>
    %dma_wait3A_1443 = tpu.memref_squeeze %dma_wait3A_1442 : memref<1x128xf32, #tpu.memory_space<vmem>> -> memref<128xf32, #tpu.memory_space<vmem>>
    %dma_wait3A_1444 = arith.constant 0 : i32
    %dma_wait3A_1445 = tpu.memref_slice %arg12[%dma_wait3A_1440, %dma_wait3A_1444] : memref<25x128xi32, #tpu.memory_space<vmem>> -> memref<1x128xi32, #tpu.memory_space<vmem>>
    %dma_wait3A_1446 = tpu.memref_squeeze %dma_wait3A_1445 : memref<1x128xi32, #tpu.memory_space<vmem>> -> memref<128xi32, #tpu.memory_space<vmem>>
    %dma_wait3A_1447 = arith.constant 0 : i32
    %dma_wait3A_1448 = tpu.memref_slice %arg2[%dma_wait3A_1447] : memref<1000000xf32, #tpu.memory_space<hbm>> -> memref<1000000xf32, #tpu.memory_space<hbm>>
    tpu.wait_indirect_dma semaphore(%arg20 : memref<!tpu.dma_semaphore, #tpu.memory_space<semaphore_mem>>) src(%dma_wait3A_1443 : memref<128xf32, #tpu.memory_space<vmem>>) dst(%dma_wait3A_1448 : memref<1000000xf32, #tpu.memory_space<hbm>>)
    %dma_wait3A_1449 = arith.constant 14 : i32
    %dma_wait3A_1450 = arith.constant 14 : i32
    %dma_wait3A_1451 = arith.constant 0 : i32
    %dma_wait3A_1452 = tpu.memref_slice %arg13[%dma_wait3A_1449, %dma_wait3A_1451] : memref<25x128xf32, #tpu.memory_space<vmem>> -> memref<1x128xf32, #tpu.memory_space<vmem>>
    %dma_wait3A_1453 = tpu.memref_squeeze %dma_wait3A_1452 : memref<1x128xf32, #tpu.memory_space<vmem>> -> memref<128xf32, #tpu.memory_space<vmem>>
    %dma_wait3A_1454 = arith.constant 0 : i32
    %dma_wait3A_1455 = tpu.memref_slice %arg12[%dma_wait3A_1450, %dma_wait3A_1454] : memref<25x128xi32, #tpu.memory_space<vmem>> -> memref<1x128xi32, #tpu.memory_space<vmem>>
    %dma_wait3A_1456 = tpu.memref_squeeze %dma_wait3A_1455 : memref<1x128xi32, #tpu.memory_space<vmem>> -> memref<128xi32, #tpu.memory_space<vmem>>
    %dma_wait3A_1457 = arith.constant 0 : i32
    %dma_wait3A_1458 = tpu.memref_slice %arg2[%dma_wait3A_1457] : memref<1000000xf32, #tpu.memory_space<hbm>> -> memref<1000000xf32, #tpu.memory_space<hbm>>
    tpu.wait_indirect_dma semaphore(%arg20 : memref<!tpu.dma_semaphore, #tpu.memory_space<semaphore_mem>>) src(%dma_wait3A_1453 : memref<128xf32, #tpu.memory_space<vmem>>) dst(%dma_wait3A_1458 : memref<1000000xf32, #tpu.memory_space<hbm>>)
    %dma_wait3A_1459 = arith.constant 15 : i32
    %dma_wait3A_1460 = arith.constant 15 : i32
    %dma_wait3A_1461 = arith.constant 0 : i32
    %dma_wait3A_1462 = tpu.memref_slice %arg13[%dma_wait3A_1459, %dma_wait3A_1461] : memref<25x128xf32, #tpu.memory_space<vmem>> -> memref<1x128xf32, #tpu.memory_space<vmem>>
    %dma_wait3A_1463 = tpu.memref_squeeze %dma_wait3A_1462 : memref<1x128xf32, #tpu.memory_space<vmem>> -> memref<128xf32, #tpu.memory_space<vmem>>
    %dma_wait3A_1464 = arith.constant 0 : i32
    %dma_wait3A_1465 = tpu.memref_slice %arg12[%dma_wait3A_1460, %dma_wait3A_1464] : memref<25x128xi32, #tpu.memory_space<vmem>> -> memref<1x128xi32, #tpu.memory_space<vmem>>
    %dma_wait3A_1466 = tpu.memref_squeeze %dma_wait3A_1465 : memref<1x128xi32, #tpu.memory_space<vmem>> -> memref<128xi32, #tpu.memory_space<vmem>>
    %dma_wait3A_1467 = arith.constant 0 : i32
    %dma_wait3A_1468 = tpu.memref_slice %arg2[%dma_wait3A_1467] : memref<1000000xf32, #tpu.memory_space<hbm>> -> memref<1000000xf32, #tpu.memory_space<hbm>>
    tpu.wait_indirect_dma semaphore(%arg20 : memref<!tpu.dma_semaphore, #tpu.memory_space<semaphore_mem>>) src(%dma_wait3A_1463 : memref<128xf32, #tpu.memory_space<vmem>>) dst(%dma_wait3A_1468 : memref<1000000xf32, #tpu.memory_space<hbm>>)
    %dma_wait3A_1469 = arith.constant 16 : i32
    %dma_wait3A_1470 = arith.constant 16 : i32
    %dma_wait3A_1471 = arith.constant 0 : i32
    %dma_wait3A_1472 = tpu.memref_slice %arg13[%dma_wait3A_1469, %dma_wait3A_1471] : memref<25x128xf32, #tpu.memory_space<vmem>> -> memref<1x128xf32, #tpu.memory_space<vmem>>
    %dma_wait3A_1473 = tpu.memref_squeeze %dma_wait3A_1472 : memref<1x128xf32, #tpu.memory_space<vmem>> -> memref<128xf32, #tpu.memory_space<vmem>>
    %dma_wait3A_1474 = arith.constant 0 : i32
    %dma_wait3A_1475 = tpu.memref_slice %arg12[%dma_wait3A_1470, %dma_wait3A_1474] : memref<25x128xi32, #tpu.memory_space<vmem>> -> memref<1x128xi32, #tpu.memory_space<vmem>>
    %dma_wait3A_1476 = tpu.memref_squeeze %dma_wait3A_1475 : memref<1x128xi32, #tpu.memory_space<vmem>> -> memref<128xi32, #tpu.memory_space<vmem>>
    %dma_wait3A_1477 = arith.constant 0 : i32
    %dma_wait3A_1478 = tpu.memref_slice %arg2[%dma_wait3A_1477] : memref<1000000xf32, #tpu.memory_space<hbm>> -> memref<1000000xf32, #tpu.memory_space<hbm>>
    tpu.wait_indirect_dma semaphore(%arg20 : memref<!tpu.dma_semaphore, #tpu.memory_space<semaphore_mem>>) src(%dma_wait3A_1473 : memref<128xf32, #tpu.memory_space<vmem>>) dst(%dma_wait3A_1478 : memref<1000000xf32, #tpu.memory_space<hbm>>)
    %dma_wait3A_1479 = arith.constant 17 : i32
    %dma_wait3A_1480 = arith.constant 17 : i32
    %dma_wait3A_1481 = arith.constant 0 : i32
    %dma_wait3A_1482 = tpu.memref_slice %arg13[%dma_wait3A_1479, %dma_wait3A_1481] : memref<25x128xf32, #tpu.memory_space<vmem>> -> memref<1x128xf32, #tpu.memory_space<vmem>>
    %dma_wait3A_1483 = tpu.memref_squeeze %dma_wait3A_1482 : memref<1x128xf32, #tpu.memory_space<vmem>> -> memref<128xf32, #tpu.memory_space<vmem>>
    %dma_wait3A_1484 = arith.constant 0 : i32
    %dma_wait3A_1485 = tpu.memref_slice %arg12[%dma_wait3A_1480, %dma_wait3A_1484] : memref<25x128xi32, #tpu.memory_space<vmem>> -> memref<1x128xi32, #tpu.memory_space<vmem>>
    %dma_wait3A_1486 = tpu.memref_squeeze %dma_wait3A_1485 : memref<1x128xi32, #tpu.memory_space<vmem>> -> memref<128xi32, #tpu.memory_space<vmem>>
    %dma_wait3A_1487 = arith.constant 0 : i32
    %dma_wait3A_1488 = tpu.memref_slice %arg2[%dma_wait3A_1487] : memref<1000000xf32, #tpu.memory_space<hbm>> -> memref<1000000xf32, #tpu.memory_space<hbm>>
    tpu.wait_indirect_dma semaphore(%arg20 : memref<!tpu.dma_semaphore, #tpu.memory_space<semaphore_mem>>) src(%dma_wait3A_1483 : memref<128xf32, #tpu.memory_space<vmem>>) dst(%dma_wait3A_1488 : memref<1000000xf32, #tpu.memory_space<hbm>>)
    %dma_wait3A_1489 = arith.constant 18 : i32
    %dma_wait3A_1490 = arith.constant 18 : i32
    %dma_wait3A_1491 = arith.constant 0 : i32
    %dma_wait3A_1492 = tpu.memref_slice %arg13[%dma_wait3A_1489, %dma_wait3A_1491] : memref<25x128xf32, #tpu.memory_space<vmem>> -> memref<1x128xf32, #tpu.memory_space<vmem>>
    %dma_wait3A_1493 = tpu.memref_squeeze %dma_wait3A_1492 : memref<1x128xf32, #tpu.memory_space<vmem>> -> memref<128xf32, #tpu.memory_space<vmem>>
    %dma_wait3A_1494 = arith.constant 0 : i32
    %dma_wait3A_1495 = tpu.memref_slice %arg12[%dma_wait3A_1490, %dma_wait3A_1494] : memref<25x128xi32, #tpu.memory_space<vmem>> -> memref<1x128xi32, #tpu.memory_space<vmem>>
    %dma_wait3A_1496 = tpu.memref_squeeze %dma_wait3A_1495 : memref<1x128xi32, #tpu.memory_space<vmem>> -> memref<128xi32, #tpu.memory_space<vmem>>
    %dma_wait3A_1497 = arith.constant 0 : i32
    %dma_wait3A_1498 = tpu.memref_slice %arg2[%dma_wait3A_1497] : memref<1000000xf32, #tpu.memory_space<hbm>> -> memref<1000000xf32, #tpu.memory_space<hbm>>
    tpu.wait_indirect_dma semaphore(%arg20 : memref<!tpu.dma_semaphore, #tpu.memory_space<semaphore_mem>>) src(%dma_wait3A_1493 : memref<128xf32, #tpu.memory_space<vmem>>) dst(%dma_wait3A_1498 : memref<1000000xf32, #tpu.memory_space<hbm>>)
    %dma_wait3A_1499 = arith.constant 19 : i32
    %dma_wait3A_1500 = arith.constant 19 : i32
    %dma_wait3A_1501 = arith.constant 0 : i32
    %dma_wait3A_1502 = tpu.memref_slice %arg13[%dma_wait3A_1499, %dma_wait3A_1501] : memref<25x128xf32, #tpu.memory_space<vmem>> -> memref<1x128xf32, #tpu.memory_space<vmem>>
    %dma_wait3A_1503 = tpu.memref_squeeze %dma_wait3A_1502 : memref<1x128xf32, #tpu.memory_space<vmem>> -> memref<128xf32, #tpu.memory_space<vmem>>
    %dma_wait3A_1504 = arith.constant 0 : i32
    %dma_wait3A_1505 = tpu.memref_slice %arg12[%dma_wait3A_1500, %dma_wait3A_1504] : memref<25x128xi32, #tpu.memory_space<vmem>> -> memref<1x128xi32, #tpu.memory_space<vmem>>
    %dma_wait3A_1506 = tpu.memref_squeeze %dma_wait3A_1505 : memref<1x128xi32, #tpu.memory_space<vmem>> -> memref<128xi32, #tpu.memory_space<vmem>>
    %dma_wait3A_1507 = arith.constant 0 : i32
    %dma_wait3A_1508 = tpu.memref_slice %arg2[%dma_wait3A_1507] : memref<1000000xf32, #tpu.memory_space<hbm>> -> memref<1000000xf32, #tpu.memory_space<hbm>>
    tpu.wait_indirect_dma semaphore(%arg20 : memref<!tpu.dma_semaphore, #tpu.memory_space<semaphore_mem>>) src(%dma_wait3A_1503 : memref<128xf32, #tpu.memory_space<vmem>>) dst(%dma_wait3A_1508 : memref<1000000xf32, #tpu.memory_space<hbm>>)
    %dma_wait3A_1509 = arith.constant 20 : i32
    %dma_wait3A_1510 = arith.constant 20 : i32
    %dma_wait3A_1511 = arith.constant 0 : i32
    %dma_wait3A_1512 = tpu.memref_slice %arg13[%dma_wait3A_1509, %dma_wait3A_1511] : memref<25x128xf32, #tpu.memory_space<vmem>> -> memref<1x128xf32, #tpu.memory_space<vmem>>
    %dma_wait3A_1513 = tpu.memref_squeeze %dma_wait3A_1512 : memref<1x128xf32, #tpu.memory_space<vmem>> -> memref<128xf32, #tpu.memory_space<vmem>>
    %dma_wait3A_1514 = arith.constant 0 : i32
    %dma_wait3A_1515 = tpu.memref_slice %arg12[%dma_wait3A_1510, %dma_wait3A_1514] : memref<25x128xi32, #tpu.memory_space<vmem>> -> memref<1x128xi32, #tpu.memory_space<vmem>>
    %dma_wait3A_1516 = tpu.memref_squeeze %dma_wait3A_1515 : memref<1x128xi32, #tpu.memory_space<vmem>> -> memref<128xi32, #tpu.memory_space<vmem>>
    %dma_wait3A_1517 = arith.constant 0 : i32
    %dma_wait3A_1518 = tpu.memref_slice %arg2[%dma_wait3A_1517] : memref<1000000xf32, #tpu.memory_space<hbm>> -> memref<1000000xf32, #tpu.memory_space<hbm>>
    tpu.wait_indirect_dma semaphore(%arg20 : memref<!tpu.dma_semaphore, #tpu.memory_space<semaphore_mem>>) src(%dma_wait3A_1513 : memref<128xf32, #tpu.memory_space<vmem>>) dst(%dma_wait3A_1518 : memref<1000000xf32, #tpu.memory_space<hbm>>)
    %dma_wait3A_1519 = arith.constant 21 : i32
    %dma_wait3A_1520 = arith.constant 21 : i32
    %dma_wait3A_1521 = arith.constant 0 : i32
    %dma_wait3A_1522 = tpu.memref_slice %arg13[%dma_wait3A_1519, %dma_wait3A_1521] : memref<25x128xf32, #tpu.memory_space<vmem>> -> memref<1x128xf32, #tpu.memory_space<vmem>>
    %dma_wait3A_1523 = tpu.memref_squeeze %dma_wait3A_1522 : memref<1x128xf32, #tpu.memory_space<vmem>> -> memref<128xf32, #tpu.memory_space<vmem>>
    %dma_wait3A_1524 = arith.constant 0 : i32
    %dma_wait3A_1525 = tpu.memref_slice %arg12[%dma_wait3A_1520, %dma_wait3A_1524] : memref<25x128xi32, #tpu.memory_space<vmem>> -> memref<1x128xi32, #tpu.memory_space<vmem>>
    %dma_wait3A_1526 = tpu.memref_squeeze %dma_wait3A_1525 : memref<1x128xi32, #tpu.memory_space<vmem>> -> memref<128xi32, #tpu.memory_space<vmem>>
    %dma_wait3A_1527 = arith.constant 0 : i32
    %dma_wait3A_1528 = tpu.memref_slice %arg2[%dma_wait3A_1527] : memref<1000000xf32, #tpu.memory_space<hbm>> -> memref<1000000xf32, #tpu.memory_space<hbm>>
    tpu.wait_indirect_dma semaphore(%arg20 : memref<!tpu.dma_semaphore, #tpu.memory_space<semaphore_mem>>) src(%dma_wait3A_1523 : memref<128xf32, #tpu.memory_space<vmem>>) dst(%dma_wait3A_1528 : memref<1000000xf32, #tpu.memory_space<hbm>>)
    %dma_wait3A_1529 = arith.constant 22 : i32
    %dma_wait3A_1530 = arith.constant 22 : i32
    %dma_wait3A_1531 = arith.constant 0 : i32
    %dma_wait3A_1532 = tpu.memref_slice %arg13[%dma_wait3A_1529, %dma_wait3A_1531] : memref<25x128xf32, #tpu.memory_space<vmem>> -> memref<1x128xf32, #tpu.memory_space<vmem>>
    %dma_wait3A_1533 = tpu.memref_squeeze %dma_wait3A_1532 : memref<1x128xf32, #tpu.memory_space<vmem>> -> memref<128xf32, #tpu.memory_space<vmem>>
    %dma_wait3A_1534 = arith.constant 0 : i32
    %dma_wait3A_1535 = tpu.memref_slice %arg12[%dma_wait3A_1530, %dma_wait3A_1534] : memref<25x128xi32, #tpu.memory_space<vmem>> -> memref<1x128xi32, #tpu.memory_space<vmem>>
    %dma_wait3A_1536 = tpu.memref_squeeze %dma_wait3A_1535 : memref<1x128xi32, #tpu.memory_space<vmem>> -> memref<128xi32, #tpu.memory_space<vmem>>
    %dma_wait3A_1537 = arith.constant 0 : i32
    %dma_wait3A_1538 = tpu.memref_slice %arg2[%dma_wait3A_1537] : memref<1000000xf32, #tpu.memory_space<hbm>> -> memref<1000000xf32, #tpu.memory_space<hbm>>
    tpu.wait_indirect_dma semaphore(%arg20 : memref<!tpu.dma_semaphore, #tpu.memory_space<semaphore_mem>>) src(%dma_wait3A_1533 : memref<128xf32, #tpu.memory_space<vmem>>) dst(%dma_wait3A_1538 : memref<1000000xf32, #tpu.memory_space<hbm>>)
    %dma_wait3A_1539 = arith.constant 23 : i32
    %dma_wait3A_1540 = arith.constant 23 : i32
    %dma_wait3A_1541 = arith.constant 0 : i32
    %dma_wait3A_1542 = tpu.memref_slice %arg13[%dma_wait3A_1539, %dma_wait3A_1541] : memref<25x128xf32, #tpu.memory_space<vmem>> -> memref<1x128xf32, #tpu.memory_space<vmem>>
    %dma_wait3A_1543 = tpu.memref_squeeze %dma_wait3A_1542 : memref<1x128xf32, #tpu.memory_space<vmem>> -> memref<128xf32, #tpu.memory_space<vmem>>
    %dma_wait3A_1544 = arith.constant 0 : i32
    %dma_wait3A_1545 = tpu.memref_slice %arg12[%dma_wait3A_1540, %dma_wait3A_1544] : memref<25x128xi32, #tpu.memory_space<vmem>> -> memref<1x128xi32, #tpu.memory_space<vmem>>
    %dma_wait3A_1546 = tpu.memref_squeeze %dma_wait3A_1545 : memref<1x128xi32, #tpu.memory_space<vmem>> -> memref<128xi32, #tpu.memory_space<vmem>>
    %dma_wait3A_1547 = arith.constant 0 : i32
    %dma_wait3A_1548 = tpu.memref_slice %arg2[%dma_wait3A_1547] : memref<1000000xf32, #tpu.memory_space<hbm>> -> memref<1000000xf32, #tpu.memory_space<hbm>>
    tpu.wait_indirect_dma semaphore(%arg20 : memref<!tpu.dma_semaphore, #tpu.memory_space<semaphore_mem>>) src(%dma_wait3A_1543 : memref<128xf32, #tpu.memory_space<vmem>>) dst(%dma_wait3A_1548 : memref<1000000xf32, #tpu.memory_space<hbm>>)
    %dma_wait3A_1549 = arith.constant 24 : i32
    %dma_wait3A_1550 = arith.constant 24 : i32
    %dma_wait3A_1551 = arith.constant 0 : i32
    %dma_wait3A_1552 = tpu.memref_slice %arg13[%dma_wait3A_1549, %dma_wait3A_1551] : memref<25x128xf32, #tpu.memory_space<vmem>> -> memref<1x128xf32, #tpu.memory_space<vmem>>
    %dma_wait3A_1553 = tpu.memref_squeeze %dma_wait3A_1552 : memref<1x128xf32, #tpu.memory_space<vmem>> -> memref<128xf32, #tpu.memory_space<vmem>>
    %dma_wait3A_1554 = arith.constant 0 : i32
    %dma_wait3A_1555 = tpu.memref_slice %arg12[%dma_wait3A_1550, %dma_wait3A_1554] : memref<25x128xi32, #tpu.memory_space<vmem>> -> memref<1x128xi32, #tpu.memory_space<vmem>>
    %dma_wait3A_1556 = tpu.memref_squeeze %dma_wait3A_1555 : memref<1x128xi32, #tpu.memory_space<vmem>> -> memref<128xi32, #tpu.memory_space<vmem>>
    %dma_wait3A_1557 = arith.constant 0 : i32
    %dma_wait3A_1558 = tpu.memref_slice %arg2[%dma_wait3A_1557] : memref<1000000xf32, #tpu.memory_space<hbm>> -> memref<1000000xf32, #tpu.memory_space<hbm>>
    tpu.wait_indirect_dma semaphore(%arg20 : memref<!tpu.dma_semaphore, #tpu.memory_space<semaphore_mem>>) src(%dma_wait3A_1553 : memref<128xf32, #tpu.memory_space<vmem>>) dst(%dma_wait3A_1558 : memref<1000000xf32, #tpu.memory_space<hbm>>)
    return
  }
}

#map = affine_map<(d0, d1) -> (0)>
#map1 = affine_map<(d0, d1) -> (0, 0)>
module attributes {stable_mosaic.version = 14 : i64} {
  func.func @_p1_body(%arg0: i32, %arg1: i32, %arg2: memref<51200xi32, #tpu.memory_space<hbm>>, %arg3: memref<51200xi32, #tpu.memory_space<hbm>>, %arg4: memref<32x31250xi32, #tpu.memory_space<hbm>>, %arg5: memref<31264xi32, #tpu.memory_space<vmem>>, %arg6: memref<4096xi32, #tpu.memory_space<vmem>>, %arg7: memref<4096xi32, #tpu.memory_space<vmem>>, %arg8: memref<!tpu.dma_semaphore, #tpu.memory_space<semaphore_mem>>, %arg9: memref<!tpu.dma_semaphore, #tpu.memory_space<semaphore_mem>>) attributes {dimension_semantics = [#tpu.dimension_semantics<core_parallel>, #tpu.dimension_semantics<subcore_parallel>], iteration_bounds = array<i64: 2, 16>, scalar_prefetch = 0 : i64, scratch_operands = 5 : i64, tpu.core_type = #tpu.core_type<sc_vector_subcore>, window_params = [{transform_indices = #map}, {transform_indices = #map}, {transform_indices = #map1}]} {
    %mul3A = arith.constant 16 : i32
    %mul3A_0 = arith.muli %arg0, %mul3A : i32
    %add3A = arith.addi %mul3A_0, %arg1 : i32
    %mul3A_1 = arith.constant 31250 : i32
    %mul3A_2 = arith.muli %add3A, %mul3A_1 : i32
    %scan3A = arith.constant 0 : i32
    %scan3A_3 = arith.constant 0 : i32
    %scan3A_4 = arith.constant 1954 : i32
    %scan3A_5 = arith.addi %scan3A_3, %scan3A_4 : i32
    %scan3A_6 = arith.constant 1 : i32
    %scan3A_7 = scf.for %scan3A_50 = %scan3A_3 to %scan3A_5 step %scan3A_6 iter_args(%scan3A_51 = %scan3A) -> (i32)  : i32 {
      %broadcast_in_dim3A = arith.constant 0 : i32
      %broadcast_in_dim3A_52 = vector.broadcast %broadcast_in_dim3A : i32 to vector<16xi32>
      %mul3A_53 = arith.constant 16 : i32
      %mul3A_54 = arith.muli %scan3A_50, %mul3A_53 : i32
      %swap3A = arith.index_cast %mul3A_54 : i32 to index
      %swap3A_55 = tpu.vector_load %arg5[%swap3A] {strides = array<i32>} : memref<31264xi32, #tpu.memory_space<vmem>>, vector<16xi32>,
      tpu.vector_store %arg5[%swap3A], %broadcast_in_dim3A_52 {strides = array<i32>} : memref<31264xi32, #tpu.memory_space<vmem>>, vector<16xi32>,
      %scan3A_56 = arith.constant 0 : i32
      scf.yield %scan3A_56 : i32
    }
    %scan3A_8 = arith.constant 1954 : i32
    %dma_start3A = arith.constant 0 : i32
    %dma_start3A_9 = tpu.memref_slice %arg6[%dma_start3A] : memref<4096xi32, #tpu.memory_space<vmem>> -> memref<2048xi32, #tpu.memory_space<vmem>>
    %dma_start3A_10 = arith.constant 0 : i32
    %dma_start3A_11 = tpu.memref_slice %arg2[%dma_start3A_10] : memref<51200xi32, #tpu.memory_space<hbm>> -> memref<2048xi32, #tpu.memory_space<hbm>>
    %dma_start3A_12 = arith.constant 0 : i32
    %dma_start3A_13 = tpu.memref_slice %arg6[%dma_start3A_12] : memref<4096xi32, #tpu.memory_space<vmem>> -> memref<2048xi32, #tpu.memory_space<vmem>>
    %dma_start3A_14 = arith.constant 0 : i32
    %dma_start3A_15 = tpu.memref_slice %arg2[%dma_start3A_14] : memref<51200xi32, #tpu.memory_space<hbm>> -> memref<2048xi32, #tpu.memory_space<hbm>>
    tpu.enqueue_dma source(%dma_start3A_15 : memref<2048xi32, #tpu.memory_space<hbm>>) target(%dma_start3A_13 : memref<2048xi32, #tpu.memory_space<vmem>>) target_semaphore(%arg8 : memref<!tpu.dma_semaphore, #tpu.memory_space<semaphore_mem>>)
    %dma_start3A_16 = arith.constant 0 : i32
    %dma_start3A_17 = tpu.memref_slice %arg7[%dma_start3A_16] : memref<4096xi32, #tpu.memory_space<vmem>> -> memref<2048xi32, #tpu.memory_space<vmem>>
    %dma_start3A_18 = arith.constant 0 : i32
    %dma_start3A_19 = tpu.memref_slice %arg3[%dma_start3A_18] : memref<51200xi32, #tpu.memory_space<hbm>> -> memref<2048xi32, #tpu.memory_space<hbm>>
    %dma_start3A_20 = arith.constant 0 : i32
    %dma_start3A_21 = tpu.memref_slice %arg7[%dma_start3A_20] : memref<4096xi32, #tpu.memory_space<vmem>> -> memref<2048xi32, #tpu.memory_space<vmem>>
    %dma_start3A_22 = arith.constant 0 : i32
    %dma_start3A_23 = tpu.memref_slice %arg3[%dma_start3A_22] : memref<51200xi32, #tpu.memory_space<hbm>> -> memref<2048xi32, #tpu.memory_space<hbm>>
    tpu.enqueue_dma source(%dma_start3A_23 : memref<2048xi32, #tpu.memory_space<hbm>>) target(%dma_start3A_21 : memref<2048xi32, #tpu.memory_space<vmem>>) target_semaphore(%arg8 : memref<!tpu.dma_semaphore, #tpu.memory_space<semaphore_mem>>)
    %scan3A_24 = arith.constant 0 : i32
    %scan3A_25 = arith.constant 0 : i32
    %scan3A_26 = arith.constant 25 : i32
    %scan3A_27 = arith.addi %scan3A_25, %scan3A_26 : i32
    %scan3A_28 = arith.constant 1 : i32
    %scan3A_29 = scf.for %scan3A_50 = %scan3A_25 to %scan3A_27 step %scan3A_28 iter_args(%scan3A_51 = %scan3A_24) -> (i32)  : i32 {
      %add3A_52 = arith.constant 1 : i32
      %add3A_53 = arith.addi %scan3A_50, %add3A_52 : i32
      %lt3A = arith.constant 25 : i32
      %lt3A_54 = arith.cmpi slt, %add3A_53, %lt3A : i32
      %convert_element_type3A = arith.extui %lt3A_54 : i1 to i32
      %cond3A = arith.constant 0 : i32
      %cond3A_55 = arith.cmpi ne, %convert_element_type3A, %cond3A : i32
      scf.if %cond3A_55 {
        %add3A_129 = arith.constant 1 : i32
        %add3A_130 = arith.addi %scan3A_50, %add3A_129 : i32
        %jit3A_131 = arith.constant 2 : i32
        %eq3A_132 = arith.constant 0 : i32
        %eq3A_133 = arith.cmpi eq, %jit3A_131, %eq3A_132 : i32
        %jit3A_134 = arith.constant 1 : i32
        %select_n3A_135 = arith.select %eq3A_133, %jit3A_134, %jit3A_131 : i32
        %rem3A_136 = arith.remsi %add3A_130, %select_n3A_135 : i32
        %ne3A_137 = arith.constant 0 : i32
        %ne3A_138 = arith.cmpi ne, %rem3A_136, %ne3A_137 : i32
        %lt3A_139 = arith.constant 0 : i32
        %lt3A_140 = arith.cmpi slt, %rem3A_136, %lt3A_139 : i32
        %lt3A_141 = arith.constant 0 : i32
        %lt3A_142 = arith.cmpi slt, %select_n3A_135, %lt3A_141 : i32
        %ne3A_143 = arith.xori %lt3A_140, %lt3A_142 : i1
        %and3A_144 = arith.andi %ne3A_143, %ne3A_138 : i1
        %add3A_145 = arith.addi %rem3A_136, %select_n3A_135 : i32
        %select_n3A_146 = arith.select %and3A_144, %add3A_145, %rem3A_136 : i32
        %eq3A_147 = arith.constant 0 : i32
        %eq3A_148 = arith.cmpi eq, %select_n3A_146, %eq3A_147 : i32
        %convert_element_type3A_149 = arith.extui %eq3A_148 : i1 to i32
        %cond3A_150 = arith.constant 0 : i32
        %cond3A_151 = arith.cmpi ne, %convert_element_type3A_149, %cond3A_150 : i32
        scf.if %cond3A_151 {
          %jit3A_173 = arith.constant 2 : i32
          %eq3A_174 = arith.constant 0 : i32
          %eq3A_175 = arith.cmpi eq, %jit3A_173, %eq3A_174 : i32
          %jit3A_176 = arith.constant 1 : i32
          %select_n3A_177 = arith.select %eq3A_175, %jit3A_176, %jit3A_173 : i32
          %rem3A_178 = arith.remsi %add3A_130, %select_n3A_177 : i32
          %ne3A_179 = arith.constant 0 : i32
          %ne3A_180 = arith.cmpi ne, %rem3A_178, %ne3A_179 : i32
          %lt3A_181 = arith.constant 0 : i32
          %lt3A_182 = arith.cmpi slt, %rem3A_178, %lt3A_181 : i32
          %lt3A_183 = arith.constant 0 : i32
          %lt3A_184 = arith.cmpi slt, %select_n3A_177, %lt3A_183 : i32
          %ne3A_185 = arith.xori %lt3A_182, %lt3A_184 : i1
          %and3A_186 = arith.andi %ne3A_185, %ne3A_180 : i1
          %add3A_187 = arith.addi %rem3A_178, %select_n3A_177 : i32
          %select_n3A_188 = arith.select %and3A_186, %add3A_187, %rem3A_178 : i32
          %mul3A_189 = arith.constant 2048 : i32
          %mul3A_190 = arith.muli %select_n3A_188, %mul3A_189 : i32
          %mul3A_191 = arith.constant 2048 : i32
          %mul3A_192 = arith.muli %add3A_130, %mul3A_191 : i32
          %dma_start3A_193 = tpu.memref_slice %arg6[%mul3A_190] : memref<4096xi32, #tpu.memory_space<vmem>> -> memref<2048xi32, #tpu.memory_space<vmem>>
          %dma_start3A_194 = tpu.memref_slice %arg2[%mul3A_192] : memref<51200xi32, #tpu.memory_space<hbm>> -> memref<2048xi32, #tpu.memory_space<hbm>>
          %dma_start3A_195 = tpu.memref_slice %arg6[%mul3A_190] : memref<4096xi32, #tpu.memory_space<vmem>> -> memref<2048xi32, #tpu.memory_space<vmem>>
          %dma_start3A_196 = tpu.memref_slice %arg2[%mul3A_192] : memref<51200xi32, #tpu.memory_space<hbm>> -> memref<2048xi32, #tpu.memory_space<hbm>>
          tpu.enqueue_dma source(%dma_start3A_196 : memref<2048xi32, #tpu.memory_space<hbm>>) target(%dma_start3A_195 : memref<2048xi32, #tpu.memory_space<vmem>>) target_semaphore(%arg8 : memref<!tpu.dma_semaphore, #tpu.memory_space<semaphore_mem>>)
          %dma_start3A_197 = tpu.memref_slice %arg7[%mul3A_190] : memref<4096xi32, #tpu.memory_space<vmem>> -> memref<2048xi32, #tpu.memory_space<vmem>>
          %dma_start3A_198 = tpu.memref_slice %arg3[%mul3A_192] : memref<51200xi32, #tpu.memory_space<hbm>> -> memref<2048xi32, #tpu.memory_space<hbm>>
          %dma_start3A_199 = tpu.memref_slice %arg7[%mul3A_190] : memref<4096xi32, #tpu.memory_space<vmem>> -> memref<2048xi32, #tpu.memory_space<vmem>>
          %dma_start3A_200 = tpu.memref_slice %arg3[%mul3A_192] : memref<51200xi32, #tpu.memory_space<hbm>> -> memref<2048xi32, #tpu.memory_space<hbm>>
          tpu.enqueue_dma source(%dma_start3A_200 : memref<2048xi32, #tpu.memory_space<hbm>>) target(%dma_start3A_199 : memref<2048xi32, #tpu.memory_space<vmem>>) target_semaphore(%arg8 : memref<!tpu.dma_semaphore, #tpu.memory_space<semaphore_mem>>)
        } else {
        }
        %jit3A_152 = arith.constant 2 : i32
        %eq3A_153 = arith.constant 0 : i32
        %eq3A_154 = arith.cmpi eq, %jit3A_152, %eq3A_153 : i32
        %jit3A_155 = arith.constant 1 : i32
        %select_n3A_156 = arith.select %eq3A_154, %jit3A_155, %jit3A_152 : i32
        %rem3A_157 = arith.remsi %add3A_130, %select_n3A_156 : i32
        %ne3A_158 = arith.constant 0 : i32
        %ne3A_159 = arith.cmpi ne, %rem3A_157, %ne3A_158 : i32
        %lt3A_160 = arith.constant 0 : i32
        %lt3A_161 = arith.cmpi slt, %rem3A_157, %lt3A_160 : i32
        %lt3A_162 = arith.constant 0 : i32
        %lt3A_163 = arith.cmpi slt, %select_n3A_156, %lt3A_162 : i32
        %ne3A_164 = arith.xori %lt3A_161, %lt3A_163 : i1
        %and3A_165 = arith.andi %ne3A_164, %ne3A_159 : i1
        %add3A_166 = arith.addi %rem3A_157, %select_n3A_156 : i32
        %select_n3A_167 = arith.select %and3A_165, %add3A_166, %rem3A_157 : i32
        %eq3A_168 = arith.constant 1 : i32
        %eq3A_169 = arith.cmpi eq, %select_n3A_167, %eq3A_168 : i32
        %convert_element_type3A_170 = arith.extui %eq3A_169 : i1 to i32
        %cond3A_171 = arith.constant 0 : i32
        %cond3A_172 = arith.cmpi ne, %convert_element_type3A_170, %cond3A_171 : i32
        scf.if %cond3A_172 {
          %jit3A_173 = arith.constant 2 : i32
          %eq3A_174 = arith.constant 0 : i32
          %eq3A_175 = arith.cmpi eq, %jit3A_173, %eq3A_174 : i32
          %jit3A_176 = arith.constant 1 : i32
          %select_n3A_177 = arith.select %eq3A_175, %jit3A_176, %jit3A_173 : i32
          %rem3A_178 = arith.remsi %add3A_130, %select_n3A_177 : i32
          %ne3A_179 = arith.constant 0 : i32
          %ne3A_180 = arith.cmpi ne, %rem3A_178, %ne3A_179 : i32
          %lt3A_181 = arith.constant 0 : i32
          %lt3A_182 = arith.cmpi slt, %rem3A_178, %lt3A_181 : i32
          %lt3A_183 = arith.constant 0 : i32
          %lt3A_184 = arith.cmpi slt, %select_n3A_177, %lt3A_183 : i32
          %ne3A_185 = arith.xori %lt3A_182, %lt3A_184 : i1
          %and3A_186 = arith.andi %ne3A_185, %ne3A_180 : i1
          %add3A_187 = arith.addi %rem3A_178, %select_n3A_177 : i32
          %select_n3A_188 = arith.select %and3A_186, %add3A_187, %rem3A_178 : i32
          %mul3A_189 = arith.constant 2048 : i32
          %mul3A_190 = arith.muli %select_n3A_188, %mul3A_189 : i32
          %mul3A_191 = arith.constant 2048 : i32
          %mul3A_192 = arith.muli %add3A_130, %mul3A_191 : i32
          %dma_start3A_193 = tpu.memref_slice %arg6[%mul3A_190] : memref<4096xi32, #tpu.memory_space<vmem>> -> memref<2048xi32, #tpu.memory_space<vmem>>
          %dma_start3A_194 = tpu.memref_slice %arg2[%mul3A_192] : memref<51200xi32, #tpu.memory_space<hbm>> -> memref<2048xi32, #tpu.memory_space<hbm>>
          %dma_start3A_195 = tpu.memref_slice %arg6[%mul3A_190] : memref<4096xi32, #tpu.memory_space<vmem>> -> memref<2048xi32, #tpu.memory_space<vmem>>
          %dma_start3A_196 = tpu.memref_slice %arg2[%mul3A_192] : memref<51200xi32, #tpu.memory_space<hbm>> -> memref<2048xi32, #tpu.memory_space<hbm>>
          tpu.enqueue_dma source(%dma_start3A_196 : memref<2048xi32, #tpu.memory_space<hbm>>) target(%dma_start3A_195 : memref<2048xi32, #tpu.memory_space<vmem>>) target_semaphore(%arg9 : memref<!tpu.dma_semaphore, #tpu.memory_space<semaphore_mem>>)
          %dma_start3A_197 = tpu.memref_slice %arg7[%mul3A_190] : memref<4096xi32, #tpu.memory_space<vmem>> -> memref<2048xi32, #tpu.memory_space<vmem>>
          %dma_start3A_198 = tpu.memref_slice %arg3[%mul3A_192] : memref<51200xi32, #tpu.memory_space<hbm>> -> memref<2048xi32, #tpu.memory_space<hbm>>
          %dma_start3A_199 = tpu.memref_slice %arg7[%mul3A_190] : memref<4096xi32, #tpu.memory_space<vmem>> -> memref<2048xi32, #tpu.memory_space<vmem>>
          %dma_start3A_200 = tpu.memref_slice %arg3[%mul3A_192] : memref<51200xi32, #tpu.memory_space<hbm>> -> memref<2048xi32, #tpu.memory_space<hbm>>
          tpu.enqueue_dma source(%dma_start3A_200 : memref<2048xi32, #tpu.memory_space<hbm>>) target(%dma_start3A_199 : memref<2048xi32, #tpu.memory_space<vmem>>) target_semaphore(%arg9 : memref<!tpu.dma_semaphore, #tpu.memory_space<semaphore_mem>>)
        } else {
        }
      } else {
      }
      %jit3A = arith.constant 2 : i32
      %eq3A = arith.constant 0 : i32
      %eq3A_56 = arith.cmpi eq, %jit3A, %eq3A : i32
      %jit3A_57 = arith.constant 1 : i32
      %select_n3A = arith.select %eq3A_56, %jit3A_57, %jit3A : i32
      %rem3A = arith.remsi %scan3A_50, %select_n3A : i32
      %ne3A = arith.constant 0 : i32
      %ne3A_58 = arith.cmpi ne, %rem3A, %ne3A : i32
      %lt3A_59 = arith.constant 0 : i32
      %lt3A_60 = arith.cmpi slt, %rem3A, %lt3A_59 : i32
      %lt3A_61 = arith.constant 0 : i32
      %lt3A_62 = arith.cmpi slt, %select_n3A, %lt3A_61 : i32
      %ne3A_63 = arith.xori %lt3A_60, %lt3A_62 : i1
      %and3A = arith.andi %ne3A_63, %ne3A_58 : i1
      %add3A_64 = arith.addi %rem3A, %select_n3A : i32
      %select_n3A_65 = arith.select %and3A, %add3A_64, %rem3A : i32
      %eq3A_66 = arith.constant 0 : i32
      %eq3A_67 = arith.cmpi eq, %select_n3A_65, %eq3A_66 : i32
      %convert_element_type3A_68 = arith.extui %eq3A_67 : i1 to i32
      %cond3A_69 = arith.constant 0 : i32
      %cond3A_70 = arith.cmpi ne, %convert_element_type3A_68, %cond3A_69 : i32
      scf.if %cond3A_70 {
        %jit3A_129 = arith.constant 2 : i32
        %eq3A_130 = arith.constant 0 : i32
        %eq3A_131 = arith.cmpi eq, %jit3A_129, %eq3A_130 : i32
        %jit3A_132 = arith.constant 1 : i32
        %select_n3A_133 = arith.select %eq3A_131, %jit3A_132, %jit3A_129 : i32
        %rem3A_134 = arith.remsi %scan3A_50, %select_n3A_133 : i32
        %ne3A_135 = arith.constant 0 : i32
        %ne3A_136 = arith.cmpi ne, %rem3A_134, %ne3A_135 : i32
        %lt3A_137 = arith.constant 0 : i32
        %lt3A_138 = arith.cmpi slt, %rem3A_134, %lt3A_137 : i32
        %lt3A_139 = arith.constant 0 : i32
        %lt3A_140 = arith.cmpi slt, %select_n3A_133, %lt3A_139 : i32
        %ne3A_141 = arith.xori %lt3A_138, %lt3A_140 : i1
        %and3A_142 = arith.andi %ne3A_141, %ne3A_136 : i1
        %add3A_143 = arith.addi %rem3A_134, %select_n3A_133 : i32
        %select_n3A_144 = arith.select %and3A_142, %add3A_143, %rem3A_134 : i32
        %mul3A_145 = arith.constant 2048 : i32
        %mul3A_146 = arith.muli %select_n3A_144, %mul3A_145 : i32
        %mul3A_147 = arith.constant 2048 : i32
        %mul3A_148 = arith.muli %scan3A_50, %mul3A_147 : i32
        %dma_wait3A_149 = tpu.memref_slice %arg6[%mul3A_146] : memref<4096xi32, #tpu.memory_space<vmem>> -> memref<2048xi32, #tpu.memory_space<vmem>>
        %dma_wait3A_150 = tpu.memref_slice %arg2[%mul3A_148] : memref<51200xi32, #tpu.memory_space<hbm>> -> memref<2048xi32, #tpu.memory_space<hbm>>
        %dma_wait3A_151 = tpu.memref_slice %arg6[%mul3A_146] : memref<4096xi32, #tpu.memory_space<vmem>> -> memref<2048xi32, #tpu.memory_space<vmem>>
        %dma_wait3A_152 = tpu.memref_slice %arg2[%mul3A_148] : memref<51200xi32, #tpu.memory_space<hbm>> -> memref<2048xi32, #tpu.memory_space<hbm>>
        tpu.wait_dma2 semaphore(%arg8 : memref<!tpu.dma_semaphore, #tpu.memory_space<semaphore_mem>>) src(%dma_wait3A_152 : memref<2048xi32, #tpu.memory_space<hbm>>) dst(%dma_wait3A_151 : memref<2048xi32, #tpu.memory_space<vmem>>)
        %dma_wait3A_153 = tpu.memref_slice %arg7[%mul3A_146] : memref<4096xi32, #tpu.memory_space<vmem>> -> memref<2048xi32, #tpu.memory_space<vmem>>
        %dma_wait3A_154 = tpu.memref_slice %arg3[%mul3A_148] : memref<51200xi32, #tpu.memory_space<hbm>> -> memref<2048xi32, #tpu.memory_space<hbm>>
        %dma_wait3A_155 = tpu.memref_slice %arg7[%mul3A_146] : memref<4096xi32, #tpu.memory_space<vmem>> -> memref<2048xi32, #tpu.memory_space<vmem>>
        %dma_wait3A_156 = tpu.memref_slice %arg3[%mul3A_148] : memref<51200xi32, #tpu.memory_space<hbm>> -> memref<2048xi32, #tpu.memory_space<hbm>>
        tpu.wait_dma2 semaphore(%arg8 : memref<!tpu.dma_semaphore, #tpu.memory_space<semaphore_mem>>) src(%dma_wait3A_156 : memref<2048xi32, #tpu.memory_space<hbm>>) dst(%dma_wait3A_155 : memref<2048xi32, #tpu.memory_space<vmem>>)
      } else {
      }
      %jit3A_71 = arith.constant 2 : i32
      %eq3A_72 = arith.constant 0 : i32
      %eq3A_73 = arith.cmpi eq, %jit3A_71, %eq3A_72 : i32
      %jit3A_74 = arith.constant 1 : i32
      %select_n3A_75 = arith.select %eq3A_73, %jit3A_74, %jit3A_71 : i32
      %rem3A_76 = arith.remsi %scan3A_50, %select_n3A_75 : i32
      %ne3A_77 = arith.constant 0 : i32
      %ne3A_78 = arith.cmpi ne, %rem3A_76, %ne3A_77 : i32
      %lt3A_79 = arith.constant 0 : i32
      %lt3A_80 = arith.cmpi slt, %rem3A_76, %lt3A_79 : i32
      %lt3A_81 = arith.constant 0 : i32
      %lt3A_82 = arith.cmpi slt, %select_n3A_75, %lt3A_81 : i32
      %ne3A_83 = arith.xori %lt3A_80, %lt3A_82 : i1
      %and3A_84 = arith.andi %ne3A_83, %ne3A_78 : i1
      %add3A_85 = arith.addi %rem3A_76, %select_n3A_75 : i32
      %select_n3A_86 = arith.select %and3A_84, %add3A_85, %rem3A_76 : i32
      %eq3A_87 = arith.constant 1 : i32
      %eq3A_88 = arith.cmpi eq, %select_n3A_86, %eq3A_87 : i32
      %convert_element_type3A_89 = arith.extui %eq3A_88 : i1 to i32
      %cond3A_90 = arith.constant 0 : i32
      %cond3A_91 = arith.cmpi ne, %convert_element_type3A_89, %cond3A_90 : i32
      scf.if %cond3A_91 {
        %jit3A_129 = arith.constant 2 : i32
        %eq3A_130 = arith.constant 0 : i32
        %eq3A_131 = arith.cmpi eq, %jit3A_129, %eq3A_130 : i32
        %jit3A_132 = arith.constant 1 : i32
        %select_n3A_133 = arith.select %eq3A_131, %jit3A_132, %jit3A_129 : i32
        %rem3A_134 = arith.remsi %scan3A_50, %select_n3A_133 : i32
        %ne3A_135 = arith.constant 0 : i32
        %ne3A_136 = arith.cmpi ne, %rem3A_134, %ne3A_135 : i32
        %lt3A_137 = arith.constant 0 : i32
        %lt3A_138 = arith.cmpi slt, %rem3A_134, %lt3A_137 : i32
        %lt3A_139 = arith.constant 0 : i32
        %lt3A_140 = arith.cmpi slt, %select_n3A_133, %lt3A_139 : i32
        %ne3A_141 = arith.xori %lt3A_138, %lt3A_140 : i1
        %and3A_142 = arith.andi %ne3A_141, %ne3A_136 : i1
        %add3A_143 = arith.addi %rem3A_134, %select_n3A_133 : i32
        %select_n3A_144 = arith.select %and3A_142, %add3A_143, %rem3A_134 : i32
        %mul3A_145 = arith.constant 2048 : i32
        %mul3A_146 = arith.muli %select_n3A_144, %mul3A_145 : i32
        %mul3A_147 = arith.constant 2048 : i32
        %mul3A_148 = arith.muli %scan3A_50, %mul3A_147 : i32
        %dma_wait3A_149 = tpu.memref_slice %arg6[%mul3A_146] : memref<4096xi32, #tpu.memory_space<vmem>> -> memref<2048xi32, #tpu.memory_space<vmem>>
        %dma_wait3A_150 = tpu.memref_slice %arg2[%mul3A_148] : memref<51200xi32, #tpu.memory_space<hbm>> -> memref<2048xi32, #tpu.memory_space<hbm>>
        %dma_wait3A_151 = tpu.memref_slice %arg6[%mul3A_146] : memref<4096xi32, #tpu.memory_space<vmem>> -> memref<2048xi32, #tpu.memory_space<vmem>>
        %dma_wait3A_152 = tpu.memref_slice %arg2[%mul3A_148] : memref<51200xi32, #tpu.memory_space<hbm>> -> memref<2048xi32, #tpu.memory_space<hbm>>
        tpu.wait_dma2 semaphore(%arg9 : memref<!tpu.dma_semaphore, #tpu.memory_space<semaphore_mem>>) src(%dma_wait3A_152 : memref<2048xi32, #tpu.memory_space<hbm>>) dst(%dma_wait3A_151 : memref<2048xi32, #tpu.memory_space<vmem>>)
        %dma_wait3A_153 = tpu.memref_slice %arg7[%mul3A_146] : memref<4096xi32, #tpu.memory_space<vmem>> -> memref<2048xi32, #tpu.memory_space<vmem>>
        %dma_wait3A_154 = tpu.memref_slice %arg3[%mul3A_148] : memref<51200xi32, #tpu.memory_space<hbm>> -> memref<2048xi32, #tpu.memory_space<hbm>>
        %dma_wait3A_155 = tpu.memref_slice %arg7[%mul3A_146] : memref<4096xi32, #tpu.memory_space<vmem>> -> memref<2048xi32, #tpu.memory_space<vmem>>
        %dma_wait3A_156 = tpu.memref_slice %arg3[%mul3A_148] : memref<51200xi32, #tpu.memory_space<hbm>> -> memref<2048xi32, #tpu.memory_space<hbm>>
        tpu.wait_dma2 semaphore(%arg9 : memref<!tpu.dma_semaphore, #tpu.memory_space<semaphore_mem>>) src(%dma_wait3A_156 : memref<2048xi32, #tpu.memory_space<hbm>>) dst(%dma_wait3A_155 : memref<2048xi32, #tpu.memory_space<vmem>>)
      } else {
      }
      %jit3A_92 = arith.constant 2 : i32
      %eq3A_93 = arith.constant 0 : i32
      %eq3A_94 = arith.cmpi eq, %jit3A_92, %eq3A_93 : i32
      %jit3A_95 = arith.constant 1 : i32
      %select_n3A_96 = arith.select %eq3A_94, %jit3A_95, %jit3A_92 : i32
      %rem3A_97 = arith.remsi %scan3A_50, %select_n3A_96 : i32
      %ne3A_98 = arith.constant 0 : i32
      %ne3A_99 = arith.cmpi ne, %rem3A_97, %ne3A_98 : i32
      %lt3A_100 = arith.constant 0 : i32
      %lt3A_101 = arith.cmpi slt, %rem3A_97, %lt3A_100 : i32
      %lt3A_102 = arith.constant 0 : i32
      %lt3A_103 = arith.cmpi slt, %select_n3A_96, %lt3A_102 : i32
      %ne3A_104 = arith.xori %lt3A_101, %lt3A_103 : i1
      %and3A_105 = arith.andi %ne3A_104, %ne3A_99 : i1
      %add3A_106 = arith.addi %rem3A_97, %select_n3A_96 : i32
      %select_n3A_107 = arith.select %and3A_105, %add3A_106, %rem3A_97 : i32
      %mul3A_108 = arith.constant 2048 : i32
      %mul3A_109 = arith.muli %select_n3A_107, %mul3A_108 : i32
      %scan3A_110 = arith.constant 0 : i32
      %scan3A_111 = arith.constant 0 : i32
      %scan3A_112 = arith.constant 128 : i32
      %scan3A_113 = arith.addi %scan3A_111, %scan3A_112 : i32
      %scan3A_114 = arith.constant 1 : i32
      %scan3A_115 = scf.for %scan3A_129 = %scan3A_111 to %scan3A_113 step %scan3A_114 iter_args(%scan3A_130 = %scan3A_110) -> (i32)  : i32 {
        %mul3A_131 = arith.constant 16 : i32
        %mul3A_132 = arith.muli %scan3A_129, %mul3A_131 : i32
        %add3A_133 = arith.addi %mul3A_109, %mul3A_132 : i32
        %get3A = arith.index_cast %add3A_133 : i32 to index
        %get3A_134 = tpu.vector_load %arg6[%get3A] {strides = array<i32>} : memref<4096xi32, #tpu.memory_space<vmem>>, vector<16xi32>,
        %get3A_135 = arith.index_cast %add3A_133 : i32 to index
        %get3A_136 = tpu.vector_load %arg7[%get3A_135] {strides = array<i32>} : memref<4096xi32, #tpu.memory_space<vmem>>, vector<16xi32>,
        %sub3A = vector.broadcast %mul3A_2 : i32 to vector<16xi32>
        %sub3A_137 = arith.subi %get3A_134, %sub3A : vector<16xi32>
        %ge3A = arith.constant 0 : i32
        %ge3A_138 = vector.broadcast %ge3A : i32 to vector<16xi32>
        %ge3A_139 = arith.cmpi sge, %sub3A_137, %ge3A_138 : vector<16xi32>
        %lt3A_140 = arith.constant 31250 : i32
        %lt3A_141 = vector.broadcast %lt3A_140 : i32 to vector<16xi32>
        %lt3A_142 = arith.cmpi slt, %sub3A_137, %lt3A_141 : vector<16xi32>
        %and3A_143 = arith.andi %ge3A_139, %lt3A_142 : vector<16xi1>
        %jit3A_144 = arith.constant 0 : i32
        %jit3A_145 = arith.constant 31249 : i32
        %max3A = vector.broadcast %jit3A_144 : i32 to vector<16xi32>
        %max3A_146 = arith.maxsi %max3A, %sub3A_137 : vector<16xi32>
        %min3A = vector.broadcast %jit3A_145 : i32 to vector<16xi32>
        %min3A_147 = arith.minsi %min3A, %max3A_146 : vector<16xi32>
        %shift_left3A = arith.constant 1 : i32
        %shift_left3A_148 = vector.broadcast %shift_left3A : i32 to vector<16xi32>
        %shift_left3A_149 = arith.shli %shift_left3A_148, %get3A_136 : vector<16xi32>
        %gather3A = tpu.vector_load_idx %arg5[%min3A_147] masked %and3A_143 : memref<31264xi32, #tpu.memory_space<vmem>>[vector<16xi32>], vector<16xi32>, vector<16xi1>
        %or3A = arith.ori %gather3A, %shift_left3A_149 : vector<16xi32>
        tpu.vector_store_idx %arg5[%min3A_147], %or3A masked %and3A_143 : memref<31264xi32, #tpu.memory_space<vmem>>[vector<16xi32>], vector<16xi32>, vector<16xi1>
        %scan3A_150 = arith.constant 0 : i32
        scf.yield %scan3A_150 : i32
      }
      %scan3A_116 = arith.constant 128 : i32
      %delay3A = arith.constant 64 : i32
      tpu.delay %delay3A
      %broadcast_in_dim3A = arith.constant false
      %broadcast_in_dim3A_117 = vector.broadcast %broadcast_in_dim3A : i1 to vector<16xi1>
      %scan3A_118 = arith.constant 0 : i32
      %scan3A_119 = arith.constant 128 : i32
      %scan3A_120 = arith.addi %scan3A_118, %scan3A_119 : i32
      %scan3A_121 = arith.constant 1 : i32
      %scan3A_122 = scf.for %scan3A_129 = %scan3A_118 to %scan3A_120 step %scan3A_121 iter_args(%scan3A_130 = %broadcast_in_dim3A_117) -> (vector<16xi1>)  : i32 {
        %mul3A_131 = arith.constant 16 : i32
        %mul3A_132 = arith.muli %scan3A_129, %mul3A_131 : i32
        %add3A_133 = arith.addi %mul3A_109, %mul3A_132 : i32
        %get3A = arith.index_cast %add3A_133 : i32 to index
        %get3A_134 = tpu.vector_load %arg6[%get3A] {strides = array<i32>} : memref<4096xi32, #tpu.memory_space<vmem>>, vector<16xi32>,
        %get3A_135 = arith.index_cast %add3A_133 : i32 to index
        %get3A_136 = tpu.vector_load %arg7[%get3A_135] {strides = array<i32>} : memref<4096xi32, #tpu.memory_space<vmem>>, vector<16xi32>,
        %sub3A = vector.broadcast %mul3A_2 : i32 to vector<16xi32>
        %sub3A_137 = arith.subi %get3A_134, %sub3A : vector<16xi32>
        %ge3A = arith.constant 0 : i32
        %ge3A_138 = vector.broadcast %ge3A : i32 to vector<16xi32>
        %ge3A_139 = arith.cmpi sge, %sub3A_137, %ge3A_138 : vector<16xi32>
        %lt3A_140 = arith.constant 31250 : i32
        %lt3A_141 = vector.broadcast %lt3A_140 : i32 to vector<16xi32>
        %lt3A_142 = arith.cmpi slt, %sub3A_137, %lt3A_141 : vector<16xi32>
        %and3A_143 = arith.andi %ge3A_139, %lt3A_142 : vector<16xi1>
        %jit3A_144 = arith.constant 0 : i32
        %jit3A_145 = arith.constant 31249 : i32
        %max3A = vector.broadcast %jit3A_144 : i32 to vector<16xi32>
        %max3A_146 = arith.maxsi %max3A, %sub3A_137 : vector<16xi32>
        %min3A = vector.broadcast %jit3A_145 : i32 to vector<16xi32>
        %min3A_147 = arith.minsi %min3A, %max3A_146 : vector<16xi32>
        %shift_left3A = arith.constant 1 : i32
        %shift_left3A_148 = vector.broadcast %shift_left3A : i32 to vector<16xi32>
        %shift_left3A_149 = arith.shli %shift_left3A_148, %get3A_136 : vector<16xi32>
        %gather3A = tpu.vector_load_idx %arg5[%min3A_147] masked %and3A_143 : memref<31264xi32, #tpu.memory_space<vmem>>[vector<16xi32>], vector<16xi32>, vector<16xi1>
        %and3A_150 = arith.andi %gather3A, %shift_left3A_149 : vector<16xi32>
        %ne3A_151 = arith.cmpi ne, %and3A_150, %shift_left3A_149 : vector<16xi32>
        %and3A_152 = arith.andi %and3A_143, %ne3A_151 : vector<16xi1>
        %or3A = arith.ori %scan3A_130, %and3A_152 : vector<16xi1>
        scf.yield %or3A : vector<16xi1>
      }
      %scan3A_123 = arith.constant 128 : i32
      %all_reduce_population_count3A = tpu.all_reduce %scan3A_122 {dim = 0 : i64, kind = #tpu.reduction_kind<sum>} : vector<16xi1> -> vector<16xi32>
      %slice3A = vector.extract_strided_slice %all_reduce_population_count3A {offsets = [0], sizes = [1], strides = [1]} : vector<16xi32> to vector<1xi32>
      %squeeze3A = vector.extract %slice3A[0] : i32 from vector<1xi32>
      %gt3A = arith.constant 0 : i32
      %gt3A_124 = arith.cmpi sgt, %squeeze3A, %gt3A : i32
      %convert_element_type3A_125 = arith.extui %gt3A_124 : i1 to i32
      %cond3A_126 = arith.constant 0 : i32
      %cond3A_127 = arith.cmpi ne, %convert_element_type3A_125, %cond3A_126 : i32
      scf.if %cond3A_127 {
        %scan3A_129 = arith.constant 0 : i32
        %scan3A_130 = arith.constant 0 : i32
        %scan3A_131 = arith.constant 128 : i32
        %scan3A_132 = arith.addi %scan3A_130, %scan3A_131 : i32
        %scan3A_133 = arith.constant 1 : i32
        %scan3A_134 = scf.for %scan3A_136 = %scan3A_130 to %scan3A_132 step %scan3A_133 iter_args(%scan3A_137 = %scan3A_129) -> (i32)  : i32 {
          %mul3A_138 = arith.constant 16 : i32
          %mul3A_139 = arith.muli %scan3A_136, %mul3A_138 : i32
          %add3A_140 = arith.addi %mul3A_109, %mul3A_139 : i32
          %get3A = arith.index_cast %add3A_140 : i32 to index
          %get3A_141 = tpu.vector_load %arg6[%get3A] {strides = array<i32>} : memref<4096xi32, #tpu.memory_space<vmem>>, vector<16xi32>,
          %get3A_142 = arith.index_cast %add3A_140 : i32 to index
          %get3A_143 = tpu.vector_load %arg7[%get3A_142] {strides = array<i32>} : memref<4096xi32, #tpu.memory_space<vmem>>, vector<16xi32>,
          %sub3A = vector.broadcast %mul3A_2 : i32 to vector<16xi32>
          %sub3A_144 = arith.subi %get3A_141, %sub3A : vector<16xi32>
          %ge3A = arith.constant 0 : i32
          %ge3A_145 = vector.broadcast %ge3A : i32 to vector<16xi32>
          %ge3A_146 = arith.cmpi sge, %sub3A_144, %ge3A_145 : vector<16xi32>
          %lt3A_147 = arith.constant 31250 : i32
          %lt3A_148 = vector.broadcast %lt3A_147 : i32 to vector<16xi32>
          %lt3A_149 = arith.cmpi slt, %sub3A_144, %lt3A_148 : vector<16xi32>
          %and3A_150 = arith.andi %ge3A_146, %lt3A_149 : vector<16xi1>
          %jit3A_151 = arith.constant 0 : i32
          %jit3A_152 = arith.constant 31249 : i32
          %max3A = vector.broadcast %jit3A_151 : i32 to vector<16xi32>
          %max3A_153 = arith.maxsi %max3A, %sub3A_144 : vector<16xi32>
          %min3A = vector.broadcast %jit3A_152 : i32 to vector<16xi32>
          %min3A_154 = arith.minsi %min3A, %max3A_153 : vector<16xi32>
          %shift_left3A = arith.constant 1 : i32
          %shift_left3A_155 = vector.broadcast %shift_left3A : i32 to vector<16xi32>
          %shift_left3A_156 = arith.shli %shift_left3A_155, %get3A_143 : vector<16xi32>
          %while3A = scf.while (%while3A_158 = %and3A_150) : (vector<16xi1>) -> vector<16xi1> {
            %all_reduce_population_count3A_159 = tpu.all_reduce %while3A_158 {dim = 0 : i64, kind = #tpu.reduction_kind<sum>} : vector<16xi1> -> vector<16xi32>
            %slice3A_160 = vector.extract_strided_slice %all_reduce_population_count3A_159 {offsets = [0], sizes = [1], strides = [1]} : vector<16xi32> to vector<1xi32>
            %squeeze3A_161 = vector.extract %slice3A_160[0] : i32 from vector<1xi32>
            %gt3A_162 = arith.constant 0 : i32
            %gt3A_163 = arith.cmpi sgt, %squeeze3A_161, %gt3A_162 : i32
            scf.condition(%gt3A_163) %while3A_158 : vector<16xi1>
          } do {
          ^bb0(%while3A_158: vector<16xi1>):
            %gather3A = tpu.vector_load_idx %arg5[%min3A_154] masked %while3A_158 : memref<31264xi32, #tpu.memory_space<vmem>>[vector<16xi32>], vector<16xi32>, vector<16xi1>
            %or3A = arith.ori %gather3A, %shift_left3A_156 : vector<16xi32>
            tpu.vector_store_idx %arg5[%min3A_154], %or3A masked %while3A_158 : memref<31264xi32, #tpu.memory_space<vmem>>[vector<16xi32>], vector<16xi32>, vector<16xi1>
            %gather3A_159 = tpu.vector_load_idx %arg5[%min3A_154] masked %while3A_158 : memref<31264xi32, #tpu.memory_space<vmem>>[vector<16xi32>], vector<16xi32>, vector<16xi1>
            %and3A_160 = arith.andi %gather3A_159, %shift_left3A_156 : vector<16xi32>
            %ne3A_161 = arith.cmpi ne, %and3A_160, %shift_left3A_156 : vector<16xi32>
            %and3A_162 = arith.andi %while3A_158, %ne3A_161 : vector<16xi1>
            scf.yield %and3A_162 : vector<16xi1>
          }
          %scan3A_157 = arith.constant 0 : i32
          scf.yield %scan3A_157 : i32
        }
        %scan3A_135 = arith.constant 128 : i32
      } else {
      }
      %scan3A_128 = arith.constant 0 : i32
      scf.yield %scan3A_128 : i32
    }
    %scan3A_30 = arith.constant 25 : i32
    %dma_start3A_31 = arith.constant 0 : i32
    %dma_start3A_32 = tpu.memref_slice %arg5[%dma_start3A_31] : memref<31264xi32, #tpu.memory_space<vmem>> -> memref<31250xi32, #tpu.memory_space<vmem>>
    %dma_start3A_33 = arith.constant 0 : i32
    %dma_start3A_34 = tpu.memref_slice %arg4[%add3A, %dma_start3A_33] : memref<32x31250xi32, #tpu.memory_space<hbm>> -> memref<1x31250xi32, #tpu.memory_space<hbm>>
    %dma_start3A_35 = tpu.memref_squeeze %dma_start3A_34 : memref<1x31250xi32, #tpu.memory_space<hbm>> -> memref<31250xi32, #tpu.memory_space<hbm>>
    %dma_start3A_36 = arith.constant 0 : i32
    %dma_start3A_37 = tpu.memref_slice %arg4[%add3A, %dma_start3A_36] : memref<32x31250xi32, #tpu.memory_space<hbm>> -> memref<1x31250xi32, #tpu.memory_space<hbm>>
    %dma_start3A_38 = tpu.memref_squeeze %dma_start3A_37 : memref<1x31250xi32, #tpu.memory_space<hbm>> -> memref<31250xi32, #tpu.memory_space<hbm>>
    %dma_start3A_39 = arith.constant 0 : i32
    %dma_start3A_40 = tpu.memref_slice %arg5[%dma_start3A_39] : memref<31264xi32, #tpu.memory_space<vmem>> -> memref<31250xi32, #tpu.memory_space<vmem>>
    tpu.enqueue_dma source(%dma_start3A_40 : memref<31250xi32, #tpu.memory_space<vmem>>) target(%dma_start3A_38 : memref<31250xi32, #tpu.memory_space<hbm>>) target_semaphore(%arg8 : memref<!tpu.dma_semaphore, #tpu.memory_space<semaphore_mem>>)
    %dma_wait3A = arith.constant 0 : i32
    %dma_wait3A_41 = tpu.memref_slice %arg5[%dma_wait3A] : memref<31264xi32, #tpu.memory_space<vmem>> -> memref<31250xi32, #tpu.memory_space<vmem>>
    %dma_wait3A_42 = arith.constant 0 : i32
    %dma_wait3A_43 = tpu.memref_slice %arg4[%add3A, %dma_wait3A_42] : memref<32x31250xi32, #tpu.memory_space<hbm>> -> memref<1x31250xi32, #tpu.memory_space<hbm>>
    %dma_wait3A_44 = tpu.memref_squeeze %dma_wait3A_43 : memref<1x31250xi32, #tpu.memory_space<hbm>> -> memref<31250xi32, #tpu.memory_space<hbm>>
    %dma_wait3A_45 = arith.constant 0 : i32
    %dma_wait3A_46 = tpu.memref_slice %arg4[%add3A, %dma_wait3A_45] : memref<32x31250xi32, #tpu.memory_space<hbm>> -> memref<1x31250xi32, #tpu.memory_space<hbm>>
    %dma_wait3A_47 = tpu.memref_squeeze %dma_wait3A_46 : memref<1x31250xi32, #tpu.memory_space<hbm>> -> memref<31250xi32, #tpu.memory_space<hbm>>
    %dma_wait3A_48 = arith.constant 0 : i32
    %dma_wait3A_49 = tpu.memref_slice %arg5[%dma_wait3A_48] : memref<31264xi32, #tpu.memory_space<vmem>> -> memref<31250xi32, #tpu.memory_space<vmem>>
    tpu.wait_dma2 semaphore(%arg8 : memref<!tpu.dma_semaphore, #tpu.memory_space<semaphore_mem>>) src(%dma_wait3A_49 : memref<31250xi32, #tpu.memory_space<vmem>>) dst(%dma_wait3A_47 : memref<31250xi32, #tpu.memory_space<hbm>>)
    return
  }
}

module attributes {stable_mosaic.version = 14 : i64} {
  func.func @_prep_body(%arg0: i32, %arg1: memref<20x32768xf32, #tpu.memory_space<vmem>>, %arg2: memref<32768xf32, #tpu.memory_space<vmem>>, %arg3: memref<32768xf32, #tpu.memory_space<vmem>>) attributes {dimension_semantics = [#tpu.dimension_semantics<arbitrary>], iteration_bounds = array<i64: 31>, scalar_prefetch = 0 : i64, scratch_operands = 0 : i64, tpu.core_type = #tpu.core_type<tc>, window_params = [{transform_indices = @transform_0, window_bounds = array<i64: 20, 32768>}, {transform_indices = @transform_1, window_bounds = array<i64: 32768>}, {transform_indices = @transform_2, window_bounds = array<i64: 32768>}]} {
    %get3A = arith.constant 0 : index
    %get3A_0 = arith.constant 0 : index
    %get3A_1 = vector.load %arg1[%get3A, %get3A_0] : memref<20x32768xf32, #tpu.memory_space<vmem>>, vector<20x32768xf32>
    %iota3A = tpu.iota {dimensions = array<i32: 0>} : vector<20x32768xi32>
    %convert_element_type3A = arith.sitofp %iota3A : vector<20x32768xi32> to vector<20x32768xf32>
    %mul3A = arith.mulf %get3A_1, %convert_element_type3A : vector<20x32768xf32>
    %reduce_sum3A = arith.constant dense<0.000000e+00> : vector<32768xf32>
    %reduce_sum3A_2 = vector.multi_reduction <add>, %mul3A, %reduce_sum3A [0] : vector<20x32768xf32> to vector<32768xf32>
    %swap3A = arith.constant 0 : index
    %swap3A_3 = vector.load %arg2[%swap3A] : memref<32768xf32, #tpu.memory_space<vmem>>, vector<32768xf32>
    tpu.vector_store %arg2[%swap3A], %reduce_sum3A_2 {strides = array<i32>} : memref<32768xf32, #tpu.memory_space<vmem>>, vector<32768xf32>,
    %broadcast_in_dim3A = arith.constant -1.000000e+00 : f32
    %broadcast_in_dim3A_4 = vector.broadcast %broadcast_in_dim3A : f32 to vector<32768xf32>
    %swap3A_5 = arith.constant 0 : index
    %swap3A_6 = vector.load %arg3[%swap3A_5] : memref<32768xf32, #tpu.memory_space<vmem>>, vector<32768xf32>
    tpu.vector_store %arg3[%swap3A_5], %broadcast_in_dim3A_4 {strides = array<i32>} : memref<32768xf32, #tpu.memory_space<vmem>>, vector<32768xf32>,
    return
  }
  func.func @transform_0(%arg0: i32) -> (i32, i32) {
    %c0_i32 = arith.constant 0 : i32
    %c0_i32_0 = arith.constant 0 : i32
    return %c0_i32, %arg0 : i32, i32
  }
  func.func @transform_1(%arg0: i32) -> i32 {
    %c0_i32 = arith.constant 0 : i32
    return %arg0 : i32
  }
  func.func @transform_2(%arg0: i32) -> i32 {
    %c0_i32 = arith.constant 0 : i32
    return %arg0 : i32
  }
}

module attributes {stable_mosaic.version = 14 : i64} {
  func.func @_apply_body(%arg0: i32, %arg1: memref<20x32768xf32, #tpu.memory_space<vmem>>, %arg2: memref<32768xf32, #tpu.memory_space<vmem>>, %arg3: memref<20x32768xf32, #tpu.memory_space<vmem>>) attributes {dimension_semantics = [#tpu.dimension_semantics<arbitrary>], iteration_bounds = array<i64: 31>, scalar_prefetch = 0 : i64, scratch_operands = 0 : i64, tpu.core_type = #tpu.core_type<tc>, window_params = [{transform_indices = @transform_0, window_bounds = array<i64: 20, 32768>}, {transform_indices = @transform_1, window_bounds = array<i64: 32768>}, {transform_indices = @transform_2, window_bounds = array<i64: 20, 32768>}]} {
    %get3A = arith.constant 0 : index
    %get3A_0 = arith.constant 0 : index
    %get3A_1 = vector.load %arg1[%get3A, %get3A_0] : memref<20x32768xf32, #tpu.memory_space<vmem>>, vector<20x32768xf32>
    %get3A_2 = arith.constant 0 : index
    %get3A_3 = vector.load %arg2[%get3A_2] : memref<32768xf32, #tpu.memory_space<vmem>>, vector<32768xf32>
    %broadcast_in_dim3A = vector.shape_cast %get3A_3 : vector<32768xf32> to vector<1x32768xf32>
    %broadcast_in_dim3A_4 = vector.shape_cast %broadcast_in_dim3A : vector<1x32768xf32> to vector<1x32768xf32>
    %broadcast_in_dim3A_5 = vector.broadcast %broadcast_in_dim3A_4 : vector<1x32768xf32> to vector<20x32768xf32>
    %iota3A = tpu.iota {dimensions = array<i32: 0>} : vector<20x32768xi32>
    %convert_element_type3A = arith.sitofp %iota3A : vector<20x32768xi32> to vector<20x32768xf32>
    %lt3A = arith.constant 0.000000e+00 : f32
    %lt3A_6 = vector.broadcast %lt3A : f32 to vector<20x32768xf32>
    %lt3A_7 = arith.cmpf olt, %broadcast_in_dim3A_5, %lt3A_6 : vector<20x32768xf32>
    %eq3A = arith.cmpf oeq, %convert_element_type3A, %broadcast_in_dim3A_5 : vector<20x32768xf32>
    %convert_element_type3A_8 = arith.extui %eq3A : vector<20x32768xi1> to vector<20x32768xi32>
    %convert_element_type3A_9 = arith.sitofp %convert_element_type3A_8 : vector<20x32768xi32> to vector<20x32768xf32>
    %select_n3A = arith.select %lt3A_7, %get3A_1, %convert_element_type3A_9 : vector<20x32768xi1>, vector<20x32768xf32>
    %swap3A = arith.constant 0 : index
    %swap3A_10 = arith.constant 0 : index
    %swap3A_11 = vector.load %arg3[%swap3A, %swap3A_10] : memref<20x32768xf32, #tpu.memory_space<vmem>>, vector<20x32768xf32>
    tpu.vector_store %arg3[%swap3A, %swap3A_10], %select_n3A {strides = array<i32>} : memref<20x32768xf32, #tpu.memory_space<vmem>>, vector<20x32768xf32>,
    return
  }
  func.func @transform_0(%arg0: i32) -> (i32, i32) {
    %c0_i32 = arith.constant 0 : i32
    %c0_i32_0 = arith.constant 0 : i32
    return %c0_i32, %arg0 : i32, i32
  }
  func.func @transform_1(%arg0: i32) -> i32 {
    %c0_i32 = arith.constant 0 : i32
    return %arg0 : i32
  }
  func.func @transform_2(%arg0: i32) -> (i32, i32) {
    %c0_i32 = arith.constant 0 : i32
    %c0_i32_0 = arith.constant 0 : i32
    return %c0_i32, %arg0 : i32, i32
  }
}

</mosaic_0001>

<sc_bundles>
// kernel: kernel.6.cloned.1.call-start
scs
__scs_entry_jumppad:
0x0: {  	(pc) =	sbr.rel $0x88, $3  }
0x1: {  	(tag) =	ssettag $0x0;
	lr =	simm.s32 $0x1  }
0x2: {  	[smem:$0x3F9B] =	sst lr;
	_ =	strace $0xD0000000  }
0x3: {  	_ = 	snop  }
0x4: {  	_ = 	snop  }
0x5: {  	_ = 	snop  }
0x6: {  	_ = 	snop  }
0x7: {  	_ = 	snop  }
__scs_overlays_trampoline_lowered:
0x8: {  	[smem:$0x3FAA] =	sst s0  }
0x9: {  	[smem:$0x3FAB] =	sst s1  }
0xa: {  	[smem:$0x3FAC] =	sst s2  }
0xb: {  	[smem:$0x3FAD] =	sst s3  }
0xc: {  	[smem:$0x3FAE] =	sst s4  }
0xd: {  	[smem:$0x3FAF] =	sst s5  }
0xe: {  	[smem:$0x3FB0] =	sst s6  }
0xf: {  	[smem:$0x3FB1] =	sst s7  }
0x10: {  	[smem:$0x3FB2] =	sst s8  }
0x11: {  	[smem:$0x3FB3] =	sst s9;
	s0 =	simm.s32 @!p0 $0x0  }
0x12: {  	s1 =	sld [smem:$0x3F99];
	s0 =	simm.s32 @p0 $0x1  }
0x13: {  	[smem:$0x3FB4] =	sst s0;
	s0 =	simm.s32 @!p1 $0x0  }
0x14: {  	s2 =	sld [smem:$0x3F98];
	s0 =	simm.s32 @p1 $0x1  }
0x15: {  	[smem:$0x3FB5] =	sst s0;
	s0 =	simm.s32 @!p2 $0x0  }
0x16: {  	s3 =	sld [smem:$0x3FDB];
	s0 =	simm.s32 @p2 $0x1  }
0x17: {  	s4 =	simm.s32 $0x1BF5;
	[smem:$0x3FB7] =	sst s0  }
0x18: {  	s0 =	sld [smem:$0x3F9A];
	_ =	swait.ge [sflag:s4], $0x0  }
0x19: {  	s7 =	sld [smem:$0x3F9B]  }
0x1a: {  	s8 =	sadd.s32 $0xFFFFE003, lr  }
0x1b: {  	s9 =	sadd.s32 $0xFFFFFEF7, lr;
	s5 =	simm.s32 $0xFFFFFFFF;
	p2 =	slt.u32 s8, $0xFFFFF086  }
0x1c: {  	p1 =	slt.u32 s9, $0xF7A;
	s5 =	simm.s32 @!p2 $0x0  }
0x1d: {  	s5 =	simm.s32 @p1 $0x1;
	p0 =	seq.s32 s7, s2  }
0x1e: {  	s7 =	smul.u32 @!p0 $0xF7A, s2;
	p2 =	seq.s32 @!p0 s5, $0x0  }
0x1f: {  	s9 =	smul.u32 $0xF7A, s1;
	s8 =	simm.s32 @!p0 $0x1BF5;
	p2 =	por !p2, p0  }
0x20: {  	[sflag:s8] =	ssyncset.s32 @!p0 $0xFFFFF086;
	s6 =	sadd.s32 @!p0 s3, s7;
	s7 =	simm.s32 @!p0 $0x108  }
0x21: {  	s3 =	sadd.s32 s3, s9;
	s6 =	sadd.s32 @!p0 $0x88, s6;
	s7 =	simm.s32 @p2 $0x1082  }
0x22: {  	[simem:s7], [sflag:s8] =	dma.local @!p0 [hbm:s6], $0xF7A  }
0x23: {  	s9 =	sor.u32 $0xD0000000, s2;
	s6 =	simm.s32 $0x108;
	_ =	swait.ge @!p0 [sflag:s8], $0x0  }
0x24: {  	s3 =	sadd.s32 $0x88, s3;
	s6 =	simm.s32 @!p1 $0x1082;
	[sflag:s4] =	ssyncset.s32 $0xFFFFF086  }
0x25: {  	[simem:s6], [sflag:s4] =	dma.local [hbm:s3], $0xF7A  }
0x26: {  	[smem:$0x3F9B] =	sst s1;
	(tag) =	ssettag s2;
	_ =	strace s9  }
0x27: {  	s1 =	sld [smem:$0x3FAB]  }
0x28: {  	s2 =	sld [smem:$0x3FAC]  }
0x29: {  	s4 =	sld [smem:$0x3FAE]  }
0x2a: {  	p0 =	seq.s32 s5, $0x0;
	s5 =	sld [smem:$0x3FAF]  }
0x2b: {  	s6 =	sld [smem:$0x3FB0]  }
0x2c: {  	s7 =	sld [smem:$0x3FB1]  }
0x2d: {  	s3 =	simm.s32 $0x108;
	s8 =	sld [smem:$0x3FB2]  }
0x2e: {  	s3 =	simm.s32 @!p0 $0x1082;
	s9 =	sld [smem:$0x3FB3]  }
0x2f: {  	lr =	sadd.s32 s0, s3;
	s0 =	sld [smem:$0x3FAA]  }
0x30: {  	s3 =	sld [smem:$0x3FAD]  }
0x31: {  	[smem:$0x3FB6] =	sst s10  }
0x32: {  	s10 =	sld [smem:$0x3FB4];
	_ =	sdelay $0x3  }
0x33: {  	p0 =	seq.s32 s10, $0x1;
	s10 =	sld [smem:$0x3FB6];
	_ =	sdelay $0x3  }
0x34: {  	[smem:$0x3FB6] =	sst s10  }
0x35: {  	s10 =	sld [smem:$0x3FB5];
	_ =	sdelay $0x3  }
0x36: {  	p1 =	seq.s32 s10, $0x1;
	s10 =	sld [smem:$0x3FB6];
	_ =	sdelay $0x3  }
0x37: {  	[smem:$0x3FB6] =	sst s10  }
0x38: {  	s10 =	sld [smem:$0x3FB7]  }
0x39: {  	_ = 	snop;
	(pc) =	sbr.ind lr, $3  }
0x3a: {  	_ = 	snop  }
0x3b: {  	_ = 	snop  }
0x3c: {  	p2 =	seq.s32 s10, $0x1;
	s10 =	sld [smem:$0x3FB6]  }
0x3d: {  	_ =	shalt  }
0x3e: {  	_ =	shalt  }
0x3f: {  	_ =	shalt  }
0x40: {  	_ =	shalt  }
0x41: {  	_ =	shalt  }
0x42: {  	_ =	shalt  }
0x43: {  	_ =	shalt  }
0x44: {  	_ =	shalt  }
0x45: {  	_ =	shalt  }
0x46: {  	_ =	shalt  }
0x47: {  	_ =	shalt  }
0x48: {  	_ =	shalt  }
0x49: {  	_ =	shalt  }
0x4a: {  	_ =	shalt  }
0x4b: {  	_ =	shalt  }
0x4c: {  	_ =	shalt  }
0x4d: {  	_ =	shalt  }
0x4e: {  	_ =	shalt  }
0x4f: {  	_ =	shalt  }
0x50: {  	_ =	shalt  }
0x51: {  	_ =	shalt  }
0x52: {  	_ =	shalt  }
0x53: {  	_ =	shalt  }
0x54: {  	_ =	shalt  }
0x55: {  	_ =	shalt  }
0x56: {  	_ =	shalt  }
0x57: {  	_ =	shalt  }
0x58: {  	_ =	shalt  }
0x59: {  	_ =	shalt  }
0x5a: {  	_ =	shalt  }
0x5b: {  	_ =	shalt  }
0x5c: {  	_ =	shalt  }
0x5d: {  	_ =	shalt  }
0x5e: {  	_ =	shalt  }
0x5f: {  	_ =	shalt  }
0x60: {  	_ =	shalt  }
0x61: {  	_ =	shalt  }
0x62: {  	_ =	shalt  }
0x63: {  	_ =	shalt  }
0x64: {  	_ =	shalt  }
0x65: {  	_ =	shalt  }
0x66: {  	_ =	shalt  }
0x67: {  	_ =	shalt  }
0x68: {  	_ =	shalt  }
0x69: {  	_ =	shalt  }
0x6a: {  	_ =	shalt  }
0x6b: {  	_ =	shalt  }
0x6c: {  	_ =	shalt  }
0x6d: {  	_ =	shalt  }
0x6e: {  	_ =	shalt  }
0x6f: {  	_ =	shalt  }
0x70: {  	_ =	shalt  }
0x71: {  	_ =	shalt  }
0x72: {  	_ =	shalt  }
0x73: {  	_ =	shalt  }
0x74: {  	_ =	shalt  }
0x75: {  	_ =	shalt  }
0x76: {  	_ =	shalt  }
0x77: {  	_ =	shalt  }
0x78: {  	_ =	shalt  }
0x79: {  	_ =	shalt  }
0x7a: {  	_ =	shalt  }
0x7b: {  	_ =	shalt  }
0x7c: {  	_ =	shalt  }
0x7d: {  	_ =	shalt  }
0x7e: {  	_ =	shalt  }
0x7f: {  	_ =	shalt  }
0x80: {  	_ =	shalt  }
0x81: {  	_ =	shalt  }
0x82: {  	_ =	shalt  }
0x83: {  	_ =	shalt  }
0x84: {  	_ =	shalt  }
0x85: {  	_ =	shalt  }
0x86: {  	_ =	shalt  }
0x87: {  	_ =	shalt  }
.Lfunc_end0:
.L_simem_size_0:
called_computation_lowered:
.L_overlay_start_0:
0x88: {  	s2 =	sld [smem:$0x3FD9]  }
0x89: {  	s3 =	sld [smem:$0x3FFE];
	_ =	sdelay $0x1  }
0x8a: {  	s1 =	srdreg.scid  }
0x8b: {  	s0 =	sand.u32 $0x1, s1  }
0x8c: {  	s16 =	sshll.u32 s0, $0xA;
	s2 =	sadd.s32 s3, s2  }
0x8d: {  	s2 =	sadd.s32 s2, s16  }
0x8e: {  	[smem:$0x3FC2] =	sst s2  }
0x8f: {  	_ = 	snop  }
0x90: {  	(tm) =	ssettm $0x1  }
0x91: {  	s17 =	sld [smem:$0x3FFB];
	_ =	sdelay $0x3  }
0x92: {  	_ =	strace s17  }
0x93: {  	s2 =	sld [smem:$0x3FFC];
	_ =	sdelay $0x3  }
0x94: {  	_ =	strace s2  }
0x95: {  	s2 =	sld [smem:$0x3FFD];
	_ =	sdelay $0x3  }
0x96: {  	_ =	strace s2  }
0x97: {  	_ =	strace $0x8FFFFFFF  }
0x98: {  	s18 =	sld [smem:$0x3FDB];
	_ =	sdelay $0x1  }
0x99: {  	s19 =	simm.s32 $_scs_section_size  }
0x9a: {  	s4 =	simm.s32 $_size__tile_overlayer_lowered;
	s5 =	simm.s32 $_tile_overlayer_lowered  }
0x9b: {  	s22 =	simm.s32 $0x1BFF;
	s21 =	sshll.u32 s5, $0x1;
	s2 =	sadd.s32 s19, s18  }
0x9c: {  	s6 =	simm.s32 $0x0;
	s20 =	sshll.u32 s4, $0x1;
	s4 =	sadd.s32 s21, s2  }
0x9d: {  	[timem:s6], [sflag:s22] =	dma.local [hbm:s4], s20  }
0x9e: {  	_ =	swait.ge [sflag:s22], s20  }
0x9f: {  	s3 =	ssub.s32 $0x0, s20;
	[sflag:s22] =	ssyncset.done $0x0  }
0xa0: {  	[sflag:s22] =	ssyncadd.s32 s3;
	_ =	sdelay $0x1  }
0xa1: {  	s23 =	simm.s32 $0x1B8B  }
0xa2: {  	_ =	swait.ge [sflag:s23], $0x1  }
0xa3: {  	[sflag:s23] =	ssyncset.done $0x0  }
0xa4: {  	s25 =	simm.s32 $0x1B8E;
	s24 =	sld [smem:$0x3FFE];
	[sflag:s23] =	ssyncadd.s32 $0xFFFFFFFF  }
0xa5: {  	s26 =	simm.s32 $execute0_lowered;
	[smem:$0x3FD2] =	sst s25  }
0xa6: {  	s4 =	sshll.u32 s26, $0x1;
	_ =	strace $0x80000046;
	[dreg:$0x1] =	wrdreg $0xFFFFFFFF  }
0xa7: {  	s28 =	simm.s32 $_size_execute0_lowered;
	s2 =	sadd.s32 s2, s4;
	[dreg:$0x0] =	wrdreg $0x0  }
0xa8: {  	s4 =	sshll.u32 s28, $0x1;
	[dreg:$0x2] =	wrdreg s2  }
0xa9: {  	[dreg:$0x3] =	wrdreg s4  }
0xaa: {  	[dreg:$0x4] =	wrdreg $0xC0  }
0xab: {  	_ =	task [dreg:s6], $0x5FFFF  }
0xac: {  	[dreg:$0x1] =	wrdreg $0xFFFFFFFF  }
0xad: {  	[dreg:$0x0] =	wrdreg $0x60  }
0xae: {  	[dreg:$0x2] =	wrdreg s24  }
0xaf: {  	[dreg:$0x3] =	wrdreg $0x9  }
0xb0: {  	_ =	task.clear_ibuf [dreg:s6], $0x4FFFF;
	_ =	strace $0x90000046  }
0xb1: {  	s29 =	simm.s32 $0x9;
	_ =	strace $0x80000048  }
0xb2: {  	_ =	swait.ge [sflag:s29], $0x1  }
0xb3: {  	[sflag:s29] =	ssyncadd.s32 $0xFFFFFFFF  }
0xb4: {  	_ =	strace $0x90000048  }
0xb5: {  	_ =	sfence  }
0xb6: {  	s30 =	sld [smem:$0x0];
	_ =	sdelay $0x2  }
0xb7: {  	s31 =	sshll.u32 s1, $0xD;
	s1 =	sshrl.u32 s1, $0x2  }
0xb8: {  	s3 =	sand.u32 $0x4000, s31;
	s1 =	sadd.s32 s1, s30  }
0xb9: {  	s0 =	sor.u32 s3, s0;
	s1 =	sshll.u32 s1, $0x11  }
0xba: {  	s0 =	sor.u32 s1, s0  }
0xbb: {  	s0 =	sadd.s32 $0x8F2B, s0  }
0xbc: {  	[sflag:s0] =	ssyncadd.remote.s32 $0x1  }
0xbd: {  	_ =	sfence.sel $0xFFFF  }
0xbe: {  	[dreg:$0x0] =	wrdreg $0xFFFFFFFF;
	(pc) =	sbr.abs _section_cstart, $3  }
0xbf: {  	[dreg:$0x1] =	wrdreg $0xFFFFFFFF  }
0xc0: {  	_ =	task.clear_ibuf [dreg:s6], $0x2FFFF;
	_ =	strace $0x9FFFFFFF  }
0xc1: {  	(tm) =	ssettm $0x7FFFFFFF  }
tec
execute0_lowered:
.L_overlay_start_1:
0x0: {  	(tag) =	ssettag $0x1  }
0x1: {  	s5 =	rddreg [dreg:$0x0]  }
0x2: {  	s1 =	srdreg.scid;
	s0 =	rddreg [dreg:$0x1];
	s2 =	simm.s32 $0x0  }
0x3: {  	s10 =	simm.s32 $0x0;
	s3 =	sand.u32 $0x1, s1;
	[smem:$0x7FF] =	sst s2  }
0x4: {  	s1 =	stileid.u32;
	s4 =	sshll.u32 s3, $0x4;
	_ =	strace $0x80000047  }
.Ltmp0:
0x5: {  	s7 =	ssub.s32 $0x2, s3;
	s4 =	sor.u32 s1, s4;
	(pc) =	sbr.rel .LBB2_1-.Ltmp0, $4  }
0x6: {  	s3 =	sadd.s32 $0x1A00, s5;
	s8 =	sshrl.u32 s7, $0x1;
	s6 =	smul.u32 $0xF43, s4  }
0x7: {  	s9 =	smul.u32 $0x7A12, s4;
	s4 =	sadd.s32 $0x3400, s5;
	s31 =	ssub.s32 s7, s8  }
0x8: {  	v1 =	vimm.s32 $0x0;
	s7 =	simm.s32 $0x7A20;
	s8 =	simm.s32 $0x8A20;
	s5 =	sadd.s32 s6, s5  }
0x9: {  	v2 =	vimm.s32 $0x1;
	vm0 =	vmxor vm0, vm0;
	v0 =	vmov s9;
	s6 =	smax.u32 s31, $0x1;
	s9 =	simm.s32 $0x1;
	s5 =	sadd.s32 $0x4E00, s5  }
.LBB2_19:
0xa: {  	s10 =	sadd.s32 $0x1, s10  }
0xb: {  	p0 =	sne.s32 s10, s6  }
.Ltmp1:
0xc: {  	_ = 	snop;
	(pc) =	sbr.rel @!p0 .LBB2_20-.Ltmp1, $4  }
0xd: {  	[hbm4b:s5+s2] =	stream.linear.scatter [tilespmem:s2], [sflag:$0x1], $0x7A12, $0x38;
	[tilespmem:$0x9A20] =	vst v63  }
0xe: {  	_ =	swait.ge [sflag:s9], $0x7A12  }
0xf: {  	[sflag:s9] =	ssyncset.done $0x0  }
0x10: {  	[sflag:s9] =	ssyncadd.s32 $0xFFFF85EE  }
.LBB2_1:
0x11: {  	s11 =	simm.s32 $0x40;
	s12 =	simm.s32 $0x0  }
.LBB2_2:
0x12: {  	p0 =	sne.s32 s11, $0x1E840;
	[tilespmem:s12+$0x0] =	vst v1;
	s12 =	smov.u32 s11;
	s11 =	sadd.s32 $0x40, s11  }
.Ltmp2:
0x13: {  	(pc) =	sbr.rel @p0 .LBB2_2-.Ltmp2, $2  }
0x14: {  	_ =	sdelay $0x2  }
0x15: {  	s12 =	sshra.s32 s12, $0x2  }
.Ltmp3:
0x16: {  	(pc) =	sbr.rel .LBB2_4-.Ltmp3, $4  }
0x17: {  	[tilespmem:s12+$0x0] =	vst v1;
	s12 =	simm.s32 $0x0  }
0x18: {  	[tilespmem:s7], [sflag:$0x1] =	stream.linear.gather [hbm4b:s3+s12], $0x800, $0x38;
	[tilespmem:$0x9A20] =	vst v63  }
0x19: {  	p0 =	por $0x0, $0x0  }
0x1a: {  	[tilespmem:s8], [sflag:$0x1] =	stream.linear.gather [hbm4b:s4+s12], $0x800, $0x38;
	[tilespmem:$0x9A20] =	vst v63  }
.LBB2_18:
0x1b: {  	p1 =	sne.s32 s11, $0x19  }
.Ltmp4:
0x1c: {  	_ = 	snop;
	(pc) =	sbr.rel @!p1 .LBB2_19-.Ltmp4, $2  }
0x1d: {  	_ =	sdelay $0x2  }
0x1e: {  	p0 =	por !p0, !p0;
	s12 =	smov.u32 s11  }
.LBB2_4:
0x1f: {  	p1 =	seq.s32 s12, $0x18  }
.Ltmp5:
0x20: {  	_ = 	snop;
	(pc) =	sbr.rel @p1 .LBB2_9-.Ltmp5, $2  }
0x21: {  	_ =	sdelay $0x2  }
0x22: {  	s11 =	sadd.s32 $0x1, s12;
	s13 =	simm.s32 $0x1  }
0x23: {  	s13 =	sand.u32 $0x1, s11  }
0x24: {  	p1 =	seq.s32 s13, $0x0  }
.Ltmp6:
0x25: {  	_ = 	snop;
	(pc) =	sbr.rel @!p1 .LBB2_7-.Ltmp6, $3  }
0x26: {  	_ =	sdelay $0x1  }
0x27: {  	s14 =	sshll.u32 s11, $0x8  }
0x28: {  	s15 =	sadd.s32 s3, s14;
	s14 =	sadd.s32 s4, s14  }
.Ltmp7:
0x29: {  	(pc) =	sbr.rel @p1 .LBB2_8-.Ltmp7, $4  }
0x2a: {  	_ = 	snop  }
0x2b: {  	[tilespmem:s7], [sflag:$0x1] =	stream.linear.gather [hbm4b:s15+s2], $0x800, $0x38;
	[tilespmem:$0x9A20] =	vst v63  }
0x2c: {  	_ = 	snop  }
0x2d: {  	[tilespmem:s8], [sflag:$0x1] =	stream.linear.gather [hbm4b:s14+s2], $0x800, $0x38;
	[tilespmem:$0x9A20] =	vst v63  }
.LBB2_7:
0x2e: {  	s13 =	sshll.u32 s13, $0xB  }
0x2f: {  	s16 =	sadd.s32 $0x7A20, s13  }
0x30: {  	[tilespmem:s16], [sflag:$0x2] =	stream.linear.gather [hbm4b:s15+s2], $0x800, $0x38;
	[tilespmem:$0x9A20] =	vst v63  }
0x31: {  	s13 =	sadd.s32 $0x8A20, s13  }
0x32: {  	[tilespmem:s13], [sflag:$0x2] =	stream.linear.gather [hbm4b:s14+s2], $0x800, $0x38;
	[tilespmem:$0x9A20] =	vst v63  }
.LBB2_8:
0x33: {  	s13 =	sand.u32 $0x1, s12  }
0x34: {  	p1 =	seq.s32 s13, $0x1;
	s13 =	simm.s32 $0x2  }
0x35: {  	s13 =	simm.s32 @!p1 $0x1  }
.LBB2_9:
0x36: {  	s14 =	simm.s32 $0x1  }
0x37: {  	s14 =	simm.s32 @!p0 $0x0  }
0x38: {  	s14 =	sshll.u32 s14, $0xB  }
0x39: {  	_ =	swait.ge [sflag:s13], $0x800;
	s15 =	sadd.s32 $0x7A20, s14  }
0x3a: {  	[sflag:s13] =	ssyncset.done $0x0;
	v4 =	vmov s15  }
0x3b: {  	[sflag:s13] =	ssyncadd.s32 $0xFFFFF800;
	s14 =	sadd.s32 $0x8A20, s14  }
0x3c: {  	s12 =	sshll.u32 s12, $0xB;
	_ =	swait.ge [sflag:s13], $0x800;
	v3 =	vmov s14  }
0x3d: {  	s12 =	sand.u32 $0x800, s12;
	[sflag:s13] =	ssyncset.done $0x0  }
0x3e: {  	s14 =	simm.s32 $0x0;
	[sflag:s13] =	ssyncadd.s32 $0xFFFFF800;
	s13 =	simm.s32 $0x40  }
.LBB2_10:
0x3f: {  	p1 =	sne.s32 s13, $0x1FC0;
	v5 =	vld.idx.msk [tilespmem:v4+s14+$0x0 ss:$0x1], $0xffff;
	_ =	sdelay $0x5  }
0x40: {  	v5 =	vsub.s32 v5, v0  }
0x41: {  	vm1 =	vgt.s32 v5, $0x0  }
0x42: {  	vm2 =	vlt.u32 v5, $0x7A12;
	v5 =	vnsel vm1, $0x0, v5  }
0x43: {  	v5 =	vmin.u32 v5, $0x7A11;
	_ =	sdelay $0x3  }
0x44: {  	v6 =	vld.idx.msk [tilespmem:v3+s14+$0x0 ss:$0x1], $0xffff  }
0x45: {  	v7 =	vld.idx.msk [tilespmem:v5+s2+$0x0], vm2;
	_ =	sdelay $0x2  }
.Ltmp8:
0x46: {  	(pc) =	sbr.rel @p1 .LBB2_10-.Ltmp8, $4  }
0x47: {  	_ = 	snop  }
0x48: {  	v6 =	vshll.u32 v2, v6  }
0x49: {  	v6 =	vor.u32 v6, v7  }
0x4a: {  	s14 =	sshra.s32 s13, $0x2;
	s13 =	sadd.s32 $0x40, s13;
	[tilespmem:v5+s2+$0x0] =	vst.idx.msk vm2, v6  }
0x4b: {  	_ =	sdelay $0x3  }
0x4c: {  	v5 =	vld.idx.msk [tilespmem:v4+s14+$0x0 ss:$0x1], $0xffff;
	_ =	sdelay $0x4  }
0x4d: {  	v5 =	vsub.s32 v5, v0  }
0x4e: {  	vm1 =	vgt.s32 v5, $0x0  }
0x4f: {  	vm2 =	vlt.u32 v5, $0x7A12;
	v5 =	vnsel vm1, $0x0, v5  }
0x50: {  	v5 =	vmin.u32 v5, $0x7A11;
	_ =	sdelay $0x3  }
0x51: {  	v6 =	vld.idx.msk [tilespmem:v3+s14+$0x0 ss:$0x1], $0xffff  }
0x52: {  	v7 =	vld.idx.msk [tilespmem:v5+s2+$0x0], vm2;
	_ =	sdelay $0x3  }
0x53: {  	v6 =	vshll.u32 v2, v6  }
0x54: {  	v6 =	vor.u32 v6, v7  }
0x55: {  	[tilespmem:v5+s2+$0x0] =	vst.idx.msk vm2, v6  }
0x56: {  	_ =	sdelay $0x7ff  }
0x57: {  	s31 =	simm.s32 $0x0;
	_ =	sdelay $0x70  }
0x58: {  	v5 =	vld.idx.msk [tilespmem:v4+s31+$0x0 ss:$0x1], $0xffff;
	_ =	sdelay $0x4  }
0x59: {  	s15 =	simm.s32 $0x10;
	v5 =	vsub.s32 v5, v0  }
0x5a: {  	v6 =	vld.idx.msk [tilespmem:v4+s15+$0x0 ss:$0x1], $0xffff;
	vm1 =	vgt.s32 v5, $0x0  }
0x5b: {  	vm2 =	vlt.u32 v5, $0x7A12;
	v5 =	vnsel vm1, $0x0, v5  }
0x5c: {  	v5 =	vmin.u32 v5, $0x7A11  }
0x5d: {  	s13 =	simm.s32 $0x20  }
0x5e: {  	v7 =	vld.idx.msk [tilespmem:v4+s13+$0x0 ss:$0x1], $0xffff  }
0x5f: {  	v6 =	vsub.s32 v6, v0  }
0x60: {  	v8 =	vld.idx.msk [tilespmem:v3+s31+$0x0 ss:$0x1], $0xffff;
	vm1 =	vgt.s32 v6, $0x0  }
0x61: {  	vm4 =	vlt.u32 v6, $0x7A12;
	v6 =	vnsel vm1, $0x0, v6;
	v5 =	vld.idx.msk [tilespmem:v5+s2+$0x0], vm2  }
0x62: {  	v9 =	vmin.u32 v6, $0x7A11  }
0x63: {  	v7 =	vsub.s32 v7, v0  }
0x64: {  	s14 =	simm.s32 $0x30;
	vm3 =	vgt.s32 v7, $0x0  }
0x65: {  	v10 =	vnsel vm3, $0x0, v7;
	v6 =	vld.idx.msk [tilespmem:v4+s14+$0x0 ss:$0x1], $0xffff  }
0x66: {  	vm3 =	vlt.u32 v7, $0x7A12;
	vm1 =	vmmov vm2;
	v8 =	vshrl.u32 v5, v8;
	v5 =	vld.idx.msk [tilespmem:v3+s15+$0x0 ss:$0x1], $0xffff  }
0x67: {  	vm1 =	vmmov vm1;
	v7 =	vld.idx.msk [tilespmem:v9+s2+$0x0], vm4;
	v11 =	vand.u32 $0x1, v8;
	v8 =	vmin.u32 v10, $0x7A11  }
0x68: {  	vm2 =	vmmov vm4;
	vm4 =	vmmov vm0;
	s15 =	simm.s32 $0x100;
	vm5 =	veq.s32 v11, $0x0  }
.LBB2_12:
0x69: {  	s16 =	sshra.s32 s15, $0x2;
	p1 =	sne.s32 s15, $0x1FC0;
	s15 =	sadd.s32 $0x40, s15;
	vm5 =	vmand vm1, vm5;
	vm1 =	vmmov vm2;
	vm2 =	vmmov vm3  }
.Ltmp9:
0x6a: {  	v9 =	vsub.s32 v6, v0;
	v6 =	vld.idx.msk [tilespmem:v4+s16+$0x0 ss:$0x1], $0xffff;
	vm4 =	vmor vm4, vm5;
	(pc) =	sbr.rel @p1 .LBB2_12-.Ltmp9, $4  }
0x6b: {  	vm5 =	vgt.s32 v9, $0x0;
	v10 =	vmov v5;
	v5 =	vld.idx.msk [tilespmem:v3+s13+$0x0 ss:$0x1], $0xffff;
	s13 =	smov.u32 s14;
	s14 =	smov.u32 s16  }
0x6c: {  	v11 =	vnsel vm5, $0x0, v9;
	v10 =	vshrl.u32 v7, v10;
	v7 =	vld.idx.msk [tilespmem:v8+s2+$0x0], vm3;
	vm3 =	vlt.u32 v9, $0x7A12  }
0x6d: {  	v8 =	vmin.u32 v11, $0x7A11;
	v9 =	vand.u32 $0x1, v10  }
0x6e: {  	vm5 =	veq.s32 v9, $0x0  }
0x6f: {  	v4 =	vsub.s32 v6, v0  }
0x70: {  	vm6 =	vgt.s32 v4, $0x0  }
0x71: {  	vm12 =	vlt.u32 v4, $0x7A12;
	v6 =	vnsel vm6, $0x0, v4  }
0x72: {  	v61 =	vmin.u32 v6, $0x7A11;
	_ =	sdelay $0x1  }
0x73: {  	v62 =	vld.idx.msk [tilespmem:v3+s13+$0x0 ss:$0x1], $0xffff  }
0x74: {  	v8 =	vld.idx.msk [tilespmem:v8+s2+$0x0], vm3  }
0x75: {  	v3 =	vld.idx.msk [tilespmem:v3+s14+$0x0 ss:$0x1], $0xffff  }
0x76: {  	v4 =	vld.idx.msk [tilespmem:v61+s2+$0x0], vm12  }
0x77: {  	vm1 =	vmand vm1, vm5  }
0x78: {  	vm2 =	vmmov vm2;
	vm3 =	vmmov vm3;
	v5 =	vshrl.u32 v7, v5  }
0x79: {  	vm1 =	vmor vm4, vm1;
	vm3 =	vmmov vm3;
	v5 =	vand.u32 $0x1, v5  }
0x7a: {  	vm14 =	vmmov vm12;
	vm13 =	veq.s32 v5, $0x0;
	v63 =	vshrl.u32 v8, v62  }
0x7b: {  	vm2 =	vmand vm2, vm13;
	v5 =	vand.u32 $0x1, v63;
	v3 =	vshrl.u32 v4, v3  }
0x7c: {  	vm1 =	vmor vm1, vm2;
	vm2 =	veq.s32 v5, $0x0;
	v3 =	vand.u32 $0x1, v3  }
0x7d: {  	vm2 =	vmand vm3, vm2;
	vm3 =	vmmov vm14;
	vm15 =	veq.s32 v3, $0x0  }
0x7e: {  	vm1 =	vmor vm1, vm2;
	vm2 =	vmand vm3, vm15  }
0x7f: {  	vm1 =	vmor vm1, vm2  }
0x80: {  	v3 =	vmpcnt.ones.xlane vm1;
	_ =	sdelay $0x1  }
0x81: {  	(v2sf) =	vpush v3, $0x0;
	_ =	sdelay $0xe  }
0x82: {  	s31 =	spop (v2sf)  }
0x83: {  	p1 =	slt.s32 s31, $0x1  }
.Ltmp10:
0x84: {  	_ = 	snop;
	(pc) =	sbr.rel @!p1 .LBB2_14-.Ltmp10, $4  }
.Ltmp11:
0x85: {  	_ = 	snop;
	(pc) =	sbr.rel @p1 .LBB2_18-.Ltmp11, $4  }
0x86: {  	_ = 	snop  }
0x87: {  	_ = 	snop  }
0x88: {  	s13 =	simm.s32 $0x0  }
0x89: {  	_ = 	snop  }
.LBB2_17:
0x8a: {  	s13 =	sadd.s32 $0x1, s13  }
0x8b: {  	p1 =	sne.s32 s13, $0x80  }
.Ltmp12:
0x8c: {  	_ = 	snop;
	(pc) =	sbr.rel @!p1 .LBB2_18-.Ltmp12, $1  }
0x8d: {  	_ =	sdelay $0x3  }
.LBB2_14:
0x8e: {  	s14 =	sshll.u32 s13, $0x4  }
0x8f: {  	s14 =	sadd.s32 s12, s14  }
0x90: {  	v3 =	vld [tilespmem:s14+$0x7A20];
	_ =	sdelay $0x4  }
0x91: {  	v3 =	vsub.s32 v3, v0  }
0x92: {  	vm1 =	vlt.u32 v3, $0x7A12  }
0x93: {  	v4 =	vmpcnt.ones.xlane vm1;
	_ =	sdelay $0x1  }
0x94: {  	(v2sf) =	vpush v4, $0x0;
	_ =	sdelay $0xe  }
0x95: {  	s15 =	spop (v2sf)  }
0x96: {  	p1 =	slt.s32 s15, $0x1  }
.Ltmp13:
0x97: {  	_ = 	snop;
	(pc) =	sbr.rel @p1 .LBB2_17-.Ltmp13, $2  }
0x98: {  	_ =	sdelay $0x2  }
0x99: {  	v4 =	vld [tilespmem:s14+$0x8A20]  }
0x9a: {  	vm2 =	vgt.s32 v3, $0x0  }
0x9b: {  	v3 =	vnsel vm2, $0x0, v3  }
0x9c: {  	v3 =	vmin.u32 v3, $0x7A11;
	_ =	sdelay $0x3  }
0x9d: {  	v4 =	vshll.u32 v2, v4  }
.LBB2_16:
0x9e: {  	v5 =	vld.idx.msk [tilespmem:v3+s2+$0x0], vm1;
	_ =	sdelay $0x4  }
0x9f: {  	v5 =	vor.u32 v4, v5  }
0xa0: {  	[tilespmem:v3+s2+$0x0] =	vst.idx.msk vm1, v5  }
0xa1: {  	v5 =	vld.idx.msk [tilespmem:v3+s2+$0x0], vm1;
	_ =	sdelay $0x4  }
0xa2: {  	v5 =	vand.u32 v4, v5  }
0xa3: {  	vm2 =	veq.s32 v5, $0x0  }
0xa4: {  	vm1 =	vmand vm1, vm2  }
0xa5: {  	v5 =	vmpcnt.ones.xlane vm1;
	_ =	sdelay $0x1  }
0xa6: {  	(v2sf) =	vpush v5, $0x0;
	_ =	sdelay $0xe  }
0xa7: {  	s14 =	spop (v2sf)  }
0xa8: {  	p1 =	sgt.s32 s14, $0x0  }
.Ltmp14:
0xa9: {  	_ = 	snop;
	(pc) =	sbr.rel @p1 .LBB2_16-.Ltmp14, $1  }
0xaa: {  	_ =	sdelay $0x3  }
.Ltmp15:
0xab: {  	_ = 	snop;
	(pc) =	sbr.rel .LBB2_17-.Ltmp15, $1  }
0xac: {  	_ =	sdelay $0x3  }
.LBB2_20:
0xad: {  	_ =	sfence.sel $0x180000  }
0xae: {  	[bflag:$0x0] =	sbarrier.arrive $0xFFFF  }
0xaf: {  	p0 =	sne.s32 s1, $0x0;
	_ =	strace $0x90000047  }
0xb0: {  	s0 =	sadd.s32 @!p0 $0x100000, s0;
	[bflag:$0x2] =	sbarrier.arrive $0xFFFF  }
0xb1: {  	[sflag:s0] =	ssyncadd.tile.s32 @!p0 $0x1;
	_ =	shalt  }
.Lfunc_end2:
_tile_overlayer_lowered:
.L_overlay_start_2:
0xb2: {  	(tag) =	ssettag $0x2  }
0xb3: {  	s0 =	rddreg [dreg:$0x0];
	s2 =	stileid.u32  }
0xb4: {  	s1 =	rddreg [dreg:$0x1];
	p0 =	sne.s32 s2, $0x0  }
0xb5: {  	s3 =	rddreg [dreg:$0x2];
	[bflag:$0x3] =	sbarrier.arrive $0xFFFF;
	s2 =	simm.s32 @!p0 $0x1C03  }
0xb6: {  	[timem:s3], [sflag:s2] =	dma.local @!p0 [hbm:s0], s1  }
0xb7: {  	s0 =	simm.s32 @!p0 $0x3  }
0xb8: {  	_ =	swait.ge @!p0 [sflag:s0], s1  }
0xb9: {  	s1 =	ssub.s32 @!p0 $0x0, s1;
	[sflag:s0] =	ssyncset.done @!p0 $0x0  }
0xba: {  	[sflag:s0] =	ssyncadd.s32 @!p0 s1  }
0xbb: {  	[bflag:$0x3] =	sbarrier.arrive $0xFFFF  }
0xbc: {  	_ =	shalt  }

// kernel: kernel.9.cloned.1.call-start
scs
__scs_entry_jumppad:
0x0: {  	(pc) =	sbr.rel $0x88, $3  }
0x1: {  	(tag) =	ssettag $0x0;
	lr =	simm.s32 $0x1  }
0x2: {  	[smem:$0x3F9B] =	sst lr;
	_ =	strace $0xD0000000  }
0x3: {  	_ = 	snop  }
0x4: {  	_ = 	snop  }
0x5: {  	_ = 	snop  }
0x6: {  	_ = 	snop  }
0x7: {  	_ = 	snop  }
__scs_overlays_trampoline_lowered:
0x8: {  	[smem:$0x3FAA] =	sst s0  }
0x9: {  	[smem:$0x3FAB] =	sst s1  }
0xa: {  	[smem:$0x3FAC] =	sst s2  }
0xb: {  	[smem:$0x3FAD] =	sst s3  }
0xc: {  	[smem:$0x3FAE] =	sst s4  }
0xd: {  	[smem:$0x3FAF] =	sst s5  }
0xe: {  	[smem:$0x3FB0] =	sst s6  }
0xf: {  	[smem:$0x3FB1] =	sst s7  }
0x10: {  	[smem:$0x3FB2] =	sst s8  }
0x11: {  	[smem:$0x3FB3] =	sst s9;
	s0 =	simm.s32 @!p0 $0x0  }
0x12: {  	s1 =	sld [smem:$0x3F99];
	s0 =	simm.s32 @p0 $0x1  }
0x13: {  	[smem:$0x3FB4] =	sst s0;
	s0 =	simm.s32 @!p1 $0x0  }
0x14: {  	s2 =	sld [smem:$0x3F98];
	s0 =	simm.s32 @p1 $0x1  }
0x15: {  	[smem:$0x3FB5] =	sst s0;
	s0 =	simm.s32 @!p2 $0x0  }
0x16: {  	s3 =	sld [smem:$0x3FDB];
	s0 =	simm.s32 @p2 $0x1  }
0x17: {  	s4 =	simm.s32 $0x1BF5;
	[smem:$0x3FB7] =	sst s0  }
0x18: {  	s0 =	sld [smem:$0x3F9A];
	_ =	swait.ge [sflag:s4], $0x0  }
0x19: {  	s7 =	sld [smem:$0x3F9B]  }
0x1a: {  	s8 =	sadd.s32 $0xFFFFE003, lr  }
0x1b: {  	s9 =	sadd.s32 $0xFFFFFEF7, lr;
	s5 =	simm.s32 $0xFFFFFFFF;
	p2 =	slt.u32 s8, $0xFFFFF086  }
0x1c: {  	p1 =	slt.u32 s9, $0xF7A;
	s5 =	simm.s32 @!p2 $0x0  }
0x1d: {  	s5 =	simm.s32 @p1 $0x1;
	p0 =	seq.s32 s7, s2  }
0x1e: {  	s7 =	smul.u32 @!p0 $0xF7A, s2;
	p2 =	seq.s32 @!p0 s5, $0x0  }
0x1f: {  	s9 =	smul.u32 $0xF7A, s1;
	s8 =	simm.s32 @!p0 $0x1BF5;
	p2 =	por !p2, p0  }
0x20: {  	[sflag:s8] =	ssyncset.s32 @!p0 $0xFFFFF086;
	s6 =	sadd.s32 @!p0 s3, s7;
	s7 =	simm.s32 @!p0 $0x108  }
0x21: {  	s3 =	sadd.s32 s3, s9;
	s6 =	sadd.s32 @!p0 $0x88, s6;
	s7 =	simm.s32 @p2 $0x1082  }
0x22: {  	[simem:s7], [sflag:s8] =	dma.local @!p0 [hbm:s6], $0xF7A  }
0x23: {  	s9 =	sor.u32 $0xD0000000, s2;
	s6 =	simm.s32 $0x108;
	_ =	swait.ge @!p0 [sflag:s8], $0x0  }
0x24: {  	s3 =	sadd.s32 $0x88, s3;
	s6 =	simm.s32 @!p1 $0x1082;
	[sflag:s4] =	ssyncset.s32 $0xFFFFF086  }
0x25: {  	[simem:s6], [sflag:s4] =	dma.local [hbm:s3], $0xF7A  }
0x26: {  	[smem:$0x3F9B] =	sst s1;
	(tag) =	ssettag s2;
	_ =	strace s9  }
0x27: {  	s1 =	sld [smem:$0x3FAB]  }
0x28: {  	s2 =	sld [smem:$0x3FAC]  }
0x29: {  	s4 =	sld [smem:$0x3FAE]  }
0x2a: {  	p0 =	seq.s32 s5, $0x0;
	s5 =	sld [smem:$0x3FAF]  }
0x2b: {  	s6 =	sld [smem:$0x3FB0]  }
0x2c: {  	s7 =	sld [smem:$0x3FB1]  }
0x2d: {  	s3 =	simm.s32 $0x108;
	s8 =	sld [smem:$0x3FB2]  }
0x2e: {  	s3 =	simm.s32 @!p0 $0x1082;
	s9 =	sld [smem:$0x3FB3]  }
0x2f: {  	lr =	sadd.s32 s0, s3;
	s0 =	sld [smem:$0x3FAA]  }
0x30: {  	s3 =	sld [smem:$0x3FAD]  }
0x31: {  	[smem:$0x3FB6] =	sst s10  }
0x32: {  	s10 =	sld [smem:$0x3FB4];
	_ =	sdelay $0x3  }
0x33: {  	p0 =	seq.s32 s10, $0x1;
	s10 =	sld [smem:$0x3FB6];
	_ =	sdelay $0x3  }
0x34: {  	[smem:$0x3FB6] =	sst s10  }
0x35: {  	s10 =	sld [smem:$0x3FB5];
	_ =	sdelay $0x3  }
0x36: {  	p1 =	seq.s32 s10, $0x1;
	s10 =	sld [smem:$0x3FB6];
	_ =	sdelay $0x3  }
0x37: {  	[smem:$0x3FB6] =	sst s10  }
0x38: {  	s10 =	sld [smem:$0x3FB7]  }
0x39: {  	_ = 	snop;
	(pc) =	sbr.ind lr, $3  }
0x3a: {  	_ = 	snop  }
0x3b: {  	_ = 	snop  }
0x3c: {  	p2 =	seq.s32 s10, $0x1;
	s10 =	sld [smem:$0x3FB6]  }
0x3d: {  	_ =	shalt  }
0x3e: {  	_ =	shalt  }
0x3f: {  	_ =	shalt  }
0x40: {  	_ =	shalt  }
0x41: {  	_ =	shalt  }
0x42: {  	_ =	shalt  }
0x43: {  	_ =	shalt  }
0x44: {  	_ =	shalt  }
0x45: {  	_ =	shalt  }
0x46: {  	_ =	shalt  }
0x47: {  	_ =	shalt  }
0x48: {  	_ =	shalt  }
0x49: {  	_ =	shalt  }
0x4a: {  	_ =	shalt  }
0x4b: {  	_ =	shalt  }
0x4c: {  	_ =	shalt  }
0x4d: {  	_ =	shalt  }
0x4e: {  	_ =	shalt  }
0x4f: {  	_ =	shalt  }
0x50: {  	_ =	shalt  }
0x51: {  	_ =	shalt  }
0x52: {  	_ =	shalt  }
0x53: {  	_ =	shalt  }
0x54: {  	_ =	shalt  }
0x55: {  	_ =	shalt  }
0x56: {  	_ =	shalt  }
0x57: {  	_ =	shalt  }
0x58: {  	_ =	shalt  }
0x59: {  	_ =	shalt  }
0x5a: {  	_ =	shalt  }
0x5b: {  	_ =	shalt  }
0x5c: {  	_ =	shalt  }
0x5d: {  	_ =	shalt  }
0x5e: {  	_ =	shalt  }
0x5f: {  	_ =	shalt  }
0x60: {  	_ =	shalt  }
0x61: {  	_ =	shalt  }
0x62: {  	_ =	shalt  }
0x63: {  	_ =	shalt  }
0x64: {  	_ =	shalt  }
0x65: {  	_ =	shalt  }
0x66: {  	_ =	shalt  }
0x67: {  	_ =	shalt  }
0x68: {  	_ =	shalt  }
0x69: {  	_ =	shalt  }
0x6a: {  	_ =	shalt  }
0x6b: {  	_ =	shalt  }
0x6c: {  	_ =	shalt  }
0x6d: {  	_ =	shalt  }
0x6e: {  	_ =	shalt  }
0x6f: {  	_ =	shalt  }
0x70: {  	_ =	shalt  }
0x71: {  	_ =	shalt  }
0x72: {  	_ =	shalt  }
0x73: {  	_ =	shalt  }
0x74: {  	_ =	shalt  }
0x75: {  	_ =	shalt  }
0x76: {  	_ =	shalt  }
0x77: {  	_ =	shalt  }
0x78: {  	_ =	shalt  }
0x79: {  	_ =	shalt  }
0x7a: {  	_ =	shalt  }
0x7b: {  	_ =	shalt  }
0x7c: {  	_ =	shalt  }
0x7d: {  	_ =	shalt  }
0x7e: {  	_ =	shalt  }
0x7f: {  	_ =	shalt  }
0x80: {  	_ =	shalt  }
0x81: {  	_ =	shalt  }
0x82: {  	_ =	shalt  }
0x83: {  	_ =	shalt  }
0x84: {  	_ =	shalt  }
0x85: {  	_ =	shalt  }
0x86: {  	_ =	shalt  }
0x87: {  	_ =	shalt  }
.Lfunc_end0:
.L_simem_size_0:
called_computation.1_lowered:
.L_overlay_start_0:
0x88: {  	s2 =	sld [smem:$0x3FD9]  }
0x89: {  	s3 =	sld [smem:$0x3FFE];
	_ =	sdelay $0x1  }
0x8a: {  	s1 =	srdreg.scid  }
0x8b: {  	s0 =	sand.u32 $0x1, s1  }
0x8c: {  	s17 =	sshll.u32 s0, $0xA;
	s2 =	sadd.s32 s3, s2  }
0x8d: {  	s2 =	sadd.s32 s2, s17  }
0x8e: {  	[smem:$0x3FC2] =	sst s2  }
0x8f: {  	_ = 	snop  }
0x90: {  	s2 =	sld [smem:$0x3FD0];
	(tm) =	ssettm $0x1  }
0x91: {  	s18 =	sld [smem:$0x3FFB];
	_ =	sdelay $0x3  }
0x92: {  	_ =	strace s18  }
0x93: {  	s3 =	sld [smem:$0x3FFC];
	_ =	sdelay $0x3  }
0x94: {  	_ =	strace s3  }
0x95: {  	s3 =	sld [smem:$0x3FFD];
	_ =	sdelay $0x3  }
0x96: {  	_ =	strace s3  }
0x97: {  	_ =	strace $0x8FFFFFFF  }
0x98: {  	s19 =	sld [smem:$0x3FDB];
	_ =	sdelay $0x1  }
0x99: {  	s4 =	simm.s32 $_scs_section_size  }
0x9a: {  	s5 =	simm.s32 $_size__tile_overlayer_lowered;
	s6 =	simm.s32 $_tile_overlayer_lowered  }
0x9b: {  	s22 =	simm.s32 $0x1BFF;
	s21 =	sshll.u32 s6, $0x1;
	s3 =	sadd.s32 s4, s19  }
0x9c: {  	s7 =	simm.s32 $0x0;
	s20 =	sshll.u32 s5, $0x1;
	s5 =	sadd.s32 s21, s3  }
0x9d: {  	[timem:s7], [sflag:s22] =	dma.local [hbm:s5], s20  }
0x9e: {  	_ =	swait.ge [sflag:s22], s20  }
0x9f: {  	s4 =	ssub.s32 $0x0, s20;
	[sflag:s22] =	ssyncset.done $0x0  }
0xa0: {  	[sflag:s22] =	ssyncadd.s32 s4;
	_ =	sdelay $0x1  }
0xa1: {  	s23 =	simm.s32 $0x1B8B  }
0xa2: {  	_ =	swait.ge [sflag:s23], $0x1  }
0xa3: {  	[sflag:s23] =	ssyncset.done $0x0  }
0xa4: {  	s25 =	simm.s32 $0x1B8E;
	s24 =	sld [smem:$0x3FFE];
	[sflag:s23] =	ssyncadd.s32 $0xFFFFFFFF  }
0xa5: {  	s26 =	simm.s32 $execute0_lowered;
	[smem:$0x3FD2] =	sst s25  }
0xa6: {  	s5 =	sshll.u32 s26, $0x1;
	_ =	strace $0x80000049;
	[dreg:$0x1] =	wrdreg $0xFFFFFFFF  }
0xa7: {  	s28 =	simm.s32 $_size_execute0_lowered;
	s3 =	sadd.s32 s3, s5;
	[dreg:$0x0] =	wrdreg $0x0  }
0xa8: {  	s5 =	sshll.u32 s28, $0x1;
	[dreg:$0x2] =	wrdreg s3  }
0xa9: {  	[dreg:$0x3] =	wrdreg s5  }
0xaa: {  	[dreg:$0x4] =	wrdreg $0xC0  }
0xab: {  	_ =	task [dreg:s7], $0x5FFFF  }
0xac: {  	[dreg:$0x1] =	wrdreg $0xFFFFFFFF  }
0xad: {  	[dreg:$0x0] =	wrdreg $0x60  }
0xae: {  	[dreg:$0x2] =	wrdreg s2  }
0xaf: {  	[dreg:$0x3] =	wrdreg s24  }
0xb0: {  	[dreg:$0x4] =	wrdreg $0x9  }
0xb1: {  	_ =	task.clear_ibuf [dreg:s7], $0x5FFFF;
	_ =	strace $0x90000049  }
0xb2: {  	s29 =	simm.s32 $0x9;
	_ =	strace $0x8000004B  }
0xb3: {  	_ =	swait.ge [sflag:s29], $0x1  }
0xb4: {  	[sflag:s29] =	ssyncadd.s32 $0xFFFFFFFF  }
0xb5: {  	_ =	strace $0x9000004B  }
0xb6: {  	_ =	sfence  }
0xb7: {  	s30 =	sld [smem:$0x0];
	_ =	sdelay $0x2  }
0xb8: {  	s31 =	sshll.u32 s1, $0xD;
	s1 =	sshrl.u32 s1, $0x2  }
0xb9: {  	s3 =	sand.u32 $0x4000, s31;
	s1 =	sadd.s32 s1, s30  }
0xba: {  	s0 =	sor.u32 s3, s0;
	s1 =	sshll.u32 s1, $0x11  }
0xbb: {  	s0 =	sor.u32 s1, s0  }
0xbc: {  	s0 =	sadd.s32 $0x8F2B, s0  }
0xbd: {  	[sflag:s0] =	ssyncadd.remote.s32 $0x1  }
0xbe: {  	_ =	sfence.sel $0xFFFF  }
0xbf: {  	[dreg:$0x0] =	wrdreg $0xFFFFFFFF;
	(pc) =	sbr.abs _section_cstart, $3  }
0xc0: {  	[dreg:$0x1] =	wrdreg $0xFFFFFFFF  }
0xc1: {  	_ =	task.clear_ibuf [dreg:s7], $0x2FFFF;
	_ =	strace $0x9FFFFFFF  }
0xc2: {  	(tm) =	ssettm $0x7FFFFFFF  }
0xc3: {  	_ =	shalt  }
tec
execute0_lowered:
.L_overlay_start_1:
0x0: {  	(tag) =	ssettag $0x1  }
0x1: {  	s1 =	rddreg [dreg:$0x0]  }
0x2: {  	s0 =	rddreg [dreg:$0x1];
	s2 =	srdreg.scid  }
0x3: {  	s3 =	simm.s32 $0x0;
	s5 =	stileid.u32;
	s10 =	simm.s32 $0x1  }
0x4: {  	s11 =	simm.s32 $0x4280;
	s12 =	simm.s32 $0x42A0;
	s13 =	simm.s32 $0x80  }
0x5: {  	s19 =	simm.s32 $0x780;
	s29 =	simm.s32 $0x800;
	s20 =	simm.s32 $0x880  }
0x6: {  	s15 =	simm.s32 $0x900;
	s25 =	simm.s32 $0x980;
	s18 =	simm.s32 $0xA80  }
0x7: {  	s21 =	simm.s32 $0xB00;
	s24 =	simm.s32 $0xB80;
	s28 =	simm.s32 $0x46A0  }
0x8: {  	s9 =	simm.s32 $0x3;
	s31 =	simm.s32 $0x0;
	s2 =	sand.u32 $0x1, s2  }
0x9: {  	[smem:$0x7FF] =	sst s3;
	s8 =	sadd.s32 $0x23A00, s0;
	s4 =	sshll.u32 s2, $0x4  }
0xa: {  	_ =	strace $0x8000004A;
	s2 =	ssub.s32 $0x2, s2;
	s4 =	sor.u32 s5, s4  }
0xb: {  	[dreg:$0x3] =	wrdreg s8;
	s7 =	sshrl.u32 s2, $0x1;
	s6 =	smul.u32 $0x190, s4  }
.Ltmp0:
0xc: {  	s8 =	simm.s32 $0x3E80;
	s2 =	ssub.s32 s2, s7;
	(pc) =	sbr.rel .LBB2_1-.Ltmp0, $4  }
0xd: {  	v0 =	vlaneseq.u32;
	s5 =	sadd.s32 $0x23C00, s0;
	s4 =	sadd.s32 $0x1A00, s0;
	s30 =	smax.u32 s2, $0x1  }
0xe: {  	v1 =	vmul.u32 $0x20, v0;
	s6 =	sadd.s32 s6, s0;
	s0 =	sadd.s32 $0x23800, s0;
	[dreg:$0x6] =	wrdreg s30  }
0xf: {  	s7 =	simm.s32 $0x2;
	[dreg:$0x4] =	wrdreg s0;
	s26 =	sadd.s32 $0x42600, s6  }
0x10: {  	v3 =	vimm.s32 $0x1;
	v2 =	vor.u32 $0x200, v1;
	s2 =	simm.s32 $0xA00;
	s6 =	simm.s32 $0xC00;
	[dreg:$0x5] =	wrdreg s26  }
.LBB2_57:
0x11: {  	s0 =	simm.s32 $0x2580;
	s14 =	simm.s32 $0x3200  }
0x12: {  	[hbm4b:s1+s13] =	stream.indirect.scatter [tilespmem:s14], [sflag:$0x3], $0x1, s0, s13, $0xb8;
	[tilespmem:$0x46C0] =	vst v63  }
0x13: {  	s16 =	simm.s32 $0x2600;
	s17 =	simm.s32 $0x3280  }
0x14: {  	[hbm4b:s1+s13] =	stream.indirect.scatter [tilespmem:s17], [sflag:$0x3], $0x1, s16, s13, $0xb8;
	[tilespmem:$0x46C0] =	vst v63  }
0x15: {  	s22 =	simm.s32 $0x2680;
	s23 =	simm.s32 $0x3300  }
0x16: {  	[hbm4b:s1+s13] =	stream.indirect.scatter [tilespmem:s23], [sflag:$0x3], $0x1, s22, s13, $0xb8;
	[tilespmem:$0x46C0] =	vst v63  }
0x17: {  	s26 =	simm.s32 $0x2700;
	s30 =	simm.s32 $0x3380  }
0x18: {  	[hbm4b:s1+s13] =	stream.indirect.scatter [tilespmem:s30], [sflag:$0x3], $0x1, s26, s13, $0xb8;
	[tilespmem:$0x46C0] =	vst v63  }
0x19: {  	s16 =	simm.s32 $0x2780;
	s17 =	simm.s32 $0x3400  }
0x1a: {  	[hbm4b:s1+s13] =	stream.indirect.scatter [tilespmem:s17], [sflag:$0x3], $0x1, s16, s13, $0xb8;
	[tilespmem:$0x46C0] =	vst v63  }
0x1b: {  	s22 =	simm.s32 $0x2800;
	s23 =	simm.s32 $0x3480  }
0x1c: {  	[hbm4b:s1+s13] =	stream.indirect.scatter [tilespmem:s23], [sflag:$0x3], $0x1, s22, s13, $0xb8;
	[tilespmem:$0x46C0] =	vst v63  }
0x1d: {  	s26 =	simm.s32 $0x2880;
	s30 =	simm.s32 $0x3500  }
0x1e: {  	[hbm4b:s1+s13] =	stream.indirect.scatter [tilespmem:s30], [sflag:$0x3], $0x1, s26, s13, $0xb8;
	[tilespmem:$0x46C0] =	vst v63  }
0x1f: {  	s16 =	simm.s32 $0x2900;
	s17 =	simm.s32 $0x3580  }
0x20: {  	[hbm4b:s1+s13] =	stream.indirect.scatter [tilespmem:s17], [sflag:$0x3], $0x1, s16, s13, $0xb8;
	[tilespmem:$0x46C0] =	vst v63  }
0x21: {  	s22 =	simm.s32 $0x2980;
	s23 =	simm.s32 $0x3600  }
0x22: {  	[hbm4b:s1+s13] =	stream.indirect.scatter [tilespmem:s23], [sflag:$0x3], $0x1, s22, s13, $0xb8;
	[tilespmem:$0x46C0] =	vst v63  }
0x23: {  	s26 =	simm.s32 $0x2A00;
	s30 =	simm.s32 $0x3680  }
0x24: {  	[hbm4b:s1+s13] =	stream.indirect.scatter [tilespmem:s30], [sflag:$0x3], $0x1, s26, s13, $0xb8;
	[tilespmem:$0x46C0] =	vst v63  }
0x25: {  	s16 =	simm.s32 $0x2A80;
	s17 =	simm.s32 $0x3700  }
0x26: {  	[hbm4b:s1+s13] =	stream.indirect.scatter [tilespmem:s17], [sflag:$0x3], $0x1, s16, s13, $0xb8;
	[tilespmem:$0x46C0] =	vst v63  }
0x27: {  	s22 =	simm.s32 $0x2B00;
	s23 =	simm.s32 $0x3780  }
0x28: {  	[hbm4b:s1+s13] =	stream.indirect.scatter [tilespmem:s23], [sflag:$0x3], $0x1, s22, s13, $0xb8;
	[tilespmem:$0x46C0] =	vst v63  }
0x29: {  	s26 =	simm.s32 $0x2B80;
	s30 =	simm.s32 $0x3800  }
0x2a: {  	[hbm4b:s1+s13] =	stream.indirect.scatter [tilespmem:s30], [sflag:$0x3], $0x1, s26, s13, $0xb8;
	[tilespmem:$0x46C0] =	vst v63  }
0x2b: {  	s16 =	simm.s32 $0x2C00;
	s17 =	simm.s32 $0x3880  }
0x2c: {  	[hbm4b:s1+s13] =	stream.indirect.scatter [tilespmem:s17], [sflag:$0x3], $0x1, s16, s13, $0xb8;
	[tilespmem:$0x46C0] =	vst v63  }
0x2d: {  	s22 =	simm.s32 $0x2C80;
	s23 =	simm.s32 $0x3900  }
0x2e: {  	[hbm4b:s1+s13] =	stream.indirect.scatter [tilespmem:s23], [sflag:$0x3], $0x1, s22, s13, $0xb8;
	[tilespmem:$0x46C0] =	vst v63  }
0x2f: {  	s26 =	simm.s32 $0x2D00;
	s30 =	simm.s32 $0x3980  }
0x30: {  	[hbm4b:s1+s13] =	stream.indirect.scatter [tilespmem:s30], [sflag:$0x3], $0x1, s26, s13, $0xb8;
	[tilespmem:$0x46C0] =	vst v63  }
0x31: {  	s16 =	simm.s32 $0x2D80;
	s17 =	simm.s32 $0x3A00  }
0x32: {  	[hbm4b:s1+s13] =	stream.indirect.scatter [tilespmem:s17], [sflag:$0x3], $0x1, s16, s13, $0xb8;
	[tilespmem:$0x46C0] =	vst v63  }
0x33: {  	s22 =	simm.s32 $0x2E00;
	s23 =	simm.s32 $0x3A80  }
0x34: {  	[hbm4b:s1+s13] =	stream.indirect.scatter [tilespmem:s23], [sflag:$0x3], $0x1, s22, s13, $0xb8;
	[tilespmem:$0x46C0] =	vst v63  }
0x35: {  	s26 =	simm.s32 $0x2E80;
	s30 =	simm.s32 $0x3B00  }
0x36: {  	[hbm4b:s1+s13] =	stream.indirect.scatter [tilespmem:s30], [sflag:$0x3], $0x1, s26, s13, $0xb8;
	[tilespmem:$0x46C0] =	vst v63  }
0x37: {  	s16 =	simm.s32 $0x2F00;
	s17 =	simm.s32 $0x3B80  }
0x38: {  	[hbm4b:s1+s13] =	stream.indirect.scatter [tilespmem:s17], [sflag:$0x3], $0x1, s16, s13, $0xb8;
	[tilespmem:$0x46C0] =	vst v63  }
0x39: {  	s22 =	simm.s32 $0x2F80;
	s23 =	simm.s32 $0x3C00  }
0x3a: {  	[hbm4b:s1+s13] =	stream.indirect.scatter [tilespmem:s23], [sflag:$0x3], $0x1, s22, s13, $0xb8;
	[tilespmem:$0x46C0] =	vst v63  }
0x3b: {  	s26 =	simm.s32 $0x3000;
	s30 =	simm.s32 $0x3C80  }
0x3c: {  	[hbm4b:s1+s13] =	stream.indirect.scatter [tilespmem:s30], [sflag:$0x3], $0x1, s26, s13, $0xb8;
	[tilespmem:$0x46C0] =	vst v63  }
0x3d: {  	s14 =	simm.s32 $0x3080;
	s16 =	simm.s32 $0x3D00  }
0x3e: {  	[hbm4b:s1+s13] =	stream.indirect.scatter [tilespmem:s16], [sflag:$0x3], $0x1, s14, s13, $0xb8;
	[tilespmem:$0x46C0] =	vst v63  }
0x3f: {  	s17 =	simm.s32 $0x3100;
	s22 =	simm.s32 $0x3D80  }
0x40: {  	[hbm4b:s1+s13] =	stream.indirect.scatter [tilespmem:s22], [sflag:$0x3], $0x1, s17, s13, $0xb8;
	[tilespmem:$0x46C0] =	vst v63  }
0x41: {  	s23 =	simm.s32 $0x3180;
	s26 =	simm.s32 $0x3E00  }
0x42: {  	[hbm4b:s1+s13] =	stream.indirect.scatter [tilespmem:s26], [sflag:$0x3], $0x1, s23, s13, $0xb8;
	[tilespmem:$0x46C0] =	vst v63  }
0x43: {  	_ =	swait.ge [sflag:s9], $0x80  }
0x44: {  	[sflag:s9] =	ssyncset.done $0x0  }
0x45: {  	[sflag:s9] =	ssyncadd.s32 $0xFFFFFF80  }
0x46: {  	_ =	swait.ge [sflag:s9], $0x80  }
0x47: {  	[sflag:s9] =	ssyncset.done $0x0  }
0x48: {  	[sflag:s9] =	ssyncadd.s32 $0xFFFFFF80  }
0x49: {  	_ =	swait.ge [sflag:s9], $0x80  }
0x4a: {  	[sflag:s9] =	ssyncset.done $0x0  }
0x4b: {  	[sflag:s9] =	ssyncadd.s32 $0xFFFFFF80  }
0x4c: {  	_ =	swait.ge [sflag:s9], $0x80  }
0x4d: {  	[sflag:s9] =	ssyncset.done $0x0  }
0x4e: {  	[sflag:s9] =	ssyncadd.s32 $0xFFFFFF80  }
0x4f: {  	_ =	swait.ge [sflag:s9], $0x80  }
0x50: {  	[sflag:s9] =	ssyncset.done $0x0  }
0x51: {  	[sflag:s9] =	ssyncadd.s32 $0xFFFFFF80  }
0x52: {  	_ =	swait.ge [sflag:s9], $0x80  }
0x53: {  	[sflag:s9] =	ssyncset.done $0x0  }
0x54: {  	[sflag:s9] =	ssyncadd.s32 $0xFFFFFF80  }
0x55: {  	_ =	swait.ge [sflag:s9], $0x80  }
0x56: {  	[sflag:s9] =	ssyncset.done $0x0  }
0x57: {  	[sflag:s9] =	ssyncadd.s32 $0xFFFFFF80  }
0x58: {  	_ =	swait.ge [sflag:s9], $0x80  }
0x59: {  	[sflag:s9] =	ssyncset.done $0x0  }
0x5a: {  	[sflag:s9] =	ssyncadd.s32 $0xFFFFFF80  }
0x5b: {  	_ =	swait.ge [sflag:s9], $0x80  }
0x5c: {  	[sflag:s9] =	ssyncset.done $0x0  }
0x5d: {  	[sflag:s9] =	ssyncadd.s32 $0xFFFFFF80  }
0x5e: {  	_ =	swait.ge [sflag:s9], $0x80  }
0x5f: {  	[sflag:s9] =	ssyncset.done $0x0  }
0x60: {  	[sflag:s9] =	ssyncadd.s32 $0xFFFFFF80  }
0x61: {  	_ =	swait.ge [sflag:s9], $0x80  }
0x62: {  	[sflag:s9] =	ssyncset.done $0x0  }
0x63: {  	[sflag:s9] =	ssyncadd.s32 $0xFFFFFF80  }
0x64: {  	_ =	swait.ge [sflag:s9], $0x80  }
0x65: {  	[sflag:s9] =	ssyncset.done $0x0  }
0x66: {  	[sflag:s9] =	ssyncadd.s32 $0xFFFFFF80  }
0x67: {  	_ =	swait.ge [sflag:s9], $0x80  }
0x68: {  	[sflag:s9] =	ssyncset.done $0x0  }
0x69: {  	[sflag:s9] =	ssyncadd.s32 $0xFFFFFF80  }
0x6a: {  	_ =	swait.ge [sflag:s9], $0x80  }
0x6b: {  	[sflag:s9] =	ssyncset.done $0x0  }
0x6c: {  	[sflag:s9] =	ssyncadd.s32 $0xFFFFFF80  }
0x6d: {  	_ =	swait.ge [sflag:s9], $0x80  }
0x6e: {  	[sflag:s9] =	ssyncset.done $0x0  }
0x6f: {  	[sflag:s9] =	ssyncadd.s32 $0xFFFFFF80  }
0x70: {  	_ =	swait.ge [sflag:s9], $0x80  }
0x71: {  	[sflag:s9] =	ssyncset.done $0x0  }
0x72: {  	[sflag:s9] =	ssyncadd.s32 $0xFFFFFF80  }
0x73: {  	_ =	swait.ge [sflag:s9], $0x80  }
0x74: {  	[sflag:s9] =	ssyncset.done $0x0  }
0x75: {  	[sflag:s9] =	ssyncadd.s32 $0xFFFFFF80  }
0x76: {  	_ =	swait.ge [sflag:s9], $0x80  }
0x77: {  	[sflag:s9] =	ssyncset.done $0x0  }
0x78: {  	[sflag:s9] =	ssyncadd.s32 $0xFFFFFF80  }
0x79: {  	_ =	swait.ge [sflag:s9], $0x80  }
0x7a: {  	[sflag:s9] =	ssyncset.done $0x0  }
0x7b: {  	[sflag:s9] =	ssyncadd.s32 $0xFFFFFF80  }
0x7c: {  	_ =	swait.ge [sflag:s9], $0x80  }
0x7d: {  	[sflag:s9] =	ssyncset.done $0x0  }
0x7e: {  	[sflag:s9] =	ssyncadd.s32 $0xFFFFFF80  }
0x7f: {  	_ =	swait.ge [sflag:s9], $0x80  }
0x80: {  	[sflag:s9] =	ssyncset.done $0x0  }
0x81: {  	[sflag:s9] =	ssyncadd.s32 $0xFFFFFF80  }
0x82: {  	_ =	swait.ge [sflag:s9], $0x80  }
0x83: {  	[sflag:s9] =	ssyncset.done $0x0  }
0x84: {  	[sflag:s9] =	ssyncadd.s32 $0xFFFFFF80  }
0x85: {  	_ =	swait.ge [sflag:s9], $0x80  }
0x86: {  	[sflag:s9] =	ssyncset.done $0x0  }
0x87: {  	[sflag:s9] =	ssyncadd.s32 $0xFFFFFF80  }
0x88: {  	_ =	swait.ge [sflag:s9], $0x80  }
0x89: {  	[sflag:s9] =	ssyncset.done $0x0  }
0x8a: {  	[sflag:s9] =	ssyncadd.s32 $0xFFFFFF80  }
0x8b: {  	_ =	swait.ge [sflag:s9], $0x80  }
0x8c: {  	s31 =	sadd.s32 $0x1, s31;
	s30 =	rddreg [dreg:$0x6]  }
0x8d: {  	p0 =	sne.s32 s31, s30  }
.Ltmp1:
0x8e: {  	_ = 	snop;
	(pc) =	sbr.rel @!p0 .LBB2_58-.Ltmp1, $3  }
0x8f: {  	_ =	sdelay $0x1  }
0x90: {  	[sflag:s9] =	ssyncset.done $0x0  }
0x91: {  	[sflag:s9] =	ssyncadd.s32 $0xFFFFFF80  }
.LBB2_1:
0x92: {  	s0 =	rddreg [dreg:$0x5]  }
0x93: {  	[tilespmem:s3], [sflag:$0x1] =	stream.linear.gather [hbm4b:s0+s3], $0xC80, $0x38;
	[tilespmem:$0x46C0] =	vst v63  }
0x94: {  	_ =	swait.ge [sflag:s10], $0xC80  }
0x95: {  	[sflag:s10] =	ssyncset.done $0x0  }
0x96: {  	s22 =	rddreg [dreg:$0x3];
	[sflag:s10] =	ssyncadd.s32 $0xFFFFF380  }
0x97: {  	[tilespmem:s8], [sflag:$0x1] =	stream.linear.gather [hbm4b:s22+s3], $0x400, $0x38;
	[tilespmem:$0x46C0] =	vst v63  }
0x98: {  	_ =	swait.ge [sflag:s10], $0x400  }
0x99: {  	s23 =	sand.u32 $0x10, s3;
	[sflag:s10] =	ssyncset.done $0x0  }
0x9a: {  	v4 =	vor.u32 s23, v0;
	s26 =	rddreg [dreg:$0x4];
	[sflag:s10] =	ssyncadd.s32 $0xFFFFFC00  }
0x9b: {  	[tilespmem:s11], [sflag:$0x1] =	stream.linear.gather [hbm4b:s26+s3], $0x20, $0x38;
	[tilespmem:$0x46C0] =	vst v63  }
0x9c: {  	_ =	swait.ge [sflag:s10], $0x20  }
0x9d: {  	[sflag:s10] =	ssyncset.done $0x0  }
0x9e: {  	[sflag:s10] =	ssyncadd.s32 $0xFFFFFFE0  }
0x9f: {  	v4 =	vld.idx.msk [tilespmem:v4+s11+$0x0], $0xffff  }
0xa0: {  	v5 =	vld [tilespmem:s8+$0x0]  }
0xa1: {  	s30 =	simm.s32 $0x10  }
0xa2: {  	s0 =	sand.u32 $0x10, s30  }
0xa3: {  	v6 =	vor.u32 s0, v0;
	_ =	sdelay $0x1  }
0xa4: {  	v4 =	vadd.f32 v4, v5;
	_ =	sdelay $0x1  }
0xa5: {  	[tilespmem:s12+$0x0] =	vst v4  }
0xa6: {  	s0 =	simm.s32 $0x3E90;
	v4 =	vld.idx.msk [tilespmem:v6+s11+$0x0], $0xffff  }
0xa7: {  	v5 =	vld [tilespmem:s0+$0x0]  }
0xa8: {  	s14 =	simm.s32 $0x20  }
0xa9: {  	s16 =	simm.s32 $0x30;
	s17 =	sand.u32 $0x10, s14;
	s14 =	simm.s32 $0x42A0  }
.LBB2_2:
0xaa: {  	p0 =	sne.s32 s16, $0x3F0;
	v6 =	vor.u32 s17, v0;
	_ =	sdelay $0x1  }
0xab: {  	v4 =	vadd.f32 v4, v5  }
0xac: {  	s14 =	sadd.s32 $0x10, s14  }
.Ltmp2:
0xad: {  	[tilespmem:s14+$0x0] =	vst v4;
	(pc) =	sbr.rel @p0 .LBB2_2-.Ltmp2, $3  }
0xae: {  	s0 =	sadd.s32 $0x10, s0;
	v4 =	vld.idx.msk [tilespmem:v6+s11+$0x0], $0xffff  }
0xaf: {  	v5 =	vld [tilespmem:s0+$0x0];
	_ =	sdelay $0x1  }
0xb0: {  	s17 =	sand.u32 $0x10, s16;
	s16 =	sadd.s32 $0x10, s16  }
0xb1: {  	v6 =	vor.u32 s17, v0;
	_ =	sdelay $0x1  }
0xb2: {  	v4 =	vadd.f32 v4, v5  }
0xb3: {  	s14 =	sadd.s32 $0x10, s14  }
0xb4: {  	[tilespmem:s14+$0x0] =	vst v4  }
0xb5: {  	s0 =	sadd.s32 $0x10, s0;
	v4 =	vld.idx.msk [tilespmem:v6+s11+$0x0], $0xffff  }
0xb6: {  	v5 =	vld [tilespmem:s0+$0x0];
	_ =	sdelay $0x2  }
0xb7: {  	s0 =	simm.s32 $0x1  }
0xb8: {  	v6 =	vor.u32 s0, v1  }
0xb9: {  	v4 =	vadd.f32 v4, v5  }
0xba: {  	s14 =	sadd.s32 $0x10, s14  }
0xbb: {  	[tilespmem:s14+$0x0] =	vst v4  }
0xbc: {  	s17 =	simm.s32 $0x2;
	v4 =	vld.idx.msk [tilespmem:v1+s12+$0x0], $0xffff  }
0xbd: {  	v7 =	vld.idx.msk [tilespmem:v6+s12+$0x0], $0xffff;
	v6 =	vor.u32 s17, v1;
	_ =	sdelay $0x4  }
0xbe: {  	v5 =	vimm.s32 $0x0;
	s14 =	simm.s32 $0x3;
	v6 =	vld.idx.msk [tilespmem:v6+s12+$0x0], $0xffff;
	vm0 =	vgt.f32 v7, v4  }
.LBB2_4:
0xbf: {  	p0 =	sne.s32 s14, $0x13  }
0xc0: {  	v8 =	vor.u32 s14, v1;
	v4 =	vsel vm0, v7, v4;
	v5 =	vsel vm0, s0, v5;
	s0 =	smov.u32 s17;
	s17 =	smov.u32 s14;
	s14 =	sadd.s32 $0x1, s14  }
.Ltmp3:
0xc1: {  	(pc) =	sbr.rel @p0 .LBB2_4-.Ltmp3, $2  }
0xc2: {  	_ =	sdelay $0x2  }
0xc3: {  	vm0 =	vgt.f32 v6, v4;
	v7 =	vmov v6;
	v6 =	vld.idx.msk [tilespmem:v8+s12+$0x0], $0xffff  }
0xc4: {  	_ =	sdelay $0x1  }
0xc5: {  	s14 =	simm.s32 $0x1  }
0xc6: {  	v4 =	vsel vm0, v7, v4;
	v7 =	vor.u32 s14, v2  }
0xc7: {  	v5 =	vsel vm0, s0, v5;
	vm0 =	vgt.f32 v6, v4  }
0xc8: {  	v4 =	vsel vm0, s17, v5  }
0xc9: {  	[tilespmem:$0x46A0] =	vst v4  }
0xca: {  	s0 =	simm.s32 $0x2;
	v4 =	vld.idx.msk [tilespmem:v2+s12+$0x0], $0xffff  }
0xcb: {  	v6 =	vor.u32 s0, v2;
	v7 =	vld.idx.msk [tilespmem:v7+s12+$0x0], $0xffff;
	_ =	sdelay $0x4  }
0xcc: {  	s16 =	simm.s32 $0x3;
	v5 =	vimm.s32 $0x0;
	v6 =	vld.idx.msk [tilespmem:v6+s12+$0x0], $0xffff;
	vm0 =	vgt.f32 v7, v4  }
.LBB2_6:
0xcd: {  	p0 =	sne.s32 s16, $0x13  }
0xce: {  	v8 =	vor.u32 s16, v2;
	v4 =	vsel vm0, v7, v4;
	v5 =	vsel vm0, s14, v5;
	s14 =	smov.u32 s0;
	s0 =	smov.u32 s16;
	s16 =	sadd.s32 $0x1, s16  }
.Ltmp4:
0xcf: {  	(pc) =	sbr.rel @p0 .LBB2_6-.Ltmp4, $2  }
0xd0: {  	_ =	sdelay $0x2  }
0xd1: {  	vm0 =	vgt.f32 v6, v4;
	v7 =	vmov v6;
	v6 =	vld.idx.msk [tilespmem:v8+s12+$0x0], $0xffff  }
0xd2: {  	_ =	sdelay $0x2  }
0xd3: {  	v4 =	vsel vm0, v7, v4  }
0xd4: {  	v5 =	vsel vm0, s14, v5;
	vm15 =	vgt.f32 v6, v4  }
0xd5: {  	v4 =	vsel vm15, s0, v5  }
0xd6: {  	s14 =	simm.s32 $0x0;
	s23 =	simm.s32 $0xC80;
	[tilespmem:$0x46B0] =	vst v4  }
0xd7: {  	[tilespmem:s23], [sflag:$0x1] =	stream.indirect.gather [hbm4b:s4+s13], $0x1, s14, s13, $0xb8;
	[tilespmem:$0x46C0] =	vst v63  }
0xd8: {  	s26 =	simm.s32 $0x1900  }
0xd9: {  	[tilespmem:s26], [sflag:$0x2] =	stream.indirect.gather [hbm4b:s5+s13], $0x1, s14, s13, $0xb8;
	[tilespmem:$0x46C0] =	vst v63  }
0xda: {  	s30 =	simm.s32 $0xD00  }
0xdb: {  	[tilespmem:s30], [sflag:$0x1] =	stream.indirect.gather [hbm4b:s4+s13], $0x1, s13, s13, $0xb8;
	[tilespmem:$0x46C0] =	vst v63  }
0xdc: {  	s16 =	simm.s32 $0x1980  }
0xdd: {  	[tilespmem:s16], [sflag:$0x2] =	stream.indirect.gather [hbm4b:s5+s13], $0x1, s13, s13, $0xb8;
	[tilespmem:$0x46C0] =	vst v63  }
0xde: {  	s17 =	simm.s32 $0x100;
	s16 =	simm.s32 $0xD80  }
0xdf: {  	[tilespmem:s16], [sflag:$0x1] =	stream.indirect.gather [hbm4b:s4+s13], $0x1, s17, s13, $0xb8;
	[tilespmem:$0x46C0] =	vst v63  }
0xe0: {  	s22 =	simm.s32 $0x1A00  }
0xe1: {  	[tilespmem:s22], [sflag:$0x2] =	stream.indirect.gather [hbm4b:s5+s13], $0x1, s17, s13, $0xb8;
	[tilespmem:$0x46C0] =	vst v63  }
0xe2: {  	s23 =	simm.s32 $0x180;
	s26 =	simm.s32 $0xE00  }
0xe3: {  	[tilespmem:s26], [sflag:$0x1] =	stream.indirect.gather [hbm4b:s4+s13], $0x1, s23, s13, $0xb8;
	[tilespmem:$0x46C0] =	vst v63  }
0xe4: {  	s30 =	simm.s32 $0x1A80  }
0xe5: {  	[tilespmem:s30], [sflag:$0x2] =	stream.indirect.gather [hbm4b:s5+s13], $0x1, s23, s13, $0xb8;
	[tilespmem:$0x46C0] =	vst v63  }
0xe6: {  	s17 =	simm.s32 $0x200;
	s22 =	simm.s32 $0xE80  }
0xe7: {  	[tilespmem:s22], [sflag:$0x1] =	stream.indirect.gather [hbm4b:s4+s13], $0x1, s17, s13, $0xb8;
	[tilespmem:$0x46C0] =	vst v63  }
0xe8: {  	s23 =	simm.s32 $0x1B00  }
0xe9: {  	[tilespmem:s23], [sflag:$0x2] =	stream.indirect.gather [hbm4b:s5+s13], $0x1, s17, s13, $0xb8;
	[tilespmem:$0x46C0] =	vst v63  }
0xea: {  	s26 =	simm.s32 $0x280;
	s30 =	simm.s32 $0xF00  }
0xeb: {  	[tilespmem:s30], [sflag:$0x1] =	stream.indirect.gather [hbm4b:s4+s13], $0x1, s26, s13, $0xb8;
	[tilespmem:$0x46C0] =	vst v63  }
0xec: {  	s17 =	simm.s32 $0x1B80  }
0xed: {  	[tilespmem:s17], [sflag:$0x2] =	stream.indirect.gather [hbm4b:s5+s13], $0x1, s26, s13, $0xb8;
	[tilespmem:$0x46C0] =	vst v63  }
0xee: {  	s22 =	simm.s32 $0x300;
	s23 =	simm.s32 $0xF80  }
0xef: {  	[tilespmem:s23], [sflag:$0x1] =	stream.indirect.gather [hbm4b:s4+s13], $0x1, s22, s13, $0xb8;
	[tilespmem:$0x46C0] =	vst v63  }
0xf0: {  	s26 =	simm.s32 $0x1C00  }
0xf1: {  	[tilespmem:s26], [sflag:$0x2] =	stream.indirect.gather [hbm4b:s5+s13], $0x1, s22, s13, $0xb8;
	[tilespmem:$0x46C0] =	vst v63  }
0xf2: {  	s30 =	simm.s32 $0x380;
	s17 =	simm.s32 $0x1000  }
0xf3: {  	[tilespmem:s17], [sflag:$0x1] =	stream.indirect.gather [hbm4b:s4+s13], $0x1, s30, s13, $0xb8;
	[tilespmem:$0x46C0] =	vst v63  }
0xf4: {  	s22 =	simm.s32 $0x1C80  }
0xf5: {  	[tilespmem:s22], [sflag:$0x2] =	stream.indirect.gather [hbm4b:s5+s13], $0x1, s30, s13, $0xb8;
	[tilespmem:$0x46C0] =	vst v63  }
0xf6: {  	s23 =	simm.s32 $0x400;
	s26 =	simm.s32 $0x1080  }
0xf7: {  	[tilespmem:s26], [sflag:$0x1] =	stream.indirect.gather [hbm4b:s4+s13], $0x1, s23, s13, $0xb8;
	[tilespmem:$0x46C0] =	vst v63  }
0xf8: {  	s30 =	simm.s32 $0x1D00  }
0xf9: {  	[tilespmem:s30], [sflag:$0x2] =	stream.indirect.gather [hbm4b:s5+s13], $0x1, s23, s13, $0xb8;
	[tilespmem:$0x46C0] =	vst v63  }
0xfa: {  	s17 =	simm.s32 $0x480;
	s22 =	simm.s32 $0x1100  }
0xfb: {  	[tilespmem:s22], [sflag:$0x1] =	stream.indirect.gather [hbm4b:s4+s13], $0x1, s17, s13, $0xb8;
	[tilespmem:$0x46C0] =	vst v63  }
0xfc: {  	s23 =	simm.s32 $0x1D80  }
0xfd: {  	[tilespmem:s23], [sflag:$0x2] =	stream.indirect.gather [hbm4b:s5+s13], $0x1, s17, s13, $0xb8;
	[tilespmem:$0x46C0] =	vst v63  }
0xfe: {  	s26 =	simm.s32 $0x500;
	s30 =	simm.s32 $0x1180  }
0xff: {  	[tilespmem:s30], [sflag:$0x1] =	stream.indirect.gather [hbm4b:s4+s13], $0x1, s26, s13, $0xb8;
	[tilespmem:$0x46C0] =	vst v63  }
0x100: {  	s17 =	simm.s32 $0x1E00  }
0x101: {  	[tilespmem:s17], [sflag:$0x2] =	stream.indirect.gather [hbm4b:s5+s13], $0x1, s26, s13, $0xb8;
	[tilespmem:$0x46C0] =	vst v63  }
0x102: {  	s22 =	simm.s32 $0x580;
	s23 =	simm.s32 $0x1200  }
0x103: {  	[tilespmem:s23], [sflag:$0x1] =	stream.indirect.gather [hbm4b:s4+s13], $0x1, s22, s13, $0xb8;
	[tilespmem:$0x46C0] =	vst v63  }
0x104: {  	s26 =	simm.s32 $0x1E80  }
0x105: {  	[tilespmem:s26], [sflag:$0x2] =	stream.indirect.gather [hbm4b:s5+s13], $0x1, s22, s13, $0xb8;
	[tilespmem:$0x46C0] =	vst v63  }
0x106: {  	s30 =	simm.s32 $0x600;
	s17 =	simm.s32 $0x1280  }
0x107: {  	[tilespmem:s17], [sflag:$0x1] =	stream.indirect.gather [hbm4b:s4+s13], $0x1, s30, s13, $0xb8;
	[tilespmem:$0x46C0] =	vst v63  }
0x108: {  	s22 =	simm.s32 $0x1F00  }
0x109: {  	[tilespmem:s22], [sflag:$0x2] =	stream.indirect.gather [hbm4b:s5+s13], $0x1, s30, s13, $0xb8;
	[tilespmem:$0x46C0] =	vst v63  }
0x10a: {  	s23 =	simm.s32 $0x680;
	s26 =	simm.s32 $0x1300  }
0x10b: {  	[tilespmem:s26], [sflag:$0x1] =	stream.indirect.gather [hbm4b:s4+s13], $0x1, s23, s13, $0xb8;
	[tilespmem:$0x46C0] =	vst v63  }
0x10c: {  	s30 =	simm.s32 $0x1F80  }
0x10d: {  	[tilespmem:s30], [sflag:$0x2] =	stream.indirect.gather [hbm4b:s5+s13], $0x1, s23, s13, $0xb8;
	[tilespmem:$0x46C0] =	vst v63  }
0x10e: {  	s17 =	simm.s32 $0x700;
	s22 =	simm.s32 $0x1380  }
0x10f: {  	[tilespmem:s22], [sflag:$0x1] =	stream.indirect.gather [hbm4b:s4+s13], $0x1, s17, s13, $0xb8;
	[tilespmem:$0x46C0] =	vst v63  }
0x110: {  	s23 =	simm.s32 $0x2000  }
0x111: {  	[tilespmem:s23], [sflag:$0x2] =	stream.indirect.gather [hbm4b:s5+s13], $0x1, s17, s13, $0xb8;
	[tilespmem:$0x46C0] =	vst v63  }
0x112: {  	s26 =	simm.s32 $0x1400  }
0x113: {  	[tilespmem:s26], [sflag:$0x1] =	stream.indirect.gather [hbm4b:s4+s13], $0x1, s19, s13, $0xb8;
	[tilespmem:$0x46C0] =	vst v63  }
0x114: {  	s30 =	simm.s32 $0x2080  }
0x115: {  	[tilespmem:s30], [sflag:$0x2] =	stream.indirect.gather [hbm4b:s5+s13], $0x1, s19, s13, $0xb8;
	[tilespmem:$0x46C0] =	vst v63  }
0x116: {  	s16 =	simm.s32 $0x1480  }
0x117: {  	[tilespmem:s16], [sflag:$0x1] =	stream.indirect.gather [hbm4b:s4+s13], $0x1, s29, s13, $0xb8;
	[tilespmem:$0x46C0] =	vst v63  }
0x118: {  	s17 =	simm.s32 $0x2100  }
0x119: {  	[tilespmem:s17], [sflag:$0x2] =	stream.indirect.gather [hbm4b:s5+s13], $0x1, s29, s13, $0xb8;
	[tilespmem:$0x46C0] =	vst v63  }
0x11a: {  	s22 =	simm.s32 $0x1500  }
0x11b: {  	[tilespmem:s22], [sflag:$0x1] =	stream.indirect.gather [hbm4b:s4+s13], $0x1, s20, s13, $0xb8;
	[tilespmem:$0x46C0] =	vst v63  }
0x11c: {  	s23 =	simm.s32 $0x2180  }
0x11d: {  	[tilespmem:s23], [sflag:$0x2] =	stream.indirect.gather [hbm4b:s5+s13], $0x1, s20, s13, $0xb8;
	[tilespmem:$0x46C0] =	vst v63  }
0x11e: {  	s26 =	simm.s32 $0x1580  }
0x11f: {  	[tilespmem:s26], [sflag:$0x1] =	stream.indirect.gather [hbm4b:s4+s13], $0x1, s15, s13, $0xb8;
	[tilespmem:$0x46C0] =	vst v63  }
0x120: {  	s30 =	simm.s32 $0x2200  }
0x121: {  	[tilespmem:s30], [sflag:$0x2] =	stream.indirect.gather [hbm4b:s5+s13], $0x1, s15, s13, $0xb8;
	[tilespmem:$0x46C0] =	vst v63  }
0x122: {  	s16 =	simm.s32 $0x1600  }
0x123: {  	[tilespmem:s16], [sflag:$0x1] =	stream.indirect.gather [hbm4b:s4+s13], $0x1, s25, s13, $0xb8;
	[tilespmem:$0x46C0] =	vst v63  }
0x124: {  	s17 =	simm.s32 $0x2280  }
0x125: {  	[tilespmem:s17], [sflag:$0x2] =	stream.indirect.gather [hbm4b:s5+s13], $0x1, s25, s13, $0xb8;
	[tilespmem:$0x46C0] =	vst v63  }
0x126: {  	s22 =	simm.s32 $0x1680  }
0x127: {  	[tilespmem:s22], [sflag:$0x1] =	stream.indirect.gather [hbm4b:s4+s13], $0x1, s2, s13, $0xb8;
	[tilespmem:$0x46C0] =	vst v63  }
0x128: {  	s23 =	simm.s32 $0x2300  }
0x129: {  	[tilespmem:s23], [sflag:$0x2] =	stream.indirect.gather [hbm4b:s5+s13], $0x1, s2, s13, $0xb8;
	[tilespmem:$0x46C0] =	vst v63  }
0x12a: {  	s26 =	simm.s32 $0x1700  }
0x12b: {  	[tilespmem:s26], [sflag:$0x1] =	stream.indirect.gather [hbm4b:s4+s13], $0x1, s18, s13, $0xb8;
	[tilespmem:$0x46C0] =	vst v63  }
0x12c: {  	s30 =	simm.s32 $0x2380  }
0x12d: {  	[tilespmem:s30], [sflag:$0x2] =	stream.indirect.gather [hbm4b:s5+s13], $0x1, s18, s13, $0xb8;
	[tilespmem:$0x46C0] =	vst v63  }
0x12e: {  	s16 =	simm.s32 $0x1780  }
0x12f: {  	[tilespmem:s16], [sflag:$0x1] =	stream.indirect.gather [hbm4b:s4+s13], $0x1, s21, s13, $0xb8;
	[tilespmem:$0x46C0] =	vst v63  }
0x130: {  	s17 =	simm.s32 $0x2400  }
0x131: {  	[tilespmem:s17], [sflag:$0x2] =	stream.indirect.gather [hbm4b:s5+s13], $0x1, s21, s13, $0xb8;
	[tilespmem:$0x46C0] =	vst v63  }
0x132: {  	s22 =	simm.s32 $0x1800  }
0x133: {  	[tilespmem:s22], [sflag:$0x1] =	stream.indirect.gather [hbm4b:s4+s13], $0x1, s24, s13, $0xb8;
	[tilespmem:$0x46C0] =	vst v63  }
0x134: {  	s23 =	simm.s32 $0x2480  }
0x135: {  	[tilespmem:s23], [sflag:$0x2] =	stream.indirect.gather [hbm4b:s5+s13], $0x1, s24, s13, $0xb8;
	[tilespmem:$0x46C0] =	vst v63  }
0x136: {  	s26 =	simm.s32 $0x1880  }
0x137: {  	[tilespmem:s26], [sflag:$0x1] =	stream.indirect.gather [hbm4b:s4+s13], $0x1, s6, s13, $0xb8;
	[tilespmem:$0x46C0] =	vst v63  }
0x138: {  	s30 =	simm.s32 $0x2500  }
0x139: {  	[tilespmem:s30], [sflag:$0x2] =	stream.indirect.gather [hbm4b:s5+s13], $0x1, s6, s13, $0xb8;
	[tilespmem:$0x46C0] =	vst v63  }
0x13a: {  	_ =	swait.ge [sflag:s10], $0x80  }
0x13b: {  	[sflag:s10] =	ssyncset.done $0x0  }
0x13c: {  	[sflag:s10] =	ssyncadd.s32 $0xFFFFFF80  }
0x13d: {  	_ =	swait.ge [sflag:s7], $0x80  }
0x13e: {  	[sflag:s7] =	ssyncset.done $0x0  }
0x13f: {  	[sflag:s7] =	ssyncadd.s32 $0xFFFFFF80  }
0x140: {  	_ =	swait.ge [sflag:s10], $0x80  }
0x141: {  	[sflag:s10] =	ssyncset.done $0x0  }
0x142: {  	[sflag:s10] =	ssyncadd.s32 $0xFFFFFF80  }
0x143: {  	_ =	swait.ge [sflag:s7], $0x80  }
0x144: {  	[sflag:s7] =	ssyncset.done $0x0  }
0x145: {  	[sflag:s7] =	ssyncadd.s32 $0xFFFFFF80  }
0x146: {  	_ =	swait.ge [sflag:s10], $0x80  }
0x147: {  	[sflag:s10] =	ssyncset.done $0x0  }
0x148: {  	[sflag:s10] =	ssyncadd.s32 $0xFFFFFF80  }
0x149: {  	_ =	swait.ge [sflag:s7], $0x80  }
0x14a: {  	[sflag:s7] =	ssyncset.done $0x0  }
0x14b: {  	[sflag:s7] =	ssyncadd.s32 $0xFFFFFF80  }
0x14c: {  	_ =	swait.ge [sflag:s10], $0x80  }
0x14d: {  	[sflag:s10] =	ssyncset.done $0x0  }
0x14e: {  	[sflag:s10] =	ssyncadd.s32 $0xFFFFFF80  }
0x14f: {  	_ =	swait.ge [sflag:s7], $0x80  }
0x150: {  	[sflag:s7] =	ssyncset.done $0x0  }
0x151: {  	[sflag:s7] =	ssyncadd.s32 $0xFFFFFF80  }
0x152: {  	_ =	swait.ge [sflag:s10], $0x80  }
0x153: {  	[sflag:s10] =	ssyncset.done $0x0  }
0x154: {  	[sflag:s10] =	ssyncadd.s32 $0xFFFFFF80  }
0x155: {  	_ =	swait.ge [sflag:s7], $0x80  }
0x156: {  	[sflag:s7] =	ssyncset.done $0x0  }
0x157: {  	[sflag:s7] =	ssyncadd.s32 $0xFFFFFF80  }
0x158: {  	_ =	swait.ge [sflag:s10], $0x80  }
0x159: {  	[sflag:s10] =	ssyncset.done $0x0  }
0x15a: {  	[sflag:s10] =	ssyncadd.s32 $0xFFFFFF80  }
0x15b: {  	_ =	swait.ge [sflag:s7], $0x80  }
0x15c: {  	[sflag:s7] =	ssyncset.done $0x0  }
0x15d: {  	[sflag:s7] =	ssyncadd.s32 $0xFFFFFF80  }
0x15e: {  	_ =	swait.ge [sflag:s10], $0x80  }
0x15f: {  	[sflag:s10] =	ssyncset.done $0x0  }
0x160: {  	[sflag:s10] =	ssyncadd.s32 $0xFFFFFF80  }
0x161: {  	_ =	swait.ge [sflag:s7], $0x80  }
0x162: {  	[sflag:s7] =	ssyncset.done $0x0  }
0x163: {  	[sflag:s7] =	ssyncadd.s32 $0xFFFFFF80  }
0x164: {  	_ =	swait.ge [sflag:s10], $0x80  }
0x165: {  	[sflag:s10] =	ssyncset.done $0x0  }
0x166: {  	[sflag:s10] =	ssyncadd.s32 $0xFFFFFF80  }
0x167: {  	_ =	swait.ge [sflag:s7], $0x80  }
0x168: {  	[sflag:s7] =	ssyncset.done $0x0  }
0x169: {  	[sflag:s7] =	ssyncadd.s32 $0xFFFFFF80  }
0x16a: {  	_ =	swait.ge [sflag:s10], $0x80  }
0x16b: {  	[sflag:s10] =	ssyncset.done $0x0  }
0x16c: {  	[sflag:s10] =	ssyncadd.s32 $0xFFFFFF80  }
0x16d: {  	_ =	swait.ge [sflag:s7], $0x80  }
0x16e: {  	[sflag:s7] =	ssyncset.done $0x0  }
0x16f: {  	[sflag:s7] =	ssyncadd.s32 $0xFFFFFF80  }
0x170: {  	_ =	swait.ge [sflag:s10], $0x80  }
0x171: {  	[sflag:s10] =	ssyncset.done $0x0  }
0x172: {  	[sflag:s10] =	ssyncadd.s32 $0xFFFFFF80  }
0x173: {  	_ =	swait.ge [sflag:s7], $0x80  }
0x174: {  	[sflag:s7] =	ssyncset.done $0x0  }
0x175: {  	[sflag:s7] =	ssyncadd.s32 $0xFFFFFF80  }
0x176: {  	_ =	swait.ge [sflag:s10], $0x80  }
0x177: {  	[sflag:s10] =	ssyncset.done $0x0  }
0x178: {  	[sflag:s10] =	ssyncadd.s32 $0xFFFFFF80  }
0x179: {  	_ =	swait.ge [sflag:s7], $0x80  }
0x17a: {  	[sflag:s7] =	ssyncset.done $0x0  }
0x17b: {  	[sflag:s7] =	ssyncadd.s32 $0xFFFFFF80  }
0x17c: {  	_ =	swait.ge [sflag:s10], $0x80  }
0x17d: {  	[sflag:s10] =	ssyncset.done $0x0  }
0x17e: {  	[sflag:s10] =	ssyncadd.s32 $0xFFFFFF80  }
0x17f: {  	_ =	swait.ge [sflag:s7], $0x80  }
0x180: {  	[sflag:s7] =	ssyncset.done $0x0  }
0x181: {  	[sflag:s7] =	ssyncadd.s32 $0xFFFFFF80  }
0x182: {  	_ =	swait.ge [sflag:s10], $0x80  }
0x183: {  	[sflag:s10] =	ssyncset.done $0x0  }
0x184: {  	[sflag:s10] =	ssyncadd.s32 $0xFFFFFF80  }
0x185: {  	_ =	swait.ge [sflag:s7], $0x80  }
0x186: {  	[sflag:s7] =	ssyncset.done $0x0  }
0x187: {  	[sflag:s7] =	ssyncadd.s32 $0xFFFFFF80  }
0x188: {  	_ =	swait.ge [sflag:s10], $0x80  }
0x189: {  	[sflag:s10] =	ssyncset.done $0x0  }
0x18a: {  	[sflag:s10] =	ssyncadd.s32 $0xFFFFFF80  }
0x18b: {  	_ =	swait.ge [sflag:s7], $0x80  }
0x18c: {  	[sflag:s7] =	ssyncset.done $0x0  }
0x18d: {  	[sflag:s7] =	ssyncadd.s32 $0xFFFFFF80  }
0x18e: {  	_ =	swait.ge [sflag:s10], $0x80  }
0x18f: {  	[sflag:s10] =	ssyncset.done $0x0  }
0x190: {  	[sflag:s10] =	ssyncadd.s32 $0xFFFFFF80  }
0x191: {  	_ =	swait.ge [sflag:s7], $0x80  }
0x192: {  	[sflag:s7] =	ssyncset.done $0x0  }
0x193: {  	[sflag:s7] =	ssyncadd.s32 $0xFFFFFF80  }
0x194: {  	_ =	swait.ge [sflag:s10], $0x80  }
0x195: {  	[sflag:s10] =	ssyncset.done $0x0  }
0x196: {  	[sflag:s10] =	ssyncadd.s32 $0xFFFFFF80  }
0x197: {  	_ =	swait.ge [sflag:s7], $0x80  }
0x198: {  	[sflag:s7] =	ssyncset.done $0x0  }
0x199: {  	[sflag:s7] =	ssyncadd.s32 $0xFFFFFF80  }
0x19a: {  	_ =	swait.ge [sflag:s10], $0x80  }
0x19b: {  	[sflag:s10] =	ssyncset.done $0x0  }
0x19c: {  	[sflag:s10] =	ssyncadd.s32 $0xFFFFFF80  }
0x19d: {  	_ =	swait.ge [sflag:s7], $0x80  }
0x19e: {  	[sflag:s7] =	ssyncset.done $0x0  }
0x19f: {  	[sflag:s7] =	ssyncadd.s32 $0xFFFFFF80  }
0x1a0: {  	_ =	swait.ge [sflag:s10], $0x80  }
0x1a1: {  	[sflag:s10] =	ssyncset.done $0x0  }
0x1a2: {  	[sflag:s10] =	ssyncadd.s32 $0xFFFFFF80  }
0x1a3: {  	_ =	swait.ge [sflag:s7], $0x80  }
0x1a4: {  	[sflag:s7] =	ssyncset.done $0x0  }
0x1a5: {  	[sflag:s7] =	ssyncadd.s32 $0xFFFFFF80  }
0x1a6: {  	_ =	swait.ge [sflag:s10], $0x80  }
0x1a7: {  	[sflag:s10] =	ssyncset.done $0x0  }
0x1a8: {  	[sflag:s10] =	ssyncadd.s32 $0xFFFFFF80  }
0x1a9: {  	_ =	swait.ge [sflag:s7], $0x80  }
0x1aa: {  	[sflag:s7] =	ssyncset.done $0x0  }
0x1ab: {  	[sflag:s7] =	ssyncadd.s32 $0xFFFFFF80  }
0x1ac: {  	_ =	swait.ge [sflag:s10], $0x80  }
0x1ad: {  	[sflag:s10] =	ssyncset.done $0x0  }
0x1ae: {  	[sflag:s10] =	ssyncadd.s32 $0xFFFFFF80  }
0x1af: {  	_ =	swait.ge [sflag:s7], $0x80  }
0x1b0: {  	[sflag:s7] =	ssyncset.done $0x0  }
0x1b1: {  	[sflag:s7] =	ssyncadd.s32 $0xFFFFFF80  }
0x1b2: {  	_ =	swait.ge [sflag:s10], $0x80  }
0x1b3: {  	[sflag:s10] =	ssyncset.done $0x0  }
0x1b4: {  	[sflag:s10] =	ssyncadd.s32 $0xFFFFFF80  }
0x1b5: {  	_ =	swait.ge [sflag:s7], $0x80  }
0x1b6: {  	[sflag:s7] =	ssyncset.done $0x0  }
0x1b7: {  	[sflag:s7] =	ssyncadd.s32 $0xFFFFFF80  }
0x1b8: {  	_ =	swait.ge [sflag:s10], $0x80  }
0x1b9: {  	[sflag:s10] =	ssyncset.done $0x0  }
0x1ba: {  	[sflag:s10] =	ssyncadd.s32 $0xFFFFFF80  }
0x1bb: {  	_ =	swait.ge [sflag:s7], $0x80  }
0x1bc: {  	[sflag:s7] =	ssyncset.done $0x0  }
0x1bd: {  	[sflag:s7] =	ssyncadd.s32 $0xFFFFFF80  }
0x1be: {  	_ =	swait.ge [sflag:s10], $0x80  }
0x1bf: {  	[sflag:s10] =	ssyncset.done $0x0  }
0x1c0: {  	[sflag:s10] =	ssyncadd.s32 $0xFFFFFF80  }
0x1c1: {  	_ =	swait.ge [sflag:s7], $0x80  }
0x1c2: {  	[sflag:s7] =	ssyncset.done $0x0  }
0x1c3: {  	[sflag:s7] =	ssyncadd.s32 $0xFFFFFF80  }
0x1c4: {  	_ =	swait.ge [sflag:s10], $0x80  }
0x1c5: {  	[sflag:s10] =	ssyncset.done $0x0  }
0x1c6: {  	[sflag:s10] =	ssyncadd.s32 $0xFFFFFF80  }
0x1c7: {  	_ =	swait.ge [sflag:s7], $0x80  }
0x1c8: {  	[sflag:s7] =	ssyncset.done $0x0  }
0x1c9: {  	[sflag:s7] =	ssyncadd.s32 $0xFFFFFF80  }
0x1ca: {  	_ =	swait.ge [sflag:s10], $0x80  }
.Ltmp5:
0x1cb: {  	[sflag:s10] =	ssyncset.done $0x0;
	(pc) =	sbr.rel .LBB2_8-.Ltmp5, $4  }
0x1cc: {  	[sflag:s10] =	ssyncadd.s32 $0xFFFFFF80  }
0x1cd: {  	_ =	swait.ge [sflag:s7], $0x80  }
0x1ce: {  	[sflag:s7] =	ssyncset.done $0x0  }
0x1cf: {  	[sflag:s7] =	ssyncadd.s32 $0xFFFFFF80  }
.LBB2_56:
0x1d0: {  	s14 =	sadd.s32 $0x1, s14  }
0x1d1: {  	p0 =	sne.s32 s14, $0x19  }
.Ltmp6:
0x1d2: {  	_ = 	snop;
	(pc) =	sbr.rel @!p0 .LBB2_57-.Ltmp6, $4  }
0x1d3: {  	_ = 	snop  }
0x1d4: {  	v4 =	vcvt.s32.f32 v6  }
0x1d5: {  	[tilespmem:s17+$0x2580] =	vst v5  }
0x1d6: {  	[tilespmem:s17+$0x3200] =	vst v4  }
.LBB2_8:
0x1d7: {  	s17 =	sshll.u32 s14, $0x7  }
0x1d8: {  	v5 =	vld [tilespmem:s17+$0xC80];
	_ =	sdelay $0x4  }
0x1d9: {  	v4 =	vpcnt v5  }
0x1da: {  	vm0 =	vgt.u32 v4, $0x1  }
0x1db: {  	v4 =	vmpcnt.ones.xlane vm0;
	_ =	sdelay $0x1  }
0x1dc: {  	(v2sf) =	vpush v4, $0x0;
	_ =	sdelay $0x4  }
0x1dd: {  	v4 =	vld [tilespmem:s17+$0x1900];
	_ =	sdelay $0x3  }
0x1de: {  	v6 =	vcvt.s32.f32 v5  }
0x1df: {  	v4 =	vtrunc.f32 v4  }
0x1e0: {  	v6 =	vshra.s32 v6, $0x17;
	v4 =	vcvt.f32.s32 v4  }
0x1e1: {  	vm1 =	veq.s32 v5, $0x0;
	v6 =	vadd.s32 $0xFFFFFF81, v6  }
0x1e2: {  	v4 =	vsel vm1, v4, v6  }
0x1e3: {  	vm1 =	vgt.s32 v4, $0x0  }
0x1e4: {  	v4 =	vnsel vm1, $0x0, v4;
	s0 =	spop (v2sf)  }
0x1e5: {  	v6 =	vmin.u32 v4, $0x13;
	p0 =	slt.s32 s0, $0x1  }
.Ltmp7:
0x1e6: {  	_ = 	snop;
	(pc) =	sbr.rel @p0 .LBB2_14-.Ltmp7, $3  }
0x1e7: {  	_ =	sdelay $0x1  }
0x1e8: {  	v4 =	vld [tilespmem:s17+$0x0]  }
0x1e9: {  	v6 =	vld.idx.msk [tilespmem:v6+s28+$0x0], $0xffff  }
0x1ea: {  	v7 =	vimm.s32 $0x0;
	v8 =	vimm.f32 $-Inf;
	s22 =	simm.s32 $0x0  }
.LBB2_10:
0x1eb: {  	v9 =	vmov s22;
	_ =	sdelay $0x3  }
0x1ec: {  	s0 =	simm.s32 $0x0;
	s23 =	sadd.s32 $0x20, s22  }
0x1ed: {  	v11 =	vmov s23;
	v10 =	vshll.u32 v3, s0;
	v12 =	vld.idx.msk [tilespmem:v9+s8+$0x0], $0xffff  }
0x1ee: {  	v10 =	vbroadcast v10, $0x0;
	_ =	sdelay $0x1  }
0x1ef: {  	v10 =	vand.u32 v5, v10  }
0x1f0: {  	vm1 =	veq.s32 v10, $0x0  }
0x1f1: {  	s16 =	simm.s32 $0x2;
	s0 =	simm.s32 $0x1;
	s23 =	sadd.s32 $0x20, s23;
	v10 =	vimm.f32 $0.0e+00;
	v11 =	vld.idx.msk [tilespmem:v11+s8+$0x0], $0xffff;
	v12 =	vsel vm1, $0x0, v12  }
.LBB2_11:
0x1f2: {  	v13 =	vmov s23;
	p0 =	sne.s32 s16, $0x13;
	v14 =	vshll.u32 v3, s0;
	v10 =	vadd.f32 v12, v10;
	s0 =	smov.u32 s16;
	s16 =	sadd.s32 $0x1, s16  }
.Ltmp8:
0x1f3: {  	v12 =	vbroadcast v14, $0x0;
	(pc) =	sbr.rel @p0 .LBB2_11-.Ltmp8, $4  }
0x1f4: {  	_ = 	snop  }
0x1f5: {  	v12 =	vand.u32 v5, v12  }
0x1f6: {  	vm1 =	veq.s32 v12, $0x0  }
0x1f7: {  	s23 =	sadd.s32 $0x20, s23;
	v12 =	vsel vm1, $0x0, v11;
	v11 =	vld.idx.msk [tilespmem:v13+s8+$0x0], $0xffff  }
0x1f8: {  	_ = 	snop  }
0x1f9: {  	v13 =	vshll.u32 v3, s0  }
0x1fa: {  	v13 =	vbroadcast v13, $0x0;
	_ =	sdelay $0x1  }
0x1fb: {  	v9 =	vld.idx.msk [tilespmem:v9+s11+$0x0], $0xffff;
	v13 =	vand.u32 v5, v13  }
0x1fc: {  	v10 =	vadd.f32 v12, v10;
	vm1 =	veq.s32 v13, $0x0  }
0x1fd: {  	v11 =	vsel vm1, $0x0, v11  }
0x1fe: {  	v10 =	vadd.f32 v11, v10;
	_ =	sdelay $0x1  }
0x1ff: {  	v9 =	vadd.f32 v9, v10;
	_ =	sdelay $0x1  }
0x200: {  	vm1 =	vgt.f32 v9, v8  }
0x201: {  	v7 =	vsel vm1, s22, v7;
	s22 =	sadd.s32 $0x1, s22  }
0x202: {  	p0 =	sne.s32 s22, $0x14  }
.Ltmp9:
0x203: {  	_ = 	snop;
	(pc) =	sbr.rel @p0 .LBB2_10-.Ltmp9, $2  }
0x204: {  	_ =	sdelay $0x2  }
0x205: {  	v8 =	vsel vm1, v9, v8  }
0x206: {  	v6 =	vsel vm0, v7, v6  }
.LBB2_14:
0x207: {  	v5 =	vld [tilespmem:s17+$0xC90];
	_ =	sdelay $0x4  }
0x208: {  	v7 =	vpcnt v5  }
0x209: {  	vm0 =	vgt.u32 v7, $0x1  }
0x20a: {  	v7 =	vmpcnt.ones.xlane vm0;
	_ =	sdelay $0x1  }
0x20b: {  	(v2sf) =	vpush v7, $0x0;
	_ =	sdelay $0x4  }
0x20c: {  	v7 =	vld [tilespmem:s17+$0x1910];
	_ =	sdelay $0x3  }
0x20d: {  	v8 =	vcvt.s32.f32 v5  }
0x20e: {  	v7 =	vtrunc.f32 v7  }
0x20f: {  	v8 =	vshra.s32 v8, $0x17;
	v7 =	vcvt.f32.s32 v7  }
0x210: {  	vm1 =	veq.s32 v5, $0x0;
	v8 =	vadd.s32 $0xFFFFFF81, v8  }
0x211: {  	v7 =	vsel vm1, v7, v8  }
0x212: {  	vm1 =	vgt.s32 v7, $0x0  }
0x213: {  	v7 =	vnsel vm1, $0x0, v7;
	s0 =	spop (v2sf)  }
0x214: {  	v7 =	vmin.u32 v7, $0x13;
	p0 =	slt.s32 s0, $0x1  }
.Ltmp10:
0x215: {  	v6 =	vcvt.s32.f32 v6;
	(pc) =	sbr.rel @p0 .LBB2_20-.Ltmp10, $4  }
0x216: {  	[tilespmem:s17+$0x2580] =	vst v4  }
0x217: {  	s22 =	sor.u32 $0x10, s17;
	[tilespmem:s17+$0x3200] =	vst v6  }
0x218: {  	v4 =	vld [tilespmem:s22+$0x0]  }
0x219: {  	v6 =	vld.idx.msk [tilespmem:v7+s28+$0x0], $0xffff  }
0x21a: {  	v7 =	vimm.s32 $0x0;
	s26 =	simm.s32 $0x0;
	v8 =	vimm.f32 $-Inf;
	s0 =	simm.s32 $0x0  }
.LBB2_16:
0x21b: {  	v9 =	vmov s0;
	_ =	sdelay $0x3  }
0x21c: {  	s30 =	sadd.s32 $0x20, s0  }
0x21d: {  	v10 =	vshll.u32 v3, s26;
	v11 =	vmov s30;
	v12 =	vld.idx.msk [tilespmem:v9+s8+$0x0], $0xffff  }
0x21e: {  	v10 =	vbroadcast v10, $0x0;
	_ =	sdelay $0x1  }
0x21f: {  	v10 =	vand.u32 v5, v10  }
0x220: {  	vm1 =	veq.s32 v10, $0x0  }
0x221: {  	s16 =	simm.s32 $0x1;
	s23 =	simm.s32 $0x2;
	s30 =	sadd.s32 $0x20, s30;
	v10 =	vimm.f32 $0.0e+00;
	v11 =	vld.idx.msk [tilespmem:v11+s8+$0x0], $0xffff;
	v12 =	vsel vm1, $0x0, v12  }
.LBB2_17:
0x222: {  	v13 =	vmov s30;
	p0 =	sne.s32 s23, $0x13;
	v14 =	vshll.u32 v3, s16;
	v10 =	vadd.f32 v12, v10;
	s16 =	smov.u32 s23;
	s23 =	sadd.s32 $0x1, s23  }
.Ltmp11:
0x223: {  	v12 =	vbroadcast v14, $0x0;
	(pc) =	sbr.rel @p0 .LBB2_17-.Ltmp11, $4  }
0x224: {  	_ = 	snop  }
0x225: {  	v12 =	vand.u32 v5, v12  }
0x226: {  	vm1 =	veq.s32 v12, $0x0  }
0x227: {  	s30 =	sadd.s32 $0x20, s30;
	v12 =	vsel vm1, $0x0, v11;
	v11 =	vld.idx.msk [tilespmem:v13+s8+$0x0], $0xffff  }
0x228: {  	_ = 	snop  }
0x229: {  	v13 =	vshll.u32 v3, s16  }
0x22a: {  	v13 =	vbroadcast v13, $0x0;
	_ =	sdelay $0x1  }
0x22b: {  	v9 =	vld.idx.msk [tilespmem:v9+s11+$0x0], $0xffff;
	v13 =	vand.u32 v5, v13  }
0x22c: {  	v10 =	vadd.f32 v12, v10;
	vm1 =	veq.s32 v13, $0x0  }
0x22d: {  	v11 =	vsel vm1, $0x0, v11  }
0x22e: {  	v10 =	vadd.f32 v11, v10;
	_ =	sdelay $0x1  }
0x22f: {  	v9 =	vadd.f32 v9, v10;
	_ =	sdelay $0x1  }
0x230: {  	vm1 =	vgt.f32 v9, v8  }
0x231: {  	v7 =	vsel vm1, s0, v7;
	s0 =	sadd.s32 $0x1, s0  }
0x232: {  	p0 =	sne.s32 s0, $0x14  }
.Ltmp12:
0x233: {  	_ = 	snop;
	(pc) =	sbr.rel @p0 .LBB2_16-.Ltmp12, $2  }
0x234: {  	_ =	sdelay $0x2  }
0x235: {  	v8 =	vsel vm1, v9, v8  }
0x236: {  	v6 =	vsel vm0, v7, v6  }
.LBB2_20:
0x237: {  	_ =	sdelay $0x3  }
0x238: {  	v5 =	vcvt.s32.f32 v6  }
0x239: {  	[tilespmem:s22+$0x2580] =	vst v4  }
0x23a: {  	[tilespmem:s22+$0x3200] =	vst v5  }
0x23b: {  	v4 =	vld [tilespmem:s17+$0xCA0];
	_ =	sdelay $0x4  }
0x23c: {  	v5 =	vpcnt v4  }
0x23d: {  	vm0 =	vgt.u32 v5, $0x1  }
0x23e: {  	v5 =	vmpcnt.ones.xlane vm0;
	_ =	sdelay $0x1  }
0x23f: {  	(v2sf) =	vpush v5, $0x0;
	_ =	sdelay $0x4  }
0x240: {  	v5 =	vld [tilespmem:s17+$0x1920];
	_ =	sdelay $0x3  }
0x241: {  	v6 =	vcvt.s32.f32 v4  }
0x242: {  	v5 =	vtrunc.f32 v5  }
0x243: {  	v6 =	vshra.s32 v6, $0x17;
	v5 =	vcvt.f32.s32 v5  }
0x244: {  	vm1 =	veq.s32 v4, $0x0;
	v6 =	vadd.s32 $0xFFFFFF81, v6  }
0x245: {  	v5 =	vsel vm1, v5, v6  }
0x246: {  	vm1 =	vgt.s32 v5, $0x0  }
0x247: {  	v5 =	vnsel vm1, $0x0, v5;
	s0 =	spop (v2sf)  }
0x248: {  	v6 =	vmin.u32 v5, $0x13;
	p0 =	slt.s32 s0, $0x1  }
.Ltmp13:
0x249: {  	_ = 	snop;
	(pc) =	sbr.rel @p0 .LBB2_26-.Ltmp13, $4  }
0x24a: {  	_ = 	snop  }
0x24b: {  	s22 =	sor.u32 $0x20, s17  }
0x24c: {  	v5 =	vld [tilespmem:s22+$0x0]  }
0x24d: {  	v6 =	vld.idx.msk [tilespmem:v6+s28+$0x0], $0xffff  }
0x24e: {  	v7 =	vimm.s32 $0x0;
	s26 =	simm.s32 $0x0;
	v8 =	vimm.f32 $-Inf;
	s0 =	simm.s32 $0x0  }
.LBB2_22:
0x24f: {  	v9 =	vmov s0;
	_ =	sdelay $0x3  }
0x250: {  	s30 =	sadd.s32 $0x20, s0  }
0x251: {  	v10 =	vshll.u32 v3, s26;
	v11 =	vmov s30;
	v12 =	vld.idx.msk [tilespmem:v9+s8+$0x0], $0xffff  }
0x252: {  	v10 =	vbroadcast v10, $0x0;
	_ =	sdelay $0x1  }
0x253: {  	v10 =	vand.u32 v4, v10  }
0x254: {  	vm1 =	veq.s32 v10, $0x0  }
0x255: {  	s16 =	simm.s32 $0x1;
	s23 =	simm.s32 $0x2;
	s30 =	sadd.s32 $0x20, s30;
	v10 =	vimm.f32 $0.0e+00;
	v11 =	vld.idx.msk [tilespmem:v11+s8+$0x0], $0xffff;
	v12 =	vsel vm1, $0x0, v12  }
.LBB2_23:
0x256: {  	v13 =	vmov s30;
	p0 =	sne.s32 s23, $0x13;
	v14 =	vshll.u32 v3, s16;
	v10 =	vadd.f32 v12, v10;
	s16 =	smov.u32 s23;
	s23 =	sadd.s32 $0x1, s23  }
.Ltmp14:
0x257: {  	v12 =	vbroadcast v14, $0x0;
	(pc) =	sbr.rel @p0 .LBB2_23-.Ltmp14, $4  }
0x258: {  	_ = 	snop  }
0x259: {  	v12 =	vand.u32 v4, v12  }
0x25a: {  	vm1 =	veq.s32 v12, $0x0  }
0x25b: {  	s30 =	sadd.s32 $0x20, s30;
	v12 =	vsel vm1, $0x0, v11;
	v11 =	vld.idx.msk [tilespmem:v13+s8+$0x0], $0xffff  }
0x25c: {  	_ = 	snop  }
0x25d: {  	v13 =	vshll.u32 v3, s16  }
0x25e: {  	v13 =	vbroadcast v13, $0x0;
	_ =	sdelay $0x1  }
0x25f: {  	v9 =	vld.idx.msk [tilespmem:v9+s11+$0x0], $0xffff;
	v13 =	vand.u32 v4, v13  }
0x260: {  	v10 =	vadd.f32 v12, v10;
	vm1 =	veq.s32 v13, $0x0  }
0x261: {  	v11 =	vsel vm1, $0x0, v11  }
0x262: {  	v10 =	vadd.f32 v11, v10;
	_ =	sdelay $0x1  }
0x263: {  	v9 =	vadd.f32 v9, v10;
	_ =	sdelay $0x1  }
0x264: {  	vm1 =	vgt.f32 v9, v8  }
0x265: {  	v7 =	vsel vm1, s0, v7;
	s0 =	sadd.s32 $0x1, s0  }
0x266: {  	p0 =	sne.s32 s0, $0x14  }
.Ltmp15:
0x267: {  	_ = 	snop;
	(pc) =	sbr.rel @p0 .LBB2_22-.Ltmp15, $2  }
0x268: {  	_ =	sdelay $0x2  }
0x269: {  	v8 =	vsel vm1, v9, v8  }
0x26a: {  	v6 =	vsel vm0, v7, v6  }
.LBB2_26:
0x26b: {  	_ =	sdelay $0x3  }
0x26c: {  	v4 =	vcvt.s32.f32 v6  }
0x26d: {  	[tilespmem:s22+$0x2580] =	vst v5  }
0x26e: {  	[tilespmem:s22+$0x3200] =	vst v4  }
0x26f: {  	v4 =	vld [tilespmem:s17+$0xCB0];
	_ =	sdelay $0x4  }
0x270: {  	v5 =	vpcnt v4  }
0x271: {  	vm0 =	vgt.u32 v5, $0x1  }
0x272: {  	v5 =	vmpcnt.ones.xlane vm0;
	_ =	sdelay $0x1  }
0x273: {  	(v2sf) =	vpush v5, $0x0;
	_ =	sdelay $0x4  }
0x274: {  	v5 =	vld [tilespmem:s17+$0x1930];
	_ =	sdelay $0x3  }
0x275: {  	v6 =	vcvt.s32.f32 v4  }
0x276: {  	v5 =	vtrunc.f32 v5  }
0x277: {  	v6 =	vshra.s32 v6, $0x17;
	v5 =	vcvt.f32.s32 v5  }
0x278: {  	vm1 =	veq.s32 v4, $0x0;
	v6 =	vadd.s32 $0xFFFFFF81, v6  }
0x279: {  	v5 =	vsel vm1, v5, v6  }
0x27a: {  	vm1 =	vgt.s32 v5, $0x0  }
0x27b: {  	v5 =	vnsel vm1, $0x0, v5;
	s0 =	spop (v2sf)  }
0x27c: {  	v6 =	vmin.u32 v5, $0x13;
	p0 =	slt.s32 s0, $0x1  }
.Ltmp16:
0x27d: {  	_ = 	snop;
	(pc) =	sbr.rel @p0 .LBB2_32-.Ltmp16, $4  }
0x27e: {  	_ = 	snop  }
0x27f: {  	s22 =	sor.u32 $0x30, s17  }
0x280: {  	v5 =	vld [tilespmem:s22+$0x0]  }
0x281: {  	v6 =	vld.idx.msk [tilespmem:v6+s28+$0x0], $0xffff  }
0x282: {  	v7 =	vimm.s32 $0x0;
	s26 =	simm.s32 $0x0;
	v8 =	vimm.f32 $-Inf;
	s0 =	simm.s32 $0x0  }
.LBB2_28:
0x283: {  	v9 =	vmov s0;
	_ =	sdelay $0x3  }
0x284: {  	s30 =	sadd.s32 $0x20, s0  }
0x285: {  	v10 =	vshll.u32 v3, s26;
	v11 =	vmov s30;
	v12 =	vld.idx.msk [tilespmem:v9+s8+$0x0], $0xffff  }
0x286: {  	v10 =	vbroadcast v10, $0x0;
	_ =	sdelay $0x1  }
0x287: {  	v10 =	vand.u32 v4, v10  }
0x288: {  	vm1 =	veq.s32 v10, $0x0  }
0x289: {  	s16 =	simm.s32 $0x1;
	s23 =	simm.s32 $0x2;
	s30 =	sadd.s32 $0x20, s30;
	v10 =	vimm.f32 $0.0e+00;
	v11 =	vld.idx.msk [tilespmem:v11+s8+$0x0], $0xffff;
	v12 =	vsel vm1, $0x0, v12  }
.LBB2_29:
0x28a: {  	v13 =	vmov s30;
	p0 =	sne.s32 s23, $0x13;
	v14 =	vshll.u32 v3, s16;
	v10 =	vadd.f32 v12, v10;
	s16 =	smov.u32 s23;
	s23 =	sadd.s32 $0x1, s23  }
.Ltmp17:
0x28b: {  	v12 =	vbroadcast v14, $0x0;
	(pc) =	sbr.rel @p0 .LBB2_29-.Ltmp17, $4  }
0x28c: {  	_ = 	snop  }
0x28d: {  	v12 =	vand.u32 v4, v12  }
0x28e: {  	vm1 =	veq.s32 v12, $0x0  }
0x28f: {  	s30 =	sadd.s32 $0x20, s30;
	v12 =	vsel vm1, $0x0, v11;
	v11 =	vld.idx.msk [tilespmem:v13+s8+$0x0], $0xffff  }
0x290: {  	_ = 	snop  }
0x291: {  	v13 =	vshll.u32 v3, s16  }
0x292: {  	v13 =	vbroadcast v13, $0x0;
	_ =	sdelay $0x1  }
0x293: {  	v9 =	vld.idx.msk [tilespmem:v9+s11+$0x0], $0xffff;
	v13 =	vand.u32 v4, v13  }
0x294: {  	v10 =	vadd.f32 v12, v10;
	vm1 =	veq.s32 v13, $0x0  }
0x295: {  	v11 =	vsel vm1, $0x0, v11  }
0x296: {  	v10 =	vadd.f32 v11, v10;
	_ =	sdelay $0x1  }
0x297: {  	v9 =	vadd.f32 v9, v10;
	_ =	sdelay $0x1  }
0x298: {  	vm1 =	vgt.f32 v9, v8  }
0x299: {  	v7 =	vsel vm1, s0, v7;
	s0 =	sadd.s32 $0x1, s0  }
0x29a: {  	p0 =	sne.s32 s0, $0x14  }
.Ltmp18:
0x29b: {  	_ = 	snop;
	(pc) =	sbr.rel @p0 .LBB2_28-.Ltmp18, $2  }
0x29c: {  	_ =	sdelay $0x2  }
0x29d: {  	v8 =	vsel vm1, v9, v8  }
0x29e: {  	v6 =	vsel vm0, v7, v6  }
.LBB2_32:
0x29f: {  	_ =	sdelay $0x3  }
0x2a0: {  	v4 =	vcvt.s32.f32 v6  }
0x2a1: {  	[tilespmem:s22+$0x2580] =	vst v5  }
0x2a2: {  	[tilespmem:s22+$0x3200] =	vst v4  }
0x2a3: {  	v4 =	vld [tilespmem:s17+$0xCC0];
	_ =	sdelay $0x4  }
0x2a4: {  	v5 =	vpcnt v4  }
0x2a5: {  	vm0 =	vgt.u32 v5, $0x1  }
0x2a6: {  	v5 =	vmpcnt.ones.xlane vm0;
	_ =	sdelay $0x1  }
0x2a7: {  	(v2sf) =	vpush v5, $0x0;
	_ =	sdelay $0x4  }
0x2a8: {  	v5 =	vld [tilespmem:s17+$0x1940];
	_ =	sdelay $0x3  }
0x2a9: {  	v6 =	vcvt.s32.f32 v4  }
0x2aa: {  	v5 =	vtrunc.f32 v5  }
0x2ab: {  	v6 =	vshra.s32 v6, $0x17;
	v5 =	vcvt.f32.s32 v5  }
0x2ac: {  	vm1 =	veq.s32 v4, $0x0;
	v6 =	vadd.s32 $0xFFFFFF81, v6  }
0x2ad: {  	v5 =	vsel vm1, v5, v6  }
0x2ae: {  	vm1 =	vgt.s32 v5, $0x0  }
0x2af: {  	v5 =	vnsel vm1, $0x0, v5;
	s0 =	spop (v2sf)  }
0x2b0: {  	v6 =	vmin.u32 v5, $0x13;
	p0 =	slt.s32 s0, $0x1  }
.Ltmp19:
0x2b1: {  	_ = 	snop;
	(pc) =	sbr.rel @p0 .LBB2_38-.Ltmp19, $4  }
0x2b2: {  	_ = 	snop  }
0x2b3: {  	s22 =	sor.u32 $0x40, s17  }
0x2b4: {  	v5 =	vld [tilespmem:s22+$0x0]  }
0x2b5: {  	v6 =	vld.idx.msk [tilespmem:v6+s28+$0x0], $0xffff  }
0x2b6: {  	v7 =	vimm.s32 $0x0;
	s26 =	simm.s32 $0x0;
	v8 =	vimm.f32 $-Inf;
	s0 =	simm.s32 $0x0  }
.LBB2_34:
0x2b7: {  	v9 =	vmov s0;
	_ =	sdelay $0x3  }
0x2b8: {  	s30 =	sadd.s32 $0x20, s0  }
0x2b9: {  	v10 =	vshll.u32 v3, s26;
	v11 =	vmov s30;
	v12 =	vld.idx.msk [tilespmem:v9+s8+$0x0], $0xffff  }
0x2ba: {  	v10 =	vbroadcast v10, $0x0;
	_ =	sdelay $0x1  }
0x2bb: {  	v10 =	vand.u32 v4, v10  }
0x2bc: {  	vm1 =	veq.s32 v10, $0x0  }
0x2bd: {  	s16 =	simm.s32 $0x1;
	s23 =	simm.s32 $0x2;
	s30 =	sadd.s32 $0x20, s30;
	v10 =	vimm.f32 $0.0e+00;
	v11 =	vld.idx.msk [tilespmem:v11+s8+$0x0], $0xffff;
	v12 =	vsel vm1, $0x0, v12  }
.LBB2_35:
0x2be: {  	v13 =	vmov s30;
	p0 =	sne.s32 s23, $0x13;
	v14 =	vshll.u32 v3, s16;
	v10 =	vadd.f32 v12, v10;
	s16 =	smov.u32 s23;
	s23 =	sadd.s32 $0x1, s23  }
.Ltmp20:
0x2bf: {  	v12 =	vbroadcast v14, $0x0;
	(pc) =	sbr.rel @p0 .LBB2_35-.Ltmp20, $4  }
0x2c0: {  	_ = 	snop  }
0x2c1: {  	v12 =	vand.u32 v4, v12  }
0x2c2: {  	vm1 =	veq.s32 v12, $0x0  }
0x2c3: {  	s30 =	sadd.s32 $0x20, s30;
	v12 =	vsel vm1, $0x0, v11;
	v11 =	vld.idx.msk [tilespmem:v13+s8+$0x0], $0xffff  }
0x2c4: {  	_ = 	snop  }
0x2c5: {  	v13 =	vshll.u32 v3, s16  }
0x2c6: {  	v13 =	vbroadcast v13, $0x0;
	_ =	sdelay $0x1  }
0x2c7: {  	v9 =	vld.idx.msk [tilespmem:v9+s11+$0x0], $0xffff;
	v13 =	vand.u32 v4, v13  }
0x2c8: {  	v10 =	vadd.f32 v12, v10;
	vm1 =	veq.s32 v13, $0x0  }
0x2c9: {  	v11 =	vsel vm1, $0x0, v11  }
0x2ca: {  	v10 =	vadd.f32 v11, v10;
	_ =	sdelay $0x1  }
0x2cb: {  	v9 =	vadd.f32 v9, v10;
	_ =	sdelay $0x1  }
0x2cc: {  	vm1 =	vgt.f32 v9, v8  }
0x2cd: {  	v7 =	vsel vm1, s0, v7;
	s0 =	sadd.s32 $0x1, s0  }
0x2ce: {  	p0 =	sne.s32 s0, $0x14  }
.Ltmp21:
0x2cf: {  	_ = 	snop;
	(pc) =	sbr.rel @p0 .LBB2_34-.Ltmp21, $2  }
0x2d0: {  	_ =	sdelay $0x2  }
0x2d1: {  	v8 =	vsel vm1, v9, v8  }
0x2d2: {  	v6 =	vsel vm0, v7, v6  }
.LBB2_38:
0x2d3: {  	_ =	sdelay $0x3  }
0x2d4: {  	v4 =	vcvt.s32.f32 v6  }
0x2d5: {  	[tilespmem:s22+$0x2580] =	vst v5  }
0x2d6: {  	[tilespmem:s22+$0x3200] =	vst v4  }
0x2d7: {  	v4 =	vld [tilespmem:s17+$0xCD0];
	_ =	sdelay $0x4  }
0x2d8: {  	v5 =	vpcnt v4  }
0x2d9: {  	vm0 =	vgt.u32 v5, $0x1  }
0x2da: {  	v5 =	vmpcnt.ones.xlane vm0;
	_ =	sdelay $0x1  }
0x2db: {  	(v2sf) =	vpush v5, $0x0;
	_ =	sdelay $0x4  }
0x2dc: {  	v5 =	vld [tilespmem:s17+$0x1950];
	_ =	sdelay $0x3  }
0x2dd: {  	v6 =	vcvt.s32.f32 v4  }
0x2de: {  	v5 =	vtrunc.f32 v5  }
0x2df: {  	v6 =	vshra.s32 v6, $0x17;
	v5 =	vcvt.f32.s32 v5  }
0x2e0: {  	vm1 =	veq.s32 v4, $0x0;
	v6 =	vadd.s32 $0xFFFFFF81, v6  }
0x2e1: {  	v5 =	vsel vm1, v5, v6  }
0x2e2: {  	vm1 =	vgt.s32 v5, $0x0  }
0x2e3: {  	v5 =	vnsel vm1, $0x0, v5;
	s0 =	spop (v2sf)  }
0x2e4: {  	v6 =	vmin.u32 v5, $0x13;
	p0 =	slt.s32 s0, $0x1  }
.Ltmp22:
0x2e5: {  	_ = 	snop;
	(pc) =	sbr.rel @p0 .LBB2_44-.Ltmp22, $4  }
0x2e6: {  	_ = 	snop  }
0x2e7: {  	s22 =	sor.u32 $0x50, s17  }
0x2e8: {  	v5 =	vld [tilespmem:s22+$0x0]  }
0x2e9: {  	v6 =	vld.idx.msk [tilespmem:v6+s28+$0x0], $0xffff  }
0x2ea: {  	v7 =	vimm.s32 $0x0;
	s26 =	simm.s32 $0x0;
	v8 =	vimm.f32 $-Inf;
	s0 =	simm.s32 $0x0  }
.LBB2_40:
0x2eb: {  	v9 =	vmov s0;
	_ =	sdelay $0x3  }
0x2ec: {  	s30 =	sadd.s32 $0x20, s0  }
0x2ed: {  	v10 =	vshll.u32 v3, s26;
	v11 =	vmov s30;
	v12 =	vld.idx.msk [tilespmem:v9+s8+$0x0], $0xffff  }
0x2ee: {  	v10 =	vbroadcast v10, $0x0;
	_ =	sdelay $0x1  }
0x2ef: {  	v10 =	vand.u32 v4, v10  }
0x2f0: {  	vm1 =	veq.s32 v10, $0x0  }
0x2f1: {  	s16 =	simm.s32 $0x1;
	s23 =	simm.s32 $0x2;
	s30 =	sadd.s32 $0x20, s30;
	v10 =	vimm.f32 $0.0e+00;
	v11 =	vld.idx.msk [tilespmem:v11+s8+$0x0], $0xffff;
	v12 =	vsel vm1, $0x0, v12  }
.LBB2_41:
0x2f2: {  	v13 =	vmov s30;
	p0 =	sne.s32 s23, $0x13;
	v14 =	vshll.u32 v3, s16;
	v10 =	vadd.f32 v12, v10;
	s16 =	smov.u32 s23;
	s23 =	sadd.s32 $0x1, s23  }
.Ltmp23:
0x2f3: {  	v12 =	vbroadcast v14, $0x0;
	(pc) =	sbr.rel @p0 .LBB2_41-.Ltmp23, $4  }
0x2f4: {  	_ = 	snop  }
0x2f5: {  	v12 =	vand.u32 v4, v12  }
0x2f6: {  	vm1 =	veq.s32 v12, $0x0  }
0x2f7: {  	s30 =	sadd.s32 $0x20, s30;
	v12 =	vsel vm1, $0x0, v11;
	v11 =	vld.idx.msk [tilespmem:v13+s8+$0x0], $0xffff  }
0x2f8: {  	_ = 	snop  }
0x2f9: {  	v13 =	vshll.u32 v3, s16  }
0x2fa: {  	v13 =	vbroadcast v13, $0x0;
	_ =	sdelay $0x1  }
0x2fb: {  	v9 =	vld.idx.msk [tilespmem:v9+s11+$0x0], $0xffff;
	v13 =	vand.u32 v4, v13  }
0x2fc: {  	v10 =	vadd.f32 v12, v10;
	vm1 =	veq.s32 v13, $0x0  }
0x2fd: {  	v11 =	vsel vm1, $0x0, v11  }
0x2fe: {  	v10 =	vadd.f32 v11, v10;
	_ =	sdelay $0x1  }
0x2ff: {  	v9 =	vadd.f32 v9, v10;
	_ =	sdelay $0x1  }
0x300: {  	vm1 =	vgt.f32 v9, v8  }
0x301: {  	v7 =	vsel vm1, s0, v7;
	s0 =	sadd.s32 $0x1, s0  }
0x302: {  	p0 =	sne.s32 s0, $0x14  }
.Ltmp24:
0x303: {  	_ = 	snop;
	(pc) =	sbr.rel @p0 .LBB2_40-.Ltmp24, $2  }
0x304: {  	_ =	sdelay $0x2  }
0x305: {  	v8 =	vsel vm1, v9, v8  }
0x306: {  	v6 =	vsel vm0, v7, v6  }
.LBB2_44:
0x307: {  	_ =	sdelay $0x3  }
0x308: {  	v4 =	vcvt.s32.f32 v6  }
0x309: {  	[tilespmem:s22+$0x2580] =	vst v5  }
0x30a: {  	[tilespmem:s22+$0x3200] =	vst v4  }
0x30b: {  	v4 =	vld [tilespmem:s17+$0xCE0];
	_ =	sdelay $0x4  }
0x30c: {  	v5 =	vpcnt v4  }
0x30d: {  	vm0 =	vgt.u32 v5, $0x1  }
0x30e: {  	v5 =	vmpcnt.ones.xlane vm0;
	_ =	sdelay $0x1  }
0x30f: {  	(v2sf) =	vpush v5, $0x0;
	_ =	sdelay $0x4  }
0x310: {  	v5 =	vld [tilespmem:s17+$0x1960];
	_ =	sdelay $0x3  }
0x311: {  	v6 =	vcvt.s32.f32 v4  }
0x312: {  	v5 =	vtrunc.f32 v5  }
0x313: {  	v6 =	vshra.s32 v6, $0x17;
	v5 =	vcvt.f32.s32 v5  }
0x314: {  	vm1 =	veq.s32 v4, $0x0;
	v6 =	vadd.s32 $0xFFFFFF81, v6  }
0x315: {  	v5 =	vsel vm1, v5, v6  }
0x316: {  	vm1 =	vgt.s32 v5, $0x0  }
0x317: {  	v5 =	vnsel vm1, $0x0, v5;
	s0 =	spop (v2sf)  }
0x318: {  	v6 =	vmin.u32 v5, $0x13;
	p0 =	slt.s32 s0, $0x1  }
.Ltmp25:
0x319: {  	_ = 	snop;
	(pc) =	sbr.rel @p0 .LBB2_50-.Ltmp25, $4  }
0x31a: {  	_ = 	snop  }
0x31b: {  	s22 =	sor.u32 $0x60, s17  }
0x31c: {  	v5 =	vld [tilespmem:s22+$0x0]  }
0x31d: {  	v6 =	vld.idx.msk [tilespmem:v6+s28+$0x0], $0xffff  }
0x31e: {  	v7 =	vimm.s32 $0x0;
	s26 =	simm.s32 $0x0;
	v8 =	vimm.f32 $-Inf;
	s0 =	simm.s32 $0x0  }
.LBB2_46:
0x31f: {  	v9 =	vmov s0;
	_ =	sdelay $0x3  }
0x320: {  	s30 =	sadd.s32 $0x20, s0  }
0x321: {  	v10 =	vshll.u32 v3, s26;
	v11 =	vmov s30;
	v12 =	vld.idx.msk [tilespmem:v9+s8+$0x0], $0xffff  }
0x322: {  	v10 =	vbroadcast v10, $0x0;
	_ =	sdelay $0x1  }
0x323: {  	v10 =	vand.u32 v4, v10  }
0x324: {  	vm1 =	veq.s32 v10, $0x0  }
0x325: {  	s16 =	simm.s32 $0x1;
	s23 =	simm.s32 $0x2;
	s30 =	sadd.s32 $0x20, s30;
	v10 =	vimm.f32 $0.0e+00;
	v11 =	vld.idx.msk [tilespmem:v11+s8+$0x0], $0xffff;
	v12 =	vsel vm1, $0x0, v12  }
.LBB2_47:
0x326: {  	v13 =	vmov s30;
	p0 =	sne.s32 s23, $0x13;
	v14 =	vshll.u32 v3, s16;
	v10 =	vadd.f32 v12, v10;
	s16 =	smov.u32 s23;
	s23 =	sadd.s32 $0x1, s23  }
.Ltmp26:
0x327: {  	v12 =	vbroadcast v14, $0x0;
	(pc) =	sbr.rel @p0 .LBB2_47-.Ltmp26, $4  }
0x328: {  	_ = 	snop  }
0x329: {  	v12 =	vand.u32 v4, v12  }
0x32a: {  	vm1 =	veq.s32 v12, $0x0  }
0x32b: {  	s30 =	sadd.s32 $0x20, s30;
	v12 =	vsel vm1, $0x0, v11;
	v11 =	vld.idx.msk [tilespmem:v13+s8+$0x0], $0xffff  }
0x32c: {  	_ = 	snop  }
0x32d: {  	v13 =	vshll.u32 v3, s16  }
0x32e: {  	v13 =	vbroadcast v13, $0x0;
	_ =	sdelay $0x1  }
0x32f: {  	v9 =	vld.idx.msk [tilespmem:v9+s11+$0x0], $0xffff;
	v13 =	vand.u32 v4, v13  }
0x330: {  	v10 =	vadd.f32 v12, v10;
	vm1 =	veq.s32 v13, $0x0  }
0x331: {  	v11 =	vsel vm1, $0x0, v11  }
0x332: {  	v10 =	vadd.f32 v11, v10;
	_ =	sdelay $0x1  }
0x333: {  	v9 =	vadd.f32 v9, v10;
	_ =	sdelay $0x1  }
0x334: {  	vm1 =	vgt.f32 v9, v8  }
0x335: {  	v7 =	vsel vm1, s0, v7;
	s0 =	sadd.s32 $0x1, s0  }
0x336: {  	p0 =	sne.s32 s0, $0x14  }
.Ltmp27:
0x337: {  	_ = 	snop;
	(pc) =	sbr.rel @p0 .LBB2_46-.Ltmp27, $2  }
0x338: {  	_ =	sdelay $0x2  }
0x339: {  	v8 =	vsel vm1, v9, v8  }
0x33a: {  	v6 =	vsel vm0, v7, v6  }
.LBB2_50:
0x33b: {  	_ =	sdelay $0x3  }
0x33c: {  	v4 =	vcvt.s32.f32 v6  }
0x33d: {  	[tilespmem:s22+$0x2580] =	vst v5  }
0x33e: {  	[tilespmem:s22+$0x3200] =	vst v4  }
0x33f: {  	v4 =	vld [tilespmem:s17+$0xCF0];
	_ =	sdelay $0x4  }
0x340: {  	v5 =	vpcnt v4  }
0x341: {  	vm0 =	vgt.u32 v5, $0x1  }
0x342: {  	v5 =	vmpcnt.ones.xlane vm0;
	_ =	sdelay $0x1  }
0x343: {  	(v2sf) =	vpush v5, $0x0;
	_ =	sdelay $0x4  }
0x344: {  	v5 =	vld [tilespmem:s17+$0x1970];
	_ =	sdelay $0x3  }
0x345: {  	v6 =	vcvt.s32.f32 v4  }
0x346: {  	v5 =	vtrunc.f32 v5  }
0x347: {  	v6 =	vshra.s32 v6, $0x17;
	v5 =	vcvt.f32.s32 v5  }
0x348: {  	vm1 =	veq.s32 v4, $0x0;
	v6 =	vadd.s32 $0xFFFFFF81, v6  }
0x349: {  	v5 =	vsel vm1, v5, v6  }
0x34a: {  	vm1 =	vgt.s32 v5, $0x0  }
0x34b: {  	v5 =	vnsel vm1, $0x0, v5;
	s0 =	spop (v2sf)  }
0x34c: {  	v6 =	vmin.u32 v5, $0x13;
	p0 =	slt.s32 s0, $0x1  }
.Ltmp28:
0x34d: {  	_ = 	snop;
	(pc) =	sbr.rel @p0 .LBB2_56-.Ltmp28, $4  }
0x34e: {  	_ = 	snop  }
0x34f: {  	s17 =	sor.u32 $0x70, s17  }
0x350: {  	v5 =	vld [tilespmem:s17+$0x0]  }
0x351: {  	v6 =	vld.idx.msk [tilespmem:v6+s28+$0x0], $0xffff  }
0x352: {  	v7 =	vimm.s32 $0x0;
	s22 =	simm.s32 $0x0;
	v8 =	vimm.f32 $-Inf;
	s0 =	simm.s32 $0x0  }
.LBB2_52:
0x353: {  	v9 =	vmov s0;
	_ =	sdelay $0x3  }
0x354: {  	s26 =	sadd.s32 $0x20, s0  }
0x355: {  	v10 =	vshll.u32 v3, s22;
	v11 =	vmov s26;
	v12 =	vld.idx.msk [tilespmem:v9+s8+$0x0], $0xffff  }
0x356: {  	v10 =	vbroadcast v10, $0x0;
	_ =	sdelay $0x1  }
0x357: {  	v10 =	vand.u32 v4, v10  }
0x358: {  	vm1 =	veq.s32 v10, $0x0  }
0x359: {  	s16 =	simm.s32 $0x1;
	s23 =	simm.s32 $0x2;
	s26 =	sadd.s32 $0x20, s26;
	v10 =	vimm.f32 $0.0e+00;
	v11 =	vld.idx.msk [tilespmem:v11+s8+$0x0], $0xffff;
	v12 =	vsel vm1, $0x0, v12  }
.LBB2_53:
0x35a: {  	v13 =	vmov s26;
	p0 =	sne.s32 s23, $0x13;
	v14 =	vshll.u32 v3, s16;
	v10 =	vadd.f32 v12, v10;
	s16 =	smov.u32 s23;
	s23 =	sadd.s32 $0x1, s23  }
.Ltmp29:
0x35b: {  	v12 =	vbroadcast v14, $0x0;
	(pc) =	sbr.rel @p0 .LBB2_53-.Ltmp29, $4  }
0x35c: {  	_ = 	snop  }
0x35d: {  	v12 =	vand.u32 v4, v12  }
0x35e: {  	vm1 =	veq.s32 v12, $0x0  }
0x35f: {  	s26 =	sadd.s32 $0x20, s26;
	v12 =	vsel vm1, $0x0, v11;
	v11 =	vld.idx.msk [tilespmem:v13+s8+$0x0], $0xffff  }
0x360: {  	_ = 	snop  }
0x361: {  	v13 =	vshll.u32 v3, s16  }
0x362: {  	v13 =	vbroadcast v13, $0x0;
	_ =	sdelay $0x1  }
0x363: {  	v9 =	vld.idx.msk [tilespmem:v9+s11+$0x0], $0xffff;
	v13 =	vand.u32 v4, v13  }
0x364: {  	v10 =	vadd.f32 v12, v10;
	vm1 =	veq.s32 v13, $0x0  }
0x365: {  	v11 =	vsel vm1, $0x0, v11  }
0x366: {  	v10 =	vadd.f32 v11, v10;
	_ =	sdelay $0x1  }
0x367: {  	v9 =	vadd.f32 v9, v10;
	_ =	sdelay $0x1  }
0x368: {  	vm1 =	vgt.f32 v9, v8  }
0x369: {  	v7 =	vsel vm1, s0, v7;
	s0 =	sadd.s32 $0x1, s0  }
0x36a: {  	p0 =	sne.s32 s0, $0x14  }
.Ltmp30:
0x36b: {  	_ = 	snop;
	(pc) =	sbr.rel @p0 .LBB2_52-.Ltmp30, $2  }
0x36c: {  	_ =	sdelay $0x2  }
0x36d: {  	v8 =	vsel vm1, v9, v8  }
.Ltmp31:
0x36e: {  	(pc) =	sbr.rel .LBB2_56-.Ltmp31, $2  }
0x36f: {  	_ =	sdelay $0x2  }
0x370: {  	v6 =	vsel vm0, v7, v6  }
.LBB2_58:
0x371: {  	_ =	sfence.sel $0x180000  }
0x372: {  	[bflag:$0x0] =	sbarrier.arrive $0xFFFF  }
0x373: {  	_ =	strace $0x9000004A  }
0x374: {  	s0 =	stileid.u32;
	[bflag:$0x2] =	sbarrier.arrive $0xFFFF  }
0x375: {  	p0 =	sne.s32 s0, $0x0;
	s0 =	rddreg [dreg:$0x2]  }
0x376: {  	s0 =	sadd.s32 @!p0 $0x100000, s0  }
0x377: {  	[sflag:s0] =	ssyncadd.tile.s32 @!p0 $0x1;
	_ =	shalt  }
.Lfunc_end2:
_tile_overlayer_lowered:
.L_overlay_start_2:
0x378: {  	(tag) =	ssettag $0x2  }
0x379: {  	s0 =	rddreg [dreg:$0x0];
	s2 =	stileid.u32  }
0x37a: {  	s1 =	rddreg [dreg:$0x1];
	p0 =	sne.s32 s2, $0x0  }
0x37b: {  	s3 =	rddreg [dreg:$0x2];
	[bflag:$0x3] =	sbarrier.arrive $0xFFFF;
	s2 =	simm.s32 @!p0 $0x1C04  }
0x37c: {  	[timem:s3], [sflag:s2] =	dma.local @!p0 [hbm:s0], s1  }
0x37d: {  	s0 =	simm.s32 @!p0 $0x4  }
0x37e: {  	_ =	swait.ge @!p0 [sflag:s0], s1  }
0x37f: {  	s1 =	ssub.s32 @!p0 $0x0, s1;
	[sflag:s0] =	ssyncset.done @!p0 $0x0  }
0x380: {  	[sflag:s0] =	ssyncadd.s32 @!p0 s1  }
0x381: {  	[bflag:$0x3] =	sbarrier.arrive $0xFFFF  }
0x382: {  	_ =	shalt  }

</sc_bundles>
